<compile_context>
chip_gen: v7x
topology: tpu7x:2x2x1
jax: 0.10.2.dev20260603
libtpu: 0.0.44.dev20260713+nightly
codegen_flags: <defaults>
</compile_context>

<pallas_src>
import functools

import jax
import jax.numpy as jnp
from jax import lax
from jax.experimental import pallas as pl
from jax.experimental.pallas import tpu as pltpu
from jax.experimental.pallas import tpu_sc as plsc

_BT = 128
_ET = 8
_LANES = 16


@functools.lru_cache(maxsize=None)
def _build(batch, hist, n_items, n_layers, num_emb, emb_dim, nc, ns):
  nw = nc * ns
  b_per_w = batch // nw
  nblk = b_per_w // _BT
  nch = nblk * hist
  assert batch == b_per_w * nw and b_per_w == nblk * _BT
  assert nch % 2 == 0 and nch >= 4
  assert emb_dim % _ET == 0 and emb_dim % (2 * _LANES) == 0

  mesh = plsc.VectorSubcoreMesh(
      core_axis_name="c", subcore_axis_name="s", num_cores=nc,
      num_subcores=ns)

  @functools.partial(
      pl.kernel,
      out_type=jax.ShapeDtypeStruct(
          (hist, emb_dim // _ET, batch // _BT, _ET, _BT), jnp.float32),
      mesh=mesh,
      compiler_params=pltpu.CompilerParams(
          use_tc_tiling_on_sc=False, needs_layout_passes=False),
      scratch_types=[
          pltpu.VMEM((2, _BT), jnp.int32),
          pltpu.VMEM((2, n_layers, _BT), jnp.int32),
          pltpu.VMEM((2, n_layers, _BT), jnp.int32),
          pltpu.VMEM((2, n_layers, _BT, emb_dim), jnp.bfloat16),
          pltpu.VMEM_SHARED((n_layers, num_emb, emb_dim), jnp.bfloat16),
          pltpu.VMEM((2, emb_dim // _ET, _ET, _BT + 1), jnp.float32),
          pltpu.SemaphoreType.DMA,
          pltpu.SemaphoreType.DMA,
          pltpu.SemaphoreType.DMA,
          pltpu.SemaphoreType.DMA,
          pltpu.SemaphoreType.DMA,
          pltpu.SemaphoreType.DMA,
          pltpu.SemaphoreType.DMA,
          pltpu.SemaphoreType.DMA,
      ],
  )
  def k(ids_hbm, ilids_hbm, *tables_and_rest):
    tabs = tables_and_rest[:n_layers]
    (out_hbm, idsv, fiv, cwv, rowsv, sptab, outv,
     is0, is1, ls0, ls1, rs0, rs1, os0, os1) = tables_and_rest[n_layers:]
    isem = (is0, is1)
    lsem = (ls0, ls1)
    rsem = (rs0, rs1)
    osem = (os0, os1)
    wid = lax.axis_index("s") * nc + lax.axis_index("c")

    iota = lax.iota(jnp.int32, _LANES)

    def blk_h(g):
      return g // hist, g % hist

    def ids_off(g):
      blk, h = blk_h(g)
      return pl.multiple_of(h * batch + wid * b_per_w + blk * _BT, _BT)

    def issue_ids(g, p):
      pltpu.async_copy(
          ids_hbm.at[pl.ds(ids_off(g), _BT)], idsv.at[p], isem[p])

    def wait_ids(g, p):
      pltpu.make_async_copy(
          ids_hbm.at[pl.ds(ids_off(g), _BT)], idsv.at[p], isem[p]).wait()

    def fi_and_cw(p):
      for j in range(_BT // _LANES):
        sl = pl.ds(j * _LANES, _LANES)
        idv = idsv[p, sl]
        for l in range(n_layers):
          fiv[p, l, sl] = idv + (l * n_items)
      for l in range(n_layers):
        pltpu.async_copy(
            ilids_hbm.at[fiv.at[p].at[l]], cwv.at[p].at[l], lsem[p])

    def wait_cw(p):
      for l in range(n_layers):
        pltpu.make_async_copy(
            ilids_hbm.at[fiv.at[p].at[l]], cwv.at[p].at[l],
            lsem[p]).wait()

    def issue_rows(p):
      for l in range(n_layers):
        pltpu.async_copy(
            sptab.at[l].at[cwv.at[p].at[l]], rowsv.at[p].at[l], rsem[p])

    def wait_rows(p):
      for l in range(n_layers):
        pltpu.make_async_copy(
            sptab.at[l].at[cwv.at[p].at[l]], rowsv.at[p].at[l],
            rsem[p]).wait()

    def do_sum(p):
      nw32 = emb_dim // (2 * _LANES)
      eidx = []
      for cc in range(nw32):
        for off in range(2):
          ev = iota * 2 + (cc * 2 * _LANES + off)
          eidx.append((lax.div(ev, _ET), lax.rem(ev, _ET)))

      @plsc.parallel_loop(0, _BT, unroll=8)
      def _(t):
        bv = jnp.full((_LANES,), 0, jnp.int32) + t
        for cc in range(nw32):
          sl = pl.ds(cc * 2 * _LANES, 2 * _LANES)
          v = rowsv[p, 0, t, sl]
          for l in range(1, n_layers):
            v = v + rowsv[p, l, t, sl]
          va, vb = plsc.unpack(v, format=plsc.PackFormat.INTERLEAVED)
          eta, eia = eidx[cc * 2]
          etb, eib = eidx[cc * 2 + 1]
          plsc.store_scatter(outv.at[p], [eta, eia, bv], va)
          plsc.store_scatter(outv.at[p], [etb, eib, bv], vb)

    def store_out(g, p):
      blk, h = blk_h(g)
      bt = wid * nblk + blk
      pltpu.async_copy(outv.at[p].at[:, :, pl.ds(0, _BT)],
                       out_hbm.at[h, :, bt, :, :], osem[p])

    def wait_out(g, p):
      blk, h = blk_h(g)
      bt = wid * nblk + blk
      pltpu.make_async_copy(
          outv.at[p].at[:, :, pl.ds(0, _BT)],
          out_hbm.at[h, :, bt, :, :], osem[p]).wait()

    @pl.when(lax.axis_index("s") == 0)
    def _():
      for l in range(n_layers):
        pltpu.sync_copy(tabs[l], sptab.at[l])

    plsc.subcore_barrier()

    issue_ids(0, 0)
    issue_ids(1, 1)
    wait_ids(0, 0)
    fi_and_cw(0)
    wait_ids(1, 1)
    fi_and_cw(1)
    issue_ids(2, 0)
    wait_cw(0)
    issue_rows(0)

    def step(g, p):
      q = 1 - p

      @pl.when(g + 3 < nch)
      def _():
        issue_ids(g + 3, q)

      @pl.when(g + 1 < nch)
      def _():
        wait_cw(q)
        issue_rows(q)

      wait_rows(p)

      @pl.when(g + 2 < nch)
      def _():
        wait_ids(g + 2, p)
        fi_and_cw(p)

      @pl.when(g >= 2)
      def _():
        wait_out(g - 2, p)

      do_sum(p)
      store_out(g, p)

    @pl.loop(0, nch, step=2)
    def _(g):
      step(g, 0)
      step(g + 1, 1)

    wait_out(nch - 2, 0)
    wait_out(nch - 1, 1)

  return k


def kernel(ids, item_layer_ids, emb_table):
  batch, hist = ids.shape
  n_items, n_layers = item_layer_ids.shape
  num_emb = emb_table.shape[0] // n_layers
  emb_dim = emb_table.shape[1]
  info = plsc.get_sparse_core_info()
  fn = _build(batch, hist, n_items, n_layers, num_emb, emb_dim,
              info.num_cores, info.num_subcores)
  ids_cm = ids.astype(jnp.int32).T.reshape(-1)
  ilids_cm = item_layer_ids.astype(jnp.int32).T.reshape(-1)
  emb = emb_table.astype(jnp.bfloat16)
  tabs = [emb[l * num_emb:(l + 1) * num_emb] for l in range(n_layers)]
  out5d = fn(ids_cm, ilids_cm, *tabs)
  out = jnp.transpose(out5d, (2, 4, 0, 1, 3)).reshape(batch, hist, emb_dim)
  return out

# --- scband reference (transcript-rebuilt; emitter-appended) ---
"""Pipeline reference for scband-layered-sidembedding-1005022347660 (READ-ONLY COPY).

The authoritative reference and input builder live on the scoring server;
editing this copy changes nothing except your own understanding.
"""

import jax, jax.numpy as jnp
import numpy as np

NUM_ITEMS = 1_000_000
N_LAYERS = 3
NUM_EMBEDDINGS = 1024  # per-layer codebook size
EMB_DIM = 64
BATCH = 16384
HIST = 50


def setup_inputs(seed: int = 0) -> dict:
    key = jax.random.key(seed)
    k1, k2, k3 = jax.random.split(key, 3)
    ids = jax.random.randint(k1, (BATCH, HIST), 0, NUM_ITEMS, dtype=jnp.int64) if jax.config.jax_enable_x64 else jax.random.randint(k1, (BATCH, HIST), 0, NUM_ITEMS, dtype=jnp.int32)
    # semantic-id table: for each item, its codeword index in each of the 3 layers
    item_layer_ids = jax.random.randint(k2, (NUM_ITEMS, N_LAYERS), 0, NUM_EMBEDDINGS, dtype=ids.dtype)
    # single fused embedding table holding all layers stacked: [n_layers * num_embeddings, emb_dim]
    emb_table = jax.random.normal(k3, (N_LAYERS * NUM_EMBEDDINGS, EMB_DIM), dtype=jnp.float32) * 0.02
    return {"ids": ids, "item_layer_ids": item_layer_ids, "emb_table": emb_table}


def reference(ids, item_layer_ids, emb_table):
    original_shape = ids.shape
    flat_ids = ids.reshape(-1)
    # gather each item's layer codeword ids: [N, n_layers]
    layer_ids = jnp.take(item_layer_ids, flat_ids, axis=0)
    # offset layer l's ids into the fused table by l * num_embeddings
    offsets = (jnp.arange(N_LAYERS, dtype=layer_ids.dtype) * NUM_EMBEDDINGS)[None, :]
    flat_indices = (layer_ids + offsets).reshape(-1)
    emb = jnp.take(emb_table, flat_indices, axis=0).reshape(-1, N_LAYERS, EMB_DIM)
    out = emb.sum(axis=1)  # aggregation == 'sum'
    return out.reshape(*original_shape, EMB_DIM)

if __name__ == "__main__":
    import jax
    _d = setup_inputs()
    print(jax.jit(kernel)(*tuple(_d.values())))

</pallas_src>

<mosaic_0001>
#map = affine_map<(d0, d1) -> (0)>
#map1 = affine_map<(d0, d1) -> (0, 0)>
#map2 = affine_map<(d0, d1) -> (0, 0, 0, 0, 0)>
module attributes {stable_mosaic.version = 14 : i64} {
  func.func @k(%arg0: i32, %arg1: i32, %arg2: memref<819200xi32, #tpu.memory_space<hbm>>, %arg3: memref<3000000xi32, #tpu.memory_space<hbm>>, %arg4: memref<1024x64xbf16, #tpu.memory_space<hbm>>, %arg5: memref<1024x64xbf16, #tpu.memory_space<hbm>>, %arg6: memref<1024x64xbf16, #tpu.memory_space<hbm>>, %arg7: memref<50x8x128x8x128xf32, #tpu.memory_space<hbm>>, %arg8: memref<2x128xi32, #tpu.memory_space<vmem>>, %arg9: memref<2x3x128xi32, #tpu.memory_space<vmem>>, %arg10: memref<2x3x128xi32, #tpu.memory_space<vmem>>, %arg11: memref<2x3x128x64xbf16, #tpu.memory_space<vmem>>, %arg12: memref<3x1024x64xbf16, #tpu.memory_space<vmem_shared>>, %arg13: memref<2x8x8x129xf32, #tpu.memory_space<vmem>>, %arg14: memref<!tpu.dma_semaphore, #tpu.memory_space<semaphore_mem>>, %arg15: memref<!tpu.dma_semaphore, #tpu.memory_space<semaphore_mem>>, %arg16: memref<!tpu.dma_semaphore, #tpu.memory_space<semaphore_mem>>, %arg17: memref<!tpu.dma_semaphore, #tpu.memory_space<semaphore_mem>>, %arg18: memref<!tpu.dma_semaphore, #tpu.memory_space<semaphore_mem>>, %arg19: memref<!tpu.dma_semaphore, #tpu.memory_space<semaphore_mem>>, %arg20: memref<!tpu.dma_semaphore, #tpu.memory_space<semaphore_mem>>, %arg21: memref<!tpu.dma_semaphore, #tpu.memory_space<semaphore_mem>>) attributes {dimension_semantics = [#tpu.dimension_semantics<core_parallel>, #tpu.dimension_semantics<subcore_parallel>], iteration_bounds = array<i64: 2, 16>, scalar_prefetch = 0 : i64, scratch_operands = 14 : i64, tpu.core_type = #tpu.core_type<sc_vector_subcore>, window_params = [{transform_indices = #map}, {transform_indices = #map}, {transform_indices = #map1}, {transform_indices = #map1}, {transform_indices = #map1}, {transform_indices = #map2}]} {
    %mul3A = arith.constant 2 : i32
    %mul3A_0 = arith.muli %arg1, %mul3A : i32
    %add3A = arith.addi %mul3A_0, %arg0 : i32
    %iota3A = tpu.iota {dimensions = array<i32: 0>} : vector<16xi32>
    %eq3A = arith.constant 0 : i32
    %eq3A_1 = arith.cmpi eq, %arg1, %eq3A : i32
    %convert_element_type3A = arith.extui %eq3A_1 : i1 to i32
    %cond3A = arith.constant 0 : i32
    %cond3A_2 = arith.cmpi ne, %convert_element_type3A, %cond3A : i32
    scf.if %cond3A_2 {
      %run_scoped3A = arith.constant 0 : i32
      "tpu.region"() ({
        %run_scoped3A_912 = tpu.sem_alloc : memref<!tpu.dma_semaphore, #tpu.memory_space<semaphore_mem>>
        %dma_start3A_913 = arith.constant 0 : i32
        %dma_start3A_914 = arith.constant 0 : i32
        %dma_start3A_915 = tpu.memref_slice %arg12[%run_scoped3A, %dma_start3A_913, %dma_start3A_914] : memref<3x1024x64xbf16, #tpu.memory_space<vmem_shared>> -> memref<1x1024x64xbf16, #tpu.memory_space<vmem_shared>>
        %dma_start3A_916 = tpu.memref_squeeze %dma_start3A_915 : memref<1x1024x64xbf16, #tpu.memory_space<vmem_shared>> -> memref<1024x64xbf16, #tpu.memory_space<vmem_shared>>
        tpu.enqueue_dma source(%arg4 : memref<1024x64xbf16, #tpu.memory_space<hbm>>) target(%dma_start3A_916 : memref<1024x64xbf16, #tpu.memory_space<vmem_shared>>) target_semaphore(%run_scoped3A_912 : memref<!tpu.dma_semaphore, #tpu.memory_space<semaphore_mem>>)
        %dma_wait3A_917 = arith.constant 0 : i32
        %dma_wait3A_918 = arith.constant 0 : i32
        %dma_wait3A_919 = tpu.memref_slice %arg12[%run_scoped3A, %dma_wait3A_917, %dma_wait3A_918] : memref<3x1024x64xbf16, #tpu.memory_space<vmem_shared>> -> memref<1x1024x64xbf16, #tpu.memory_space<vmem_shared>>
        %dma_wait3A_920 = tpu.memref_squeeze %dma_wait3A_919 : memref<1x1024x64xbf16, #tpu.memory_space<vmem_shared>> -> memref<1024x64xbf16, #tpu.memory_space<vmem_shared>>
        tpu.wait_dma2 semaphore(%run_scoped3A_912 : memref<!tpu.dma_semaphore, #tpu.memory_space<semaphore_mem>>) src(%arg4 : memref<1024x64xbf16, #tpu.memory_space<hbm>>) dst(%dma_wait3A_920 : memref<1024x64xbf16, #tpu.memory_space<vmem_shared>>)
        tpu.yield
      }) : () -> ()
      %run_scoped3A_910 = arith.constant 1 : i32
      "tpu.region"() ({
        %run_scoped3A_912 = tpu.sem_alloc : memref<!tpu.dma_semaphore, #tpu.memory_space<semaphore_mem>>
        %dma_start3A_913 = arith.constant 0 : i32
        %dma_start3A_914 = arith.constant 0 : i32
        %dma_start3A_915 = tpu.memref_slice %arg12[%run_scoped3A_910, %dma_start3A_913, %dma_start3A_914] : memref<3x1024x64xbf16, #tpu.memory_space<vmem_shared>> -> memref<1x1024x64xbf16, #tpu.memory_space<vmem_shared>>
        %dma_start3A_916 = tpu.memref_squeeze %dma_start3A_915 : memref<1x1024x64xbf16, #tpu.memory_space<vmem_shared>> -> memref<1024x64xbf16, #tpu.memory_space<vmem_shared>>
        tpu.enqueue_dma source(%arg5 : memref<1024x64xbf16, #tpu.memory_space<hbm>>) target(%dma_start3A_916 : memref<1024x64xbf16, #tpu.memory_space<vmem_shared>>) target_semaphore(%run_scoped3A_912 : memref<!tpu.dma_semaphore, #tpu.memory_space<semaphore_mem>>)
        %dma_wait3A_917 = arith.constant 0 : i32
        %dma_wait3A_918 = arith.constant 0 : i32
        %dma_wait3A_919 = tpu.memref_slice %arg12[%run_scoped3A_910, %dma_wait3A_917, %dma_wait3A_918] : memref<3x1024x64xbf16, #tpu.memory_space<vmem_shared>> -> memref<1x1024x64xbf16, #tpu.memory_space<vmem_shared>>
        %dma_wait3A_920 = tpu.memref_squeeze %dma_wait3A_919 : memref<1x1024x64xbf16, #tpu.memory_space<vmem_shared>> -> memref<1024x64xbf16, #tpu.memory_space<vmem_shared>>
        tpu.wait_dma2 semaphore(%run_scoped3A_912 : memref<!tpu.dma_semaphore, #tpu.memory_space<semaphore_mem>>) src(%arg5 : memref<1024x64xbf16, #tpu.memory_space<hbm>>) dst(%dma_wait3A_920 : memref<1024x64xbf16, #tpu.memory_space<vmem_shared>>)
        tpu.yield
      }) : () -> ()
      %run_scoped3A_911 = arith.constant 2 : i32
      "tpu.region"() ({
        %run_scoped3A_912 = tpu.sem_alloc : memref<!tpu.dma_semaphore, #tpu.memory_space<semaphore_mem>>
        %dma_start3A_913 = arith.constant 0 : i32
        %dma_start3A_914 = arith.constant 0 : i32
        %dma_start3A_915 = tpu.memref_slice %arg12[%run_scoped3A_911, %dma_start3A_913, %dma_start3A_914] : memref<3x1024x64xbf16, #tpu.memory_space<vmem_shared>> -> memref<1x1024x64xbf16, #tpu.memory_space<vmem_shared>>
        %dma_start3A_916 = tpu.memref_squeeze %dma_start3A_915 : memref<1x1024x64xbf16, #tpu.memory_space<vmem_shared>> -> memref<1024x64xbf16, #tpu.memory_space<vmem_shared>>
        tpu.enqueue_dma source(%arg6 : memref<1024x64xbf16, #tpu.memory_space<hbm>>) target(%dma_start3A_916 : memref<1024x64xbf16, #tpu.memory_space<vmem_shared>>) target_semaphore(%run_scoped3A_912 : memref<!tpu.dma_semaphore, #tpu.memory_space<semaphore_mem>>)
        %dma_wait3A_917 = arith.constant 0 : i32
        %dma_wait3A_918 = arith.constant 0 : i32
        %dma_wait3A_919 = tpu.memref_slice %arg12[%run_scoped3A_911, %dma_wait3A_917, %dma_wait3A_918] : memref<3x1024x64xbf16, #tpu.memory_space<vmem_shared>> -> memref<1x1024x64xbf16, #tpu.memory_space<vmem_shared>>
        %dma_wait3A_920 = tpu.memref_squeeze %dma_wait3A_919 : memref<1x1024x64xbf16, #tpu.memory_space<vmem_shared>> -> memref<1024x64xbf16, #tpu.memory_space<vmem_shared>>
        tpu.wait_dma2 semaphore(%run_scoped3A_912 : memref<!tpu.dma_semaphore, #tpu.memory_space<semaphore_mem>>) src(%arg6 : memref<1024x64xbf16, #tpu.memory_space<hbm>>) dst(%dma_wait3A_920 : memref<1024x64xbf16, #tpu.memory_space<vmem_shared>>)
        tpu.yield
      }) : () -> ()
    } else {
    }
    %barrier3A = arith.constant 0 : index
    tpu.barrier barrier_id(%barrier3A)
    %mul3A_3 = arith.constant 512 : i32
    %mul3A_4 = arith.muli %add3A, %mul3A_3 : i32
    %add3A_5 = arith.constant 0 : i32
    %add3A_6 = arith.addi %add3A_5, %mul3A_4 : i32
    %add3A_7 = arith.constant 0 : i32
    %add3A_8 = arith.addi %add3A_6, %add3A_7 : i32
    %multiple_of3A = tpu.assume_multiple %add3A_8, 128 : i32
    %dma_start3A = arith.constant 0 : i32
    %dma_start3A_9 = arith.constant 0 : i32
    %dma_start3A_10 = tpu.memref_slice %arg8[%dma_start3A, %dma_start3A_9] : memref<2x128xi32, #tpu.memory_space<vmem>> -> memref<1x128xi32, #tpu.memory_space<vmem>>
    %dma_start3A_11 = tpu.memref_squeeze %dma_start3A_10 : memref<1x128xi32, #tpu.memory_space<vmem>> -> memref<128xi32, #tpu.memory_space<vmem>>
    %dma_start3A_12 = tpu.memref_slice %arg2[%multiple_of3A] : memref<819200xi32, #tpu.memory_space<hbm>> -> memref<128xi32, #tpu.memory_space<hbm>>
    %dma_start3A_13 = arith.constant 0 : i32
    %dma_start3A_14 = tpu.memref_slice %arg8[%dma_start3A, %dma_start3A_13] : memref<2x128xi32, #tpu.memory_space<vmem>> -> memref<1x128xi32, #tpu.memory_space<vmem>>
    %dma_start3A_15 = tpu.memref_squeeze %dma_start3A_14 : memref<1x128xi32, #tpu.memory_space<vmem>> -> memref<128xi32, #tpu.memory_space<vmem>>
    %dma_start3A_16 = tpu.memref_slice %arg2[%multiple_of3A] : memref<819200xi32, #tpu.memory_space<hbm>> -> memref<128xi32, #tpu.memory_space<hbm>>
    tpu.enqueue_dma source(%dma_start3A_16 : memref<128xi32, #tpu.memory_space<hbm>>) target(%dma_start3A_15 : memref<128xi32, #tpu.memory_space<vmem>>) target_semaphore(%arg14 : memref<!tpu.dma_semaphore, #tpu.memory_space<semaphore_mem>>)
    %mul3A_17 = arith.constant 512 : i32
    %mul3A_18 = arith.muli %add3A, %mul3A_17 : i32
    %add3A_19 = arith.constant 16384 : i32
    %add3A_20 = arith.addi %add3A_19, %mul3A_18 : i32
    %add3A_21 = arith.constant 0 : i32
    %add3A_22 = arith.addi %add3A_20, %add3A_21 : i32
    %multiple_of3A_23 = tpu.assume_multiple %add3A_22, 128 : i32
    %dma_start3A_24 = arith.constant 1 : i32
    %dma_start3A_25 = arith.constant 0 : i32
    %dma_start3A_26 = tpu.memref_slice %arg8[%dma_start3A_24, %dma_start3A_25] : memref<2x128xi32, #tpu.memory_space<vmem>> -> memref<1x128xi32, #tpu.memory_space<vmem>>
    %dma_start3A_27 = tpu.memref_squeeze %dma_start3A_26 : memref<1x128xi32, #tpu.memory_space<vmem>> -> memref<128xi32, #tpu.memory_space<vmem>>
    %dma_start3A_28 = tpu.memref_slice %arg2[%multiple_of3A_23] : memref<819200xi32, #tpu.memory_space<hbm>> -> memref<128xi32, #tpu.memory_space<hbm>>
    %dma_start3A_29 = arith.constant 0 : i32
    %dma_start3A_30 = tpu.memref_slice %arg8[%dma_start3A_24, %dma_start3A_29] : memref<2x128xi32, #tpu.memory_space<vmem>> -> memref<1x128xi32, #tpu.memory_space<vmem>>
    %dma_start3A_31 = tpu.memref_squeeze %dma_start3A_30 : memref<1x128xi32, #tpu.memory_space<vmem>> -> memref<128xi32, #tpu.memory_space<vmem>>
    %dma_start3A_32 = tpu.memref_slice %arg2[%multiple_of3A_23] : memref<819200xi32, #tpu.memory_space<hbm>> -> memref<128xi32, #tpu.memory_space<hbm>>
    tpu.enqueue_dma source(%dma_start3A_32 : memref<128xi32, #tpu.memory_space<hbm>>) target(%dma_start3A_31 : memref<128xi32, #tpu.memory_space<vmem>>) target_semaphore(%arg15 : memref<!tpu.dma_semaphore, #tpu.memory_space<semaphore_mem>>)
    %mul3A_33 = arith.constant 512 : i32
    %mul3A_34 = arith.muli %add3A, %mul3A_33 : i32
    %add3A_35 = arith.constant 0 : i32
    %add3A_36 = arith.addi %add3A_35, %mul3A_34 : i32
    %add3A_37 = arith.constant 0 : i32
    %add3A_38 = arith.addi %add3A_36, %add3A_37 : i32
    %multiple_of3A_39 = tpu.assume_multiple %add3A_38, 128 : i32
    %dma_wait3A = arith.constant 0 : i32
    %dma_wait3A_40 = arith.constant 0 : i32
    %dma_wait3A_41 = tpu.memref_slice %arg8[%dma_wait3A, %dma_wait3A_40] : memref<2x128xi32, #tpu.memory_space<vmem>> -> memref<1x128xi32, #tpu.memory_space<vmem>>
    %dma_wait3A_42 = tpu.memref_squeeze %dma_wait3A_41 : memref<1x128xi32, #tpu.memory_space<vmem>> -> memref<128xi32, #tpu.memory_space<vmem>>
    %dma_wait3A_43 = tpu.memref_slice %arg2[%multiple_of3A_39] : memref<819200xi32, #tpu.memory_space<hbm>> -> memref<128xi32, #tpu.memory_space<hbm>>
    %dma_wait3A_44 = arith.constant 0 : i32
    %dma_wait3A_45 = tpu.memref_slice %arg8[%dma_wait3A, %dma_wait3A_44] : memref<2x128xi32, #tpu.memory_space<vmem>> -> memref<1x128xi32, #tpu.memory_space<vmem>>
    %dma_wait3A_46 = tpu.memref_squeeze %dma_wait3A_45 : memref<1x128xi32, #tpu.memory_space<vmem>> -> memref<128xi32, #tpu.memory_space<vmem>>
    %dma_wait3A_47 = tpu.memref_slice %arg2[%multiple_of3A_39] : memref<819200xi32, #tpu.memory_space<hbm>> -> memref<128xi32, #tpu.memory_space<hbm>>
    tpu.wait_dma2 semaphore(%arg14 : memref<!tpu.dma_semaphore, #tpu.memory_space<semaphore_mem>>) src(%dma_wait3A_47 : memref<128xi32, #tpu.memory_space<hbm>>) dst(%dma_wait3A_46 : memref<128xi32, #tpu.memory_space<vmem>>)
    %get3A = arith.constant 0 : i32
    %get3A_48 = arith.index_cast %get3A : i32 to index
    %get3A_49 = arith.constant 0 : index
    %get3A_50 = tpu.vector_load %arg8[%get3A_48, %get3A_49] {strides = array<i32>} : memref<2x128xi32, #tpu.memory_space<vmem>>, vector<16xi32>,
    %add3A_51 = arith.constant 0 : i32
    %add3A_52 = vector.broadcast %add3A_51 : i32 to vector<16xi32>
    %add3A_53 = arith.addi %get3A_50, %add3A_52 : vector<16xi32>
    %swap3A = arith.constant 0 : i32
    %swap3A_54 = arith.constant 0 : i32
    %swap3A_55 = arith.index_cast %swap3A : i32 to index
    %swap3A_56 = arith.index_cast %swap3A_54 : i32 to index
    %swap3A_57 = arith.constant 0 : index
    %swap3A_58 = tpu.vector_load %arg9[%swap3A_55, %swap3A_56, %swap3A_57] {strides = array<i32>} : memref<2x3x128xi32, #tpu.memory_space<vmem>>, vector<16xi32>,
    tpu.vector_store %arg9[%swap3A_55, %swap3A_56, %swap3A_57], %add3A_53 {strides = array<i32>} : memref<2x3x128xi32, #tpu.memory_space<vmem>>, vector<16xi32>,
    %add3A_59 = arith.constant 1000000 : i32
    %add3A_60 = vector.broadcast %add3A_59 : i32 to vector<16xi32>
    %add3A_61 = arith.addi %get3A_50, %add3A_60 : vector<16xi32>
    %swap3A_62 = arith.constant 0 : i32
    %swap3A_63 = arith.constant 1 : i32
    %swap3A_64 = arith.index_cast %swap3A_62 : i32 to index
    %swap3A_65 = arith.index_cast %swap3A_63 : i32 to index
    %swap3A_66 = arith.constant 0 : index
    %swap3A_67 = tpu.vector_load %arg9[%swap3A_64, %swap3A_65, %swap3A_66] {strides = array<i32>} : memref<2x3x128xi32, #tpu.memory_space<vmem>>, vector<16xi32>,
    tpu.vector_store %arg9[%swap3A_64, %swap3A_65, %swap3A_66], %add3A_61 {strides = array<i32>} : memref<2x3x128xi32, #tpu.memory_space<vmem>>, vector<16xi32>,
    %add3A_68 = arith.constant 2000000 : i32
    %add3A_69 = vector.broadcast %add3A_68 : i32 to vector<16xi32>
    %add3A_70 = arith.addi %get3A_50, %add3A_69 : vector<16xi32>
    %swap3A_71 = arith.constant 0 : i32
    %swap3A_72 = arith.constant 2 : i32
    %swap3A_73 = arith.index_cast %swap3A_71 : i32 to index
    %swap3A_74 = arith.index_cast %swap3A_72 : i32 to index
    %swap3A_75 = arith.constant 0 : index
    %swap3A_76 = tpu.vector_load %arg9[%swap3A_73, %swap3A_74, %swap3A_75] {strides = array<i32>} : memref<2x3x128xi32, #tpu.memory_space<vmem>>, vector<16xi32>,
    tpu.vector_store %arg9[%swap3A_73, %swap3A_74, %swap3A_75], %add3A_70 {strides = array<i32>} : memref<2x3x128xi32, #tpu.memory_space<vmem>>, vector<16xi32>,
    %get3A_77 = arith.constant 0 : i32
    %get3A_78 = arith.index_cast %get3A_77 : i32 to index
    %get3A_79 = arith.constant 16 : index
    %get3A_80 = tpu.vector_load %arg8[%get3A_78, %get3A_79] {strides = array<i32>} : memref<2x128xi32, #tpu.memory_space<vmem>>, vector<16xi32>,
    %add3A_81 = arith.constant 0 : i32
    %add3A_82 = vector.broadcast %add3A_81 : i32 to vector<16xi32>
    %add3A_83 = arith.addi %get3A_80, %add3A_82 : vector<16xi32>
    %swap3A_84 = arith.constant 0 : i32
    %swap3A_85 = arith.constant 0 : i32
    %swap3A_86 = arith.index_cast %swap3A_84 : i32 to index
    %swap3A_87 = arith.index_cast %swap3A_85 : i32 to index
    %swap3A_88 = arith.constant 16 : index
    %swap3A_89 = tpu.vector_load %arg9[%swap3A_86, %swap3A_87, %swap3A_88] {strides = array<i32>} : memref<2x3x128xi32, #tpu.memory_space<vmem>>, vector<16xi32>,
    tpu.vector_store %arg9[%swap3A_86, %swap3A_87, %swap3A_88], %add3A_83 {strides = array<i32>} : memref<2x3x128xi32, #tpu.memory_space<vmem>>, vector<16xi32>,
    %add3A_90 = arith.constant 1000000 : i32
    %add3A_91 = vector.broadcast %add3A_90 : i32 to vector<16xi32>
    %add3A_92 = arith.addi %get3A_80, %add3A_91 : vector<16xi32>
    %swap3A_93 = arith.constant 0 : i32
    %swap3A_94 = arith.constant 1 : i32
    %swap3A_95 = arith.index_cast %swap3A_93 : i32 to index
    %swap3A_96 = arith.index_cast %swap3A_94 : i32 to index
    %swap3A_97 = arith.constant 16 : index
    %swap3A_98 = tpu.vector_load %arg9[%swap3A_95, %swap3A_96, %swap3A_97] {strides = array<i32>} : memref<2x3x128xi32, #tpu.memory_space<vmem>>, vector<16xi32>,
    tpu.vector_store %arg9[%swap3A_95, %swap3A_96, %swap3A_97], %add3A_92 {strides = array<i32>} : memref<2x3x128xi32, #tpu.memory_space<vmem>>, vector<16xi32>,
    %add3A_99 = arith.constant 2000000 : i32
    %add3A_100 = vector.broadcast %add3A_99 : i32 to vector<16xi32>
    %add3A_101 = arith.addi %get3A_80, %add3A_100 : vector<16xi32>
    %swap3A_102 = arith.constant 0 : i32
    %swap3A_103 = arith.constant 2 : i32
    %swap3A_104 = arith.index_cast %swap3A_102 : i32 to index
    %swap3A_105 = arith.index_cast %swap3A_103 : i32 to index
    %swap3A_106 = arith.constant 16 : index
    %swap3A_107 = tpu.vector_load %arg9[%swap3A_104, %swap3A_105, %swap3A_106] {strides = array<i32>} : memref<2x3x128xi32, #tpu.memory_space<vmem>>, vector<16xi32>,
    tpu.vector_store %arg9[%swap3A_104, %swap3A_105, %swap3A_106], %add3A_101 {strides = array<i32>} : memref<2x3x128xi32, #tpu.memory_space<vmem>>, vector<16xi32>,
    %get3A_108 = arith.constant 0 : i32
    %get3A_109 = arith.index_cast %get3A_108 : i32 to index
    %get3A_110 = arith.constant 32 : index
    %get3A_111 = tpu.vector_load %arg8[%get3A_109, %get3A_110] {strides = array<i32>} : memref<2x128xi32, #tpu.memory_space<vmem>>, vector<16xi32>,
    %add3A_112 = arith.constant 0 : i32
    %add3A_113 = vector.broadcast %add3A_112 : i32 to vector<16xi32>
    %add3A_114 = arith.addi %get3A_111, %add3A_113 : vector<16xi32>
    %swap3A_115 = arith.constant 0 : i32
    %swap3A_116 = arith.constant 0 : i32
    %swap3A_117 = arith.index_cast %swap3A_115 : i32 to index
    %swap3A_118 = arith.index_cast %swap3A_116 : i32 to index
    %swap3A_119 = arith.constant 32 : index
    %swap3A_120 = tpu.vector_load %arg9[%swap3A_117, %swap3A_118, %swap3A_119] {strides = array<i32>} : memref<2x3x128xi32, #tpu.memory_space<vmem>>, vector<16xi32>,
    tpu.vector_store %arg9[%swap3A_117, %swap3A_118, %swap3A_119], %add3A_114 {strides = array<i32>} : memref<2x3x128xi32, #tpu.memory_space<vmem>>, vector<16xi32>,
    %add3A_121 = arith.constant 1000000 : i32
    %add3A_122 = vector.broadcast %add3A_121 : i32 to vector<16xi32>
    %add3A_123 = arith.addi %get3A_111, %add3A_122 : vector<16xi32>
    %swap3A_124 = arith.constant 0 : i32
    %swap3A_125 = arith.constant 1 : i32
    %swap3A_126 = arith.index_cast %swap3A_124 : i32 to index
    %swap3A_127 = arith.index_cast %swap3A_125 : i32 to index
    %swap3A_128 = arith.constant 32 : index
    %swap3A_129 = tpu.vector_load %arg9[%swap3A_126, %swap3A_127, %swap3A_128] {strides = array<i32>} : memref<2x3x128xi32, #tpu.memory_space<vmem>>, vector<16xi32>,
    tpu.vector_store %arg9[%swap3A_126, %swap3A_127, %swap3A_128], %add3A_123 {strides = array<i32>} : memref<2x3x128xi32, #tpu.memory_space<vmem>>, vector<16xi32>,
    %add3A_130 = arith.constant 2000000 : i32
    %add3A_131 = vector.broadcast %add3A_130 : i32 to vector<16xi32>
    %add3A_132 = arith.addi %get3A_111, %add3A_131 : vector<16xi32>
    %swap3A_133 = arith.constant 0 : i32
    %swap3A_134 = arith.constant 2 : i32
    %swap3A_135 = arith.index_cast %swap3A_133 : i32 to index
    %swap3A_136 = arith.index_cast %swap3A_134 : i32 to index
    %swap3A_137 = arith.constant 32 : index
    %swap3A_138 = tpu.vector_load %arg9[%swap3A_135, %swap3A_136, %swap3A_137] {strides = array<i32>} : memref<2x3x128xi32, #tpu.memory_space<vmem>>, vector<16xi32>,
    tpu.vector_store %arg9[%swap3A_135, %swap3A_136, %swap3A_137], %add3A_132 {strides = array<i32>} : memref<2x3x128xi32, #tpu.memory_space<vmem>>, vector<16xi32>,
    %get3A_139 = arith.constant 0 : i32
    %get3A_140 = arith.index_cast %get3A_139 : i32 to index
    %get3A_141 = arith.constant 48 : index
    %get3A_142 = tpu.vector_load %arg8[%get3A_140, %get3A_141] {strides = array<i32>} : memref<2x128xi32, #tpu.memory_space<vmem>>, vector<16xi32>,
    %add3A_143 = arith.constant 0 : i32
    %add3A_144 = vector.broadcast %add3A_143 : i32 to vector<16xi32>
    %add3A_145 = arith.addi %get3A_142, %add3A_144 : vector<16xi32>
    %swap3A_146 = arith.constant 0 : i32
    %swap3A_147 = arith.constant 0 : i32
    %swap3A_148 = arith.index_cast %swap3A_146 : i32 to index
    %swap3A_149 = arith.index_cast %swap3A_147 : i32 to index
    %swap3A_150 = arith.constant 48 : index
    %swap3A_151 = tpu.vector_load %arg9[%swap3A_148, %swap3A_149, %swap3A_150] {strides = array<i32>} : memref<2x3x128xi32, #tpu.memory_space<vmem>>, vector<16xi32>,
    tpu.vector_store %arg9[%swap3A_148, %swap3A_149, %swap3A_150], %add3A_145 {strides = array<i32>} : memref<2x3x128xi32, #tpu.memory_space<vmem>>, vector<16xi32>,
    %add3A_152 = arith.constant 1000000 : i32
    %add3A_153 = vector.broadcast %add3A_152 : i32 to vector<16xi32>
    %add3A_154 = arith.addi %get3A_142, %add3A_153 : vector<16xi32>
    %swap3A_155 = arith.constant 0 : i32
    %swap3A_156 = arith.constant 1 : i32
    %swap3A_157 = arith.index_cast %swap3A_155 : i32 to index
    %swap3A_158 = arith.index_cast %swap3A_156 : i32 to index
    %swap3A_159 = arith.constant 48 : index
    %swap3A_160 = tpu.vector_load %arg9[%swap3A_157, %swap3A_158, %swap3A_159] {strides = array<i32>} : memref<2x3x128xi32, #tpu.memory_space<vmem>>, vector<16xi32>,
    tpu.vector_store %arg9[%swap3A_157, %swap3A_158, %swap3A_159], %add3A_154 {strides = array<i32>} : memref<2x3x128xi32, #tpu.memory_space<vmem>>, vector<16xi32>,
    %add3A_161 = arith.constant 2000000 : i32
    %add3A_162 = vector.broadcast %add3A_161 : i32 to vector<16xi32>
    %add3A_163 = arith.addi %get3A_142, %add3A_162 : vector<16xi32>
    %swap3A_164 = arith.constant 0 : i32
    %swap3A_165 = arith.constant 2 : i32
    %swap3A_166 = arith.index_cast %swap3A_164 : i32 to index
    %swap3A_167 = arith.index_cast %swap3A_165 : i32 to index
    %swap3A_168 = arith.constant 48 : index
    %swap3A_169 = tpu.vector_load %arg9[%swap3A_166, %swap3A_167, %swap3A_168] {strides = array<i32>} : memref<2x3x128xi32, #tpu.memory_space<vmem>>, vector<16xi32>,
    tpu.vector_store %arg9[%swap3A_166, %swap3A_167, %swap3A_168], %add3A_163 {strides = array<i32>} : memref<2x3x128xi32, #tpu.memory_space<vmem>>, vector<16xi32>,
    %get3A_170 = arith.constant 0 : i32
    %get3A_171 = arith.index_cast %get3A_170 : i32 to index
    %get3A_172 = arith.constant 64 : index
    %get3A_173 = tpu.vector_load %arg8[%get3A_171, %get3A_172] {strides = array<i32>} : memref<2x128xi32, #tpu.memory_space<vmem>>, vector<16xi32>,
    %add3A_174 = arith.constant 0 : i32
    %add3A_175 = vector.broadcast %add3A_174 : i32 to vector<16xi32>
    %add3A_176 = arith.addi %get3A_173, %add3A_175 : vector<16xi32>
    %swap3A_177 = arith.constant 0 : i32
    %swap3A_178 = arith.constant 0 : i32
    %swap3A_179 = arith.index_cast %swap3A_177 : i32 to index
    %swap3A_180 = arith.index_cast %swap3A_178 : i32 to index
    %swap3A_181 = arith.constant 64 : index
    %swap3A_182 = tpu.vector_load %arg9[%swap3A_179, %swap3A_180, %swap3A_181] {strides = array<i32>} : memref<2x3x128xi32, #tpu.memory_space<vmem>>, vector<16xi32>,
    tpu.vector_store %arg9[%swap3A_179, %swap3A_180, %swap3A_181], %add3A_176 {strides = array<i32>} : memref<2x3x128xi32, #tpu.memory_space<vmem>>, vector<16xi32>,
    %add3A_183 = arith.constant 1000000 : i32
    %add3A_184 = vector.broadcast %add3A_183 : i32 to vector<16xi32>
    %add3A_185 = arith.addi %get3A_173, %add3A_184 : vector<16xi32>
    %swap3A_186 = arith.constant 0 : i32
    %swap3A_187 = arith.constant 1 : i32
    %swap3A_188 = arith.index_cast %swap3A_186 : i32 to index
    %swap3A_189 = arith.index_cast %swap3A_187 : i32 to index
    %swap3A_190 = arith.constant 64 : index
    %swap3A_191 = tpu.vector_load %arg9[%swap3A_188, %swap3A_189, %swap3A_190] {strides = array<i32>} : memref<2x3x128xi32, #tpu.memory_space<vmem>>, vector<16xi32>,
    tpu.vector_store %arg9[%swap3A_188, %swap3A_189, %swap3A_190], %add3A_185 {strides = array<i32>} : memref<2x3x128xi32, #tpu.memory_space<vmem>>, vector<16xi32>,
    %add3A_192 = arith.constant 2000000 : i32
    %add3A_193 = vector.broadcast %add3A_192 : i32 to vector<16xi32>
    %add3A_194 = arith.addi %get3A_173, %add3A_193 : vector<16xi32>
    %swap3A_195 = arith.constant 0 : i32
    %swap3A_196 = arith.constant 2 : i32
    %swap3A_197 = arith.index_cast %swap3A_195 : i32 to index
    %swap3A_198 = arith.index_cast %swap3A_196 : i32 to index
    %swap3A_199 = arith.constant 64 : index
    %swap3A_200 = tpu.vector_load %arg9[%swap3A_197, %swap3A_198, %swap3A_199] {strides = array<i32>} : memref<2x3x128xi32, #tpu.memory_space<vmem>>, vector<16xi32>,
    tpu.vector_store %arg9[%swap3A_197, %swap3A_198, %swap3A_199], %add3A_194 {strides = array<i32>} : memref<2x3x128xi32, #tpu.memory_space<vmem>>, vector<16xi32>,
    %get3A_201 = arith.constant 0 : i32
    %get3A_202 = arith.index_cast %get3A_201 : i32 to index
    %get3A_203 = arith.constant 80 : index
    %get3A_204 = tpu.vector_load %arg8[%get3A_202, %get3A_203] {strides = array<i32>} : memref<2x128xi32, #tpu.memory_space<vmem>>, vector<16xi32>,
    %add3A_205 = arith.constant 0 : i32
    %add3A_206 = vector.broadcast %add3A_205 : i32 to vector<16xi32>
    %add3A_207 = arith.addi %get3A_204, %add3A_206 : vector<16xi32>
    %swap3A_208 = arith.constant 0 : i32
    %swap3A_209 = arith.constant 0 : i32
    %swap3A_210 = arith.index_cast %swap3A_208 : i32 to index
    %swap3A_211 = arith.index_cast %swap3A_209 : i32 to index
    %swap3A_212 = arith.constant 80 : index
    %swap3A_213 = tpu.vector_load %arg9[%swap3A_210, %swap3A_211, %swap3A_212] {strides = array<i32>} : memref<2x3x128xi32, #tpu.memory_space<vmem>>, vector<16xi32>,
    tpu.vector_store %arg9[%swap3A_210, %swap3A_211, %swap3A_212], %add3A_207 {strides = array<i32>} : memref<2x3x128xi32, #tpu.memory_space<vmem>>, vector<16xi32>,
    %add3A_214 = arith.constant 1000000 : i32
    %add3A_215 = vector.broadcast %add3A_214 : i32 to vector<16xi32>
    %add3A_216 = arith.addi %get3A_204, %add3A_215 : vector<16xi32>
    %swap3A_217 = arith.constant 0 : i32
    %swap3A_218 = arith.constant 1 : i32
    %swap3A_219 = arith.index_cast %swap3A_217 : i32 to index
    %swap3A_220 = arith.index_cast %swap3A_218 : i32 to index
    %swap3A_221 = arith.constant 80 : index
    %swap3A_222 = tpu.vector_load %arg9[%swap3A_219, %swap3A_220, %swap3A_221] {strides = array<i32>} : memref<2x3x128xi32, #tpu.memory_space<vmem>>, vector<16xi32>,
    tpu.vector_store %arg9[%swap3A_219, %swap3A_220, %swap3A_221], %add3A_216 {strides = array<i32>} : memref<2x3x128xi32, #tpu.memory_space<vmem>>, vector<16xi32>,
    %add3A_223 = arith.constant 2000000 : i32
    %add3A_224 = vector.broadcast %add3A_223 : i32 to vector<16xi32>
    %add3A_225 = arith.addi %get3A_204, %add3A_224 : vector<16xi32>
    %swap3A_226 = arith.constant 0 : i32
    %swap3A_227 = arith.constant 2 : i32
    %swap3A_228 = arith.index_cast %swap3A_226 : i32 to index
    %swap3A_229 = arith.index_cast %swap3A_227 : i32 to index
    %swap3A_230 = arith.constant 80 : index
    %swap3A_231 = tpu.vector_load %arg9[%swap3A_228, %swap3A_229, %swap3A_230] {strides = array<i32>} : memref<2x3x128xi32, #tpu.memory_space<vmem>>, vector<16xi32>,
    tpu.vector_store %arg9[%swap3A_228, %swap3A_229, %swap3A_230], %add3A_225 {strides = array<i32>} : memref<2x3x128xi32, #tpu.memory_space<vmem>>, vector<16xi32>,
    %get3A_232 = arith.constant 0 : i32
    %get3A_233 = arith.index_cast %get3A_232 : i32 to index
    %get3A_234 = arith.constant 96 : index
    %get3A_235 = tpu.vector_load %arg8[%get3A_233, %get3A_234] {strides = array<i32>} : memref<2x128xi32, #tpu.memory_space<vmem>>, vector<16xi32>,
    %add3A_236 = arith.constant 0 : i32
    %add3A_237 = vector.broadcast %add3A_236 : i32 to vector<16xi32>
    %add3A_238 = arith.addi %get3A_235, %add3A_237 : vector<16xi32>
    %swap3A_239 = arith.constant 0 : i32
    %swap3A_240 = arith.constant 0 : i32
    %swap3A_241 = arith.index_cast %swap3A_239 : i32 to index
    %swap3A_242 = arith.index_cast %swap3A_240 : i32 to index
    %swap3A_243 = arith.constant 96 : index
    %swap3A_244 = tpu.vector_load %arg9[%swap3A_241, %swap3A_242, %swap3A_243] {strides = array<i32>} : memref<2x3x128xi32, #tpu.memory_space<vmem>>, vector<16xi32>,
    tpu.vector_store %arg9[%swap3A_241, %swap3A_242, %swap3A_243], %add3A_238 {strides = array<i32>} : memref<2x3x128xi32, #tpu.memory_space<vmem>>, vector<16xi32>,
    %add3A_245 = arith.constant 1000000 : i32
    %add3A_246 = vector.broadcast %add3A_245 : i32 to vector<16xi32>
    %add3A_247 = arith.addi %get3A_235, %add3A_246 : vector<16xi32>
    %swap3A_248 = arith.constant 0 : i32
    %swap3A_249 = arith.constant 1 : i32
    %swap3A_250 = arith.index_cast %swap3A_248 : i32 to index
    %swap3A_251 = arith.index_cast %swap3A_249 : i32 to index
    %swap3A_252 = arith.constant 96 : index
    %swap3A_253 = tpu.vector_load %arg9[%swap3A_250, %swap3A_251, %swap3A_252] {strides = array<i32>} : memref<2x3x128xi32, #tpu.memory_space<vmem>>, vector<16xi32>,
    tpu.vector_store %arg9[%swap3A_250, %swap3A_251, %swap3A_252], %add3A_247 {strides = array<i32>} : memref<2x3x128xi32, #tpu.memory_space<vmem>>, vector<16xi32>,
    %add3A_254 = arith.constant 2000000 : i32
    %add3A_255 = vector.broadcast %add3A_254 : i32 to vector<16xi32>
    %add3A_256 = arith.addi %get3A_235, %add3A_255 : vector<16xi32>
    %swap3A_257 = arith.constant 0 : i32
    %swap3A_258 = arith.constant 2 : i32
    %swap3A_259 = arith.index_cast %swap3A_257 : i32 to index
    %swap3A_260 = arith.index_cast %swap3A_258 : i32 to index
    %swap3A_261 = arith.constant 96 : index
    %swap3A_262 = tpu.vector_load %arg9[%swap3A_259, %swap3A_260, %swap3A_261] {strides = array<i32>} : memref<2x3x128xi32, #tpu.memory_space<vmem>>, vector<16xi32>,
    tpu.vector_store %arg9[%swap3A_259, %swap3A_260, %swap3A_261], %add3A_256 {strides = array<i32>} : memref<2x3x128xi32, #tpu.memory_space<vmem>>, vector<16xi32>,
    %get3A_263 = arith.constant 0 : i32
    %get3A_264 = arith.index_cast %get3A_263 : i32 to index
    %get3A_265 = arith.constant 112 : index
    %get3A_266 = tpu.vector_load %arg8[%get3A_264, %get3A_265] {strides = array<i32>} : memref<2x128xi32, #tpu.memory_space<vmem>>, vector<16xi32>,
    %add3A_267 = arith.constant 0 : i32
    %add3A_268 = vector.broadcast %add3A_267 : i32 to vector<16xi32>
    %add3A_269 = arith.addi %get3A_266, %add3A_268 : vector<16xi32>
    %swap3A_270 = arith.constant 0 : i32
    %swap3A_271 = arith.constant 0 : i32
    %swap3A_272 = arith.index_cast %swap3A_270 : i32 to index
    %swap3A_273 = arith.index_cast %swap3A_271 : i32 to index
    %swap3A_274 = arith.constant 112 : index
    %swap3A_275 = tpu.vector_load %arg9[%swap3A_272, %swap3A_273, %swap3A_274] {strides = array<i32>} : memref<2x3x128xi32, #tpu.memory_space<vmem>>, vector<16xi32>,
    tpu.vector_store %arg9[%swap3A_272, %swap3A_273, %swap3A_274], %add3A_269 {strides = array<i32>} : memref<2x3x128xi32, #tpu.memory_space<vmem>>, vector<16xi32>,
    %add3A_276 = arith.constant 1000000 : i32
    %add3A_277 = vector.broadcast %add3A_276 : i32 to vector<16xi32>
    %add3A_278 = arith.addi %get3A_266, %add3A_277 : vector<16xi32>
    %swap3A_279 = arith.constant 0 : i32
    %swap3A_280 = arith.constant 1 : i32
    %swap3A_281 = arith.index_cast %swap3A_279 : i32 to index
    %swap3A_282 = arith.index_cast %swap3A_280 : i32 to index
    %swap3A_283 = arith.constant 112 : index
    %swap3A_284 = tpu.vector_load %arg9[%swap3A_281, %swap3A_282, %swap3A_283] {strides = array<i32>} : memref<2x3x128xi32, #tpu.memory_space<vmem>>, vector<16xi32>,
    tpu.vector_store %arg9[%swap3A_281, %swap3A_282, %swap3A_283], %add3A_278 {strides = array<i32>} : memref<2x3x128xi32, #tpu.memory_space<vmem>>, vector<16xi32>,
    %add3A_285 = arith.constant 2000000 : i32
    %add3A_286 = vector.broadcast %add3A_285 : i32 to vector<16xi32>
    %add3A_287 = arith.addi %get3A_266, %add3A_286 : vector<16xi32>
    %swap3A_288 = arith.constant 0 : i32
    %swap3A_289 = arith.constant 2 : i32
    %swap3A_290 = arith.index_cast %swap3A_288 : i32 to index
    %swap3A_291 = arith.index_cast %swap3A_289 : i32 to index
    %swap3A_292 = arith.constant 112 : index
    %swap3A_293 = tpu.vector_load %arg9[%swap3A_290, %swap3A_291, %swap3A_292] {strides = array<i32>} : memref<2x3x128xi32, #tpu.memory_space<vmem>>, vector<16xi32>,
    tpu.vector_store %arg9[%swap3A_290, %swap3A_291, %swap3A_292], %add3A_287 {strides = array<i32>} : memref<2x3x128xi32, #tpu.memory_space<vmem>>, vector<16xi32>,
    %dma_start3A_294 = arith.constant 0 : i32
    %dma_start3A_295 = arith.constant 0 : i32
    %dma_start3A_296 = arith.constant 0 : i32
    %dma_start3A_297 = arith.constant 0 : i32
    %dma_start3A_298 = arith.constant 0 : i32
    %dma_start3A_299 = arith.constant 0 : i32
    %dma_start3A_300 = tpu.memref_slice %arg10[%dma_start3A_296, %dma_start3A_298, %dma_start3A_299] : memref<2x3x128xi32, #tpu.memory_space<vmem>> -> memref<1x3x128xi32, #tpu.memory_space<vmem>>
    %dma_start3A_301 = tpu.memref_squeeze %dma_start3A_300 : memref<1x3x128xi32, #tpu.memory_space<vmem>> -> memref<3x128xi32, #tpu.memory_space<vmem>>
    %dma_start3A_302 = arith.constant 0 : i32
    %dma_start3A_303 = tpu.memref_slice %dma_start3A_301[%dma_start3A_297, %dma_start3A_302] : memref<3x128xi32, #tpu.memory_space<vmem>> -> memref<1x128xi32, #tpu.memory_space<vmem>>
    %dma_start3A_304 = tpu.memref_squeeze %dma_start3A_303 : memref<1x128xi32, #tpu.memory_space<vmem>> -> memref<128xi32, #tpu.memory_space<vmem>>
    %dma_start3A_305 = arith.constant 0 : i32
    %dma_start3A_306 = arith.constant 0 : i32
    %dma_start3A_307 = tpu.memref_slice %arg9[%dma_start3A_294, %dma_start3A_305, %dma_start3A_306] : memref<2x3x128xi32, #tpu.memory_space<vmem>> -> memref<1x3x128xi32, #tpu.memory_space<vmem>>
    %dma_start3A_308 = tpu.memref_squeeze %dma_start3A_307 : memref<1x3x128xi32, #tpu.memory_space<vmem>> -> memref<3x128xi32, #tpu.memory_space<vmem>>
    %dma_start3A_309 = arith.constant 0 : i32
    %dma_start3A_310 = tpu.memref_slice %dma_start3A_308[%dma_start3A_295, %dma_start3A_309] : memref<3x128xi32, #tpu.memory_space<vmem>> -> memref<1x128xi32, #tpu.memory_space<vmem>>
    %dma_start3A_311 = tpu.memref_squeeze %dma_start3A_310 : memref<1x128xi32, #tpu.memory_space<vmem>> -> memref<128xi32, #tpu.memory_space<vmem>>
    %dma_start3A_312 = arith.constant 0 : i32
    %dma_start3A_313 = tpu.memref_slice %arg3[%dma_start3A_312] : memref<3000000xi32, #tpu.memory_space<hbm>> -> memref<3000000xi32, #tpu.memory_space<hbm>>
    tpu.enqueue_indirect_dma source(%dma_start3A_313 : memref<3000000xi32, #tpu.memory_space<hbm>>) target(%dma_start3A_304 : memref<128xi32, #tpu.memory_space<vmem>>) offsets(%dma_start3A_311 : memref<128xi32, #tpu.memory_space<vmem>>) semaphore(%arg16 : memref<!tpu.dma_semaphore, #tpu.memory_space<semaphore_mem>>)
    %dma_start3A_314 = arith.constant 0 : i32
    %dma_start3A_315 = arith.constant 1 : i32
    %dma_start3A_316 = arith.constant 0 : i32
    %dma_start3A_317 = arith.constant 1 : i32
    %dma_start3A_318 = arith.constant 0 : i32
    %dma_start3A_319 = arith.constant 0 : i32
    %dma_start3A_320 = tpu.memref_slice %arg10[%dma_start3A_316, %dma_start3A_318, %dma_start3A_319] : memref<2x3x128xi32, #tpu.memory_space<vmem>> -> memref<1x3x128xi32, #tpu.memory_space<vmem>>
    %dma_start3A_321 = tpu.memref_squeeze %dma_start3A_320 : memref<1x3x128xi32, #tpu.memory_space<vmem>> -> memref<3x128xi32, #tpu.memory_space<vmem>>
    %dma_start3A_322 = arith.constant 0 : i32
    %dma_start3A_323 = tpu.memref_slice %dma_start3A_321[%dma_start3A_317, %dma_start3A_322] : memref<3x128xi32, #tpu.memory_space<vmem>> -> memref<1x128xi32, #tpu.memory_space<vmem>>
    %dma_start3A_324 = tpu.memref_squeeze %dma_start3A_323 : memref<1x128xi32, #tpu.memory_space<vmem>> -> memref<128xi32, #tpu.memory_space<vmem>>
    %dma_start3A_325 = arith.constant 0 : i32
    %dma_start3A_326 = arith.constant 0 : i32
    %dma_start3A_327 = tpu.memref_slice %arg9[%dma_start3A_314, %dma_start3A_325, %dma_start3A_326] : memref<2x3x128xi32, #tpu.memory_space<vmem>> -> memref<1x3x128xi32, #tpu.memory_space<vmem>>
    %dma_start3A_328 = tpu.memref_squeeze %dma_start3A_327 : memref<1x3x128xi32, #tpu.memory_space<vmem>> -> memref<3x128xi32, #tpu.memory_space<vmem>>
    %dma_start3A_329 = arith.constant 0 : i32
    %dma_start3A_330 = tpu.memref_slice %dma_start3A_328[%dma_start3A_315, %dma_start3A_329] : memref<3x128xi32, #tpu.memory_space<vmem>> -> memref<1x128xi32, #tpu.memory_space<vmem>>
    %dma_start3A_331 = tpu.memref_squeeze %dma_start3A_330 : memref<1x128xi32, #tpu.memory_space<vmem>> -> memref<128xi32, #tpu.memory_space<vmem>>
    %dma_start3A_332 = arith.constant 0 : i32
    %dma_start3A_333 = tpu.memref_slice %arg3[%dma_start3A_332] : memref<3000000xi32, #tpu.memory_space<hbm>> -> memref<3000000xi32, #tpu.memory_space<hbm>>
    tpu.enqueue_indirect_dma source(%dma_start3A_333 : memref<3000000xi32, #tpu.memory_space<hbm>>) target(%dma_start3A_324 : memref<128xi32, #tpu.memory_space<vmem>>) offsets(%dma_start3A_331 : memref<128xi32, #tpu.memory_space<vmem>>) semaphore(%arg16 : memref<!tpu.dma_semaphore, #tpu.memory_space<semaphore_mem>>)
    %dma_start3A_334 = arith.constant 0 : i32
    %dma_start3A_335 = arith.constant 2 : i32
    %dma_start3A_336 = arith.constant 0 : i32
    %dma_start3A_337 = arith.constant 2 : i32
    %dma_start3A_338 = arith.constant 0 : i32
    %dma_start3A_339 = arith.constant 0 : i32
    %dma_start3A_340 = tpu.memref_slice %arg10[%dma_start3A_336, %dma_start3A_338, %dma_start3A_339] : memref<2x3x128xi32, #tpu.memory_space<vmem>> -> memref<1x3x128xi32, #tpu.memory_space<vmem>>
    %dma_start3A_341 = tpu.memref_squeeze %dma_start3A_340 : memref<1x3x128xi32, #tpu.memory_space<vmem>> -> memref<3x128xi32, #tpu.memory_space<vmem>>
    %dma_start3A_342 = arith.constant 0 : i32
    %dma_start3A_343 = tpu.memref_slice %dma_start3A_341[%dma_start3A_337, %dma_start3A_342] : memref<3x128xi32, #tpu.memory_space<vmem>> -> memref<1x128xi32, #tpu.memory_space<vmem>>
    %dma_start3A_344 = tpu.memref_squeeze %dma_start3A_343 : memref<1x128xi32, #tpu.memory_space<vmem>> -> memref<128xi32, #tpu.memory_space<vmem>>
    %dma_start3A_345 = arith.constant 0 : i32
    %dma_start3A_346 = arith.constant 0 : i32
    %dma_start3A_347 = tpu.memref_slice %arg9[%dma_start3A_334, %dma_start3A_345, %dma_start3A_346] : memref<2x3x128xi32, #tpu.memory_space<vmem>> -> memref<1x3x128xi32, #tpu.memory_space<vmem>>
    %dma_start3A_348 = tpu.memref_squeeze %dma_start3A_347 : memref<1x3x128xi32, #tpu.memory_space<vmem>> -> memref<3x128xi32, #tpu.memory_space<vmem>>
    %dma_start3A_349 = arith.constant 0 : i32
    %dma_start3A_350 = tpu.memref_slice %dma_start3A_348[%dma_start3A_335, %dma_start3A_349] : memref<3x128xi32, #tpu.memory_space<vmem>> -> memref<1x128xi32, #tpu.memory_space<vmem>>
    %dma_start3A_351 = tpu.memref_squeeze %dma_start3A_350 : memref<1x128xi32, #tpu.memory_space<vmem>> -> memref<128xi32, #tpu.memory_space<vmem>>
    %dma_start3A_352 = arith.constant 0 : i32
    %dma_start3A_353 = tpu.memref_slice %arg3[%dma_start3A_352] : memref<3000000xi32, #tpu.memory_space<hbm>> -> memref<3000000xi32, #tpu.memory_space<hbm>>
    tpu.enqueue_indirect_dma source(%dma_start3A_353 : memref<3000000xi32, #tpu.memory_space<hbm>>) target(%dma_start3A_344 : memref<128xi32, #tpu.memory_space<vmem>>) offsets(%dma_start3A_351 : memref<128xi32, #tpu.memory_space<vmem>>) semaphore(%arg16 : memref<!tpu.dma_semaphore, #tpu.memory_space<semaphore_mem>>)
    %mul3A_354 = arith.constant 512 : i32
    %mul3A_355 = arith.muli %add3A, %mul3A_354 : i32
    %add3A_356 = arith.constant 16384 : i32
    %add3A_357 = arith.addi %add3A_356, %mul3A_355 : i32
    %add3A_358 = arith.constant 0 : i32
    %add3A_359 = arith.addi %add3A_357, %add3A_358 : i32
    %multiple_of3A_360 = tpu.assume_multiple %add3A_359, 128 : i32
    %dma_wait3A_361 = arith.constant 1 : i32
    %dma_wait3A_362 = arith.constant 0 : i32
    %dma_wait3A_363 = tpu.memref_slice %arg8[%dma_wait3A_361, %dma_wait3A_362] : memref<2x128xi32, #tpu.memory_space<vmem>> -> memref<1x128xi32, #tpu.memory_space<vmem>>
    %dma_wait3A_364 = tpu.memref_squeeze %dma_wait3A_363 : memref<1x128xi32, #tpu.memory_space<vmem>> -> memref<128xi32, #tpu.memory_space<vmem>>
    %dma_wait3A_365 = tpu.memref_slice %arg2[%multiple_of3A_360] : memref<819200xi32, #tpu.memory_space<hbm>> -> memref<128xi32, #tpu.memory_space<hbm>>
    %dma_wait3A_366 = arith.constant 0 : i32
    %dma_wait3A_367 = tpu.memref_slice %arg8[%dma_wait3A_361, %dma_wait3A_366] : memref<2x128xi32, #tpu.memory_space<vmem>> -> memref<1x128xi32, #tpu.memory_space<vmem>>
    %dma_wait3A_368 = tpu.memref_squeeze %dma_wait3A_367 : memref<1x128xi32, #tpu.memory_space<vmem>> -> memref<128xi32, #tpu.memory_space<vmem>>
    %dma_wait3A_369 = tpu.memref_slice %arg2[%multiple_of3A_360] : memref<819200xi32, #tpu.memory_space<hbm>> -> memref<128xi32, #tpu.memory_space<hbm>>
    tpu.wait_dma2 semaphore(%arg15 : memref<!tpu.dma_semaphore, #tpu.memory_space<semaphore_mem>>) src(%dma_wait3A_369 : memref<128xi32, #tpu.memory_space<hbm>>) dst(%dma_wait3A_368 : memref<128xi32, #tpu.memory_space<vmem>>)
    %get3A_370 = arith.constant 1 : i32
    %get3A_371 = arith.index_cast %get3A_370 : i32 to index
    %get3A_372 = arith.constant 0 : index
    %get3A_373 = tpu.vector_load %arg8[%get3A_371, %get3A_372] {strides = array<i32>} : memref<2x128xi32, #tpu.memory_space<vmem>>, vector<16xi32>,
    %add3A_374 = arith.constant 0 : i32
    %add3A_375 = vector.broadcast %add3A_374 : i32 to vector<16xi32>
    %add3A_376 = arith.addi %get3A_373, %add3A_375 : vector<16xi32>
    %swap3A_377 = arith.constant 1 : i32
    %swap3A_378 = arith.constant 0 : i32
    %swap3A_379 = arith.index_cast %swap3A_377 : i32 to index
    %swap3A_380 = arith.index_cast %swap3A_378 : i32 to index
    %swap3A_381 = arith.constant 0 : index
    %swap3A_382 = tpu.vector_load %arg9[%swap3A_379, %swap3A_380, %swap3A_381] {strides = array<i32>} : memref<2x3x128xi32, #tpu.memory_space<vmem>>, vector<16xi32>,
    tpu.vector_store %arg9[%swap3A_379, %swap3A_380, %swap3A_381], %add3A_376 {strides = array<i32>} : memref<2x3x128xi32, #tpu.memory_space<vmem>>, vector<16xi32>,
    %add3A_383 = arith.constant 1000000 : i32
    %add3A_384 = vector.broadcast %add3A_383 : i32 to vector<16xi32>
    %add3A_385 = arith.addi %get3A_373, %add3A_384 : vector<16xi32>
    %swap3A_386 = arith.constant 1 : i32
    %swap3A_387 = arith.constant 1 : i32
    %swap3A_388 = arith.index_cast %swap3A_386 : i32 to index
    %swap3A_389 = arith.index_cast %swap3A_387 : i32 to index
    %swap3A_390 = arith.constant 0 : index
    %swap3A_391 = tpu.vector_load %arg9[%swap3A_388, %swap3A_389, %swap3A_390] {strides = array<i32>} : memref<2x3x128xi32, #tpu.memory_space<vmem>>, vector<16xi32>,
    tpu.vector_store %arg9[%swap3A_388, %swap3A_389, %swap3A_390], %add3A_385 {strides = array<i32>} : memref<2x3x128xi32, #tpu.memory_space<vmem>>, vector<16xi32>,
    %add3A_392 = arith.constant 2000000 : i32
    %add3A_393 = vector.broadcast %add3A_392 : i32 to vector<16xi32>
    %add3A_394 = arith.addi %get3A_373, %add3A_393 : vector<16xi32>
    %swap3A_395 = arith.constant 1 : i32
    %swap3A_396 = arith.constant 2 : i32
    %swap3A_397 = arith.index_cast %swap3A_395 : i32 to index
    %swap3A_398 = arith.index_cast %swap3A_396 : i32 to index
    %swap3A_399 = arith.constant 0 : index
    %swap3A_400 = tpu.vector_load %arg9[%swap3A_397, %swap3A_398, %swap3A_399] {strides = array<i32>} : memref<2x3x128xi32, #tpu.memory_space<vmem>>, vector<16xi32>,
    tpu.vector_store %arg9[%swap3A_397, %swap3A_398, %swap3A_399], %add3A_394 {strides = array<i32>} : memref<2x3x128xi32, #tpu.memory_space<vmem>>, vector<16xi32>,
    %get3A_401 = arith.constant 1 : i32
    %get3A_402 = arith.index_cast %get3A_401 : i32 to index
    %get3A_403 = arith.constant 16 : index
    %get3A_404 = tpu.vector_load %arg8[%get3A_402, %get3A_403] {strides = array<i32>} : memref<2x128xi32, #tpu.memory_space<vmem>>, vector<16xi32>,
    %add3A_405 = arith.constant 0 : i32
    %add3A_406 = vector.broadcast %add3A_405 : i32 to vector<16xi32>
    %add3A_407 = arith.addi %get3A_404, %add3A_406 : vector<16xi32>
    %swap3A_408 = arith.constant 1 : i32
    %swap3A_409 = arith.constant 0 : i32
    %swap3A_410 = arith.index_cast %swap3A_408 : i32 to index
    %swap3A_411 = arith.index_cast %swap3A_409 : i32 to index
    %swap3A_412 = arith.constant 16 : index
    %swap3A_413 = tpu.vector_load %arg9[%swap3A_410, %swap3A_411, %swap3A_412] {strides = array<i32>} : memref<2x3x128xi32, #tpu.memory_space<vmem>>, vector<16xi32>,
    tpu.vector_store %arg9[%swap3A_410, %swap3A_411, %swap3A_412], %add3A_407 {strides = array<i32>} : memref<2x3x128xi32, #tpu.memory_space<vmem>>, vector<16xi32>,
    %add3A_414 = arith.constant 1000000 : i32
    %add3A_415 = vector.broadcast %add3A_414 : i32 to vector<16xi32>
    %add3A_416 = arith.addi %get3A_404, %add3A_415 : vector<16xi32>
    %swap3A_417 = arith.constant 1 : i32
    %swap3A_418 = arith.constant 1 : i32
    %swap3A_419 = arith.index_cast %swap3A_417 : i32 to index
    %swap3A_420 = arith.index_cast %swap3A_418 : i32 to index
    %swap3A_421 = arith.constant 16 : index
    %swap3A_422 = tpu.vector_load %arg9[%swap3A_419, %swap3A_420, %swap3A_421] {strides = array<i32>} : memref<2x3x128xi32, #tpu.memory_space<vmem>>, vector<16xi32>,
    tpu.vector_store %arg9[%swap3A_419, %swap3A_420, %swap3A_421], %add3A_416 {strides = array<i32>} : memref<2x3x128xi32, #tpu.memory_space<vmem>>, vector<16xi32>,
    %add3A_423 = arith.constant 2000000 : i32
    %add3A_424 = vector.broadcast %add3A_423 : i32 to vector<16xi32>
    %add3A_425 = arith.addi %get3A_404, %add3A_424 : vector<16xi32>
    %swap3A_426 = arith.constant 1 : i32
    %swap3A_427 = arith.constant 2 : i32
    %swap3A_428 = arith.index_cast %swap3A_426 : i32 to index
    %swap3A_429 = arith.index_cast %swap3A_427 : i32 to index
    %swap3A_430 = arith.constant 16 : index
    %swap3A_431 = tpu.vector_load %arg9[%swap3A_428, %swap3A_429, %swap3A_430] {strides = array<i32>} : memref<2x3x128xi32, #tpu.memory_space<vmem>>, vector<16xi32>,
    tpu.vector_store %arg9[%swap3A_428, %swap3A_429, %swap3A_430], %add3A_425 {strides = array<i32>} : memref<2x3x128xi32, #tpu.memory_space<vmem>>, vector<16xi32>,
    %get3A_432 = arith.constant 1 : i32
    %get3A_433 = arith.index_cast %get3A_432 : i32 to index
    %get3A_434 = arith.constant 32 : index
    %get3A_435 = tpu.vector_load %arg8[%get3A_433, %get3A_434] {strides = array<i32>} : memref<2x128xi32, #tpu.memory_space<vmem>>, vector<16xi32>,
    %add3A_436 = arith.constant 0 : i32
    %add3A_437 = vector.broadcast %add3A_436 : i32 to vector<16xi32>
    %add3A_438 = arith.addi %get3A_435, %add3A_437 : vector<16xi32>
    %swap3A_439 = arith.constant 1 : i32
    %swap3A_440 = arith.constant 0 : i32
    %swap3A_441 = arith.index_cast %swap3A_439 : i32 to index
    %swap3A_442 = arith.index_cast %swap3A_440 : i32 to index
    %swap3A_443 = arith.constant 32 : index
    %swap3A_444 = tpu.vector_load %arg9[%swap3A_441, %swap3A_442, %swap3A_443] {strides = array<i32>} : memref<2x3x128xi32, #tpu.memory_space<vmem>>, vector<16xi32>,
    tpu.vector_store %arg9[%swap3A_441, %swap3A_442, %swap3A_443], %add3A_438 {strides = array<i32>} : memref<2x3x128xi32, #tpu.memory_space<vmem>>, vector<16xi32>,
    %add3A_445 = arith.constant 1000000 : i32
    %add3A_446 = vector.broadcast %add3A_445 : i32 to vector<16xi32>
    %add3A_447 = arith.addi %get3A_435, %add3A_446 : vector<16xi32>
    %swap3A_448 = arith.constant 1 : i32
    %swap3A_449 = arith.constant 1 : i32
    %swap3A_450 = arith.index_cast %swap3A_448 : i32 to index
    %swap3A_451 = arith.index_cast %swap3A_449 : i32 to index
    %swap3A_452 = arith.constant 32 : index
    %swap3A_453 = tpu.vector_load %arg9[%swap3A_450, %swap3A_451, %swap3A_452] {strides = array<i32>} : memref<2x3x128xi32, #tpu.memory_space<vmem>>, vector<16xi32>,
    tpu.vector_store %arg9[%swap3A_450, %swap3A_451, %swap3A_452], %add3A_447 {strides = array<i32>} : memref<2x3x128xi32, #tpu.memory_space<vmem>>, vector<16xi32>,
    %add3A_454 = arith.constant 2000000 : i32
    %add3A_455 = vector.broadcast %add3A_454 : i32 to vector<16xi32>
    %add3A_456 = arith.addi %get3A_435, %add3A_455 : vector<16xi32>
    %swap3A_457 = arith.constant 1 : i32
    %swap3A_458 = arith.constant 2 : i32
    %swap3A_459 = arith.index_cast %swap3A_457 : i32 to index
    %swap3A_460 = arith.index_cast %swap3A_458 : i32 to index
    %swap3A_461 = arith.constant 32 : index
    %swap3A_462 = tpu.vector_load %arg9[%swap3A_459, %swap3A_460, %swap3A_461] {strides = array<i32>} : memref<2x3x128xi32, #tpu.memory_space<vmem>>, vector<16xi32>,
    tpu.vector_store %arg9[%swap3A_459, %swap3A_460, %swap3A_461], %add3A_456 {strides = array<i32>} : memref<2x3x128xi32, #tpu.memory_space<vmem>>, vector<16xi32>,
    %get3A_463 = arith.constant 1 : i32
    %get3A_464 = arith.index_cast %get3A_463 : i32 to index
    %get3A_465 = arith.constant 48 : index
    %get3A_466 = tpu.vector_load %arg8[%get3A_464, %get3A_465] {strides = array<i32>} : memref<2x128xi32, #tpu.memory_space<vmem>>, vector<16xi32>,
    %add3A_467 = arith.constant 0 : i32
    %add3A_468 = vector.broadcast %add3A_467 : i32 to vector<16xi32>
    %add3A_469 = arith.addi %get3A_466, %add3A_468 : vector<16xi32>
    %swap3A_470 = arith.constant 1 : i32
    %swap3A_471 = arith.constant 0 : i32
    %swap3A_472 = arith.index_cast %swap3A_470 : i32 to index
    %swap3A_473 = arith.index_cast %swap3A_471 : i32 to index
    %swap3A_474 = arith.constant 48 : index
    %swap3A_475 = tpu.vector_load %arg9[%swap3A_472, %swap3A_473, %swap3A_474] {strides = array<i32>} : memref<2x3x128xi32, #tpu.memory_space<vmem>>, vector<16xi32>,
    tpu.vector_store %arg9[%swap3A_472, %swap3A_473, %swap3A_474], %add3A_469 {strides = array<i32>} : memref<2x3x128xi32, #tpu.memory_space<vmem>>, vector<16xi32>,
    %add3A_476 = arith.constant 1000000 : i32
    %add3A_477 = vector.broadcast %add3A_476 : i32 to vector<16xi32>
    %add3A_478 = arith.addi %get3A_466, %add3A_477 : vector<16xi32>
    %swap3A_479 = arith.constant 1 : i32
    %swap3A_480 = arith.constant 1 : i32
    %swap3A_481 = arith.index_cast %swap3A_479 : i32 to index
    %swap3A_482 = arith.index_cast %swap3A_480 : i32 to index
    %swap3A_483 = arith.constant 48 : index
    %swap3A_484 = tpu.vector_load %arg9[%swap3A_481, %swap3A_482, %swap3A_483] {strides = array<i32>} : memref<2x3x128xi32, #tpu.memory_space<vmem>>, vector<16xi32>,
    tpu.vector_store %arg9[%swap3A_481, %swap3A_482, %swap3A_483], %add3A_478 {strides = array<i32>} : memref<2x3x128xi32, #tpu.memory_space<vmem>>, vector<16xi32>,
    %add3A_485 = arith.constant 2000000 : i32
    %add3A_486 = vector.broadcast %add3A_485 : i32 to vector<16xi32>
    %add3A_487 = arith.addi %get3A_466, %add3A_486 : vector<16xi32>
    %swap3A_488 = arith.constant 1 : i32
    %swap3A_489 = arith.constant 2 : i32
    %swap3A_490 = arith.index_cast %swap3A_488 : i32 to index
    %swap3A_491 = arith.index_cast %swap3A_489 : i32 to index
    %swap3A_492 = arith.constant 48 : index
    %swap3A_493 = tpu.vector_load %arg9[%swap3A_490, %swap3A_491, %swap3A_492] {strides = array<i32>} : memref<2x3x128xi32, #tpu.memory_space<vmem>>, vector<16xi32>,
    tpu.vector_store %arg9[%swap3A_490, %swap3A_491, %swap3A_492], %add3A_487 {strides = array<i32>} : memref<2x3x128xi32, #tpu.memory_space<vmem>>, vector<16xi32>,
    %get3A_494 = arith.constant 1 : i32
    %get3A_495 = arith.index_cast %get3A_494 : i32 to index
    %get3A_496 = arith.constant 64 : index
    %get3A_497 = tpu.vector_load %arg8[%get3A_495, %get3A_496] {strides = array<i32>} : memref<2x128xi32, #tpu.memory_space<vmem>>, vector<16xi32>,
    %add3A_498 = arith.constant 0 : i32
    %add3A_499 = vector.broadcast %add3A_498 : i32 to vector<16xi32>
    %add3A_500 = arith.addi %get3A_497, %add3A_499 : vector<16xi32>
    %swap3A_501 = arith.constant 1 : i32
    %swap3A_502 = arith.constant 0 : i32
    %swap3A_503 = arith.index_cast %swap3A_501 : i32 to index
    %swap3A_504 = arith.index_cast %swap3A_502 : i32 to index
    %swap3A_505 = arith.constant 64 : index
    %swap3A_506 = tpu.vector_load %arg9[%swap3A_503, %swap3A_504, %swap3A_505] {strides = array<i32>} : memref<2x3x128xi32, #tpu.memory_space<vmem>>, vector<16xi32>,
    tpu.vector_store %arg9[%swap3A_503, %swap3A_504, %swap3A_505], %add3A_500 {strides = array<i32>} : memref<2x3x128xi32, #tpu.memory_space<vmem>>, vector<16xi32>,
    %add3A_507 = arith.constant 1000000 : i32
    %add3A_508 = vector.broadcast %add3A_507 : i32 to vector<16xi32>
    %add3A_509 = arith.addi %get3A_497, %add3A_508 : vector<16xi32>
    %swap3A_510 = arith.constant 1 : i32
    %swap3A_511 = arith.constant 1 : i32
    %swap3A_512 = arith.index_cast %swap3A_510 : i32 to index
    %swap3A_513 = arith.index_cast %swap3A_511 : i32 to index
    %swap3A_514 = arith.constant 64 : index
    %swap3A_515 = tpu.vector_load %arg9[%swap3A_512, %swap3A_513, %swap3A_514] {strides = array<i32>} : memref<2x3x128xi32, #tpu.memory_space<vmem>>, vector<16xi32>,
    tpu.vector_store %arg9[%swap3A_512, %swap3A_513, %swap3A_514], %add3A_509 {strides = array<i32>} : memref<2x3x128xi32, #tpu.memory_space<vmem>>, vector<16xi32>,
    %add3A_516 = arith.constant 2000000 : i32
    %add3A_517 = vector.broadcast %add3A_516 : i32 to vector<16xi32>
    %add3A_518 = arith.addi %get3A_497, %add3A_517 : vector<16xi32>
    %swap3A_519 = arith.constant 1 : i32
    %swap3A_520 = arith.constant 2 : i32
    %swap3A_521 = arith.index_cast %swap3A_519 : i32 to index
    %swap3A_522 = arith.index_cast %swap3A_520 : i32 to index
    %swap3A_523 = arith.constant 64 : index
    %swap3A_524 = tpu.vector_load %arg9[%swap3A_521, %swap3A_522, %swap3A_523] {strides = array<i32>} : memref<2x3x128xi32, #tpu.memory_space<vmem>>, vector<16xi32>,
    tpu.vector_store %arg9[%swap3A_521, %swap3A_522, %swap3A_523], %add3A_518 {strides = array<i32>} : memref<2x3x128xi32, #tpu.memory_space<vmem>>, vector<16xi32>,
    %get3A_525 = arith.constant 1 : i32
    %get3A_526 = arith.index_cast %get3A_525 : i32 to index
    %get3A_527 = arith.constant 80 : index
    %get3A_528 = tpu.vector_load %arg8[%get3A_526, %get3A_527] {strides = array<i32>} : memref<2x128xi32, #tpu.memory_space<vmem>>, vector<16xi32>,
    %add3A_529 = arith.constant 0 : i32
    %add3A_530 = vector.broadcast %add3A_529 : i32 to vector<16xi32>
    %add3A_531 = arith.addi %get3A_528, %add3A_530 : vector<16xi32>
    %swap3A_532 = arith.constant 1 : i32
    %swap3A_533 = arith.constant 0 : i32
    %swap3A_534 = arith.index_cast %swap3A_532 : i32 to index
    %swap3A_535 = arith.index_cast %swap3A_533 : i32 to index
    %swap3A_536 = arith.constant 80 : index
    %swap3A_537 = tpu.vector_load %arg9[%swap3A_534, %swap3A_535, %swap3A_536] {strides = array<i32>} : memref<2x3x128xi32, #tpu.memory_space<vmem>>, vector<16xi32>,
    tpu.vector_store %arg9[%swap3A_534, %swap3A_535, %swap3A_536], %add3A_531 {strides = array<i32>} : memref<2x3x128xi32, #tpu.memory_space<vmem>>, vector<16xi32>,
    %add3A_538 = arith.constant 1000000 : i32
    %add3A_539 = vector.broadcast %add3A_538 : i32 to vector<16xi32>
    %add3A_540 = arith.addi %get3A_528, %add3A_539 : vector<16xi32>
    %swap3A_541 = arith.constant 1 : i32
    %swap3A_542 = arith.constant 1 : i32
    %swap3A_543 = arith.index_cast %swap3A_541 : i32 to index
    %swap3A_544 = arith.index_cast %swap3A_542 : i32 to index
    %swap3A_545 = arith.constant 80 : index
    %swap3A_546 = tpu.vector_load %arg9[%swap3A_543, %swap3A_544, %swap3A_545] {strides = array<i32>} : memref<2x3x128xi32, #tpu.memory_space<vmem>>, vector<16xi32>,
    tpu.vector_store %arg9[%swap3A_543, %swap3A_544, %swap3A_545], %add3A_540 {strides = array<i32>} : memref<2x3x128xi32, #tpu.memory_space<vmem>>, vector<16xi32>,
    %add3A_547 = arith.constant 2000000 : i32
    %add3A_548 = vector.broadcast %add3A_547 : i32 to vector<16xi32>
    %add3A_549 = arith.addi %get3A_528, %add3A_548 : vector<16xi32>
    %swap3A_550 = arith.constant 1 : i32
    %swap3A_551 = arith.constant 2 : i32
    %swap3A_552 = arith.index_cast %swap3A_550 : i32 to index
    %swap3A_553 = arith.index_cast %swap3A_551 : i32 to index
    %swap3A_554 = arith.constant 80 : index
    %swap3A_555 = tpu.vector_load %arg9[%swap3A_552, %swap3A_553, %swap3A_554] {strides = array<i32>} : memref<2x3x128xi32, #tpu.memory_space<vmem>>, vector<16xi32>,
    tpu.vector_store %arg9[%swap3A_552, %swap3A_553, %swap3A_554], %add3A_549 {strides = array<i32>} : memref<2x3x128xi32, #tpu.memory_space<vmem>>, vector<16xi32>,
    %get3A_556 = arith.constant 1 : i32
    %get3A_557 = arith.index_cast %get3A_556 : i32 to index
    %get3A_558 = arith.constant 96 : index
    %get3A_559 = tpu.vector_load %arg8[%get3A_557, %get3A_558] {strides = array<i32>} : memref<2x128xi32, #tpu.memory_space<vmem>>, vector<16xi32>,
    %add3A_560 = arith.constant 0 : i32
    %add3A_561 = vector.broadcast %add3A_560 : i32 to vector<16xi32>
    %add3A_562 = arith.addi %get3A_559, %add3A_561 : vector<16xi32>
    %swap3A_563 = arith.constant 1 : i32
    %swap3A_564 = arith.constant 0 : i32
    %swap3A_565 = arith.index_cast %swap3A_563 : i32 to index
    %swap3A_566 = arith.index_cast %swap3A_564 : i32 to index
    %swap3A_567 = arith.constant 96 : index
    %swap3A_568 = tpu.vector_load %arg9[%swap3A_565, %swap3A_566, %swap3A_567] {strides = array<i32>} : memref<2x3x128xi32, #tpu.memory_space<vmem>>, vector<16xi32>,
    tpu.vector_store %arg9[%swap3A_565, %swap3A_566, %swap3A_567], %add3A_562 {strides = array<i32>} : memref<2x3x128xi32, #tpu.memory_space<vmem>>, vector<16xi32>,
    %add3A_569 = arith.constant 1000000 : i32
    %add3A_570 = vector.broadcast %add3A_569 : i32 to vector<16xi32>
    %add3A_571 = arith.addi %get3A_559, %add3A_570 : vector<16xi32>
    %swap3A_572 = arith.constant 1 : i32
    %swap3A_573 = arith.constant 1 : i32
    %swap3A_574 = arith.index_cast %swap3A_572 : i32 to index
    %swap3A_575 = arith.index_cast %swap3A_573 : i32 to index
    %swap3A_576 = arith.constant 96 : index
    %swap3A_577 = tpu.vector_load %arg9[%swap3A_574, %swap3A_575, %swap3A_576] {strides = array<i32>} : memref<2x3x128xi32, #tpu.memory_space<vmem>>, vector<16xi32>,
    tpu.vector_store %arg9[%swap3A_574, %swap3A_575, %swap3A_576], %add3A_571 {strides = array<i32>} : memref<2x3x128xi32, #tpu.memory_space<vmem>>, vector<16xi32>,
    %add3A_578 = arith.constant 2000000 : i32
    %add3A_579 = vector.broadcast %add3A_578 : i32 to vector<16xi32>
    %add3A_580 = arith.addi %get3A_559, %add3A_579 : vector<16xi32>
    %swap3A_581 = arith.constant 1 : i32
    %swap3A_582 = arith.constant 2 : i32
    %swap3A_583 = arith.index_cast %swap3A_581 : i32 to index
    %swap3A_584 = arith.index_cast %swap3A_582 : i32 to index
    %swap3A_585 = arith.constant 96 : index
    %swap3A_586 = tpu.vector_load %arg9[%swap3A_583, %swap3A_584, %swap3A_585] {strides = array<i32>} : memref<2x3x128xi32, #tpu.memory_space<vmem>>, vector<16xi32>,
    tpu.vector_store %arg9[%swap3A_583, %swap3A_584, %swap3A_585], %add3A_580 {strides = array<i32>} : memref<2x3x128xi32, #tpu.memory_space<vmem>>, vector<16xi32>,
    %get3A_587 = arith.constant 1 : i32
    %get3A_588 = arith.index_cast %get3A_587 : i32 to index
    %get3A_589 = arith.constant 112 : index
    %get3A_590 = tpu.vector_load %arg8[%get3A_588, %get3A_589] {strides = array<i32>} : memref<2x128xi32, #tpu.memory_space<vmem>>, vector<16xi32>,
    %add3A_591 = arith.constant 0 : i32
    %add3A_592 = vector.broadcast %add3A_591 : i32 to vector<16xi32>
    %add3A_593 = arith.addi %get3A_590, %add3A_592 : vector<16xi32>
    %swap3A_594 = arith.constant 1 : i32
    %swap3A_595 = arith.constant 0 : i32
    %swap3A_596 = arith.index_cast %swap3A_594 : i32 to index
    %swap3A_597 = arith.index_cast %swap3A_595 : i32 to index
    %swap3A_598 = arith.constant 112 : index
    %swap3A_599 = tpu.vector_load %arg9[%swap3A_596, %swap3A_597, %swap3A_598] {strides = array<i32>} : memref<2x3x128xi32, #tpu.memory_space<vmem>>, vector<16xi32>,
    tpu.vector_store %arg9[%swap3A_596, %swap3A_597, %swap3A_598], %add3A_593 {strides = array<i32>} : memref<2x3x128xi32, #tpu.memory_space<vmem>>, vector<16xi32>,
    %add3A_600 = arith.constant 1000000 : i32
    %add3A_601 = vector.broadcast %add3A_600 : i32 to vector<16xi32>
    %add3A_602 = arith.addi %get3A_590, %add3A_601 : vector<16xi32>
    %swap3A_603 = arith.constant 1 : i32
    %swap3A_604 = arith.constant 1 : i32
    %swap3A_605 = arith.index_cast %swap3A_603 : i32 to index
    %swap3A_606 = arith.index_cast %swap3A_604 : i32 to index
    %swap3A_607 = arith.constant 112 : index
    %swap3A_608 = tpu.vector_load %arg9[%swap3A_605, %swap3A_606, %swap3A_607] {strides = array<i32>} : memref<2x3x128xi32, #tpu.memory_space<vmem>>, vector<16xi32>,
    tpu.vector_store %arg9[%swap3A_605, %swap3A_606, %swap3A_607], %add3A_602 {strides = array<i32>} : memref<2x3x128xi32, #tpu.memory_space<vmem>>, vector<16xi32>,
    %add3A_609 = arith.constant 2000000 : i32
    %add3A_610 = vector.broadcast %add3A_609 : i32 to vector<16xi32>
    %add3A_611 = arith.addi %get3A_590, %add3A_610 : vector<16xi32>
    %swap3A_612 = arith.constant 1 : i32
    %swap3A_613 = arith.constant 2 : i32
    %swap3A_614 = arith.index_cast %swap3A_612 : i32 to index
    %swap3A_615 = arith.index_cast %swap3A_613 : i32 to index
    %swap3A_616 = arith.constant 112 : index
    %swap3A_617 = tpu.vector_load %arg9[%swap3A_614, %swap3A_615, %swap3A_616] {strides = array<i32>} : memref<2x3x128xi32, #tpu.memory_space<vmem>>, vector<16xi32>,
    tpu.vector_store %arg9[%swap3A_614, %swap3A_615, %swap3A_616], %add3A_611 {strides = array<i32>} : memref<2x3x128xi32, #tpu.memory_space<vmem>>, vector<16xi32>,
    %dma_start3A_618 = arith.constant 1 : i32
    %dma_start3A_619 = arith.constant 0 : i32
    %dma_start3A_620 = arith.constant 1 : i32
    %dma_start3A_621 = arith.constant 0 : i32
    %dma_start3A_622 = arith.constant 0 : i32
    %dma_start3A_623 = arith.constant 0 : i32
    %dma_start3A_624 = tpu.memref_slice %arg10[%dma_start3A_620, %dma_start3A_622, %dma_start3A_623] : memref<2x3x128xi32, #tpu.memory_space<vmem>> -> memref<1x3x128xi32, #tpu.memory_space<vmem>>
    %dma_start3A_625 = tpu.memref_squeeze %dma_start3A_624 : memref<1x3x128xi32, #tpu.memory_space<vmem>> -> memref<3x128xi32, #tpu.memory_space<vmem>>
    %dma_start3A_626 = arith.constant 0 : i32
    %dma_start3A_627 = tpu.memref_slice %dma_start3A_625[%dma_start3A_621, %dma_start3A_626] : memref<3x128xi32, #tpu.memory_space<vmem>> -> memref<1x128xi32, #tpu.memory_space<vmem>>
    %dma_start3A_628 = tpu.memref_squeeze %dma_start3A_627 : memref<1x128xi32, #tpu.memory_space<vmem>> -> memref<128xi32, #tpu.memory_space<vmem>>
    %dma_start3A_629 = arith.constant 0 : i32
    %dma_start3A_630 = arith.constant 0 : i32
    %dma_start3A_631 = tpu.memref_slice %arg9[%dma_start3A_618, %dma_start3A_629, %dma_start3A_630] : memref<2x3x128xi32, #tpu.memory_space<vmem>> -> memref<1x3x128xi32, #tpu.memory_space<vmem>>
    %dma_start3A_632 = tpu.memref_squeeze %dma_start3A_631 : memref<1x3x128xi32, #tpu.memory_space<vmem>> -> memref<3x128xi32, #tpu.memory_space<vmem>>
    %dma_start3A_633 = arith.constant 0 : i32
    %dma_start3A_634 = tpu.memref_slice %dma_start3A_632[%dma_start3A_619, %dma_start3A_633] : memref<3x128xi32, #tpu.memory_space<vmem>> -> memref<1x128xi32, #tpu.memory_space<vmem>>
    %dma_start3A_635 = tpu.memref_squeeze %dma_start3A_634 : memref<1x128xi32, #tpu.memory_space<vmem>> -> memref<128xi32, #tpu.memory_space<vmem>>
    %dma_start3A_636 = arith.constant 0 : i32
    %dma_start3A_637 = tpu.memref_slice %arg3[%dma_start3A_636] : memref<3000000xi32, #tpu.memory_space<hbm>> -> memref<3000000xi32, #tpu.memory_space<hbm>>
    tpu.enqueue_indirect_dma source(%dma_start3A_637 : memref<3000000xi32, #tpu.memory_space<hbm>>) target(%dma_start3A_628 : memref<128xi32, #tpu.memory_space<vmem>>) offsets(%dma_start3A_635 : memref<128xi32, #tpu.memory_space<vmem>>) semaphore(%arg17 : memref<!tpu.dma_semaphore, #tpu.memory_space<semaphore_mem>>)
    %dma_start3A_638 = arith.constant 1 : i32
    %dma_start3A_639 = arith.constant 1 : i32
    %dma_start3A_640 = arith.constant 1 : i32
    %dma_start3A_641 = arith.constant 1 : i32
    %dma_start3A_642 = arith.constant 0 : i32
    %dma_start3A_643 = arith.constant 0 : i32
    %dma_start3A_644 = tpu.memref_slice %arg10[%dma_start3A_640, %dma_start3A_642, %dma_start3A_643] : memref<2x3x128xi32, #tpu.memory_space<vmem>> -> memref<1x3x128xi32, #tpu.memory_space<vmem>>
    %dma_start3A_645 = tpu.memref_squeeze %dma_start3A_644 : memref<1x3x128xi32, #tpu.memory_space<vmem>> -> memref<3x128xi32, #tpu.memory_space<vmem>>
    %dma_start3A_646 = arith.constant 0 : i32
    %dma_start3A_647 = tpu.memref_slice %dma_start3A_645[%dma_start3A_641, %dma_start3A_646] : memref<3x128xi32, #tpu.memory_space<vmem>> -> memref<1x128xi32, #tpu.memory_space<vmem>>
    %dma_start3A_648 = tpu.memref_squeeze %dma_start3A_647 : memref<1x128xi32, #tpu.memory_space<vmem>> -> memref<128xi32, #tpu.memory_space<vmem>>
    %dma_start3A_649 = arith.constant 0 : i32
    %dma_start3A_650 = arith.constant 0 : i32
    %dma_start3A_651 = tpu.memref_slice %arg9[%dma_start3A_638, %dma_start3A_649, %dma_start3A_650] : memref<2x3x128xi32, #tpu.memory_space<vmem>> -> memref<1x3x128xi32, #tpu.memory_space<vmem>>
    %dma_start3A_652 = tpu.memref_squeeze %dma_start3A_651 : memref<1x3x128xi32, #tpu.memory_space<vmem>> -> memref<3x128xi32, #tpu.memory_space<vmem>>
    %dma_start3A_653 = arith.constant 0 : i32
    %dma_start3A_654 = tpu.memref_slice %dma_start3A_652[%dma_start3A_639, %dma_start3A_653] : memref<3x128xi32, #tpu.memory_space<vmem>> -> memref<1x128xi32, #tpu.memory_space<vmem>>
    %dma_start3A_655 = tpu.memref_squeeze %dma_start3A_654 : memref<1x128xi32, #tpu.memory_space<vmem>> -> memref<128xi32, #tpu.memory_space<vmem>>
    %dma_start3A_656 = arith.constant 0 : i32
    %dma_start3A_657 = tpu.memref_slice %arg3[%dma_start3A_656] : memref<3000000xi32, #tpu.memory_space<hbm>> -> memref<3000000xi32, #tpu.memory_space<hbm>>
    tpu.enqueue_indirect_dma source(%dma_start3A_657 : memref<3000000xi32, #tpu.memory_space<hbm>>) target(%dma_start3A_648 : memref<128xi32, #tpu.memory_space<vmem>>) offsets(%dma_start3A_655 : memref<128xi32, #tpu.memory_space<vmem>>) semaphore(%arg17 : memref<!tpu.dma_semaphore, #tpu.memory_space<semaphore_mem>>)
    %dma_start3A_658 = arith.constant 1 : i32
    %dma_start3A_659 = arith.constant 2 : i32
    %dma_start3A_660 = arith.constant 1 : i32
    %dma_start3A_661 = arith.constant 2 : i32
    %dma_start3A_662 = arith.constant 0 : i32
    %dma_start3A_663 = arith.constant 0 : i32
    %dma_start3A_664 = tpu.memref_slice %arg10[%dma_start3A_660, %dma_start3A_662, %dma_start3A_663] : memref<2x3x128xi32, #tpu.memory_space<vmem>> -> memref<1x3x128xi32, #tpu.memory_space<vmem>>
    %dma_start3A_665 = tpu.memref_squeeze %dma_start3A_664 : memref<1x3x128xi32, #tpu.memory_space<vmem>> -> memref<3x128xi32, #tpu.memory_space<vmem>>
    %dma_start3A_666 = arith.constant 0 : i32
    %dma_start3A_667 = tpu.memref_slice %dma_start3A_665[%dma_start3A_661, %dma_start3A_666] : memref<3x128xi32, #tpu.memory_space<vmem>> -> memref<1x128xi32, #tpu.memory_space<vmem>>
    %dma_start3A_668 = tpu.memref_squeeze %dma_start3A_667 : memref<1x128xi32, #tpu.memory_space<vmem>> -> memref<128xi32, #tpu.memory_space<vmem>>
    %dma_start3A_669 = arith.constant 0 : i32
    %dma_start3A_670 = arith.constant 0 : i32
    %dma_start3A_671 = tpu.memref_slice %arg9[%dma_start3A_658, %dma_start3A_669, %dma_start3A_670] : memref<2x3x128xi32, #tpu.memory_space<vmem>> -> memref<1x3x128xi32, #tpu.memory_space<vmem>>
    %dma_start3A_672 = tpu.memref_squeeze %dma_start3A_671 : memref<1x3x128xi32, #tpu.memory_space<vmem>> -> memref<3x128xi32, #tpu.memory_space<vmem>>
    %dma_start3A_673 = arith.constant 0 : i32
    %dma_start3A_674 = tpu.memref_slice %dma_start3A_672[%dma_start3A_659, %dma_start3A_673] : memref<3x128xi32, #tpu.memory_space<vmem>> -> memref<1x128xi32, #tpu.memory_space<vmem>>
    %dma_start3A_675 = tpu.memref_squeeze %dma_start3A_674 : memref<1x128xi32, #tpu.memory_space<vmem>> -> memref<128xi32, #tpu.memory_space<vmem>>
    %dma_start3A_676 = arith.constant 0 : i32
    %dma_start3A_677 = tpu.memref_slice %arg3[%dma_start3A_676] : memref<3000000xi32, #tpu.memory_space<hbm>> -> memref<3000000xi32, #tpu.memory_space<hbm>>
    tpu.enqueue_indirect_dma source(%dma_start3A_677 : memref<3000000xi32, #tpu.memory_space<hbm>>) target(%dma_start3A_668 : memref<128xi32, #tpu.memory_space<vmem>>) offsets(%dma_start3A_675 : memref<128xi32, #tpu.memory_space<vmem>>) semaphore(%arg17 : memref<!tpu.dma_semaphore, #tpu.memory_space<semaphore_mem>>)
    %mul3A_678 = arith.constant 512 : i32
    %mul3A_679 = arith.muli %add3A, %mul3A_678 : i32
    %add3A_680 = arith.constant 32768 : i32
    %add3A_681 = arith.addi %add3A_680, %mul3A_679 : i32
    %add3A_682 = arith.constant 0 : i32
    %add3A_683 = arith.addi %add3A_681, %add3A_682 : i32
    %multiple_of3A_684 = tpu.assume_multiple %add3A_683, 128 : i32
    %dma_start3A_685 = arith.constant 0 : i32
    %dma_start3A_686 = arith.constant 0 : i32
    %dma_start3A_687 = tpu.memref_slice %arg8[%dma_start3A_685, %dma_start3A_686] : memref<2x128xi32, #tpu.memory_space<vmem>> -> memref<1x128xi32, #tpu.memory_space<vmem>>
    %dma_start3A_688 = tpu.memref_squeeze %dma_start3A_687 : memref<1x128xi32, #tpu.memory_space<vmem>> -> memref<128xi32, #tpu.memory_space<vmem>>
    %dma_start3A_689 = tpu.memref_slice %arg2[%multiple_of3A_684] : memref<819200xi32, #tpu.memory_space<hbm>> -> memref<128xi32, #tpu.memory_space<hbm>>
    %dma_start3A_690 = arith.constant 0 : i32
    %dma_start3A_691 = tpu.memref_slice %arg8[%dma_start3A_685, %dma_start3A_690] : memref<2x128xi32, #tpu.memory_space<vmem>> -> memref<1x128xi32, #tpu.memory_space<vmem>>
    %dma_start3A_692 = tpu.memref_squeeze %dma_start3A_691 : memref<1x128xi32, #tpu.memory_space<vmem>> -> memref<128xi32, #tpu.memory_space<vmem>>
    %dma_start3A_693 = tpu.memref_slice %arg2[%multiple_of3A_684] : memref<819200xi32, #tpu.memory_space<hbm>> -> memref<128xi32, #tpu.memory_space<hbm>>
    tpu.enqueue_dma source(%dma_start3A_693 : memref<128xi32, #tpu.memory_space<hbm>>) target(%dma_start3A_692 : memref<128xi32, #tpu.memory_space<vmem>>) target_semaphore(%arg14 : memref<!tpu.dma_semaphore, #tpu.memory_space<semaphore_mem>>)
    %dma_wait3A_694 = arith.constant 0 : i32
    %dma_wait3A_695 = arith.constant 0 : i32
    %dma_wait3A_696 = arith.constant 0 : i32
    %dma_wait3A_697 = arith.constant 0 : i32
    %dma_wait3A_698 = arith.constant 0 : i32
    %dma_wait3A_699 = arith.constant 0 : i32
    %dma_wait3A_700 = tpu.memref_slice %arg10[%dma_wait3A_696, %dma_wait3A_698, %dma_wait3A_699] : memref<2x3x128xi32, #tpu.memory_space<vmem>> -> memref<1x3x128xi32, #tpu.memory_space<vmem>>
    %dma_wait3A_701 = tpu.memref_squeeze %dma_wait3A_700 : memref<1x3x128xi32, #tpu.memory_space<vmem>> -> memref<3x128xi32, #tpu.memory_space<vmem>>
    %dma_wait3A_702 = arith.constant 0 : i32
    %dma_wait3A_703 = tpu.memref_slice %dma_wait3A_701[%dma_wait3A_697, %dma_wait3A_702] : memref<3x128xi32, #tpu.memory_space<vmem>> -> memref<1x128xi32, #tpu.memory_space<vmem>>
    %dma_wait3A_704 = tpu.memref_squeeze %dma_wait3A_703 : memref<1x128xi32, #tpu.memory_space<vmem>> -> memref<128xi32, #tpu.memory_space<vmem>>
    %dma_wait3A_705 = arith.constant 0 : i32
    %dma_wait3A_706 = arith.constant 0 : i32
    %dma_wait3A_707 = tpu.memref_slice %arg9[%dma_wait3A_694, %dma_wait3A_705, %dma_wait3A_706] : memref<2x3x128xi32, #tpu.memory_space<vmem>> -> memref<1x3x128xi32, #tpu.memory_space<vmem>>
    %dma_wait3A_708 = tpu.memref_squeeze %dma_wait3A_707 : memref<1x3x128xi32, #tpu.memory_space<vmem>> -> memref<3x128xi32, #tpu.memory_space<vmem>>
    %dma_wait3A_709 = arith.constant 0 : i32
    %dma_wait3A_710 = tpu.memref_slice %dma_wait3A_708[%dma_wait3A_695, %dma_wait3A_709] : memref<3x128xi32, #tpu.memory_space<vmem>> -> memref<1x128xi32, #tpu.memory_space<vmem>>
    %dma_wait3A_711 = tpu.memref_squeeze %dma_wait3A_710 : memref<1x128xi32, #tpu.memory_space<vmem>> -> memref<128xi32, #tpu.memory_space<vmem>>
    %dma_wait3A_712 = arith.constant 0 : i32
    %dma_wait3A_713 = tpu.memref_slice %arg3[%dma_wait3A_712] : memref<3000000xi32, #tpu.memory_space<hbm>> -> memref<3000000xi32, #tpu.memory_space<hbm>>
    tpu.wait_indirect_dma semaphore(%arg16 : memref<!tpu.dma_semaphore, #tpu.memory_space<semaphore_mem>>) src(%dma_wait3A_713 : memref<3000000xi32, #tpu.memory_space<hbm>>) dst(%dma_wait3A_704 : memref<128xi32, #tpu.memory_space<vmem>>)
    %dma_wait3A_714 = arith.constant 0 : i32
    %dma_wait3A_715 = arith.constant 1 : i32
    %dma_wait3A_716 = arith.constant 0 : i32
    %dma_wait3A_717 = arith.constant 1 : i32
    %dma_wait3A_718 = arith.constant 0 : i32
    %dma_wait3A_719 = arith.constant 0 : i32
    %dma_wait3A_720 = tpu.memref_slice %arg10[%dma_wait3A_716, %dma_wait3A_718, %dma_wait3A_719] : memref<2x3x128xi32, #tpu.memory_space<vmem>> -> memref<1x3x128xi32, #tpu.memory_space<vmem>>
    %dma_wait3A_721 = tpu.memref_squeeze %dma_wait3A_720 : memref<1x3x128xi32, #tpu.memory_space<vmem>> -> memref<3x128xi32, #tpu.memory_space<vmem>>
    %dma_wait3A_722 = arith.constant 0 : i32
    %dma_wait3A_723 = tpu.memref_slice %dma_wait3A_721[%dma_wait3A_717, %dma_wait3A_722] : memref<3x128xi32, #tpu.memory_space<vmem>> -> memref<1x128xi32, #tpu.memory_space<vmem>>
    %dma_wait3A_724 = tpu.memref_squeeze %dma_wait3A_723 : memref<1x128xi32, #tpu.memory_space<vmem>> -> memref<128xi32, #tpu.memory_space<vmem>>
    %dma_wait3A_725 = arith.constant 0 : i32
    %dma_wait3A_726 = arith.constant 0 : i32
    %dma_wait3A_727 = tpu.memref_slice %arg9[%dma_wait3A_714, %dma_wait3A_725, %dma_wait3A_726] : memref<2x3x128xi32, #tpu.memory_space<vmem>> -> memref<1x3x128xi32, #tpu.memory_space<vmem>>
    %dma_wait3A_728 = tpu.memref_squeeze %dma_wait3A_727 : memref<1x3x128xi32, #tpu.memory_space<vmem>> -> memref<3x128xi32, #tpu.memory_space<vmem>>
    %dma_wait3A_729 = arith.constant 0 : i32
    %dma_wait3A_730 = tpu.memref_slice %dma_wait3A_728[%dma_wait3A_715, %dma_wait3A_729] : memref<3x128xi32, #tpu.memory_space<vmem>> -> memref<1x128xi32, #tpu.memory_space<vmem>>
    %dma_wait3A_731 = tpu.memref_squeeze %dma_wait3A_730 : memref<1x128xi32, #tpu.memory_space<vmem>> -> memref<128xi32, #tpu.memory_space<vmem>>
    %dma_wait3A_732 = arith.constant 0 : i32
    %dma_wait3A_733 = tpu.memref_slice %arg3[%dma_wait3A_732] : memref<3000000xi32, #tpu.memory_space<hbm>> -> memref<3000000xi32, #tpu.memory_space<hbm>>
    tpu.wait_indirect_dma semaphore(%arg16 : memref<!tpu.dma_semaphore, #tpu.memory_space<semaphore_mem>>) src(%dma_wait3A_733 : memref<3000000xi32, #tpu.memory_space<hbm>>) dst(%dma_wait3A_724 : memref<128xi32, #tpu.memory_space<vmem>>)
    %dma_wait3A_734 = arith.constant 0 : i32
    %dma_wait3A_735 = arith.constant 2 : i32
    %dma_wait3A_736 = arith.constant 0 : i32
    %dma_wait3A_737 = arith.constant 2 : i32
    %dma_wait3A_738 = arith.constant 0 : i32
    %dma_wait3A_739 = arith.constant 0 : i32
    %dma_wait3A_740 = tpu.memref_slice %arg10[%dma_wait3A_736, %dma_wait3A_738, %dma_wait3A_739] : memref<2x3x128xi32, #tpu.memory_space<vmem>> -> memref<1x3x128xi32, #tpu.memory_space<vmem>>
    %dma_wait3A_741 = tpu.memref_squeeze %dma_wait3A_740 : memref<1x3x128xi32, #tpu.memory_space<vmem>> -> memref<3x128xi32, #tpu.memory_space<vmem>>
    %dma_wait3A_742 = arith.constant 0 : i32
    %dma_wait3A_743 = tpu.memref_slice %dma_wait3A_741[%dma_wait3A_737, %dma_wait3A_742] : memref<3x128xi32, #tpu.memory_space<vmem>> -> memref<1x128xi32, #tpu.memory_space<vmem>>
    %dma_wait3A_744 = tpu.memref_squeeze %dma_wait3A_743 : memref<1x128xi32, #tpu.memory_space<vmem>> -> memref<128xi32, #tpu.memory_space<vmem>>
    %dma_wait3A_745 = arith.constant 0 : i32
    %dma_wait3A_746 = arith.constant 0 : i32
    %dma_wait3A_747 = tpu.memref_slice %arg9[%dma_wait3A_734, %dma_wait3A_745, %dma_wait3A_746] : memref<2x3x128xi32, #tpu.memory_space<vmem>> -> memref<1x3x128xi32, #tpu.memory_space<vmem>>
    %dma_wait3A_748 = tpu.memref_squeeze %dma_wait3A_747 : memref<1x3x128xi32, #tpu.memory_space<vmem>> -> memref<3x128xi32, #tpu.memory_space<vmem>>
    %dma_wait3A_749 = arith.constant 0 : i32
    %dma_wait3A_750 = tpu.memref_slice %dma_wait3A_748[%dma_wait3A_735, %dma_wait3A_749] : memref<3x128xi32, #tpu.memory_space<vmem>> -> memref<1x128xi32, #tpu.memory_space<vmem>>
    %dma_wait3A_751 = tpu.memref_squeeze %dma_wait3A_750 : memref<1x128xi32, #tpu.memory_space<vmem>> -> memref<128xi32, #tpu.memory_space<vmem>>
    %dma_wait3A_752 = arith.constant 0 : i32
    %dma_wait3A_753 = tpu.memref_slice %arg3[%dma_wait3A_752] : memref<3000000xi32, #tpu.memory_space<hbm>> -> memref<3000000xi32, #tpu.memory_space<hbm>>
    tpu.wait_indirect_dma semaphore(%arg16 : memref<!tpu.dma_semaphore, #tpu.memory_space<semaphore_mem>>) src(%dma_wait3A_753 : memref<3000000xi32, #tpu.memory_space<hbm>>) dst(%dma_wait3A_744 : memref<128xi32, #tpu.memory_space<vmem>>)
    %dma_start3A_754 = arith.constant 0 : i32
    %dma_start3A_755 = arith.constant 0 : i32
    %dma_start3A_756 = arith.constant 0 : i32
    %dma_start3A_757 = arith.constant 0 : i32
    %dma_start3A_758 = arith.constant 0 : i32
    %dma_start3A_759 = arith.constant 0 : i32
    %dma_start3A_760 = arith.constant 0 : i32
    %dma_start3A_761 = arith.constant 0 : i32
    %dma_start3A_762 = tpu.memref_slice %arg11[%dma_start3A_757, %dma_start3A_759, %dma_start3A_760, %dma_start3A_761] : memref<2x3x128x64xbf16, #tpu.memory_space<vmem>> -> memref<1x3x128x64xbf16, #tpu.memory_space<vmem>>
    %dma_start3A_763 = tpu.memref_squeeze %dma_start3A_762 : memref<1x3x128x64xbf16, #tpu.memory_space<vmem>> -> memref<3x128x64xbf16, #tpu.memory_space<vmem>>
    %dma_start3A_764 = arith.constant 0 : i32
    %dma_start3A_765 = arith.constant 0 : i32
    %dma_start3A_766 = tpu.memref_slice %dma_start3A_763[%dma_start3A_758, %dma_start3A_764, %dma_start3A_765] : memref<3x128x64xbf16, #tpu.memory_space<vmem>> -> memref<1x128x64xbf16, #tpu.memory_space<vmem>>
    %dma_start3A_767 = tpu.memref_squeeze %dma_start3A_766 : memref<1x128x64xbf16, #tpu.memory_space<vmem>> -> memref<128x64xbf16, #tpu.memory_space<vmem>>
    %dma_start3A_768 = arith.constant 0 : i32
    %dma_start3A_769 = arith.constant 0 : i32
    %dma_start3A_770 = tpu.memref_slice %arg10[%dma_start3A_755, %dma_start3A_768, %dma_start3A_769] : memref<2x3x128xi32, #tpu.memory_space<vmem>> -> memref<1x3x128xi32, #tpu.memory_space<vmem>>
    %dma_start3A_771 = tpu.memref_squeeze %dma_start3A_770 : memref<1x3x128xi32, #tpu.memory_space<vmem>> -> memref<3x128xi32, #tpu.memory_space<vmem>>
    %dma_start3A_772 = arith.constant 0 : i32
    %dma_start3A_773 = tpu.memref_slice %dma_start3A_771[%dma_start3A_756, %dma_start3A_772] : memref<3x128xi32, #tpu.memory_space<vmem>> -> memref<1x128xi32, #tpu.memory_space<vmem>>
    %dma_start3A_774 = tpu.memref_squeeze %dma_start3A_773 : memref<1x128xi32, #tpu.memory_space<vmem>> -> memref<128xi32, #tpu.memory_space<vmem>>
    %dma_start3A_775 = arith.constant 0 : i32
    %dma_start3A_776 = arith.constant 0 : i32
    %dma_start3A_777 = tpu.memref_slice %arg12[%dma_start3A_754, %dma_start3A_775, %dma_start3A_776] : memref<3x1024x64xbf16, #tpu.memory_space<vmem_shared>> -> memref<1x1024x64xbf16, #tpu.memory_space<vmem_shared>>
    %dma_start3A_778 = tpu.memref_squeeze %dma_start3A_777 : memref<1x1024x64xbf16, #tpu.memory_space<vmem_shared>> -> memref<1024x64xbf16, #tpu.memory_space<vmem_shared>>
    %dma_start3A_779 = arith.constant 0 : i32
    %dma_start3A_780 = arith.constant 0 : i32
    %dma_start3A_781 = tpu.memref_slice %dma_start3A_778[%dma_start3A_779, %dma_start3A_780] : memref<1024x64xbf16, #tpu.memory_space<vmem_shared>> -> memref<1024x64xbf16, #tpu.memory_space<vmem_shared>>
    tpu.enqueue_indirect_dma source(%dma_start3A_781 : memref<1024x64xbf16, #tpu.memory_space<vmem_shared>>) target(%dma_start3A_767 : memref<128x64xbf16, #tpu.memory_space<vmem>>) offsets(%dma_start3A_774 : memref<128xi32, #tpu.memory_space<vmem>>) semaphore(%arg18 : memref<!tpu.dma_semaphore, #tpu.memory_space<semaphore_mem>>)
    %dma_start3A_782 = arith.constant 1 : i32
    %dma_start3A_783 = arith.constant 0 : i32
    %dma_start3A_784 = arith.constant 1 : i32
    %dma_start3A_785 = arith.constant 0 : i32
    %dma_start3A_786 = arith.constant 1 : i32
    %dma_start3A_787 = arith.constant 0 : i32
    %dma_start3A_788 = arith.constant 0 : i32
    %dma_start3A_789 = arith.constant 0 : i32
    %dma_start3A_790 = tpu.memref_slice %arg11[%dma_start3A_785, %dma_start3A_787, %dma_start3A_788, %dma_start3A_789] : memref<2x3x128x64xbf16, #tpu.memory_space<vmem>> -> memref<1x3x128x64xbf16, #tpu.memory_space<vmem>>
    %dma_start3A_791 = tpu.memref_squeeze %dma_start3A_790 : memref<1x3x128x64xbf16, #tpu.memory_space<vmem>> -> memref<3x128x64xbf16, #tpu.memory_space<vmem>>
    %dma_start3A_792 = arith.constant 0 : i32
    %dma_start3A_793 = arith.constant 0 : i32
    %dma_start3A_794 = tpu.memref_slice %dma_start3A_791[%dma_start3A_786, %dma_start3A_792, %dma_start3A_793] : memref<3x128x64xbf16, #tpu.memory_space<vmem>> -> memref<1x128x64xbf16, #tpu.memory_space<vmem>>
    %dma_start3A_795 = tpu.memref_squeeze %dma_start3A_794 : memref<1x128x64xbf16, #tpu.memory_space<vmem>> -> memref<128x64xbf16, #tpu.memory_space<vmem>>
    %dma_start3A_796 = arith.constant 0 : i32
    %dma_start3A_797 = arith.constant 0 : i32
    %dma_start3A_798 = tpu.memref_slice %arg10[%dma_start3A_783, %dma_start3A_796, %dma_start3A_797] : memref<2x3x128xi32, #tpu.memory_space<vmem>> -> memref<1x3x128xi32, #tpu.memory_space<vmem>>
    %dma_start3A_799 = tpu.memref_squeeze %dma_start3A_798 : memref<1x3x128xi32, #tpu.memory_space<vmem>> -> memref<3x128xi32, #tpu.memory_space<vmem>>
    %dma_start3A_800 = arith.constant 0 : i32
    %dma_start3A_801 = tpu.memref_slice %dma_start3A_799[%dma_start3A_784, %dma_start3A_800] : memref<3x128xi32, #tpu.memory_space<vmem>> -> memref<1x128xi32, #tpu.memory_space<vmem>>
    %dma_start3A_802 = tpu.memref_squeeze %dma_start3A_801 : memref<1x128xi32, #tpu.memory_space<vmem>> -> memref<128xi32, #tpu.memory_space<vmem>>
    %dma_start3A_803 = arith.constant 0 : i32
    %dma_start3A_804 = arith.constant 0 : i32
    %dma_start3A_805 = tpu.memref_slice %arg12[%dma_start3A_782, %dma_start3A_803, %dma_start3A_804] : memref<3x1024x64xbf16, #tpu.memory_space<vmem_shared>> -> memref<1x1024x64xbf16, #tpu.memory_space<vmem_shared>>
    %dma_start3A_806 = tpu.memref_squeeze %dma_start3A_805 : memref<1x1024x64xbf16, #tpu.memory_space<vmem_shared>> -> memref<1024x64xbf16, #tpu.memory_space<vmem_shared>>
    %dma_start3A_807 = arith.constant 0 : i32
    %dma_start3A_808 = arith.constant 0 : i32
    %dma_start3A_809 = tpu.memref_slice %dma_start3A_806[%dma_start3A_807, %dma_start3A_808] : memref<1024x64xbf16, #tpu.memory_space<vmem_shared>> -> memref<1024x64xbf16, #tpu.memory_space<vmem_shared>>
    tpu.enqueue_indirect_dma source(%dma_start3A_809 : memref<1024x64xbf16, #tpu.memory_space<vmem_shared>>) target(%dma_start3A_795 : memref<128x64xbf16, #tpu.memory_space<vmem>>) offsets(%dma_start3A_802 : memref<128xi32, #tpu.memory_space<vmem>>) semaphore(%arg18 : memref<!tpu.dma_semaphore, #tpu.memory_space<semaphore_mem>>)
    %dma_start3A_810 = arith.constant 2 : i32
    %dma_start3A_811 = arith.constant 0 : i32
    %dma_start3A_812 = arith.constant 2 : i32
    %dma_start3A_813 = arith.constant 0 : i32
    %dma_start3A_814 = arith.constant 2 : i32
    %dma_start3A_815 = arith.constant 0 : i32
    %dma_start3A_816 = arith.constant 0 : i32
    %dma_start3A_817 = arith.constant 0 : i32
    %dma_start3A_818 = tpu.memref_slice %arg11[%dma_start3A_813, %dma_start3A_815, %dma_start3A_816, %dma_start3A_817] : memref<2x3x128x64xbf16, #tpu.memory_space<vmem>> -> memref<1x3x128x64xbf16, #tpu.memory_space<vmem>>
    %dma_start3A_819 = tpu.memref_squeeze %dma_start3A_818 : memref<1x3x128x64xbf16, #tpu.memory_space<vmem>> -> memref<3x128x64xbf16, #tpu.memory_space<vmem>>
    %dma_start3A_820 = arith.constant 0 : i32
    %dma_start3A_821 = arith.constant 0 : i32
    %dma_start3A_822 = tpu.memref_slice %dma_start3A_819[%dma_start3A_814, %dma_start3A_820, %dma_start3A_821] : memref<3x128x64xbf16, #tpu.memory_space<vmem>> -> memref<1x128x64xbf16, #tpu.memory_space<vmem>>
    %dma_start3A_823 = tpu.memref_squeeze %dma_start3A_822 : memref<1x128x64xbf16, #tpu.memory_space<vmem>> -> memref<128x64xbf16, #tpu.memory_space<vmem>>
    %dma_start3A_824 = arith.constant 0 : i32
    %dma_start3A_825 = arith.constant 0 : i32
    %dma_start3A_826 = tpu.memref_slice %arg10[%dma_start3A_811, %dma_start3A_824, %dma_start3A_825] : memref<2x3x128xi32, #tpu.memory_space<vmem>> -> memref<1x3x128xi32, #tpu.memory_space<vmem>>
    %dma_start3A_827 = tpu.memref_squeeze %dma_start3A_826 : memref<1x3x128xi32, #tpu.memory_space<vmem>> -> memref<3x128xi32, #tpu.memory_space<vmem>>
    %dma_start3A_828 = arith.constant 0 : i32
    %dma_start3A_829 = tpu.memref_slice %dma_start3A_827[%dma_start3A_812, %dma_start3A_828] : memref<3x128xi32, #tpu.memory_space<vmem>> -> memref<1x128xi32, #tpu.memory_space<vmem>>
    %dma_start3A_830 = tpu.memref_squeeze %dma_start3A_829 : memref<1x128xi32, #tpu.memory_space<vmem>> -> memref<128xi32, #tpu.memory_space<vmem>>
    %dma_start3A_831 = arith.constant 0 : i32
    %dma_start3A_832 = arith.constant 0 : i32
    %dma_start3A_833 = tpu.memref_slice %arg12[%dma_start3A_810, %dma_start3A_831, %dma_start3A_832] : memref<3x1024x64xbf16, #tpu.memory_space<vmem_shared>> -> memref<1x1024x64xbf16, #tpu.memory_space<vmem_shared>>
    %dma_start3A_834 = tpu.memref_squeeze %dma_start3A_833 : memref<1x1024x64xbf16, #tpu.memory_space<vmem_shared>> -> memref<1024x64xbf16, #tpu.memory_space<vmem_shared>>
    %dma_start3A_835 = arith.constant 0 : i32
    %dma_start3A_836 = arith.constant 0 : i32
    %dma_start3A_837 = tpu.memref_slice %dma_start3A_834[%dma_start3A_835, %dma_start3A_836] : memref<1024x64xbf16, #tpu.memory_space<vmem_shared>> -> memref<1024x64xbf16, #tpu.memory_space<vmem_shared>>
    tpu.enqueue_indirect_dma source(%dma_start3A_837 : memref<1024x64xbf16, #tpu.memory_space<vmem_shared>>) target(%dma_start3A_823 : memref<128x64xbf16, #tpu.memory_space<vmem>>) offsets(%dma_start3A_830 : memref<128xi32, #tpu.memory_space<vmem>>) semaphore(%arg18 : memref<!tpu.dma_semaphore, #tpu.memory_space<semaphore_mem>>)
    %scan3A = arith.constant 0 : i32
    %scan3A_838 = arith.constant 100 : i32
    %scan3A_839 = arith.addi %scan3A, %scan3A_838 : i32
    %scan3A_840 = arith.constant 1 : i32
    scf.for %scan3A_910 = %scan3A to %scan3A_839 step %scan3A_840  : i32 {
      %mul3A_911 = arith.constant 2 : i32
      %mul3A_912 = arith.muli %scan3A_910, %mul3A_911 : i32
      %add3A_913 = arith.constant 0 : i32
      %add3A_914 = arith.addi %add3A_913, %mul3A_912 : i32
      %add3A_915 = arith.constant 3 : i32
      %add3A_916 = arith.addi %add3A_914, %add3A_915 : i32
      %lt3A = arith.constant 200 : i32
      %lt3A_917 = arith.cmpi slt, %add3A_916, %lt3A : i32
      %convert_element_type3A_918 = arith.extui %lt3A_917 : i1 to i32
      %cond3A_919 = arith.constant 0 : i32
      %cond3A_920 = arith.cmpi ne, %convert_element_type3A_918, %cond3A_919 : i32
      scf.if %cond3A_920 {
        %add3A_1372 = arith.constant 3 : i32
        %add3A_1373 = arith.addi %add3A_914, %add3A_1372 : i32
        %jit3A_1374 = arith.constant 50 : i32
        %div3A_1375 = arith.divsi %add3A_1373, %jit3A_1374 : i32
        %sign3A_1376 = arith.constant 0 : i32
        %sign3A_1377 = arith.cmpi sgt, %add3A_1373, %sign3A_1376 : i32
        %sign3A_1378 = arith.extui %sign3A_1377 : i1 to i32
        %sign3A_1379 = arith.constant 0 : i32
        %sign3A_1380 = arith.cmpi slt, %add3A_1373, %sign3A_1379 : i32
        %sign3A_1381 = arith.extui %sign3A_1380 : i1 to i32
        %sign3A_1382 = arith.subi %sign3A_1378, %sign3A_1381 : i32
        %sign3A_1383 = arith.constant 0 : i32
        %sign3A_1384 = arith.cmpi sgt, %jit3A_1374, %sign3A_1383 : i32
        %sign3A_1385 = arith.extui %sign3A_1384 : i1 to i32
        %sign3A_1386 = arith.constant 0 : i32
        %sign3A_1387 = arith.cmpi slt, %jit3A_1374, %sign3A_1386 : i32
        %sign3A_1388 = arith.extui %sign3A_1387 : i1 to i32
        %sign3A_1389 = arith.subi %sign3A_1385, %sign3A_1388 : i32
        %ne3A_1390 = arith.cmpi ne, %sign3A_1382, %sign3A_1389 : i32
        %rem3A_1391 = arith.remsi %add3A_1373, %jit3A_1374 : i32
        %ne3A_1392 = arith.constant 0 : i32
        %ne3A_1393 = arith.cmpi ne, %rem3A_1391, %ne3A_1392 : i32
        %and3A_1394 = arith.andi %ne3A_1390, %ne3A_1393 : i1
        %sub3A_1395 = arith.constant 1 : i32
        %sub3A_1396 = arith.subi %div3A_1375, %sub3A_1395 : i32
        %select_n3A_1397 = arith.select %and3A_1394, %sub3A_1396, %div3A_1375 : i32
        %jit3A_1398 = arith.constant 50 : i32
        %eq3A_1399 = arith.constant 0 : i32
        %eq3A_1400 = arith.cmpi eq, %jit3A_1398, %eq3A_1399 : i32
        %jit3A_1401 = arith.constant 1 : i32
        %select_n3A_1402 = arith.select %eq3A_1400, %jit3A_1401, %jit3A_1398 : i32
        %rem3A_1403 = arith.remsi %add3A_1373, %select_n3A_1402 : i32
        %ne3A_1404 = arith.constant 0 : i32
        %ne3A_1405 = arith.cmpi ne, %rem3A_1403, %ne3A_1404 : i32
        %lt3A_1406 = arith.constant 0 : i32
        %lt3A_1407 = arith.cmpi slt, %rem3A_1403, %lt3A_1406 : i32
        %lt3A_1408 = arith.constant 0 : i32
        %lt3A_1409 = arith.cmpi slt, %select_n3A_1402, %lt3A_1408 : i32
        %ne3A_1410 = arith.xori %lt3A_1407, %lt3A_1409 : i1
        %and3A_1411 = arith.andi %ne3A_1410, %ne3A_1405 : i1
        %add3A_1412 = arith.addi %rem3A_1403, %select_n3A_1402 : i32
        %select_n3A_1413 = arith.select %and3A_1411, %add3A_1412, %rem3A_1403 : i32
        %mul3A_1414 = arith.constant 16384 : i32
        %mul3A_1415 = arith.muli %select_n3A_1413, %mul3A_1414 : i32
        %mul3A_1416 = arith.constant 512 : i32
        %mul3A_1417 = arith.muli %add3A, %mul3A_1416 : i32
        %add3A_1418 = arith.addi %mul3A_1415, %mul3A_1417 : i32
        %mul3A_1419 = arith.constant 128 : i32
        %mul3A_1420 = arith.muli %select_n3A_1397, %mul3A_1419 : i32
        %add3A_1421 = arith.addi %add3A_1418, %mul3A_1420 : i32
        %multiple_of3A_1422 = tpu.assume_multiple %add3A_1421, 128 : i32
        %dma_start3A_1423 = arith.constant 1 : i32
        %dma_start3A_1424 = arith.constant 0 : i32
        %dma_start3A_1425 = tpu.memref_slice %arg8[%dma_start3A_1423, %dma_start3A_1424] : memref<2x128xi32, #tpu.memory_space<vmem>> -> memref<1x128xi32, #tpu.memory_space<vmem>>
        %dma_start3A_1426 = tpu.memref_squeeze %dma_start3A_1425 : memref<1x128xi32, #tpu.memory_space<vmem>> -> memref<128xi32, #tpu.memory_space<vmem>>
        %dma_start3A_1427 = tpu.memref_slice %arg2[%multiple_of3A_1422] : memref<819200xi32, #tpu.memory_space<hbm>> -> memref<128xi32, #tpu.memory_space<hbm>>
        %dma_start3A_1428 = arith.constant 0 : i32
        %dma_start3A_1429 = tpu.memref_slice %arg8[%dma_start3A_1423, %dma_start3A_1428] : memref<2x128xi32, #tpu.memory_space<vmem>> -> memref<1x128xi32, #tpu.memory_space<vmem>>
        %dma_start3A_1430 = tpu.memref_squeeze %dma_start3A_1429 : memref<1x128xi32, #tpu.memory_space<vmem>> -> memref<128xi32, #tpu.memory_space<vmem>>
        %dma_start3A_1431 = tpu.memref_slice %arg2[%multiple_of3A_1422] : memref<819200xi32, #tpu.memory_space<hbm>> -> memref<128xi32, #tpu.memory_space<hbm>>
        tpu.enqueue_dma source(%dma_start3A_1431 : memref<128xi32, #tpu.memory_space<hbm>>) target(%dma_start3A_1430 : memref<128xi32, #tpu.memory_space<vmem>>) target_semaphore(%arg15 : memref<!tpu.dma_semaphore, #tpu.memory_space<semaphore_mem>>)
      } else {
      }
      %add3A_921 = arith.constant 1 : i32
      %add3A_922 = arith.addi %add3A_914, %add3A_921 : i32
      %lt3A_923 = arith.constant 200 : i32
      %lt3A_924 = arith.cmpi slt, %add3A_922, %lt3A_923 : i32
      %convert_element_type3A_925 = arith.extui %lt3A_924 : i1 to i32
      %cond3A_926 = arith.constant 0 : i32
      %cond3A_927 = arith.cmpi ne, %convert_element_type3A_925, %cond3A_926 : i32
      scf.if %cond3A_927 {
        %dma_wait3A_1372 = arith.constant 1 : i32
        %dma_wait3A_1373 = arith.constant 0 : i32
        %dma_wait3A_1374 = arith.constant 1 : i32
        %dma_wait3A_1375 = arith.constant 0 : i32
        %dma_wait3A_1376 = arith.constant 0 : i32
        %dma_wait3A_1377 = arith.constant 0 : i32
        %dma_wait3A_1378 = tpu.memref_slice %arg10[%dma_wait3A_1374, %dma_wait3A_1376, %dma_wait3A_1377] : memref<2x3x128xi32, #tpu.memory_space<vmem>> -> memref<1x3x128xi32, #tpu.memory_space<vmem>>
        %dma_wait3A_1379 = tpu.memref_squeeze %dma_wait3A_1378 : memref<1x3x128xi32, #tpu.memory_space<vmem>> -> memref<3x128xi32, #tpu.memory_space<vmem>>
        %dma_wait3A_1380 = arith.constant 0 : i32
        %dma_wait3A_1381 = tpu.memref_slice %dma_wait3A_1379[%dma_wait3A_1375, %dma_wait3A_1380] : memref<3x128xi32, #tpu.memory_space<vmem>> -> memref<1x128xi32, #tpu.memory_space<vmem>>
        %dma_wait3A_1382 = tpu.memref_squeeze %dma_wait3A_1381 : memref<1x128xi32, #tpu.memory_space<vmem>> -> memref<128xi32, #tpu.memory_space<vmem>>
        %dma_wait3A_1383 = arith.constant 0 : i32
        %dma_wait3A_1384 = arith.constant 0 : i32
        %dma_wait3A_1385 = tpu.memref_slice %arg9[%dma_wait3A_1372, %dma_wait3A_1383, %dma_wait3A_1384] : memref<2x3x128xi32, #tpu.memory_space<vmem>> -> memref<1x3x128xi32, #tpu.memory_space<vmem>>
        %dma_wait3A_1386 = tpu.memref_squeeze %dma_wait3A_1385 : memref<1x3x128xi32, #tpu.memory_space<vmem>> -> memref<3x128xi32, #tpu.memory_space<vmem>>
        %dma_wait3A_1387 = arith.constant 0 : i32
        %dma_wait3A_1388 = tpu.memref_slice %dma_wait3A_1386[%dma_wait3A_1373, %dma_wait3A_1387] : memref<3x128xi32, #tpu.memory_space<vmem>> -> memref<1x128xi32, #tpu.memory_space<vmem>>
        %dma_wait3A_1389 = tpu.memref_squeeze %dma_wait3A_1388 : memref<1x128xi32, #tpu.memory_space<vmem>> -> memref<128xi32, #tpu.memory_space<vmem>>
        %dma_wait3A_1390 = arith.constant 0 : i32
        %dma_wait3A_1391 = tpu.memref_slice %arg3[%dma_wait3A_1390] : memref<3000000xi32, #tpu.memory_space<hbm>> -> memref<3000000xi32, #tpu.memory_space<hbm>>
        tpu.wait_indirect_dma semaphore(%arg17 : memref<!tpu.dma_semaphore, #tpu.memory_space<semaphore_mem>>) src(%dma_wait3A_1391 : memref<3000000xi32, #tpu.memory_space<hbm>>) dst(%dma_wait3A_1382 : memref<128xi32, #tpu.memory_space<vmem>>)
        %dma_wait3A_1392 = arith.constant 1 : i32
        %dma_wait3A_1393 = arith.constant 1 : i32
        %dma_wait3A_1394 = arith.constant 1 : i32
        %dma_wait3A_1395 = arith.constant 1 : i32
        %dma_wait3A_1396 = arith.constant 0 : i32
        %dma_wait3A_1397 = arith.constant 0 : i32
        %dma_wait3A_1398 = tpu.memref_slice %arg10[%dma_wait3A_1394, %dma_wait3A_1396, %dma_wait3A_1397] : memref<2x3x128xi32, #tpu.memory_space<vmem>> -> memref<1x3x128xi32, #tpu.memory_space<vmem>>
        %dma_wait3A_1399 = tpu.memref_squeeze %dma_wait3A_1398 : memref<1x3x128xi32, #tpu.memory_space<vmem>> -> memref<3x128xi32, #tpu.memory_space<vmem>>
        %dma_wait3A_1400 = arith.constant 0 : i32
        %dma_wait3A_1401 = tpu.memref_slice %dma_wait3A_1399[%dma_wait3A_1395, %dma_wait3A_1400] : memref<3x128xi32, #tpu.memory_space<vmem>> -> memref<1x128xi32, #tpu.memory_space<vmem>>
        %dma_wait3A_1402 = tpu.memref_squeeze %dma_wait3A_1401 : memref<1x128xi32, #tpu.memory_space<vmem>> -> memref<128xi32, #tpu.memory_space<vmem>>
        %dma_wait3A_1403 = arith.constant 0 : i32
        %dma_wait3A_1404 = arith.constant 0 : i32
        %dma_wait3A_1405 = tpu.memref_slice %arg9[%dma_wait3A_1392, %dma_wait3A_1403, %dma_wait3A_1404] : memref<2x3x128xi32, #tpu.memory_space<vmem>> -> memref<1x3x128xi32, #tpu.memory_space<vmem>>
        %dma_wait3A_1406 = tpu.memref_squeeze %dma_wait3A_1405 : memref<1x3x128xi32, #tpu.memory_space<vmem>> -> memref<3x128xi32, #tpu.memory_space<vmem>>
        %dma_wait3A_1407 = arith.constant 0 : i32
        %dma_wait3A_1408 = tpu.memref_slice %dma_wait3A_1406[%dma_wait3A_1393, %dma_wait3A_1407] : memref<3x128xi32, #tpu.memory_space<vmem>> -> memref<1x128xi32, #tpu.memory_space<vmem>>
        %dma_wait3A_1409 = tpu.memref_squeeze %dma_wait3A_1408 : memref<1x128xi32, #tpu.memory_space<vmem>> -> memref<128xi32, #tpu.memory_space<vmem>>
        %dma_wait3A_1410 = arith.constant 0 : i32
        %dma_wait3A_1411 = tpu.memref_slice %arg3[%dma_wait3A_1410] : memref<3000000xi32, #tpu.memory_space<hbm>> -> memref<3000000xi32, #tpu.memory_space<hbm>>
        tpu.wait_indirect_dma semaphore(%arg17 : memref<!tpu.dma_semaphore, #tpu.memory_space<semaphore_mem>>) src(%dma_wait3A_1411 : memref<3000000xi32, #tpu.memory_space<hbm>>) dst(%dma_wait3A_1402 : memref<128xi32, #tpu.memory_space<vmem>>)
        %dma_wait3A_1412 = arith.constant 1 : i32
        %dma_wait3A_1413 = arith.constant 2 : i32
        %dma_wait3A_1414 = arith.constant 1 : i32
        %dma_wait3A_1415 = arith.constant 2 : i32
        %dma_wait3A_1416 = arith.constant 0 : i32
        %dma_wait3A_1417 = arith.constant 0 : i32
        %dma_wait3A_1418 = tpu.memref_slice %arg10[%dma_wait3A_1414, %dma_wait3A_1416, %dma_wait3A_1417] : memref<2x3x128xi32, #tpu.memory_space<vmem>> -> memref<1x3x128xi32, #tpu.memory_space<vmem>>
        %dma_wait3A_1419 = tpu.memref_squeeze %dma_wait3A_1418 : memref<1x3x128xi32, #tpu.memory_space<vmem>> -> memref<3x128xi32, #tpu.memory_space<vmem>>
        %dma_wait3A_1420 = arith.constant 0 : i32
        %dma_wait3A_1421 = tpu.memref_slice %dma_wait3A_1419[%dma_wait3A_1415, %dma_wait3A_1420] : memref<3x128xi32, #tpu.memory_space<vmem>> -> memref<1x128xi32, #tpu.memory_space<vmem>>
        %dma_wait3A_1422 = tpu.memref_squeeze %dma_wait3A_1421 : memref<1x128xi32, #tpu.memory_space<vmem>> -> memref<128xi32, #tpu.memory_space<vmem>>
        %dma_wait3A_1423 = arith.constant 0 : i32
        %dma_wait3A_1424 = arith.constant 0 : i32
        %dma_wait3A_1425 = tpu.memref_slice %arg9[%dma_wait3A_1412, %dma_wait3A_1423, %dma_wait3A_1424] : memref<2x3x128xi32, #tpu.memory_space<vmem>> -> memref<1x3x128xi32, #tpu.memory_space<vmem>>
        %dma_wait3A_1426 = tpu.memref_squeeze %dma_wait3A_1425 : memref<1x3x128xi32, #tpu.memory_space<vmem>> -> memref<3x128xi32, #tpu.memory_space<vmem>>
        %dma_wait3A_1427 = arith.constant 0 : i32
        %dma_wait3A_1428 = tpu.memref_slice %dma_wait3A_1426[%dma_wait3A_1413, %dma_wait3A_1427] : memref<3x128xi32, #tpu.memory_space<vmem>> -> memref<1x128xi32, #tpu.memory_space<vmem>>
        %dma_wait3A_1429 = tpu.memref_squeeze %dma_wait3A_1428 : memref<1x128xi32, #tpu.memory_space<vmem>> -> memref<128xi32, #tpu.memory_space<vmem>>
        %dma_wait3A_1430 = arith.constant 0 : i32
        %dma_wait3A_1431 = tpu.memref_slice %arg3[%dma_wait3A_1430] : memref<3000000xi32, #tpu.memory_space<hbm>> -> memref<3000000xi32, #tpu.memory_space<hbm>>
        tpu.wait_indirect_dma semaphore(%arg17 : memref<!tpu.dma_semaphore, #tpu.memory_space<semaphore_mem>>) src(%dma_wait3A_1431 : memref<3000000xi32, #tpu.memory_space<hbm>>) dst(%dma_wait3A_1422 : memref<128xi32, #tpu.memory_space<vmem>>)
        %dma_start3A_1432 = arith.constant 0 : i32
        %dma_start3A_1433 = arith.constant 1 : i32
        %dma_start3A_1434 = arith.constant 0 : i32
        %dma_start3A_1435 = arith.constant 1 : i32
        %dma_start3A_1436 = arith.constant 0 : i32
        %dma_start3A_1437 = arith.constant 0 : i32
        %dma_start3A_1438 = arith.constant 0 : i32
        %dma_start3A_1439 = arith.constant 0 : i32
        %dma_start3A_1440 = tpu.memref_slice %arg11[%dma_start3A_1435, %dma_start3A_1437, %dma_start3A_1438, %dma_start3A_1439] : memref<2x3x128x64xbf16, #tpu.memory_space<vmem>> -> memref<1x3x128x64xbf16, #tpu.memory_space<vmem>>
        %dma_start3A_1441 = tpu.memref_squeeze %dma_start3A_1440 : memref<1x3x128x64xbf16, #tpu.memory_space<vmem>> -> memref<3x128x64xbf16, #tpu.memory_space<vmem>>
        %dma_start3A_1442 = arith.constant 0 : i32
        %dma_start3A_1443 = arith.constant 0 : i32
        %dma_start3A_1444 = tpu.memref_slice %dma_start3A_1441[%dma_start3A_1436, %dma_start3A_1442, %dma_start3A_1443] : memref<3x128x64xbf16, #tpu.memory_space<vmem>> -> memref<1x128x64xbf16, #tpu.memory_space<vmem>>
        %dma_start3A_1445 = tpu.memref_squeeze %dma_start3A_1444 : memref<1x128x64xbf16, #tpu.memory_space<vmem>> -> memref<128x64xbf16, #tpu.memory_space<vmem>>
        %dma_start3A_1446 = arith.constant 0 : i32
        %dma_start3A_1447 = arith.constant 0 : i32
        %dma_start3A_1448 = tpu.memref_slice %arg10[%dma_start3A_1433, %dma_start3A_1446, %dma_start3A_1447] : memref<2x3x128xi32, #tpu.memory_space<vmem>> -> memref<1x3x128xi32, #tpu.memory_space<vmem>>
        %dma_start3A_1449 = tpu.memref_squeeze %dma_start3A_1448 : memref<1x3x128xi32, #tpu.memory_space<vmem>> -> memref<3x128xi32, #tpu.memory_space<vmem>>
        %dma_start3A_1450 = arith.constant 0 : i32
        %dma_start3A_1451 = tpu.memref_slice %dma_start3A_1449[%dma_start3A_1434, %dma_start3A_1450] : memref<3x128xi32, #tpu.memory_space<vmem>> -> memref<1x128xi32, #tpu.memory_space<vmem>>
        %dma_start3A_1452 = tpu.memref_squeeze %dma_start3A_1451 : memref<1x128xi32, #tpu.memory_space<vmem>> -> memref<128xi32, #tpu.memory_space<vmem>>
        %dma_start3A_1453 = arith.constant 0 : i32
        %dma_start3A_1454 = arith.constant 0 : i32
        %dma_start3A_1455 = tpu.memref_slice %arg12[%dma_start3A_1432, %dma_start3A_1453, %dma_start3A_1454] : memref<3x1024x64xbf16, #tpu.memory_space<vmem_shared>> -> memref<1x1024x64xbf16, #tpu.memory_space<vmem_shared>>
        %dma_start3A_1456 = tpu.memref_squeeze %dma_start3A_1455 : memref<1x1024x64xbf16, #tpu.memory_space<vmem_shared>> -> memref<1024x64xbf16, #tpu.memory_space<vmem_shared>>
        %dma_start3A_1457 = arith.constant 0 : i32
        %dma_start3A_1458 = arith.constant 0 : i32
        %dma_start3A_1459 = tpu.memref_slice %dma_start3A_1456[%dma_start3A_1457, %dma_start3A_1458] : memref<1024x64xbf16, #tpu.memory_space<vmem_shared>> -> memref<1024x64xbf16, #tpu.memory_space<vmem_shared>>
        tpu.enqueue_indirect_dma source(%dma_start3A_1459 : memref<1024x64xbf16, #tpu.memory_space<vmem_shared>>) target(%dma_start3A_1445 : memref<128x64xbf16, #tpu.memory_space<vmem>>) offsets(%dma_start3A_1452 : memref<128xi32, #tpu.memory_space<vmem>>) semaphore(%arg19 : memref<!tpu.dma_semaphore, #tpu.memory_space<semaphore_mem>>)
        %dma_start3A_1460 = arith.constant 1 : i32
        %dma_start3A_1461 = arith.constant 1 : i32
        %dma_start3A_1462 = arith.constant 1 : i32
        %dma_start3A_1463 = arith.constant 1 : i32
        %dma_start3A_1464 = arith.constant 1 : i32
        %dma_start3A_1465 = arith.constant 0 : i32
        %dma_start3A_1466 = arith.constant 0 : i32
        %dma_start3A_1467 = arith.constant 0 : i32
        %dma_start3A_1468 = tpu.memref_slice %arg11[%dma_start3A_1463, %dma_start3A_1465, %dma_start3A_1466, %dma_start3A_1467] : memref<2x3x128x64xbf16, #tpu.memory_space<vmem>> -> memref<1x3x128x64xbf16, #tpu.memory_space<vmem>>
        %dma_start3A_1469 = tpu.memref_squeeze %dma_start3A_1468 : memref<1x3x128x64xbf16, #tpu.memory_space<vmem>> -> memref<3x128x64xbf16, #tpu.memory_space<vmem>>
        %dma_start3A_1470 = arith.constant 0 : i32
        %dma_start3A_1471 = arith.constant 0 : i32
        %dma_start3A_1472 = tpu.memref_slice %dma_start3A_1469[%dma_start3A_1464, %dma_start3A_1470, %dma_start3A_1471] : memref<3x128x64xbf16, #tpu.memory_space<vmem>> -> memref<1x128x64xbf16, #tpu.memory_space<vmem>>
        %dma_start3A_1473 = tpu.memref_squeeze %dma_start3A_1472 : memref<1x128x64xbf16, #tpu.memory_space<vmem>> -> memref<128x64xbf16, #tpu.memory_space<vmem>>
        %dma_start3A_1474 = arith.constant 0 : i32
        %dma_start3A_1475 = arith.constant 0 : i32
        %dma_start3A_1476 = tpu.memref_slice %arg10[%dma_start3A_1461, %dma_start3A_1474, %dma_start3A_1475] : memref<2x3x128xi32, #tpu.memory_space<vmem>> -> memref<1x3x128xi32, #tpu.memory_space<vmem>>
        %dma_start3A_1477 = tpu.memref_squeeze %dma_start3A_1476 : memref<1x3x128xi32, #tpu.memory_space<vmem>> -> memref<3x128xi32, #tpu.memory_space<vmem>>
        %dma_start3A_1478 = arith.constant 0 : i32
        %dma_start3A_1479 = tpu.memref_slice %dma_start3A_1477[%dma_start3A_1462, %dma_start3A_1478] : memref<3x128xi32, #tpu.memory_space<vmem>> -> memref<1x128xi32, #tpu.memory_space<vmem>>
        %dma_start3A_1480 = tpu.memref_squeeze %dma_start3A_1479 : memref<1x128xi32, #tpu.memory_space<vmem>> -> memref<128xi32, #tpu.memory_space<vmem>>
        %dma_start3A_1481 = arith.constant 0 : i32
        %dma_start3A_1482 = arith.constant 0 : i32
        %dma_start3A_1483 = tpu.memref_slice %arg12[%dma_start3A_1460, %dma_start3A_1481, %dma_start3A_1482] : memref<3x1024x64xbf16, #tpu.memory_space<vmem_shared>> -> memref<1x1024x64xbf16, #tpu.memory_space<vmem_shared>>
        %dma_start3A_1484 = tpu.memref_squeeze %dma_start3A_1483 : memref<1x1024x64xbf16, #tpu.memory_space<vmem_shared>> -> memref<1024x64xbf16, #tpu.memory_space<vmem_shared>>
        %dma_start3A_1485 = arith.constant 0 : i32
        %dma_start3A_1486 = arith.constant 0 : i32
        %dma_start3A_1487 = tpu.memref_slice %dma_start3A_1484[%dma_start3A_1485, %dma_start3A_1486] : memref<1024x64xbf16, #tpu.memory_space<vmem_shared>> -> memref<1024x64xbf16, #tpu.memory_space<vmem_shared>>
        tpu.enqueue_indirect_dma source(%dma_start3A_1487 : memref<1024x64xbf16, #tpu.memory_space<vmem_shared>>) target(%dma_start3A_1473 : memref<128x64xbf16, #tpu.memory_space<vmem>>) offsets(%dma_start3A_1480 : memref<128xi32, #tpu.memory_space<vmem>>) semaphore(%arg19 : memref<!tpu.dma_semaphore, #tpu.memory_space<semaphore_mem>>)
        %dma_start3A_1488 = arith.constant 2 : i32
        %dma_start3A_1489 = arith.constant 1 : i32
        %dma_start3A_1490 = arith.constant 2 : i32
        %dma_start3A_1491 = arith.constant 1 : i32
        %dma_start3A_1492 = arith.constant 2 : i32
        %dma_start3A_1493 = arith.constant 0 : i32
        %dma_start3A_1494 = arith.constant 0 : i32
        %dma_start3A_1495 = arith.constant 0 : i32
        %dma_start3A_1496 = tpu.memref_slice %arg11[%dma_start3A_1491, %dma_start3A_1493, %dma_start3A_1494, %dma_start3A_1495] : memref<2x3x128x64xbf16, #tpu.memory_space<vmem>> -> memref<1x3x128x64xbf16, #tpu.memory_space<vmem>>
        %dma_start3A_1497 = tpu.memref_squeeze %dma_start3A_1496 : memref<1x3x128x64xbf16, #tpu.memory_space<vmem>> -> memref<3x128x64xbf16, #tpu.memory_space<vmem>>
        %dma_start3A_1498 = arith.constant 0 : i32
        %dma_start3A_1499 = arith.constant 0 : i32
        %dma_start3A_1500 = tpu.memref_slice %dma_start3A_1497[%dma_start3A_1492, %dma_start3A_1498, %dma_start3A_1499] : memref<3x128x64xbf16, #tpu.memory_space<vmem>> -> memref<1x128x64xbf16, #tpu.memory_space<vmem>>
        %dma_start3A_1501 = tpu.memref_squeeze %dma_start3A_1500 : memref<1x128x64xbf16, #tpu.memory_space<vmem>> -> memref<128x64xbf16, #tpu.memory_space<vmem>>
        %dma_start3A_1502 = arith.constant 0 : i32
        %dma_start3A_1503 = arith.constant 0 : i32
        %dma_start3A_1504 = tpu.memref_slice %arg10[%dma_start3A_1489, %dma_start3A_1502, %dma_start3A_1503] : memref<2x3x128xi32, #tpu.memory_space<vmem>> -> memref<1x3x128xi32, #tpu.memory_space<vmem>>
        %dma_start3A_1505 = tpu.memref_squeeze %dma_start3A_1504 : memref<1x3x128xi32, #tpu.memory_space<vmem>> -> memref<3x128xi32, #tpu.memory_space<vmem>>
        %dma_start3A_1506 = arith.constant 0 : i32
        %dma_start3A_1507 = tpu.memref_slice %dma_start3A_1505[%dma_start3A_1490, %dma_start3A_1506] : memref<3x128xi32, #tpu.memory_space<vmem>> -> memref<1x128xi32, #tpu.memory_space<vmem>>
        %dma_start3A_1508 = tpu.memref_squeeze %dma_start3A_1507 : memref<1x128xi32, #tpu.memory_space<vmem>> -> memref<128xi32, #tpu.memory_space<vmem>>
        %dma_start3A_1509 = arith.constant 0 : i32
        %dma_start3A_1510 = arith.constant 0 : i32
        %dma_start3A_1511 = tpu.memref_slice %arg12[%dma_start3A_1488, %dma_start3A_1509, %dma_start3A_1510] : memref<3x1024x64xbf16, #tpu.memory_space<vmem_shared>> -> memref<1x1024x64xbf16, #tpu.memory_space<vmem_shared>>
        %dma_start3A_1512 = tpu.memref_squeeze %dma_start3A_1511 : memref<1x1024x64xbf16, #tpu.memory_space<vmem_shared>> -> memref<1024x64xbf16, #tpu.memory_space<vmem_shared>>
        %dma_start3A_1513 = arith.constant 0 : i32
        %dma_start3A_1514 = arith.constant 0 : i32
        %dma_start3A_1515 = tpu.memref_slice %dma_start3A_1512[%dma_start3A_1513, %dma_start3A_1514] : memref<1024x64xbf16, #tpu.memory_space<vmem_shared>> -> memref<1024x64xbf16, #tpu.memory_space<vmem_shared>>
        tpu.enqueue_indirect_dma source(%dma_start3A_1515 : memref<1024x64xbf16, #tpu.memory_space<vmem_shared>>) target(%dma_start3A_1501 : memref<128x64xbf16, #tpu.memory_space<vmem>>) offsets(%dma_start3A_1508 : memref<128xi32, #tpu.memory_space<vmem>>) semaphore(%arg19 : memref<!tpu.dma_semaphore, #tpu.memory_space<semaphore_mem>>)
      } else {
      }
      %dma_wait3A_928 = arith.constant 0 : i32
      %dma_wait3A_929 = arith.constant 0 : i32
      %dma_wait3A_930 = arith.constant 0 : i32
      %dma_wait3A_931 = arith.constant 0 : i32
      %dma_wait3A_932 = arith.constant 0 : i32
      %dma_wait3A_933 = arith.constant 0 : i32
      %dma_wait3A_934 = arith.constant 0 : i32
      %dma_wait3A_935 = arith.constant 0 : i32
      %dma_wait3A_936 = tpu.memref_slice %arg11[%dma_wait3A_931, %dma_wait3A_933, %dma_wait3A_934, %dma_wait3A_935] : memref<2x3x128x64xbf16, #tpu.memory_space<vmem>> -> memref<1x3x128x64xbf16, #tpu.memory_space<vmem>>
      %dma_wait3A_937 = tpu.memref_squeeze %dma_wait3A_936 : memref<1x3x128x64xbf16, #tpu.memory_space<vmem>> -> memref<3x128x64xbf16, #tpu.memory_space<vmem>>
      %dma_wait3A_938 = arith.constant 0 : i32
      %dma_wait3A_939 = arith.constant 0 : i32
      %dma_wait3A_940 = tpu.memref_slice %dma_wait3A_937[%dma_wait3A_932, %dma_wait3A_938, %dma_wait3A_939] : memref<3x128x64xbf16, #tpu.memory_space<vmem>> -> memref<1x128x64xbf16, #tpu.memory_space<vmem>>
      %dma_wait3A_941 = tpu.memref_squeeze %dma_wait3A_940 : memref<1x128x64xbf16, #tpu.memory_space<vmem>> -> memref<128x64xbf16, #tpu.memory_space<vmem>>
      %dma_wait3A_942 = arith.constant 0 : i32
      %dma_wait3A_943 = arith.constant 0 : i32
      %dma_wait3A_944 = tpu.memref_slice %arg10[%dma_wait3A_929, %dma_wait3A_942, %dma_wait3A_943] : memref<2x3x128xi32, #tpu.memory_space<vmem>> -> memref<1x3x128xi32, #tpu.memory_space<vmem>>
      %dma_wait3A_945 = tpu.memref_squeeze %dma_wait3A_944 : memref<1x3x128xi32, #tpu.memory_space<vmem>> -> memref<3x128xi32, #tpu.memory_space<vmem>>
      %dma_wait3A_946 = arith.constant 0 : i32
      %dma_wait3A_947 = tpu.memref_slice %dma_wait3A_945[%dma_wait3A_930, %dma_wait3A_946] : memref<3x128xi32, #tpu.memory_space<vmem>> -> memref<1x128xi32, #tpu.memory_space<vmem>>
      %dma_wait3A_948 = tpu.memref_squeeze %dma_wait3A_947 : memref<1x128xi32, #tpu.memory_space<vmem>> -> memref<128xi32, #tpu.memory_space<vmem>>
      %dma_wait3A_949 = arith.constant 0 : i32
      %dma_wait3A_950 = arith.constant 0 : i32
      %dma_wait3A_951 = tpu.memref_slice %arg12[%dma_wait3A_928, %dma_wait3A_949, %dma_wait3A_950] : memref<3x1024x64xbf16, #tpu.memory_space<vmem_shared>> -> memref<1x1024x64xbf16, #tpu.memory_space<vmem_shared>>
      %dma_wait3A_952 = tpu.memref_squeeze %dma_wait3A_951 : memref<1x1024x64xbf16, #tpu.memory_space<vmem_shared>> -> memref<1024x64xbf16, #tpu.memory_space<vmem_shared>>
      %dma_wait3A_953 = arith.constant 0 : i32
      %dma_wait3A_954 = arith.constant 0 : i32
      %dma_wait3A_955 = tpu.memref_slice %dma_wait3A_952[%dma_wait3A_953, %dma_wait3A_954] : memref<1024x64xbf16, #tpu.memory_space<vmem_shared>> -> memref<1024x64xbf16, #tpu.memory_space<vmem_shared>>
      tpu.wait_indirect_dma semaphore(%arg18 : memref<!tpu.dma_semaphore, #tpu.memory_space<semaphore_mem>>) src(%dma_wait3A_955 : memref<1024x64xbf16, #tpu.memory_space<vmem_shared>>) dst(%dma_wait3A_941 : memref<128x64xbf16, #tpu.memory_space<vmem>>)
      %dma_wait3A_956 = arith.constant 1 : i32
      %dma_wait3A_957 = arith.constant 0 : i32
      %dma_wait3A_958 = arith.constant 1 : i32
      %dma_wait3A_959 = arith.constant 0 : i32
      %dma_wait3A_960 = arith.constant 1 : i32
      %dma_wait3A_961 = arith.constant 0 : i32
      %dma_wait3A_962 = arith.constant 0 : i32
      %dma_wait3A_963 = arith.constant 0 : i32
      %dma_wait3A_964 = tpu.memref_slice %arg11[%dma_wait3A_959, %dma_wait3A_961, %dma_wait3A_962, %dma_wait3A_963] : memref<2x3x128x64xbf16, #tpu.memory_space<vmem>> -> memref<1x3x128x64xbf16, #tpu.memory_space<vmem>>
      %dma_wait3A_965 = tpu.memref_squeeze %dma_wait3A_964 : memref<1x3x128x64xbf16, #tpu.memory_space<vmem>> -> memref<3x128x64xbf16, #tpu.memory_space<vmem>>
      %dma_wait3A_966 = arith.constant 0 : i32
      %dma_wait3A_967 = arith.constant 0 : i32
      %dma_wait3A_968 = tpu.memref_slice %dma_wait3A_965[%dma_wait3A_960, %dma_wait3A_966, %dma_wait3A_967] : memref<3x128x64xbf16, #tpu.memory_space<vmem>> -> memref<1x128x64xbf16, #tpu.memory_space<vmem>>
      %dma_wait3A_969 = tpu.memref_squeeze %dma_wait3A_968 : memref<1x128x64xbf16, #tpu.memory_space<vmem>> -> memref<128x64xbf16, #tpu.memory_space<vmem>>
      %dma_wait3A_970 = arith.constant 0 : i32
      %dma_wait3A_971 = arith.constant 0 : i32
      %dma_wait3A_972 = tpu.memref_slice %arg10[%dma_wait3A_957, %dma_wait3A_970, %dma_wait3A_971] : memref<2x3x128xi32, #tpu.memory_space<vmem>> -> memref<1x3x128xi32, #tpu.memory_space<vmem>>
      %dma_wait3A_973 = tpu.memref_squeeze %dma_wait3A_972 : memref<1x3x128xi32, #tpu.memory_space<vmem>> -> memref<3x128xi32, #tpu.memory_space<vmem>>
      %dma_wait3A_974 = arith.constant 0 : i32
      %dma_wait3A_975 = tpu.memref_slice %dma_wait3A_973[%dma_wait3A_958, %dma_wait3A_974] : memref<3x128xi32, #tpu.memory_space<vmem>> -> memref<1x128xi32, #tpu.memory_space<vmem>>
      %dma_wait3A_976 = tpu.memref_squeeze %dma_wait3A_975 : memref<1x128xi32, #tpu.memory_space<vmem>> -> memref<128xi32, #tpu.memory_space<vmem>>
      %dma_wait3A_977 = arith.constant 0 : i32
      %dma_wait3A_978 = arith.constant 0 : i32
      %dma_wait3A_979 = tpu.memref_slice %arg12[%dma_wait3A_956, %dma_wait3A_977, %dma_wait3A_978] : memref<3x1024x64xbf16, #tpu.memory_space<vmem_shared>> -> memref<1x1024x64xbf16, #tpu.memory_space<vmem_shared>>
      %dma_wait3A_980 = tpu.memref_squeeze %dma_wait3A_979 : memref<1x1024x64xbf16, #tpu.memory_space<vmem_shared>> -> memref<1024x64xbf16, #tpu.memory_space<vmem_shared>>
      %dma_wait3A_981 = arith.constant 0 : i32
      %dma_wait3A_982 = arith.constant 0 : i32
      %dma_wait3A_983 = tpu.memref_slice %dma_wait3A_980[%dma_wait3A_981, %dma_wait3A_982] : memref<1024x64xbf16, #tpu.memory_space<vmem_shared>> -> memref<1024x64xbf16, #tpu.memory_space<vmem_shared>>
      tpu.wait_indirect_dma semaphore(%arg18 : memref<!tpu.dma_semaphore, #tpu.memory_space<semaphore_mem>>) src(%dma_wait3A_983 : memref<1024x64xbf16, #tpu.memory_space<vmem_shared>>) dst(%dma_wait3A_969 : memref<128x64xbf16, #tpu.memory_space<vmem>>)
      %dma_wait3A_984 = arith.constant 2 : i32
      %dma_wait3A_985 = arith.constant 0 : i32
      %dma_wait3A_986 = arith.constant 2 : i32
      %dma_wait3A_987 = arith.constant 0 : i32
      %dma_wait3A_988 = arith.constant 2 : i32
      %dma_wait3A_989 = arith.constant 0 : i32
      %dma_wait3A_990 = arith.constant 0 : i32
      %dma_wait3A_991 = arith.constant 0 : i32
      %dma_wait3A_992 = tpu.memref_slice %arg11[%dma_wait3A_987, %dma_wait3A_989, %dma_wait3A_990, %dma_wait3A_991] : memref<2x3x128x64xbf16, #tpu.memory_space<vmem>> -> memref<1x3x128x64xbf16, #tpu.memory_space<vmem>>
      %dma_wait3A_993 = tpu.memref_squeeze %dma_wait3A_992 : memref<1x3x128x64xbf16, #tpu.memory_space<vmem>> -> memref<3x128x64xbf16, #tpu.memory_space<vmem>>
      %dma_wait3A_994 = arith.constant 0 : i32
      %dma_wait3A_995 = arith.constant 0 : i32
      %dma_wait3A_996 = tpu.memref_slice %dma_wait3A_993[%dma_wait3A_988, %dma_wait3A_994, %dma_wait3A_995] : memref<3x128x64xbf16, #tpu.memory_space<vmem>> -> memref<1x128x64xbf16, #tpu.memory_space<vmem>>
      %dma_wait3A_997 = tpu.memref_squeeze %dma_wait3A_996 : memref<1x128x64xbf16, #tpu.memory_space<vmem>> -> memref<128x64xbf16, #tpu.memory_space<vmem>>
      %dma_wait3A_998 = arith.constant 0 : i32
      %dma_wait3A_999 = arith.constant 0 : i32
      %dma_wait3A_1000 = tpu.memref_slice %arg10[%dma_wait3A_985, %dma_wait3A_998, %dma_wait3A_999] : memref<2x3x128xi32, #tpu.memory_space<vmem>> -> memref<1x3x128xi32, #tpu.memory_space<vmem>>
      %dma_wait3A_1001 = tpu.memref_squeeze %dma_wait3A_1000 : memref<1x3x128xi32, #tpu.memory_space<vmem>> -> memref<3x128xi32, #tpu.memory_space<vmem>>
      %dma_wait3A_1002 = arith.constant 0 : i32
      %dma_wait3A_1003 = tpu.memref_slice %dma_wait3A_1001[%dma_wait3A_986, %dma_wait3A_1002] : memref<3x128xi32, #tpu.memory_space<vmem>> -> memref<1x128xi32, #tpu.memory_space<vmem>>
      %dma_wait3A_1004 = tpu.memref_squeeze %dma_wait3A_1003 : memref<1x128xi32, #tpu.memory_space<vmem>> -> memref<128xi32, #tpu.memory_space<vmem>>
      %dma_wait3A_1005 = arith.constant 0 : i32
      %dma_wait3A_1006 = arith.constant 0 : i32
      %dma_wait3A_1007 = tpu.memref_slice %arg12[%dma_wait3A_984, %dma_wait3A_1005, %dma_wait3A_1006] : memref<3x1024x64xbf16, #tpu.memory_space<vmem_shared>> -> memref<1x1024x64xbf16, #tpu.memory_space<vmem_shared>>
      %dma_wait3A_1008 = tpu.memref_squeeze %dma_wait3A_1007 : memref<1x1024x64xbf16, #tpu.memory_space<vmem_shared>> -> memref<1024x64xbf16, #tpu.memory_space<vmem_shared>>
      %dma_wait3A_1009 = arith.constant 0 : i32
      %dma_wait3A_1010 = arith.constant 0 : i32
      %dma_wait3A_1011 = tpu.memref_slice %dma_wait3A_1008[%dma_wait3A_1009, %dma_wait3A_1010] : memref<1024x64xbf16, #tpu.memory_space<vmem_shared>> -> memref<1024x64xbf16, #tpu.memory_space<vmem_shared>>
      tpu.wait_indirect_dma semaphore(%arg18 : memref<!tpu.dma_semaphore, #tpu.memory_space<semaphore_mem>>) src(%dma_wait3A_1011 : memref<1024x64xbf16, #tpu.memory_space<vmem_shared>>) dst(%dma_wait3A_997 : memref<128x64xbf16, #tpu.memory_space<vmem>>)
      %add3A_1012 = arith.constant 2 : i32
      %add3A_1013 = arith.addi %add3A_914, %add3A_1012 : i32
      %lt3A_1014 = arith.constant 200 : i32
      %lt3A_1015 = arith.cmpi slt, %add3A_1013, %lt3A_1014 : i32
      %convert_element_type3A_1016 = arith.extui %lt3A_1015 : i1 to i32
      %cond3A_1017 = arith.constant 0 : i32
      %cond3A_1018 = arith.cmpi ne, %convert_element_type3A_1016, %cond3A_1017 : i32
      scf.if %cond3A_1018 {
        %add3A_1372 = arith.constant 2 : i32
        %add3A_1373 = arith.addi %add3A_914, %add3A_1372 : i32
        %jit3A_1374 = arith.constant 50 : i32
        %div3A_1375 = arith.divsi %add3A_1373, %jit3A_1374 : i32
        %sign3A_1376 = arith.constant 0 : i32
        %sign3A_1377 = arith.cmpi sgt, %add3A_1373, %sign3A_1376 : i32
        %sign3A_1378 = arith.extui %sign3A_1377 : i1 to i32
        %sign3A_1379 = arith.constant 0 : i32
        %sign3A_1380 = arith.cmpi slt, %add3A_1373, %sign3A_1379 : i32
        %sign3A_1381 = arith.extui %sign3A_1380 : i1 to i32
        %sign3A_1382 = arith.subi %sign3A_1378, %sign3A_1381 : i32
        %sign3A_1383 = arith.constant 0 : i32
        %sign3A_1384 = arith.cmpi sgt, %jit3A_1374, %sign3A_1383 : i32
        %sign3A_1385 = arith.extui %sign3A_1384 : i1 to i32
        %sign3A_1386 = arith.constant 0 : i32
        %sign3A_1387 = arith.cmpi slt, %jit3A_1374, %sign3A_1386 : i32
        %sign3A_1388 = arith.extui %sign3A_1387 : i1 to i32
        %sign3A_1389 = arith.subi %sign3A_1385, %sign3A_1388 : i32
        %ne3A_1390 = arith.cmpi ne, %sign3A_1382, %sign3A_1389 : i32
        %rem3A_1391 = arith.remsi %add3A_1373, %jit3A_1374 : i32
        %ne3A_1392 = arith.constant 0 : i32
        %ne3A_1393 = arith.cmpi ne, %rem3A_1391, %ne3A_1392 : i32
        %and3A_1394 = arith.andi %ne3A_1390, %ne3A_1393 : i1
        %sub3A_1395 = arith.constant 1 : i32
        %sub3A_1396 = arith.subi %div3A_1375, %sub3A_1395 : i32
        %select_n3A_1397 = arith.select %and3A_1394, %sub3A_1396, %div3A_1375 : i32
        %jit3A_1398 = arith.constant 50 : i32
        %eq3A_1399 = arith.constant 0 : i32
        %eq3A_1400 = arith.cmpi eq, %jit3A_1398, %eq3A_1399 : i32
        %jit3A_1401 = arith.constant 1 : i32
        %select_n3A_1402 = arith.select %eq3A_1400, %jit3A_1401, %jit3A_1398 : i32
        %rem3A_1403 = arith.remsi %add3A_1373, %select_n3A_1402 : i32
        %ne3A_1404 = arith.constant 0 : i32
        %ne3A_1405 = arith.cmpi ne, %rem3A_1403, %ne3A_1404 : i32
        %lt3A_1406 = arith.constant 0 : i32
        %lt3A_1407 = arith.cmpi slt, %rem3A_1403, %lt3A_1406 : i32
        %lt3A_1408 = arith.constant 0 : i32
        %lt3A_1409 = arith.cmpi slt, %select_n3A_1402, %lt3A_1408 : i32
        %ne3A_1410 = arith.xori %lt3A_1407, %lt3A_1409 : i1
        %and3A_1411 = arith.andi %ne3A_1410, %ne3A_1405 : i1
        %add3A_1412 = arith.addi %rem3A_1403, %select_n3A_1402 : i32
        %select_n3A_1413 = arith.select %and3A_1411, %add3A_1412, %rem3A_1403 : i32
        %mul3A_1414 = arith.constant 16384 : i32
        %mul3A_1415 = arith.muli %select_n3A_1413, %mul3A_1414 : i32
        %mul3A_1416 = arith.constant 512 : i32
        %mul3A_1417 = arith.muli %add3A, %mul3A_1416 : i32
        %add3A_1418 = arith.addi %mul3A_1415, %mul3A_1417 : i32
        %mul3A_1419 = arith.constant 128 : i32
        %mul3A_1420 = arith.muli %select_n3A_1397, %mul3A_1419 : i32
        %add3A_1421 = arith.addi %add3A_1418, %mul3A_1420 : i32
        %multiple_of3A_1422 = tpu.assume_multiple %add3A_1421, 128 : i32
        %dma_wait3A_1423 = arith.constant 0 : i32
        %dma_wait3A_1424 = arith.constant 0 : i32
        %dma_wait3A_1425 = tpu.memref_slice %arg8[%dma_wait3A_1423, %dma_wait3A_1424] : memref<2x128xi32, #tpu.memory_space<vmem>> -> memref<1x128xi32, #tpu.memory_space<vmem>>
        %dma_wait3A_1426 = tpu.memref_squeeze %dma_wait3A_1425 : memref<1x128xi32, #tpu.memory_space<vmem>> -> memref<128xi32, #tpu.memory_space<vmem>>
        %dma_wait3A_1427 = tpu.memref_slice %arg2[%multiple_of3A_1422] : memref<819200xi32, #tpu.memory_space<hbm>> -> memref<128xi32, #tpu.memory_space<hbm>>
        %dma_wait3A_1428 = arith.constant 0 : i32
        %dma_wait3A_1429 = tpu.memref_slice %arg8[%dma_wait3A_1423, %dma_wait3A_1428] : memref<2x128xi32, #tpu.memory_space<vmem>> -> memref<1x128xi32, #tpu.memory_space<vmem>>
        %dma_wait3A_1430 = tpu.memref_squeeze %dma_wait3A_1429 : memref<1x128xi32, #tpu.memory_space<vmem>> -> memref<128xi32, #tpu.memory_space<vmem>>
        %dma_wait3A_1431 = tpu.memref_slice %arg2[%multiple_of3A_1422] : memref<819200xi32, #tpu.memory_space<hbm>> -> memref<128xi32, #tpu.memory_space<hbm>>
        tpu.wait_dma2 semaphore(%arg14 : memref<!tpu.dma_semaphore, #tpu.memory_space<semaphore_mem>>) src(%dma_wait3A_1431 : memref<128xi32, #tpu.memory_space<hbm>>) dst(%dma_wait3A_1430 : memref<128xi32, #tpu.memory_space<vmem>>)
        %get3A_1432 = arith.constant 0 : i32
        %get3A_1433 = arith.index_cast %get3A_1432 : i32 to index
        %get3A_1434 = arith.constant 0 : index
        %get3A_1435 = tpu.vector_load %arg8[%get3A_1433, %get3A_1434] {strides = array<i32>} : memref<2x128xi32, #tpu.memory_space<vmem>>, vector<16xi32>,
        %add3A_1436 = arith.constant 0 : i32
        %add3A_1437 = vector.broadcast %add3A_1436 : i32 to vector<16xi32>
        %add3A_1438 = arith.addi %get3A_1435, %add3A_1437 : vector<16xi32>
        %swap3A_1439 = arith.constant 0 : i32
        %swap3A_1440 = arith.constant 0 : i32
        %swap3A_1441 = arith.index_cast %swap3A_1439 : i32 to index
        %swap3A_1442 = arith.index_cast %swap3A_1440 : i32 to index
        %swap3A_1443 = arith.constant 0 : index
        %swap3A_1444 = tpu.vector_load %arg9[%swap3A_1441, %swap3A_1442, %swap3A_1443] {strides = array<i32>} : memref<2x3x128xi32, #tpu.memory_space<vmem>>, vector<16xi32>,
        tpu.vector_store %arg9[%swap3A_1441, %swap3A_1442, %swap3A_1443], %add3A_1438 {strides = array<i32>} : memref<2x3x128xi32, #tpu.memory_space<vmem>>, vector<16xi32>,
        %add3A_1445 = arith.constant 1000000 : i32
        %add3A_1446 = vector.broadcast %add3A_1445 : i32 to vector<16xi32>
        %add3A_1447 = arith.addi %get3A_1435, %add3A_1446 : vector<16xi32>
        %swap3A_1448 = arith.constant 0 : i32
        %swap3A_1449 = arith.constant 1 : i32
        %swap3A_1450 = arith.index_cast %swap3A_1448 : i32 to index
        %swap3A_1451 = arith.index_cast %swap3A_1449 : i32 to index
        %swap3A_1452 = arith.constant 0 : index
        %swap3A_1453 = tpu.vector_load %arg9[%swap3A_1450, %swap3A_1451, %swap3A_1452] {strides = array<i32>} : memref<2x3x128xi32, #tpu.memory_space<vmem>>, vector<16xi32>,
        tpu.vector_store %arg9[%swap3A_1450, %swap3A_1451, %swap3A_1452], %add3A_1447 {strides = array<i32>} : memref<2x3x128xi32, #tpu.memory_space<vmem>>, vector<16xi32>,
        %add3A_1454 = arith.constant 2000000 : i32
        %add3A_1455 = vector.broadcast %add3A_1454 : i32 to vector<16xi32>
        %add3A_1456 = arith.addi %get3A_1435, %add3A_1455 : vector<16xi32>
        %swap3A_1457 = arith.constant 0 : i32
        %swap3A_1458 = arith.constant 2 : i32
        %swap3A_1459 = arith.index_cast %swap3A_1457 : i32 to index
        %swap3A_1460 = arith.index_cast %swap3A_1458 : i32 to index
        %swap3A_1461 = arith.constant 0 : index
        %swap3A_1462 = tpu.vector_load %arg9[%swap3A_1459, %swap3A_1460, %swap3A_1461] {strides = array<i32>} : memref<2x3x128xi32, #tpu.memory_space<vmem>>, vector<16xi32>,
        tpu.vector_store %arg9[%swap3A_1459, %swap3A_1460, %swap3A_1461], %add3A_1456 {strides = array<i32>} : memref<2x3x128xi32, #tpu.memory_space<vmem>>, vector<16xi32>,
        %get3A_1463 = arith.constant 0 : i32
        %get3A_1464 = arith.index_cast %get3A_1463 : i32 to index
        %get3A_1465 = arith.constant 16 : index
        %get3A_1466 = tpu.vector_load %arg8[%get3A_1464, %get3A_1465] {strides = array<i32>} : memref<2x128xi32, #tpu.memory_space<vmem>>, vector<16xi32>,
        %add3A_1467 = arith.constant 0 : i32
        %add3A_1468 = vector.broadcast %add3A_1467 : i32 to vector<16xi32>
        %add3A_1469 = arith.addi %get3A_1466, %add3A_1468 : vector<16xi32>
        %swap3A_1470 = arith.constant 0 : i32
        %swap3A_1471 = arith.constant 0 : i32
        %swap3A_1472 = arith.index_cast %swap3A_1470 : i32 to index
        %swap3A_1473 = arith.index_cast %swap3A_1471 : i32 to index
        %swap3A_1474 = arith.constant 16 : index
        %swap3A_1475 = tpu.vector_load %arg9[%swap3A_1472, %swap3A_1473, %swap3A_1474] {strides = array<i32>} : memref<2x3x128xi32, #tpu.memory_space<vmem>>, vector<16xi32>,
        tpu.vector_store %arg9[%swap3A_1472, %swap3A_1473, %swap3A_1474], %add3A_1469 {strides = array<i32>} : memref<2x3x128xi32, #tpu.memory_space<vmem>>, vector<16xi32>,
        %add3A_1476 = arith.constant 1000000 : i32
        %add3A_1477 = vector.broadcast %add3A_1476 : i32 to vector<16xi32>
        %add3A_1478 = arith.addi %get3A_1466, %add3A_1477 : vector<16xi32>
        %swap3A_1479 = arith.constant 0 : i32
        %swap3A_1480 = arith.constant 1 : i32
        %swap3A_1481 = arith.index_cast %swap3A_1479 : i32 to index
        %swap3A_1482 = arith.index_cast %swap3A_1480 : i32 to index
        %swap3A_1483 = arith.constant 16 : index
        %swap3A_1484 = tpu.vector_load %arg9[%swap3A_1481, %swap3A_1482, %swap3A_1483] {strides = array<i32>} : memref<2x3x128xi32, #tpu.memory_space<vmem>>, vector<16xi32>,
        tpu.vector_store %arg9[%swap3A_1481, %swap3A_1482, %swap3A_1483], %add3A_1478 {strides = array<i32>} : memref<2x3x128xi32, #tpu.memory_space<vmem>>, vector<16xi32>,
        %add3A_1485 = arith.constant 2000000 : i32
        %add3A_1486 = vector.broadcast %add3A_1485 : i32 to vector<16xi32>
        %add3A_1487 = arith.addi %get3A_1466, %add3A_1486 : vector<16xi32>
        %swap3A_1488 = arith.constant 0 : i32
        %swap3A_1489 = arith.constant 2 : i32
        %swap3A_1490 = arith.index_cast %swap3A_1488 : i32 to index
        %swap3A_1491 = arith.index_cast %swap3A_1489 : i32 to index
        %swap3A_1492 = arith.constant 16 : index
        %swap3A_1493 = tpu.vector_load %arg9[%swap3A_1490, %swap3A_1491, %swap3A_1492] {strides = array<i32>} : memref<2x3x128xi32, #tpu.memory_space<vmem>>, vector<16xi32>,
        tpu.vector_store %arg9[%swap3A_1490, %swap3A_1491, %swap3A_1492], %add3A_1487 {strides = array<i32>} : memref<2x3x128xi32, #tpu.memory_space<vmem>>, vector<16xi32>,
        %get3A_1494 = arith.constant 0 : i32
        %get3A_1495 = arith.index_cast %get3A_1494 : i32 to index
        %get3A_1496 = arith.constant 32 : index
        %get3A_1497 = tpu.vector_load %arg8[%get3A_1495, %get3A_1496] {strides = array<i32>} : memref<2x128xi32, #tpu.memory_space<vmem>>, vector<16xi32>,
        %add3A_1498 = arith.constant 0 : i32
        %add3A_1499 = vector.broadcast %add3A_1498 : i32 to vector<16xi32>
        %add3A_1500 = arith.addi %get3A_1497, %add3A_1499 : vector<16xi32>
        %swap3A_1501 = arith.constant 0 : i32
        %swap3A_1502 = arith.constant 0 : i32
        %swap3A_1503 = arith.index_cast %swap3A_1501 : i32 to index
        %swap3A_1504 = arith.index_cast %swap3A_1502 : i32 to index
        %swap3A_1505 = arith.constant 32 : index
        %swap3A_1506 = tpu.vector_load %arg9[%swap3A_1503, %swap3A_1504, %swap3A_1505] {strides = array<i32>} : memref<2x3x128xi32, #tpu.memory_space<vmem>>, vector<16xi32>,
        tpu.vector_store %arg9[%swap3A_1503, %swap3A_1504, %swap3A_1505], %add3A_1500 {strides = array<i32>} : memref<2x3x128xi32, #tpu.memory_space<vmem>>, vector<16xi32>,
        %add3A_1507 = arith.constant 1000000 : i32
        %add3A_1508 = vector.broadcast %add3A_1507 : i32 to vector<16xi32>
        %add3A_1509 = arith.addi %get3A_1497, %add3A_1508 : vector<16xi32>
        %swap3A_1510 = arith.constant 0 : i32
        %swap3A_1511 = arith.constant 1 : i32
        %swap3A_1512 = arith.index_cast %swap3A_1510 : i32 to index
        %swap3A_1513 = arith.index_cast %swap3A_1511 : i32 to index
        %swap3A_1514 = arith.constant 32 : index
        %swap3A_1515 = tpu.vector_load %arg9[%swap3A_1512, %swap3A_1513, %swap3A_1514] {strides = array<i32>} : memref<2x3x128xi32, #tpu.memory_space<vmem>>, vector<16xi32>,
        tpu.vector_store %arg9[%swap3A_1512, %swap3A_1513, %swap3A_1514], %add3A_1509 {strides = array<i32>} : memref<2x3x128xi32, #tpu.memory_space<vmem>>, vector<16xi32>,
        %add3A_1516 = arith.constant 2000000 : i32
        %add3A_1517 = vector.broadcast %add3A_1516 : i32 to vector<16xi32>
        %add3A_1518 = arith.addi %get3A_1497, %add3A_1517 : vector<16xi32>
        %swap3A_1519 = arith.constant 0 : i32
        %swap3A_1520 = arith.constant 2 : i32
        %swap3A_1521 = arith.index_cast %swap3A_1519 : i32 to index
        %swap3A_1522 = arith.index_cast %swap3A_1520 : i32 to index
        %swap3A_1523 = arith.constant 32 : index
        %swap3A_1524 = tpu.vector_load %arg9[%swap3A_1521, %swap3A_1522, %swap3A_1523] {strides = array<i32>} : memref<2x3x128xi32, #tpu.memory_space<vmem>>, vector<16xi32>,
        tpu.vector_store %arg9[%swap3A_1521, %swap3A_1522, %swap3A_1523], %add3A_1518 {strides = array<i32>} : memref<2x3x128xi32, #tpu.memory_space<vmem>>, vector<16xi32>,
        %get3A_1525 = arith.constant 0 : i32
        %get3A_1526 = arith.index_cast %get3A_1525 : i32 to index
        %get3A_1527 = arith.constant 48 : index
        %get3A_1528 = tpu.vector_load %arg8[%get3A_1526, %get3A_1527] {strides = array<i32>} : memref<2x128xi32, #tpu.memory_space<vmem>>, vector<16xi32>,
        %add3A_1529 = arith.constant 0 : i32
        %add3A_1530 = vector.broadcast %add3A_1529 : i32 to vector<16xi32>
        %add3A_1531 = arith.addi %get3A_1528, %add3A_1530 : vector<16xi32>
        %swap3A_1532 = arith.constant 0 : i32
        %swap3A_1533 = arith.constant 0 : i32
        %swap3A_1534 = arith.index_cast %swap3A_1532 : i32 to index
        %swap3A_1535 = arith.index_cast %swap3A_1533 : i32 to index
        %swap3A_1536 = arith.constant 48 : index
        %swap3A_1537 = tpu.vector_load %arg9[%swap3A_1534, %swap3A_1535, %swap3A_1536] {strides = array<i32>} : memref<2x3x128xi32, #tpu.memory_space<vmem>>, vector<16xi32>,
        tpu.vector_store %arg9[%swap3A_1534, %swap3A_1535, %swap3A_1536], %add3A_1531 {strides = array<i32>} : memref<2x3x128xi32, #tpu.memory_space<vmem>>, vector<16xi32>,
        %add3A_1538 = arith.constant 1000000 : i32
        %add3A_1539 = vector.broadcast %add3A_1538 : i32 to vector<16xi32>
        %add3A_1540 = arith.addi %get3A_1528, %add3A_1539 : vector<16xi32>
        %swap3A_1541 = arith.constant 0 : i32
        %swap3A_1542 = arith.constant 1 : i32
        %swap3A_1543 = arith.index_cast %swap3A_1541 : i32 to index
        %swap3A_1544 = arith.index_cast %swap3A_1542 : i32 to index
        %swap3A_1545 = arith.constant 48 : index
        %swap3A_1546 = tpu.vector_load %arg9[%swap3A_1543, %swap3A_1544, %swap3A_1545] {strides = array<i32>} : memref<2x3x128xi32, #tpu.memory_space<vmem>>, vector<16xi32>,
        tpu.vector_store %arg9[%swap3A_1543, %swap3A_1544, %swap3A_1545], %add3A_1540 {strides = array<i32>} : memref<2x3x128xi32, #tpu.memory_space<vmem>>, vector<16xi32>,
        %add3A_1547 = arith.constant 2000000 : i32
        %add3A_1548 = vector.broadcast %add3A_1547 : i32 to vector<16xi32>
        %add3A_1549 = arith.addi %get3A_1528, %add3A_1548 : vector<16xi32>
        %swap3A_1550 = arith.constant 0 : i32
        %swap3A_1551 = arith.constant 2 : i32
        %swap3A_1552 = arith.index_cast %swap3A_1550 : i32 to index
        %swap3A_1553 = arith.index_cast %swap3A_1551 : i32 to index
        %swap3A_1554 = arith.constant 48 : index
        %swap3A_1555 = tpu.vector_load %arg9[%swap3A_1552, %swap3A_1553, %swap3A_1554] {strides = array<i32>} : memref<2x3x128xi32, #tpu.memory_space<vmem>>, vector<16xi32>,
        tpu.vector_store %arg9[%swap3A_1552, %swap3A_1553, %swap3A_1554], %add3A_1549 {strides = array<i32>} : memref<2x3x128xi32, #tpu.memory_space<vmem>>, vector<16xi32>,
        %get3A_1556 = arith.constant 0 : i32
        %get3A_1557 = arith.index_cast %get3A_1556 : i32 to index
        %get3A_1558 = arith.constant 64 : index
        %get3A_1559 = tpu.vector_load %arg8[%get3A_1557, %get3A_1558] {strides = array<i32>} : memref<2x128xi32, #tpu.memory_space<vmem>>, vector<16xi32>,
        %add3A_1560 = arith.constant 0 : i32
        %add3A_1561 = vector.broadcast %add3A_1560 : i32 to vector<16xi32>
        %add3A_1562 = arith.addi %get3A_1559, %add3A_1561 : vector<16xi32>
        %swap3A_1563 = arith.constant 0 : i32
        %swap3A_1564 = arith.constant 0 : i32
        %swap3A_1565 = arith.index_cast %swap3A_1563 : i32 to index
        %swap3A_1566 = arith.index_cast %swap3A_1564 : i32 to index
        %swap3A_1567 = arith.constant 64 : index
        %swap3A_1568 = tpu.vector_load %arg9[%swap3A_1565, %swap3A_1566, %swap3A_1567] {strides = array<i32>} : memref<2x3x128xi32, #tpu.memory_space<vmem>>, vector<16xi32>,
        tpu.vector_store %arg9[%swap3A_1565, %swap3A_1566, %swap3A_1567], %add3A_1562 {strides = array<i32>} : memref<2x3x128xi32, #tpu.memory_space<vmem>>, vector<16xi32>,
        %add3A_1569 = arith.constant 1000000 : i32
        %add3A_1570 = vector.broadcast %add3A_1569 : i32 to vector<16xi32>
        %add3A_1571 = arith.addi %get3A_1559, %add3A_1570 : vector<16xi32>
        %swap3A_1572 = arith.constant 0 : i32
        %swap3A_1573 = arith.constant 1 : i32
        %swap3A_1574 = arith.index_cast %swap3A_1572 : i32 to index
        %swap3A_1575 = arith.index_cast %swap3A_1573 : i32 to index
        %swap3A_1576 = arith.constant 64 : index
        %swap3A_1577 = tpu.vector_load %arg9[%swap3A_1574, %swap3A_1575, %swap3A_1576] {strides = array<i32>} : memref<2x3x128xi32, #tpu.memory_space<vmem>>, vector<16xi32>,
        tpu.vector_store %arg9[%swap3A_1574, %swap3A_1575, %swap3A_1576], %add3A_1571 {strides = array<i32>} : memref<2x3x128xi32, #tpu.memory_space<vmem>>, vector<16xi32>,
        %add3A_1578 = arith.constant 2000000 : i32
        %add3A_1579 = vector.broadcast %add3A_1578 : i32 to vector<16xi32>
        %add3A_1580 = arith.addi %get3A_1559, %add3A_1579 : vector<16xi32>
        %swap3A_1581 = arith.constant 0 : i32
        %swap3A_1582 = arith.constant 2 : i32
        %swap3A_1583 = arith.index_cast %swap3A_1581 : i32 to index
        %swap3A_1584 = arith.index_cast %swap3A_1582 : i32 to index
        %swap3A_1585 = arith.constant 64 : index
        %swap3A_1586 = tpu.vector_load %arg9[%swap3A_1583, %swap3A_1584, %swap3A_1585] {strides = array<i32>} : memref<2x3x128xi32, #tpu.memory_space<vmem>>, vector<16xi32>,
        tpu.vector_store %arg9[%swap3A_1583, %swap3A_1584, %swap3A_1585], %add3A_1580 {strides = array<i32>} : memref<2x3x128xi32, #tpu.memory_space<vmem>>, vector<16xi32>,
        %get3A_1587 = arith.constant 0 : i32
        %get3A_1588 = arith.index_cast %get3A_1587 : i32 to index
        %get3A_1589 = arith.constant 80 : index
        %get3A_1590 = tpu.vector_load %arg8[%get3A_1588, %get3A_1589] {strides = array<i32>} : memref<2x128xi32, #tpu.memory_space<vmem>>, vector<16xi32>,
        %add3A_1591 = arith.constant 0 : i32
        %add3A_1592 = vector.broadcast %add3A_1591 : i32 to vector<16xi32>
        %add3A_1593 = arith.addi %get3A_1590, %add3A_1592 : vector<16xi32>
        %swap3A_1594 = arith.constant 0 : i32
        %swap3A_1595 = arith.constant 0 : i32
        %swap3A_1596 = arith.index_cast %swap3A_1594 : i32 to index
        %swap3A_1597 = arith.index_cast %swap3A_1595 : i32 to index
        %swap3A_1598 = arith.constant 80 : index
        %swap3A_1599 = tpu.vector_load %arg9[%swap3A_1596, %swap3A_1597, %swap3A_1598] {strides = array<i32>} : memref<2x3x128xi32, #tpu.memory_space<vmem>>, vector<16xi32>,
        tpu.vector_store %arg9[%swap3A_1596, %swap3A_1597, %swap3A_1598], %add3A_1593 {strides = array<i32>} : memref<2x3x128xi32, #tpu.memory_space<vmem>>, vector<16xi32>,
        %add3A_1600 = arith.constant 1000000 : i32
        %add3A_1601 = vector.broadcast %add3A_1600 : i32 to vector<16xi32>
        %add3A_1602 = arith.addi %get3A_1590, %add3A_1601 : vector<16xi32>
        %swap3A_1603 = arith.constant 0 : i32
        %swap3A_1604 = arith.constant 1 : i32
        %swap3A_1605 = arith.index_cast %swap3A_1603 : i32 to index
        %swap3A_1606 = arith.index_cast %swap3A_1604 : i32 to index
        %swap3A_1607 = arith.constant 80 : index
        %swap3A_1608 = tpu.vector_load %arg9[%swap3A_1605, %swap3A_1606, %swap3A_1607] {strides = array<i32>} : memref<2x3x128xi32, #tpu.memory_space<vmem>>, vector<16xi32>,
        tpu.vector_store %arg9[%swap3A_1605, %swap3A_1606, %swap3A_1607], %add3A_1602 {strides = array<i32>} : memref<2x3x128xi32, #tpu.memory_space<vmem>>, vector<16xi32>,
        %add3A_1609 = arith.constant 2000000 : i32
        %add3A_1610 = vector.broadcast %add3A_1609 : i32 to vector<16xi32>
        %add3A_1611 = arith.addi %get3A_1590, %add3A_1610 : vector<16xi32>
        %swap3A_1612 = arith.constant 0 : i32
        %swap3A_1613 = arith.constant 2 : i32
        %swap3A_1614 = arith.index_cast %swap3A_1612 : i32 to index
        %swap3A_1615 = arith.index_cast %swap3A_1613 : i32 to index
        %swap3A_1616 = arith.constant 80 : index
        %swap3A_1617 = tpu.vector_load %arg9[%swap3A_1614, %swap3A_1615, %swap3A_1616] {strides = array<i32>} : memref<2x3x128xi32, #tpu.memory_space<vmem>>, vector<16xi32>,
        tpu.vector_store %arg9[%swap3A_1614, %swap3A_1615, %swap3A_1616], %add3A_1611 {strides = array<i32>} : memref<2x3x128xi32, #tpu.memory_space<vmem>>, vector<16xi32>,
        %get3A_1618 = arith.constant 0 : i32
        %get3A_1619 = arith.index_cast %get3A_1618 : i32 to index
        %get3A_1620 = arith.constant 96 : index
        %get3A_1621 = tpu.vector_load %arg8[%get3A_1619, %get3A_1620] {strides = array<i32>} : memref<2x128xi32, #tpu.memory_space<vmem>>, vector<16xi32>,
        %add3A_1622 = arith.constant 0 : i32
        %add3A_1623 = vector.broadcast %add3A_1622 : i32 to vector<16xi32>
        %add3A_1624 = arith.addi %get3A_1621, %add3A_1623 : vector<16xi32>
        %swap3A_1625 = arith.constant 0 : i32
        %swap3A_1626 = arith.constant 0 : i32
        %swap3A_1627 = arith.index_cast %swap3A_1625 : i32 to index
        %swap3A_1628 = arith.index_cast %swap3A_1626 : i32 to index
        %swap3A_1629 = arith.constant 96 : index
        %swap3A_1630 = tpu.vector_load %arg9[%swap3A_1627, %swap3A_1628, %swap3A_1629] {strides = array<i32>} : memref<2x3x128xi32, #tpu.memory_space<vmem>>, vector<16xi32>,
        tpu.vector_store %arg9[%swap3A_1627, %swap3A_1628, %swap3A_1629], %add3A_1624 {strides = array<i32>} : memref<2x3x128xi32, #tpu.memory_space<vmem>>, vector<16xi32>,
        %add3A_1631 = arith.constant 1000000 : i32
        %add3A_1632 = vector.broadcast %add3A_1631 : i32 to vector<16xi32>
        %add3A_1633 = arith.addi %get3A_1621, %add3A_1632 : vector<16xi32>
        %swap3A_1634 = arith.constant 0 : i32
        %swap3A_1635 = arith.constant 1 : i32
        %swap3A_1636 = arith.index_cast %swap3A_1634 : i32 to index
        %swap3A_1637 = arith.index_cast %swap3A_1635 : i32 to index
        %swap3A_1638 = arith.constant 96 : index
        %swap3A_1639 = tpu.vector_load %arg9[%swap3A_1636, %swap3A_1637, %swap3A_1638] {strides = array<i32>} : memref<2x3x128xi32, #tpu.memory_space<vmem>>, vector<16xi32>,
        tpu.vector_store %arg9[%swap3A_1636, %swap3A_1637, %swap3A_1638], %add3A_1633 {strides = array<i32>} : memref<2x3x128xi32, #tpu.memory_space<vmem>>, vector<16xi32>,
        %add3A_1640 = arith.constant 2000000 : i32
        %add3A_1641 = vector.broadcast %add3A_1640 : i32 to vector<16xi32>
        %add3A_1642 = arith.addi %get3A_1621, %add3A_1641 : vector<16xi32>
        %swap3A_1643 = arith.constant 0 : i32
        %swap3A_1644 = arith.constant 2 : i32
        %swap3A_1645 = arith.index_cast %swap3A_1643 : i32 to index
        %swap3A_1646 = arith.index_cast %swap3A_1644 : i32 to index
        %swap3A_1647 = arith.constant 96 : index
        %swap3A_1648 = tpu.vector_load %arg9[%swap3A_1645, %swap3A_1646, %swap3A_1647] {strides = array<i32>} : memref<2x3x128xi32, #tpu.memory_space<vmem>>, vector<16xi32>,
        tpu.vector_store %arg9[%swap3A_1645, %swap3A_1646, %swap3A_1647], %add3A_1642 {strides = array<i32>} : memref<2x3x128xi32, #tpu.memory_space<vmem>>, vector<16xi32>,
        %get3A_1649 = arith.constant 0 : i32
        %get3A_1650 = arith.index_cast %get3A_1649 : i32 to index
        %get3A_1651 = arith.constant 112 : index
        %get3A_1652 = tpu.vector_load %arg8[%get3A_1650, %get3A_1651] {strides = array<i32>} : memref<2x128xi32, #tpu.memory_space<vmem>>, vector<16xi32>,
        %add3A_1653 = arith.constant 0 : i32
        %add3A_1654 = vector.broadcast %add3A_1653 : i32 to vector<16xi32>
        %add3A_1655 = arith.addi %get3A_1652, %add3A_1654 : vector<16xi32>
        %swap3A_1656 = arith.constant 0 : i32
        %swap3A_1657 = arith.constant 0 : i32
        %swap3A_1658 = arith.index_cast %swap3A_1656 : i32 to index
        %swap3A_1659 = arith.index_cast %swap3A_1657 : i32 to index
        %swap3A_1660 = arith.constant 112 : index
        %swap3A_1661 = tpu.vector_load %arg9[%swap3A_1658, %swap3A_1659, %swap3A_1660] {strides = array<i32>} : memref<2x3x128xi32, #tpu.memory_space<vmem>>, vector<16xi32>,
        tpu.vector_store %arg9[%swap3A_1658, %swap3A_1659, %swap3A_1660], %add3A_1655 {strides = array<i32>} : memref<2x3x128xi32, #tpu.memory_space<vmem>>, vector<16xi32>,
        %add3A_1662 = arith.constant 1000000 : i32
        %add3A_1663 = vector.broadcast %add3A_1662 : i32 to vector<16xi32>
        %add3A_1664 = arith.addi %get3A_1652, %add3A_1663 : vector<16xi32>
        %swap3A_1665 = arith.constant 0 : i32
        %swap3A_1666 = arith.constant 1 : i32
        %swap3A_1667 = arith.index_cast %swap3A_1665 : i32 to index
        %swap3A_1668 = arith.index_cast %swap3A_1666 : i32 to index
        %swap3A_1669 = arith.constant 112 : index
        %swap3A_1670 = tpu.vector_load %arg9[%swap3A_1667, %swap3A_1668, %swap3A_1669] {strides = array<i32>} : memref<2x3x128xi32, #tpu.memory_space<vmem>>, vector<16xi32>,
        tpu.vector_store %arg9[%swap3A_1667, %swap3A_1668, %swap3A_1669], %add3A_1664 {strides = array<i32>} : memref<2x3x128xi32, #tpu.memory_space<vmem>>, vector<16xi32>,
        %add3A_1671 = arith.constant 2000000 : i32
        %add3A_1672 = vector.broadcast %add3A_1671 : i32 to vector<16xi32>
        %add3A_1673 = arith.addi %get3A_1652, %add3A_1672 : vector<16xi32>
        %swap3A_1674 = arith.constant 0 : i32
        %swap3A_1675 = arith.constant 2 : i32
        %swap3A_1676 = arith.index_cast %swap3A_1674 : i32 to index
        %swap3A_1677 = arith.index_cast %swap3A_1675 : i32 to index
        %swap3A_1678 = arith.constant 112 : index
        %swap3A_1679 = tpu.vector_load %arg9[%swap3A_1676, %swap3A_1677, %swap3A_1678] {strides = array<i32>} : memref<2x3x128xi32, #tpu.memory_space<vmem>>, vector<16xi32>,
        tpu.vector_store %arg9[%swap3A_1676, %swap3A_1677, %swap3A_1678], %add3A_1673 {strides = array<i32>} : memref<2x3x128xi32, #tpu.memory_space<vmem>>, vector<16xi32>,
        %dma_start3A_1680 = arith.constant 0 : i32
        %dma_start3A_1681 = arith.constant 0 : i32
        %dma_start3A_1682 = arith.constant 0 : i32
        %dma_start3A_1683 = arith.constant 0 : i32
        %dma_start3A_1684 = arith.constant 0 : i32
        %dma_start3A_1685 = arith.constant 0 : i32
        %dma_start3A_1686 = tpu.memref_slice %arg10[%dma_start3A_1682, %dma_start3A_1684, %dma_start3A_1685] : memref<2x3x128xi32, #tpu.memory_space<vmem>> -> memref<1x3x128xi32, #tpu.memory_space<vmem>>
        %dma_start3A_1687 = tpu.memref_squeeze %dma_start3A_1686 : memref<1x3x128xi32, #tpu.memory_space<vmem>> -> memref<3x128xi32, #tpu.memory_space<vmem>>
        %dma_start3A_1688 = arith.constant 0 : i32
        %dma_start3A_1689 = tpu.memref_slice %dma_start3A_1687[%dma_start3A_1683, %dma_start3A_1688] : memref<3x128xi32, #tpu.memory_space<vmem>> -> memref<1x128xi32, #tpu.memory_space<vmem>>
        %dma_start3A_1690 = tpu.memref_squeeze %dma_start3A_1689 : memref<1x128xi32, #tpu.memory_space<vmem>> -> memref<128xi32, #tpu.memory_space<vmem>>
        %dma_start3A_1691 = arith.constant 0 : i32
        %dma_start3A_1692 = arith.constant 0 : i32
        %dma_start3A_1693 = tpu.memref_slice %arg9[%dma_start3A_1680, %dma_start3A_1691, %dma_start3A_1692] : memref<2x3x128xi32, #tpu.memory_space<vmem>> -> memref<1x3x128xi32, #tpu.memory_space<vmem>>
        %dma_start3A_1694 = tpu.memref_squeeze %dma_start3A_1693 : memref<1x3x128xi32, #tpu.memory_space<vmem>> -> memref<3x128xi32, #tpu.memory_space<vmem>>
        %dma_start3A_1695 = arith.constant 0 : i32
        %dma_start3A_1696 = tpu.memref_slice %dma_start3A_1694[%dma_start3A_1681, %dma_start3A_1695] : memref<3x128xi32, #tpu.memory_space<vmem>> -> memref<1x128xi32, #tpu.memory_space<vmem>>
        %dma_start3A_1697 = tpu.memref_squeeze %dma_start3A_1696 : memref<1x128xi32, #tpu.memory_space<vmem>> -> memref<128xi32, #tpu.memory_space<vmem>>
        %dma_start3A_1698 = arith.constant 0 : i32
        %dma_start3A_1699 = tpu.memref_slice %arg3[%dma_start3A_1698] : memref<3000000xi32, #tpu.memory_space<hbm>> -> memref<3000000xi32, #tpu.memory_space<hbm>>
        tpu.enqueue_indirect_dma source(%dma_start3A_1699 : memref<3000000xi32, #tpu.memory_space<hbm>>) target(%dma_start3A_1690 : memref<128xi32, #tpu.memory_space<vmem>>) offsets(%dma_start3A_1697 : memref<128xi32, #tpu.memory_space<vmem>>) semaphore(%arg16 : memref<!tpu.dma_semaphore, #tpu.memory_space<semaphore_mem>>)
        %dma_start3A_1700 = arith.constant 0 : i32
        %dma_start3A_1701 = arith.constant 1 : i32
        %dma_start3A_1702 = arith.constant 0 : i32
        %dma_start3A_1703 = arith.constant 1 : i32
        %dma_start3A_1704 = arith.constant 0 : i32
        %dma_start3A_1705 = arith.constant 0 : i32
        %dma_start3A_1706 = tpu.memref_slice %arg10[%dma_start3A_1702, %dma_start3A_1704, %dma_start3A_1705] : memref<2x3x128xi32, #tpu.memory_space<vmem>> -> memref<1x3x128xi32, #tpu.memory_space<vmem>>
        %dma_start3A_1707 = tpu.memref_squeeze %dma_start3A_1706 : memref<1x3x128xi32, #tpu.memory_space<vmem>> -> memref<3x128xi32, #tpu.memory_space<vmem>>
        %dma_start3A_1708 = arith.constant 0 : i32
        %dma_start3A_1709 = tpu.memref_slice %dma_start3A_1707[%dma_start3A_1703, %dma_start3A_1708] : memref<3x128xi32, #tpu.memory_space<vmem>> -> memref<1x128xi32, #tpu.memory_space<vmem>>
        %dma_start3A_1710 = tpu.memref_squeeze %dma_start3A_1709 : memref<1x128xi32, #tpu.memory_space<vmem>> -> memref<128xi32, #tpu.memory_space<vmem>>
        %dma_start3A_1711 = arith.constant 0 : i32
        %dma_start3A_1712 = arith.constant 0 : i32
        %dma_start3A_1713 = tpu.memref_slice %arg9[%dma_start3A_1700, %dma_start3A_1711, %dma_start3A_1712] : memref<2x3x128xi32, #tpu.memory_space<vmem>> -> memref<1x3x128xi32, #tpu.memory_space<vmem>>
        %dma_start3A_1714 = tpu.memref_squeeze %dma_start3A_1713 : memref<1x3x128xi32, #tpu.memory_space<vmem>> -> memref<3x128xi32, #tpu.memory_space<vmem>>
        %dma_start3A_1715 = arith.constant 0 : i32
        %dma_start3A_1716 = tpu.memref_slice %dma_start3A_1714[%dma_start3A_1701, %dma_start3A_1715] : memref<3x128xi32, #tpu.memory_space<vmem>> -> memref<1x128xi32, #tpu.memory_space<vmem>>
        %dma_start3A_1717 = tpu.memref_squeeze %dma_start3A_1716 : memref<1x128xi32, #tpu.memory_space<vmem>> -> memref<128xi32, #tpu.memory_space<vmem>>
        %dma_start3A_1718 = arith.constant 0 : i32
        %dma_start3A_1719 = tpu.memref_slice %arg3[%dma_start3A_1718] : memref<3000000xi32, #tpu.memory_space<hbm>> -> memref<3000000xi32, #tpu.memory_space<hbm>>
        tpu.enqueue_indirect_dma source(%dma_start3A_1719 : memref<3000000xi32, #tpu.memory_space<hbm>>) target(%dma_start3A_1710 : memref<128xi32, #tpu.memory_space<vmem>>) offsets(%dma_start3A_1717 : memref<128xi32, #tpu.memory_space<vmem>>) semaphore(%arg16 : memref<!tpu.dma_semaphore, #tpu.memory_space<semaphore_mem>>)
        %dma_start3A_1720 = arith.constant 0 : i32
        %dma_start3A_1721 = arith.constant 2 : i32
        %dma_start3A_1722 = arith.constant 0 : i32
        %dma_start3A_1723 = arith.constant 2 : i32
        %dma_start3A_1724 = arith.constant 0 : i32
        %dma_start3A_1725 = arith.constant 0 : i32
        %dma_start3A_1726 = tpu.memref_slice %arg10[%dma_start3A_1722, %dma_start3A_1724, %dma_start3A_1725] : memref<2x3x128xi32, #tpu.memory_space<vmem>> -> memref<1x3x128xi32, #tpu.memory_space<vmem>>
        %dma_start3A_1727 = tpu.memref_squeeze %dma_start3A_1726 : memref<1x3x128xi32, #tpu.memory_space<vmem>> -> memref<3x128xi32, #tpu.memory_space<vmem>>
        %dma_start3A_1728 = arith.constant 0 : i32
        %dma_start3A_1729 = tpu.memref_slice %dma_start3A_1727[%dma_start3A_1723, %dma_start3A_1728] : memref<3x128xi32, #tpu.memory_space<vmem>> -> memref<1x128xi32, #tpu.memory_space<vmem>>
        %dma_start3A_1730 = tpu.memref_squeeze %dma_start3A_1729 : memref<1x128xi32, #tpu.memory_space<vmem>> -> memref<128xi32, #tpu.memory_space<vmem>>
        %dma_start3A_1731 = arith.constant 0 : i32
        %dma_start3A_1732 = arith.constant 0 : i32
        %dma_start3A_1733 = tpu.memref_slice %arg9[%dma_start3A_1720, %dma_start3A_1731, %dma_start3A_1732] : memref<2x3x128xi32, #tpu.memory_space<vmem>> -> memref<1x3x128xi32, #tpu.memory_space<vmem>>
        %dma_start3A_1734 = tpu.memref_squeeze %dma_start3A_1733 : memref<1x3x128xi32, #tpu.memory_space<vmem>> -> memref<3x128xi32, #tpu.memory_space<vmem>>
        %dma_start3A_1735 = arith.constant 0 : i32
        %dma_start3A_1736 = tpu.memref_slice %dma_start3A_1734[%dma_start3A_1721, %dma_start3A_1735] : memref<3x128xi32, #tpu.memory_space<vmem>> -> memref<1x128xi32, #tpu.memory_space<vmem>>
        %dma_start3A_1737 = tpu.memref_squeeze %dma_start3A_1736 : memref<1x128xi32, #tpu.memory_space<vmem>> -> memref<128xi32, #tpu.memory_space<vmem>>
        %dma_start3A_1738 = arith.constant 0 : i32
        %dma_start3A_1739 = tpu.memref_slice %arg3[%dma_start3A_1738] : memref<3000000xi32, #tpu.memory_space<hbm>> -> memref<3000000xi32, #tpu.memory_space<hbm>>
        tpu.enqueue_indirect_dma source(%dma_start3A_1739 : memref<3000000xi32, #tpu.memory_space<hbm>>) target(%dma_start3A_1730 : memref<128xi32, #tpu.memory_space<vmem>>) offsets(%dma_start3A_1737 : memref<128xi32, #tpu.memory_space<vmem>>) semaphore(%arg16 : memref<!tpu.dma_semaphore, #tpu.memory_space<semaphore_mem>>)
      } else {
      }
      %ge3A = arith.constant 2 : i32
      %ge3A_1019 = arith.cmpi sge, %add3A_914, %ge3A : i32
      %convert_element_type3A_1020 = arith.extui %ge3A_1019 : i1 to i32
      %cond3A_1021 = arith.constant 0 : i32
      %cond3A_1022 = arith.cmpi ne, %convert_element_type3A_1020, %cond3A_1021 : i32
      scf.if %cond3A_1022 {
        %sub3A_1372 = arith.constant 2 : i32
        %sub3A_1373 = arith.subi %add3A_914, %sub3A_1372 : i32
        %jit3A_1374 = arith.constant 50 : i32
        %div3A_1375 = arith.divsi %sub3A_1373, %jit3A_1374 : i32
        %sign3A_1376 = arith.constant 0 : i32
        %sign3A_1377 = arith.cmpi sgt, %sub3A_1373, %sign3A_1376 : i32
        %sign3A_1378 = arith.extui %sign3A_1377 : i1 to i32
        %sign3A_1379 = arith.constant 0 : i32
        %sign3A_1380 = arith.cmpi slt, %sub3A_1373, %sign3A_1379 : i32
        %sign3A_1381 = arith.extui %sign3A_1380 : i1 to i32
        %sign3A_1382 = arith.subi %sign3A_1378, %sign3A_1381 : i32
        %sign3A_1383 = arith.constant 0 : i32
        %sign3A_1384 = arith.cmpi sgt, %jit3A_1374, %sign3A_1383 : i32
        %sign3A_1385 = arith.extui %sign3A_1384 : i1 to i32
        %sign3A_1386 = arith.constant 0 : i32
        %sign3A_1387 = arith.cmpi slt, %jit3A_1374, %sign3A_1386 : i32
        %sign3A_1388 = arith.extui %sign3A_1387 : i1 to i32
        %sign3A_1389 = arith.subi %sign3A_1385, %sign3A_1388 : i32
        %ne3A_1390 = arith.cmpi ne, %sign3A_1382, %sign3A_1389 : i32
        %rem3A_1391 = arith.remsi %sub3A_1373, %jit3A_1374 : i32
        %ne3A_1392 = arith.constant 0 : i32
        %ne3A_1393 = arith.cmpi ne, %rem3A_1391, %ne3A_1392 : i32
        %and3A_1394 = arith.andi %ne3A_1390, %ne3A_1393 : i1
        %sub3A_1395 = arith.constant 1 : i32
        %sub3A_1396 = arith.subi %div3A_1375, %sub3A_1395 : i32
        %select_n3A_1397 = arith.select %and3A_1394, %sub3A_1396, %div3A_1375 : i32
        %jit3A_1398 = arith.constant 50 : i32
        %eq3A_1399 = arith.constant 0 : i32
        %eq3A_1400 = arith.cmpi eq, %jit3A_1398, %eq3A_1399 : i32
        %jit3A_1401 = arith.constant 1 : i32
        %select_n3A_1402 = arith.select %eq3A_1400, %jit3A_1401, %jit3A_1398 : i32
        %rem3A_1403 = arith.remsi %sub3A_1373, %select_n3A_1402 : i32
        %ne3A_1404 = arith.constant 0 : i32
        %ne3A_1405 = arith.cmpi ne, %rem3A_1403, %ne3A_1404 : i32
        %lt3A_1406 = arith.constant 0 : i32
        %lt3A_1407 = arith.cmpi slt, %rem3A_1403, %lt3A_1406 : i32
        %lt3A_1408 = arith.constant 0 : i32
        %lt3A_1409 = arith.cmpi slt, %select_n3A_1402, %lt3A_1408 : i32
        %ne3A_1410 = arith.xori %lt3A_1407, %lt3A_1409 : i1
        %and3A_1411 = arith.andi %ne3A_1410, %ne3A_1405 : i1
        %add3A_1412 = arith.addi %rem3A_1403, %select_n3A_1402 : i32
        %select_n3A_1413 = arith.select %and3A_1411, %add3A_1412, %rem3A_1403 : i32
        %mul3A_1414 = arith.constant 4 : i32
        %mul3A_1415 = arith.muli %add3A, %mul3A_1414 : i32
        %add3A_1416 = arith.addi %mul3A_1415, %select_n3A_1397 : i32
        %dma_wait3A_1417 = arith.constant 0 : i32
        %dma_wait3A_1418 = arith.constant 0 : i32
        %dma_wait3A_1419 = arith.constant 0 : i32
        %dma_wait3A_1420 = arith.constant 0 : i32
        %dma_wait3A_1421 = tpu.memref_slice %arg13[%dma_wait3A_1417, %dma_wait3A_1418, %dma_wait3A_1419, %dma_wait3A_1420] : memref<2x8x8x129xf32, #tpu.memory_space<vmem>> -> memref<1x8x8x129xf32, #tpu.memory_space<vmem>>
        %dma_wait3A_1422 = tpu.memref_squeeze %dma_wait3A_1421 : memref<1x8x8x129xf32, #tpu.memory_space<vmem>> -> memref<8x8x129xf32, #tpu.memory_space<vmem>>
        %dma_wait3A_1423 = arith.constant 0 : i32
        %dma_wait3A_1424 = arith.constant 0 : i32
        %dma_wait3A_1425 = arith.constant 0 : i32
        %dma_wait3A_1426 = tpu.memref_slice %dma_wait3A_1422[%dma_wait3A_1423, %dma_wait3A_1424, %dma_wait3A_1425] : memref<8x8x129xf32, #tpu.memory_space<vmem>> -> memref<8x8x128xf32, #tpu.memory_space<vmem>>
        %dma_wait3A_1427 = arith.constant 0 : i32
        %dma_wait3A_1428 = arith.constant 0 : i32
        %dma_wait3A_1429 = arith.constant 0 : i32
        %dma_wait3A_1430 = tpu.memref_slice %arg7[%select_n3A_1413, %dma_wait3A_1427, %add3A_1416, %dma_wait3A_1428, %dma_wait3A_1429] : memref<50x8x128x8x128xf32, #tpu.memory_space<hbm>> -> memref<1x8x1x8x128xf32, #tpu.memory_space<hbm>>
        %dma_wait3A_1431 = tpu.memref_squeeze %dma_wait3A_1430 : memref<1x8x1x8x128xf32, #tpu.memory_space<hbm>> -> memref<8x8x128xf32, #tpu.memory_space<hbm>>
        %dma_wait3A_1432 = arith.constant 0 : i32
        %dma_wait3A_1433 = arith.constant 0 : i32
        %dma_wait3A_1434 = arith.constant 0 : i32
        %dma_wait3A_1435 = tpu.memref_slice %arg7[%select_n3A_1413, %dma_wait3A_1432, %add3A_1416, %dma_wait3A_1433, %dma_wait3A_1434] : memref<50x8x128x8x128xf32, #tpu.memory_space<hbm>> -> memref<1x8x1x8x128xf32, #tpu.memory_space<hbm>>
        %dma_wait3A_1436 = tpu.memref_squeeze %dma_wait3A_1435 : memref<1x8x1x8x128xf32, #tpu.memory_space<hbm>> -> memref<8x8x128xf32, #tpu.memory_space<hbm>>
        %dma_wait3A_1437 = arith.constant 0 : i32
        %dma_wait3A_1438 = arith.constant 0 : i32
        %dma_wait3A_1439 = arith.constant 0 : i32
        %dma_wait3A_1440 = tpu.memref_slice %arg13[%dma_wait3A_1417, %dma_wait3A_1437, %dma_wait3A_1438, %dma_wait3A_1439] : memref<2x8x8x129xf32, #tpu.memory_space<vmem>> -> memref<1x8x8x129xf32, #tpu.memory_space<vmem>>
        %dma_wait3A_1441 = tpu.memref_squeeze %dma_wait3A_1440 : memref<1x8x8x129xf32, #tpu.memory_space<vmem>> -> memref<8x8x129xf32, #tpu.memory_space<vmem>>
        %dma_wait3A_1442 = arith.constant 0 : i32
        %dma_wait3A_1443 = arith.constant 0 : i32
        %dma_wait3A_1444 = arith.constant 0 : i32
        %dma_wait3A_1445 = tpu.memref_slice %dma_wait3A_1441[%dma_wait3A_1442, %dma_wait3A_1443, %dma_wait3A_1444] : memref<8x8x129xf32, #tpu.memory_space<vmem>> -> memref<8x8x128xf32, #tpu.memory_space<vmem>>
        tpu.wait_dma2 semaphore(%arg20 : memref<!tpu.dma_semaphore, #tpu.memory_space<semaphore_mem>>) src(%dma_wait3A_1445 : memref<8x8x128xf32, #tpu.memory_space<vmem>>) dst(%dma_wait3A_1436 : memref<8x8x128xf32, #tpu.memory_space<hbm>>)
      } else {
      }
      %mul3A_1023 = arith.constant 2 : i32
      %mul3A_1024 = vector.broadcast %mul3A_1023 : i32 to vector<16xi32>
      %mul3A_1025 = arith.muli %iota3A, %mul3A_1024 : vector<16xi32>
      %add3A_1026 = arith.constant 0 : i32
      %add3A_1027 = vector.broadcast %add3A_1026 : i32 to vector<16xi32>
      %add3A_1028 = arith.addi %mul3A_1025, %add3A_1027 : vector<16xi32>
      %div3A = arith.constant 8 : i32
      %div3A_1029 = vector.broadcast %div3A : i32 to vector<16xi32>
      %div3A_1030 = arith.divsi %add3A_1028, %div3A_1029 : vector<16xi32>
      %rem3A = arith.constant 8 : i32
      %rem3A_1031 = vector.broadcast %rem3A : i32 to vector<16xi32>
      %rem3A_1032 = arith.remsi %add3A_1028, %rem3A_1031 : vector<16xi32>
      %mul3A_1033 = arith.constant 2 : i32
      %mul3A_1034 = vector.broadcast %mul3A_1033 : i32 to vector<16xi32>
      %mul3A_1035 = arith.muli %iota3A, %mul3A_1034 : vector<16xi32>
      %add3A_1036 = arith.constant 1 : i32
      %add3A_1037 = vector.broadcast %add3A_1036 : i32 to vector<16xi32>
      %add3A_1038 = arith.addi %mul3A_1035, %add3A_1037 : vector<16xi32>
      %div3A_1039 = arith.constant 8 : i32
      %div3A_1040 = vector.broadcast %div3A_1039 : i32 to vector<16xi32>
      %div3A_1041 = arith.divsi %add3A_1038, %div3A_1040 : vector<16xi32>
      %rem3A_1042 = arith.constant 8 : i32
      %rem3A_1043 = vector.broadcast %rem3A_1042 : i32 to vector<16xi32>
      %rem3A_1044 = arith.remsi %add3A_1038, %rem3A_1043 : vector<16xi32>
      %mul3A_1045 = arith.constant 2 : i32
      %mul3A_1046 = vector.broadcast %mul3A_1045 : i32 to vector<16xi32>
      %mul3A_1047 = arith.muli %iota3A, %mul3A_1046 : vector<16xi32>
      %add3A_1048 = arith.constant 32 : i32
      %add3A_1049 = vector.broadcast %add3A_1048 : i32 to vector<16xi32>
      %add3A_1050 = arith.addi %mul3A_1047, %add3A_1049 : vector<16xi32>
      %div3A_1051 = arith.constant 8 : i32
      %div3A_1052 = vector.broadcast %div3A_1051 : i32 to vector<16xi32>
      %div3A_1053 = arith.divsi %add3A_1050, %div3A_1052 : vector<16xi32>
      %rem3A_1054 = arith.constant 8 : i32
      %rem3A_1055 = vector.broadcast %rem3A_1054 : i32 to vector<16xi32>
      %rem3A_1056 = arith.remsi %add3A_1050, %rem3A_1055 : vector<16xi32>
      %mul3A_1057 = arith.constant 2 : i32
      %mul3A_1058 = vector.broadcast %mul3A_1057 : i32 to vector<16xi32>
      %mul3A_1059 = arith.muli %iota3A, %mul3A_1058 : vector<16xi32>
      %add3A_1060 = arith.constant 33 : i32
      %add3A_1061 = vector.broadcast %add3A_1060 : i32 to vector<16xi32>
      %add3A_1062 = arith.addi %mul3A_1059, %add3A_1061 : vector<16xi32>
      %div3A_1063 = arith.constant 8 : i32
      %div3A_1064 = vector.broadcast %div3A_1063 : i32 to vector<16xi32>
      %div3A_1065 = arith.divsi %add3A_1062, %div3A_1064 : vector<16xi32>
      %rem3A_1066 = arith.constant 8 : i32
      %rem3A_1067 = vector.broadcast %rem3A_1066 : i32 to vector<16xi32>
      %rem3A_1068 = arith.remsi %add3A_1062, %rem3A_1067 : vector<16xi32>
      %parallel_loop3A = arith.constant 0 : i32
      %parallel_loop3A_1069 = arith.constant 128 : i32
      %parallel_loop3A_1070 = arith.constant 1 : i32
      scf.for %parallel_loop3A_1372 = %parallel_loop3A to %parallel_loop3A_1069 step %parallel_loop3A_1070  : i32 {
        %parallel_loop3A_1373 = arith.constant 0 : i32
        %parallel_loop3A_1374 = vector.broadcast %parallel_loop3A_1373 : i32 to vector<16xi32>
        %parallel_loop3A_1375 = vector.broadcast %parallel_loop3A_1372 : i32 to vector<16xi32>
        %parallel_loop3A_1376 = arith.addi %parallel_loop3A_1374, %parallel_loop3A_1375 : vector<16xi32>
        %parallel_loop3A_1377 = arith.constant 0 : i32
        %parallel_loop3A_1378 = arith.constant 0 : i32
        %parallel_loop3A_1379 = arith.index_cast %parallel_loop3A_1377 : i32 to index
        %parallel_loop3A_1380 = arith.index_cast %parallel_loop3A_1378 : i32 to index
        %parallel_loop3A_1381 = arith.index_cast %parallel_loop3A_1372 : i32 to index
        %parallel_loop3A_1382 = arith.constant 0 : index
        %parallel_loop3A_1383 = tpu.vector_load %arg11[%parallel_loop3A_1379, %parallel_loop3A_1380, %parallel_loop3A_1381, %parallel_loop3A_1382] {strides = array<i32>} : memref<2x3x128x64xbf16, #tpu.memory_space<vmem>>, vector<32xbf16>,
        %parallel_loop3A_1384 = arith.constant 0 : i32
        %parallel_loop3A_1385 = arith.constant 1 : i32
        %parallel_loop3A_1386 = arith.index_cast %parallel_loop3A_1384 : i32 to index
        %parallel_loop3A_1387 = arith.index_cast %parallel_loop3A_1385 : i32 to index
        %parallel_loop3A_1388 = arith.index_cast %parallel_loop3A_1372 : i32 to index
        %parallel_loop3A_1389 = arith.constant 0 : index
        %parallel_loop3A_1390 = tpu.vector_load %arg11[%parallel_loop3A_1386, %parallel_loop3A_1387, %parallel_loop3A_1388, %parallel_loop3A_1389] {strides = array<i32>} : memref<2x3x128x64xbf16, #tpu.memory_space<vmem>>, vector<32xbf16>,
        %parallel_loop3A_1391 = arith.addf %parallel_loop3A_1383, %parallel_loop3A_1390 : vector<32xbf16>
        %parallel_loop3A_1392 = arith.constant 0 : i32
        %parallel_loop3A_1393 = arith.constant 2 : i32
        %parallel_loop3A_1394 = arith.index_cast %parallel_loop3A_1392 : i32 to index
        %parallel_loop3A_1395 = arith.index_cast %parallel_loop3A_1393 : i32 to index
        %parallel_loop3A_1396 = arith.index_cast %parallel_loop3A_1372 : i32 to index
        %parallel_loop3A_1397 = arith.constant 0 : index
        %parallel_loop3A_1398 = tpu.vector_load %arg11[%parallel_loop3A_1394, %parallel_loop3A_1395, %parallel_loop3A_1396, %parallel_loop3A_1397] {strides = array<i32>} : memref<2x3x128x64xbf16, #tpu.memory_space<vmem>>, vector<32xbf16>,
        %parallel_loop3A_1399 = arith.addf %parallel_loop3A_1391, %parallel_loop3A_1398 : vector<32xbf16>
        %parallel_loop3A_1400 = tpu.unpack_subelements %parallel_loop3A_1399, 0 {pack_format = #tpu.pack_format<interleaved>} : vector<32xbf16> -> vector<16xf32>
        %parallel_loop3A_1401 = tpu.unpack_subelements %parallel_loop3A_1399, 1 {pack_format = #tpu.pack_format<interleaved>} : vector<32xbf16> -> vector<16xf32>
        %parallel_loop3A_1402 = arith.constant 0 : i32
        %parallel_loop3A_1403 = arith.constant 0 : i32
        %parallel_loop3A_1404 = arith.constant 0 : i32
        %parallel_loop3A_1405 = arith.constant 0 : i32
        %parallel_loop3A_1406 = tpu.memref_slice %arg13[%parallel_loop3A_1402, %parallel_loop3A_1403, %parallel_loop3A_1404, %parallel_loop3A_1405] : memref<2x8x8x129xf32, #tpu.memory_space<vmem>> -> memref<1x8x8x129xf32, #tpu.memory_space<vmem>>
        %parallel_loop3A_1407 = tpu.memref_squeeze %parallel_loop3A_1406 : memref<1x8x8x129xf32, #tpu.memory_space<vmem>> -> memref<8x8x129xf32, #tpu.memory_space<vmem>>
        tpu.vector_store_idx %parallel_loop3A_1407[%div3A_1030, %rem3A_1032, %parallel_loop3A_1376], %parallel_loop3A_1400 : memref<8x8x129xf32, #tpu.memory_space<vmem>>[vector<16xi32>, vector<16xi32>, vector<16xi32>], vector<16xf32>,
        %parallel_loop3A_1408 = arith.constant 0 : i32
        %parallel_loop3A_1409 = arith.constant 0 : i32
        %parallel_loop3A_1410 = arith.constant 0 : i32
        %parallel_loop3A_1411 = arith.constant 0 : i32
        %parallel_loop3A_1412 = tpu.memref_slice %arg13[%parallel_loop3A_1408, %parallel_loop3A_1409, %parallel_loop3A_1410, %parallel_loop3A_1411] : memref<2x8x8x129xf32, #tpu.memory_space<vmem>> -> memref<1x8x8x129xf32, #tpu.memory_space<vmem>>
        %parallel_loop3A_1413 = tpu.memref_squeeze %parallel_loop3A_1412 : memref<1x8x8x129xf32, #tpu.memory_space<vmem>> -> memref<8x8x129xf32, #tpu.memory_space<vmem>>
        tpu.vector_store_idx %parallel_loop3A_1413[%div3A_1041, %rem3A_1044, %parallel_loop3A_1376], %parallel_loop3A_1401 : memref<8x8x129xf32, #tpu.memory_space<vmem>>[vector<16xi32>, vector<16xi32>, vector<16xi32>], vector<16xf32>,
        %parallel_loop3A_1414 = arith.constant 0 : i32
        %parallel_loop3A_1415 = arith.constant 0 : i32
        %parallel_loop3A_1416 = arith.index_cast %parallel_loop3A_1414 : i32 to index
        %parallel_loop3A_1417 = arith.index_cast %parallel_loop3A_1415 : i32 to index
        %parallel_loop3A_1418 = arith.index_cast %parallel_loop3A_1372 : i32 to index
        %parallel_loop3A_1419 = arith.constant 32 : index
        %parallel_loop3A_1420 = tpu.vector_load %arg11[%parallel_loop3A_1416, %parallel_loop3A_1417, %parallel_loop3A_1418, %parallel_loop3A_1419] {strides = array<i32>} : memref<2x3x128x64xbf16, #tpu.memory_space<vmem>>, vector<32xbf16>,
        %parallel_loop3A_1421 = arith.constant 0 : i32
        %parallel_loop3A_1422 = arith.constant 1 : i32
        %parallel_loop3A_1423 = arith.index_cast %parallel_loop3A_1421 : i32 to index
        %parallel_loop3A_1424 = arith.index_cast %parallel_loop3A_1422 : i32 to index
        %parallel_loop3A_1425 = arith.index_cast %parallel_loop3A_1372 : i32 to index
        %parallel_loop3A_1426 = arith.constant 32 : index
        %parallel_loop3A_1427 = tpu.vector_load %arg11[%parallel_loop3A_1423, %parallel_loop3A_1424, %parallel_loop3A_1425, %parallel_loop3A_1426] {strides = array<i32>} : memref<2x3x128x64xbf16, #tpu.memory_space<vmem>>, vector<32xbf16>,
        %parallel_loop3A_1428 = arith.addf %parallel_loop3A_1420, %parallel_loop3A_1427 : vector<32xbf16>
        %parallel_loop3A_1429 = arith.constant 0 : i32
        %parallel_loop3A_1430 = arith.constant 2 : i32
        %parallel_loop3A_1431 = arith.index_cast %parallel_loop3A_1429 : i32 to index
        %parallel_loop3A_1432 = arith.index_cast %parallel_loop3A_1430 : i32 to index
        %parallel_loop3A_1433 = arith.index_cast %parallel_loop3A_1372 : i32 to index
        %parallel_loop3A_1434 = arith.constant 32 : index
        %parallel_loop3A_1435 = tpu.vector_load %arg11[%parallel_loop3A_1431, %parallel_loop3A_1432, %parallel_loop3A_1433, %parallel_loop3A_1434] {strides = array<i32>} : memref<2x3x128x64xbf16, #tpu.memory_space<vmem>>, vector<32xbf16>,
        %parallel_loop3A_1436 = arith.addf %parallel_loop3A_1428, %parallel_loop3A_1435 : vector<32xbf16>
        %parallel_loop3A_1437 = tpu.unpack_subelements %parallel_loop3A_1436, 0 {pack_format = #tpu.pack_format<interleaved>} : vector<32xbf16> -> vector<16xf32>
        %parallel_loop3A_1438 = tpu.unpack_subelements %parallel_loop3A_1436, 1 {pack_format = #tpu.pack_format<interleaved>} : vector<32xbf16> -> vector<16xf32>
        %parallel_loop3A_1439 = arith.constant 0 : i32
        %parallel_loop3A_1440 = arith.constant 0 : i32
        %parallel_loop3A_1441 = arith.constant 0 : i32
        %parallel_loop3A_1442 = arith.constant 0 : i32
        %parallel_loop3A_1443 = tpu.memref_slice %arg13[%parallel_loop3A_1439, %parallel_loop3A_1440, %parallel_loop3A_1441, %parallel_loop3A_1442] : memref<2x8x8x129xf32, #tpu.memory_space<vmem>> -> memref<1x8x8x129xf32, #tpu.memory_space<vmem>>
        %parallel_loop3A_1444 = tpu.memref_squeeze %parallel_loop3A_1443 : memref<1x8x8x129xf32, #tpu.memory_space<vmem>> -> memref<8x8x129xf32, #tpu.memory_space<vmem>>
        tpu.vector_store_idx %parallel_loop3A_1444[%div3A_1053, %rem3A_1056, %parallel_loop3A_1376], %parallel_loop3A_1437 : memref<8x8x129xf32, #tpu.memory_space<vmem>>[vector<16xi32>, vector<16xi32>, vector<16xi32>], vector<16xf32>,
        %parallel_loop3A_1445 = arith.constant 0 : i32
        %parallel_loop3A_1446 = arith.constant 0 : i32
        %parallel_loop3A_1447 = arith.constant 0 : i32
        %parallel_loop3A_1448 = arith.constant 0 : i32
        %parallel_loop3A_1449 = tpu.memref_slice %arg13[%parallel_loop3A_1445, %parallel_loop3A_1446, %parallel_loop3A_1447, %parallel_loop3A_1448] : memref<2x8x8x129xf32, #tpu.memory_space<vmem>> -> memref<1x8x8x129xf32, #tpu.memory_space<vmem>>
        %parallel_loop3A_1450 = tpu.memref_squeeze %parallel_loop3A_1449 : memref<1x8x8x129xf32, #tpu.memory_space<vmem>> -> memref<8x8x129xf32, #tpu.memory_space<vmem>>
        tpu.vector_store_idx %parallel_loop3A_1450[%div3A_1065, %rem3A_1068, %parallel_loop3A_1376], %parallel_loop3A_1438 : memref<8x8x129xf32, #tpu.memory_space<vmem>>[vector<16xi32>, vector<16xi32>, vector<16xi32>], vector<16xf32>,
      } {sc.loop_unroll_factor = 8 : i64, sc.parallel_access}
      %jit3A = arith.constant 50 : i32
      %div3A_1071 = arith.divsi %add3A_914, %jit3A : i32
      %sign3A = arith.constant 0 : i32
      %sign3A_1072 = arith.cmpi sgt, %add3A_914, %sign3A : i32
      %sign3A_1073 = arith.extui %sign3A_1072 : i1 to i32
      %sign3A_1074 = arith.constant 0 : i32
      %sign3A_1075 = arith.cmpi slt, %add3A_914, %sign3A_1074 : i32
      %sign3A_1076 = arith.extui %sign3A_1075 : i1 to i32
      %sign3A_1077 = arith.subi %sign3A_1073, %sign3A_1076 : i32
      %sign3A_1078 = arith.constant 0 : i32
      %sign3A_1079 = arith.cmpi sgt, %jit3A, %sign3A_1078 : i32
      %sign3A_1080 = arith.extui %sign3A_1079 : i1 to i32
      %sign3A_1081 = arith.constant 0 : i32
      %sign3A_1082 = arith.cmpi slt, %jit3A, %sign3A_1081 : i32
      %sign3A_1083 = arith.extui %sign3A_1082 : i1 to i32
      %sign3A_1084 = arith.subi %sign3A_1080, %sign3A_1083 : i32
      %ne3A = arith.cmpi ne, %sign3A_1077, %sign3A_1084 : i32
      %rem3A_1085 = arith.remsi %add3A_914, %jit3A : i32
      %ne3A_1086 = arith.constant 0 : i32
      %ne3A_1087 = arith.cmpi ne, %rem3A_1085, %ne3A_1086 : i32
      %and3A = arith.andi %ne3A, %ne3A_1087 : i1
      %sub3A = arith.constant 1 : i32
      %sub3A_1088 = arith.subi %div3A_1071, %sub3A : i32
      %select_n3A = arith.select %and3A, %sub3A_1088, %div3A_1071 : i32
      %jit3A_1089 = arith.constant 50 : i32
      %eq3A_1090 = arith.constant 0 : i32
      %eq3A_1091 = arith.cmpi eq, %jit3A_1089, %eq3A_1090 : i32
      %jit3A_1092 = arith.constant 1 : i32
      %select_n3A_1093 = arith.select %eq3A_1091, %jit3A_1092, %jit3A_1089 : i32
      %rem3A_1094 = arith.remsi %add3A_914, %select_n3A_1093 : i32
      %ne3A_1095 = arith.constant 0 : i32
      %ne3A_1096 = arith.cmpi ne, %rem3A_1094, %ne3A_1095 : i32
      %lt3A_1097 = arith.constant 0 : i32
      %lt3A_1098 = arith.cmpi slt, %rem3A_1094, %lt3A_1097 : i32
      %lt3A_1099 = arith.constant 0 : i32
      %lt3A_1100 = arith.cmpi slt, %select_n3A_1093, %lt3A_1099 : i32
      %ne3A_1101 = arith.xori %lt3A_1098, %lt3A_1100 : i1
      %and3A_1102 = arith.andi %ne3A_1101, %ne3A_1096 : i1
      %add3A_1103 = arith.addi %rem3A_1094, %select_n3A_1093 : i32
      %select_n3A_1104 = arith.select %and3A_1102, %add3A_1103, %rem3A_1094 : i32
      %mul3A_1105 = arith.constant 4 : i32
      %mul3A_1106 = arith.muli %add3A, %mul3A_1105 : i32
      %add3A_1107 = arith.addi %mul3A_1106, %select_n3A : i32
      %dma_start3A_1108 = arith.constant 0 : i32
      %dma_start3A_1109 = arith.constant 0 : i32
      %dma_start3A_1110 = arith.constant 0 : i32
      %dma_start3A_1111 = arith.constant 0 : i32
      %dma_start3A_1112 = tpu.memref_slice %arg13[%dma_start3A_1108, %dma_start3A_1109, %dma_start3A_1110, %dma_start3A_1111] : memref<2x8x8x129xf32, #tpu.memory_space<vmem>> -> memref<1x8x8x129xf32, #tpu.memory_space<vmem>>
      %dma_start3A_1113 = tpu.memref_squeeze %dma_start3A_1112 : memref<1x8x8x129xf32, #tpu.memory_space<vmem>> -> memref<8x8x129xf32, #tpu.memory_space<vmem>>
      %dma_start3A_1114 = arith.constant 0 : i32
      %dma_start3A_1115 = arith.constant 0 : i32
      %dma_start3A_1116 = arith.constant 0 : i32
      %dma_start3A_1117 = tpu.memref_slice %dma_start3A_1113[%dma_start3A_1114, %dma_start3A_1115, %dma_start3A_1116] : memref<8x8x129xf32, #tpu.memory_space<vmem>> -> memref<8x8x128xf32, #tpu.memory_space<vmem>>
      %dma_start3A_1118 = arith.constant 0 : i32
      %dma_start3A_1119 = arith.constant 0 : i32
      %dma_start3A_1120 = arith.constant 0 : i32
      %dma_start3A_1121 = tpu.memref_slice %arg7[%select_n3A_1104, %dma_start3A_1118, %add3A_1107, %dma_start3A_1119, %dma_start3A_1120] : memref<50x8x128x8x128xf32, #tpu.memory_space<hbm>> -> memref<1x8x1x8x128xf32, #tpu.memory_space<hbm>>
      %dma_start3A_1122 = tpu.memref_squeeze %dma_start3A_1121 : memref<1x8x1x8x128xf32, #tpu.memory_space<hbm>> -> memref<8x8x128xf32, #tpu.memory_space<hbm>>
      %dma_start3A_1123 = arith.constant 0 : i32
      %dma_start3A_1124 = arith.constant 0 : i32
      %dma_start3A_1125 = arith.constant 0 : i32
      %dma_start3A_1126 = tpu.memref_slice %arg7[%select_n3A_1104, %dma_start3A_1123, %add3A_1107, %dma_start3A_1124, %dma_start3A_1125] : memref<50x8x128x8x128xf32, #tpu.memory_space<hbm>> -> memref<1x8x1x8x128xf32, #tpu.memory_space<hbm>>
      %dma_start3A_1127 = tpu.memref_squeeze %dma_start3A_1126 : memref<1x8x1x8x128xf32, #tpu.memory_space<hbm>> -> memref<8x8x128xf32, #tpu.memory_space<hbm>>
      %dma_start3A_1128 = arith.constant 0 : i32
      %dma_start3A_1129 = arith.constant 0 : i32
      %dma_start3A_1130 = arith.constant 0 : i32
      %dma_start3A_1131 = tpu.memref_slice %arg13[%dma_start3A_1108, %dma_start3A_1128, %dma_start3A_1129, %dma_start3A_1130] : memref<2x8x8x129xf32, #tpu.memory_space<vmem>> -> memref<1x8x8x129xf32, #tpu.memory_space<vmem>>
      %dma_start3A_1132 = tpu.memref_squeeze %dma_start3A_1131 : memref<1x8x8x129xf32, #tpu.memory_space<vmem>> -> memref<8x8x129xf32, #tpu.memory_space<vmem>>
      %dma_start3A_1133 = arith.constant 0 : i32
      %dma_start3A_1134 = arith.constant 0 : i32
      %dma_start3A_1135 = arith.constant 0 : i32
      %dma_start3A_1136 = tpu.memref_slice %dma_start3A_1132[%dma_start3A_1133, %dma_start3A_1134, %dma_start3A_1135] : memref<8x8x129xf32, #tpu.memory_space<vmem>> -> memref<8x8x128xf32, #tpu.memory_space<vmem>>
      tpu.enqueue_dma source(%dma_start3A_1136 : memref<8x8x128xf32, #tpu.memory_space<vmem>>) target(%dma_start3A_1127 : memref<8x8x128xf32, #tpu.memory_space<hbm>>) target_semaphore(%arg20 : memref<!tpu.dma_semaphore, #tpu.memory_space<semaphore_mem>>)
      %add3A_1137 = arith.constant 1 : i32
      %add3A_1138 = arith.addi %add3A_914, %add3A_1137 : i32
      %add3A_1139 = arith.constant 3 : i32
      %add3A_1140 = arith.addi %add3A_1138, %add3A_1139 : i32
      %lt3A_1141 = arith.constant 200 : i32
      %lt3A_1142 = arith.cmpi slt, %add3A_1140, %lt3A_1141 : i32
      %convert_element_type3A_1143 = arith.extui %lt3A_1142 : i1 to i32
      %cond3A_1144 = arith.constant 0 : i32
      %cond3A_1145 = arith.cmpi ne, %convert_element_type3A_1143, %cond3A_1144 : i32
      scf.if %cond3A_1145 {
        %add3A_1372 = arith.constant 3 : i32
        %add3A_1373 = arith.addi %add3A_1138, %add3A_1372 : i32
        %jit3A_1374 = arith.constant 50 : i32
        %div3A_1375 = arith.divsi %add3A_1373, %jit3A_1374 : i32
        %sign3A_1376 = arith.constant 0 : i32
        %sign3A_1377 = arith.cmpi sgt, %add3A_1373, %sign3A_1376 : i32
        %sign3A_1378 = arith.extui %sign3A_1377 : i1 to i32
        %sign3A_1379 = arith.constant 0 : i32
        %sign3A_1380 = arith.cmpi slt, %add3A_1373, %sign3A_1379 : i32
        %sign3A_1381 = arith.extui %sign3A_1380 : i1 to i32
        %sign3A_1382 = arith.subi %sign3A_1378, %sign3A_1381 : i32
        %sign3A_1383 = arith.constant 0 : i32
        %sign3A_1384 = arith.cmpi sgt, %jit3A_1374, %sign3A_1383 : i32
        %sign3A_1385 = arith.extui %sign3A_1384 : i1 to i32
        %sign3A_1386 = arith.constant 0 : i32
        %sign3A_1387 = arith.cmpi slt, %jit3A_1374, %sign3A_1386 : i32
        %sign3A_1388 = arith.extui %sign3A_1387 : i1 to i32
        %sign3A_1389 = arith.subi %sign3A_1385, %sign3A_1388 : i32
        %ne3A_1390 = arith.cmpi ne, %sign3A_1382, %sign3A_1389 : i32
        %rem3A_1391 = arith.remsi %add3A_1373, %jit3A_1374 : i32
        %ne3A_1392 = arith.constant 0 : i32
        %ne3A_1393 = arith.cmpi ne, %rem3A_1391, %ne3A_1392 : i32
        %and3A_1394 = arith.andi %ne3A_1390, %ne3A_1393 : i1
        %sub3A_1395 = arith.constant 1 : i32
        %sub3A_1396 = arith.subi %div3A_1375, %sub3A_1395 : i32
        %select_n3A_1397 = arith.select %and3A_1394, %sub3A_1396, %div3A_1375 : i32
        %jit3A_1398 = arith.constant 50 : i32
        %eq3A_1399 = arith.constant 0 : i32
        %eq3A_1400 = arith.cmpi eq, %jit3A_1398, %eq3A_1399 : i32
        %jit3A_1401 = arith.constant 1 : i32
        %select_n3A_1402 = arith.select %eq3A_1400, %jit3A_1401, %jit3A_1398 : i32
        %rem3A_1403 = arith.remsi %add3A_1373, %select_n3A_1402 : i32
        %ne3A_1404 = arith.constant 0 : i32
        %ne3A_1405 = arith.cmpi ne, %rem3A_1403, %ne3A_1404 : i32
        %lt3A_1406 = arith.constant 0 : i32
        %lt3A_1407 = arith.cmpi slt, %rem3A_1403, %lt3A_1406 : i32
        %lt3A_1408 = arith.constant 0 : i32
        %lt3A_1409 = arith.cmpi slt, %select_n3A_1402, %lt3A_1408 : i32
        %ne3A_1410 = arith.xori %lt3A_1407, %lt3A_1409 : i1
        %and3A_1411 = arith.andi %ne3A_1410, %ne3A_1405 : i1
        %add3A_1412 = arith.addi %rem3A_1403, %select_n3A_1402 : i32
        %select_n3A_1413 = arith.select %and3A_1411, %add3A_1412, %rem3A_1403 : i32
        %mul3A_1414 = arith.constant 16384 : i32
        %mul3A_1415 = arith.muli %select_n3A_1413, %mul3A_1414 : i32
        %mul3A_1416 = arith.constant 512 : i32
        %mul3A_1417 = arith.muli %add3A, %mul3A_1416 : i32
        %add3A_1418 = arith.addi %mul3A_1415, %mul3A_1417 : i32
        %mul3A_1419 = arith.constant 128 : i32
        %mul3A_1420 = arith.muli %select_n3A_1397, %mul3A_1419 : i32
        %add3A_1421 = arith.addi %add3A_1418, %mul3A_1420 : i32
        %multiple_of3A_1422 = tpu.assume_multiple %add3A_1421, 128 : i32
        %dma_start3A_1423 = arith.constant 0 : i32
        %dma_start3A_1424 = arith.constant 0 : i32
        %dma_start3A_1425 = tpu.memref_slice %arg8[%dma_start3A_1423, %dma_start3A_1424] : memref<2x128xi32, #tpu.memory_space<vmem>> -> memref<1x128xi32, #tpu.memory_space<vmem>>
        %dma_start3A_1426 = tpu.memref_squeeze %dma_start3A_1425 : memref<1x128xi32, #tpu.memory_space<vmem>> -> memref<128xi32, #tpu.memory_space<vmem>>
        %dma_start3A_1427 = tpu.memref_slice %arg2[%multiple_of3A_1422] : memref<819200xi32, #tpu.memory_space<hbm>> -> memref<128xi32, #tpu.memory_space<hbm>>
        %dma_start3A_1428 = arith.constant 0 : i32
        %dma_start3A_1429 = tpu.memref_slice %arg8[%dma_start3A_1423, %dma_start3A_1428] : memref<2x128xi32, #tpu.memory_space<vmem>> -> memref<1x128xi32, #tpu.memory_space<vmem>>
        %dma_start3A_1430 = tpu.memref_squeeze %dma_start3A_1429 : memref<1x128xi32, #tpu.memory_space<vmem>> -> memref<128xi32, #tpu.memory_space<vmem>>
        %dma_start3A_1431 = tpu.memref_slice %arg2[%multiple_of3A_1422] : memref<819200xi32, #tpu.memory_space<hbm>> -> memref<128xi32, #tpu.memory_space<hbm>>
        tpu.enqueue_dma source(%dma_start3A_1431 : memref<128xi32, #tpu.memory_space<hbm>>) target(%dma_start3A_1430 : memref<128xi32, #tpu.memory_space<vmem>>) target_semaphore(%arg14 : memref<!tpu.dma_semaphore, #tpu.memory_space<semaphore_mem>>)
      } else {
      }
      %add3A_1146 = arith.constant 1 : i32
      %add3A_1147 = arith.addi %add3A_1138, %add3A_1146 : i32
      %lt3A_1148 = arith.constant 200 : i32
      %lt3A_1149 = arith.cmpi slt, %add3A_1147, %lt3A_1148 : i32
      %convert_element_type3A_1150 = arith.extui %lt3A_1149 : i1 to i32
      %cond3A_1151 = arith.constant 0 : i32
      %cond3A_1152 = arith.cmpi ne, %convert_element_type3A_1150, %cond3A_1151 : i32
      scf.if %cond3A_1152 {
        %dma_wait3A_1372 = arith.constant 0 : i32
        %dma_wait3A_1373 = arith.constant 0 : i32
        %dma_wait3A_1374 = arith.constant 0 : i32
        %dma_wait3A_1375 = arith.constant 0 : i32
        %dma_wait3A_1376 = arith.constant 0 : i32
        %dma_wait3A_1377 = arith.constant 0 : i32
        %dma_wait3A_1378 = tpu.memref_slice %arg10[%dma_wait3A_1374, %dma_wait3A_1376, %dma_wait3A_1377] : memref<2x3x128xi32, #tpu.memory_space<vmem>> -> memref<1x3x128xi32, #tpu.memory_space<vmem>>
        %dma_wait3A_1379 = tpu.memref_squeeze %dma_wait3A_1378 : memref<1x3x128xi32, #tpu.memory_space<vmem>> -> memref<3x128xi32, #tpu.memory_space<vmem>>
        %dma_wait3A_1380 = arith.constant 0 : i32
        %dma_wait3A_1381 = tpu.memref_slice %dma_wait3A_1379[%dma_wait3A_1375, %dma_wait3A_1380] : memref<3x128xi32, #tpu.memory_space<vmem>> -> memref<1x128xi32, #tpu.memory_space<vmem>>
        %dma_wait3A_1382 = tpu.memref_squeeze %dma_wait3A_1381 : memref<1x128xi32, #tpu.memory_space<vmem>> -> memref<128xi32, #tpu.memory_space<vmem>>
        %dma_wait3A_1383 = arith.constant 0 : i32
        %dma_wait3A_1384 = arith.constant 0 : i32
        %dma_wait3A_1385 = tpu.memref_slice %arg9[%dma_wait3A_1372, %dma_wait3A_1383, %dma_wait3A_1384] : memref<2x3x128xi32, #tpu.memory_space<vmem>> -> memref<1x3x128xi32, #tpu.memory_space<vmem>>
        %dma_wait3A_1386 = tpu.memref_squeeze %dma_wait3A_1385 : memref<1x3x128xi32, #tpu.memory_space<vmem>> -> memref<3x128xi32, #tpu.memory_space<vmem>>
        %dma_wait3A_1387 = arith.constant 0 : i32
        %dma_wait3A_1388 = tpu.memref_slice %dma_wait3A_1386[%dma_wait3A_1373, %dma_wait3A_1387] : memref<3x128xi32, #tpu.memory_space<vmem>> -> memref<1x128xi32, #tpu.memory_space<vmem>>
        %dma_wait3A_1389 = tpu.memref_squeeze %dma_wait3A_1388 : memref<1x128xi32, #tpu.memory_space<vmem>> -> memref<128xi32, #tpu.memory_space<vmem>>
        %dma_wait3A_1390 = arith.constant 0 : i32
        %dma_wait3A_1391 = tpu.memref_slice %arg3[%dma_wait3A_1390] : memref<3000000xi32, #tpu.memory_space<hbm>> -> memref<3000000xi32, #tpu.memory_space<hbm>>
        tpu.wait_indirect_dma semaphore(%arg16 : memref<!tpu.dma_semaphore, #tpu.memory_space<semaphore_mem>>) src(%dma_wait3A_1391 : memref<3000000xi32, #tpu.memory_space<hbm>>) dst(%dma_wait3A_1382 : memref<128xi32, #tpu.memory_space<vmem>>)
        %dma_wait3A_1392 = arith.constant 0 : i32
        %dma_wait3A_1393 = arith.constant 1 : i32
        %dma_wait3A_1394 = arith.constant 0 : i32
        %dma_wait3A_1395 = arith.constant 1 : i32
        %dma_wait3A_1396 = arith.constant 0 : i32
        %dma_wait3A_1397 = arith.constant 0 : i32
        %dma_wait3A_1398 = tpu.memref_slice %arg10[%dma_wait3A_1394, %dma_wait3A_1396, %dma_wait3A_1397] : memref<2x3x128xi32, #tpu.memory_space<vmem>> -> memref<1x3x128xi32, #tpu.memory_space<vmem>>
        %dma_wait3A_1399 = tpu.memref_squeeze %dma_wait3A_1398 : memref<1x3x128xi32, #tpu.memory_space<vmem>> -> memref<3x128xi32, #tpu.memory_space<vmem>>
        %dma_wait3A_1400 = arith.constant 0 : i32
        %dma_wait3A_1401 = tpu.memref_slice %dma_wait3A_1399[%dma_wait3A_1395, %dma_wait3A_1400] : memref<3x128xi32, #tpu.memory_space<vmem>> -> memref<1x128xi32, #tpu.memory_space<vmem>>
        %dma_wait3A_1402 = tpu.memref_squeeze %dma_wait3A_1401 : memref<1x128xi32, #tpu.memory_space<vmem>> -> memref<128xi32, #tpu.memory_space<vmem>>
        %dma_wait3A_1403 = arith.constant 0 : i32
        %dma_wait3A_1404 = arith.constant 0 : i32
        %dma_wait3A_1405 = tpu.memref_slice %arg9[%dma_wait3A_1392, %dma_wait3A_1403, %dma_wait3A_1404] : memref<2x3x128xi32, #tpu.memory_space<vmem>> -> memref<1x3x128xi32, #tpu.memory_space<vmem>>
        %dma_wait3A_1406 = tpu.memref_squeeze %dma_wait3A_1405 : memref<1x3x128xi32, #tpu.memory_space<vmem>> -> memref<3x128xi32, #tpu.memory_space<vmem>>
        %dma_wait3A_1407 = arith.constant 0 : i32
        %dma_wait3A_1408 = tpu.memref_slice %dma_wait3A_1406[%dma_wait3A_1393, %dma_wait3A_1407] : memref<3x128xi32, #tpu.memory_space<vmem>> -> memref<1x128xi32, #tpu.memory_space<vmem>>
        %dma_wait3A_1409 = tpu.memref_squeeze %dma_wait3A_1408 : memref<1x128xi32, #tpu.memory_space<vmem>> -> memref<128xi32, #tpu.memory_space<vmem>>
        %dma_wait3A_1410 = arith.constant 0 : i32
        %dma_wait3A_1411 = tpu.memref_slice %arg3[%dma_wait3A_1410] : memref<3000000xi32, #tpu.memory_space<hbm>> -> memref<3000000xi32, #tpu.memory_space<hbm>>
        tpu.wait_indirect_dma semaphore(%arg16 : memref<!tpu.dma_semaphore, #tpu.memory_space<semaphore_mem>>) src(%dma_wait3A_1411 : memref<3000000xi32, #tpu.memory_space<hbm>>) dst(%dma_wait3A_1402 : memref<128xi32, #tpu.memory_space<vmem>>)
        %dma_wait3A_1412 = arith.constant 0 : i32
        %dma_wait3A_1413 = arith.constant 2 : i32
        %dma_wait3A_1414 = arith.constant 0 : i32
        %dma_wait3A_1415 = arith.constant 2 : i32
        %dma_wait3A_1416 = arith.constant 0 : i32
        %dma_wait3A_1417 = arith.constant 0 : i32
        %dma_wait3A_1418 = tpu.memref_slice %arg10[%dma_wait3A_1414, %dma_wait3A_1416, %dma_wait3A_1417] : memref<2x3x128xi32, #tpu.memory_space<vmem>> -> memref<1x3x128xi32, #tpu.memory_space<vmem>>
        %dma_wait3A_1419 = tpu.memref_squeeze %dma_wait3A_1418 : memref<1x3x128xi32, #tpu.memory_space<vmem>> -> memref<3x128xi32, #tpu.memory_space<vmem>>
        %dma_wait3A_1420 = arith.constant 0 : i32
        %dma_wait3A_1421 = tpu.memref_slice %dma_wait3A_1419[%dma_wait3A_1415, %dma_wait3A_1420] : memref<3x128xi32, #tpu.memory_space<vmem>> -> memref<1x128xi32, #tpu.memory_space<vmem>>
        %dma_wait3A_1422 = tpu.memref_squeeze %dma_wait3A_1421 : memref<1x128xi32, #tpu.memory_space<vmem>> -> memref<128xi32, #tpu.memory_space<vmem>>
        %dma_wait3A_1423 = arith.constant 0 : i32
        %dma_wait3A_1424 = arith.constant 0 : i32
        %dma_wait3A_1425 = tpu.memref_slice %arg9[%dma_wait3A_1412, %dma_wait3A_1423, %dma_wait3A_1424] : memref<2x3x128xi32, #tpu.memory_space<vmem>> -> memref<1x3x128xi32, #tpu.memory_space<vmem>>
        %dma_wait3A_1426 = tpu.memref_squeeze %dma_wait3A_1425 : memref<1x3x128xi32, #tpu.memory_space<vmem>> -> memref<3x128xi32, #tpu.memory_space<vmem>>
        %dma_wait3A_1427 = arith.constant 0 : i32
        %dma_wait3A_1428 = tpu.memref_slice %dma_wait3A_1426[%dma_wait3A_1413, %dma_wait3A_1427] : memref<3x128xi32, #tpu.memory_space<vmem>> -> memref<1x128xi32, #tpu.memory_space<vmem>>
        %dma_wait3A_1429 = tpu.memref_squeeze %dma_wait3A_1428 : memref<1x128xi32, #tpu.memory_space<vmem>> -> memref<128xi32, #tpu.memory_space<vmem>>
        %dma_wait3A_1430 = arith.constant 0 : i32
        %dma_wait3A_1431 = tpu.memref_slice %arg3[%dma_wait3A_1430] : memref<3000000xi32, #tpu.memory_space<hbm>> -> memref<3000000xi32, #tpu.memory_space<hbm>>
        tpu.wait_indirect_dma semaphore(%arg16 : memref<!tpu.dma_semaphore, #tpu.memory_space<semaphore_mem>>) src(%dma_wait3A_1431 : memref<3000000xi32, #tpu.memory_space<hbm>>) dst(%dma_wait3A_1422 : memref<128xi32, #tpu.memory_space<vmem>>)
        %dma_start3A_1432 = arith.constant 0 : i32
        %dma_start3A_1433 = arith.constant 0 : i32
        %dma_start3A_1434 = arith.constant 0 : i32
        %dma_start3A_1435 = arith.constant 0 : i32
        %dma_start3A_1436 = arith.constant 0 : i32
        %dma_start3A_1437 = arith.constant 0 : i32
        %dma_start3A_1438 = arith.constant 0 : i32
        %dma_start3A_1439 = arith.constant 0 : i32
        %dma_start3A_1440 = tpu.memref_slice %arg11[%dma_start3A_1435, %dma_start3A_1437, %dma_start3A_1438, %dma_start3A_1439] : memref<2x3x128x64xbf16, #tpu.memory_space<vmem>> -> memref<1x3x128x64xbf16, #tpu.memory_space<vmem>>
        %dma_start3A_1441 = tpu.memref_squeeze %dma_start3A_1440 : memref<1x3x128x64xbf16, #tpu.memory_space<vmem>> -> memref<3x128x64xbf16, #tpu.memory_space<vmem>>
        %dma_start3A_1442 = arith.constant 0 : i32
        %dma_start3A_1443 = arith.constant 0 : i32
        %dma_start3A_1444 = tpu.memref_slice %dma_start3A_1441[%dma_start3A_1436, %dma_start3A_1442, %dma_start3A_1443] : memref<3x128x64xbf16, #tpu.memory_space<vmem>> -> memref<1x128x64xbf16, #tpu.memory_space<vmem>>
        %dma_start3A_1445 = tpu.memref_squeeze %dma_start3A_1444 : memref<1x128x64xbf16, #tpu.memory_space<vmem>> -> memref<128x64xbf16, #tpu.memory_space<vmem>>
        %dma_start3A_1446 = arith.constant 0 : i32
        %dma_start3A_1447 = arith.constant 0 : i32
        %dma_start3A_1448 = tpu.memref_slice %arg10[%dma_start3A_1433, %dma_start3A_1446, %dma_start3A_1447] : memref<2x3x128xi32, #tpu.memory_space<vmem>> -> memref<1x3x128xi32, #tpu.memory_space<vmem>>
        %dma_start3A_1449 = tpu.memref_squeeze %dma_start3A_1448 : memref<1x3x128xi32, #tpu.memory_space<vmem>> -> memref<3x128xi32, #tpu.memory_space<vmem>>
        %dma_start3A_1450 = arith.constant 0 : i32
        %dma_start3A_1451 = tpu.memref_slice %dma_start3A_1449[%dma_start3A_1434, %dma_start3A_1450] : memref<3x128xi32, #tpu.memory_space<vmem>> -> memref<1x128xi32, #tpu.memory_space<vmem>>
        %dma_start3A_1452 = tpu.memref_squeeze %dma_start3A_1451 : memref<1x128xi32, #tpu.memory_space<vmem>> -> memref<128xi32, #tpu.memory_space<vmem>>
        %dma_start3A_1453 = arith.constant 0 : i32
        %dma_start3A_1454 = arith.constant 0 : i32
        %dma_start3A_1455 = tpu.memref_slice %arg12[%dma_start3A_1432, %dma_start3A_1453, %dma_start3A_1454] : memref<3x1024x64xbf16, #tpu.memory_space<vmem_shared>> -> memref<1x1024x64xbf16, #tpu.memory_space<vmem_shared>>
        %dma_start3A_1456 = tpu.memref_squeeze %dma_start3A_1455 : memref<1x1024x64xbf16, #tpu.memory_space<vmem_shared>> -> memref<1024x64xbf16, #tpu.memory_space<vmem_shared>>
        %dma_start3A_1457 = arith.constant 0 : i32
        %dma_start3A_1458 = arith.constant 0 : i32
        %dma_start3A_1459 = tpu.memref_slice %dma_start3A_1456[%dma_start3A_1457, %dma_start3A_1458] : memref<1024x64xbf16, #tpu.memory_space<vmem_shared>> -> memref<1024x64xbf16, #tpu.memory_space<vmem_shared>>
        tpu.enqueue_indirect_dma source(%dma_start3A_1459 : memref<1024x64xbf16, #tpu.memory_space<vmem_shared>>) target(%dma_start3A_1445 : memref<128x64xbf16, #tpu.memory_space<vmem>>) offsets(%dma_start3A_1452 : memref<128xi32, #tpu.memory_space<vmem>>) semaphore(%arg18 : memref<!tpu.dma_semaphore, #tpu.memory_space<semaphore_mem>>)
        %dma_start3A_1460 = arith.constant 1 : i32
        %dma_start3A_1461 = arith.constant 0 : i32
        %dma_start3A_1462 = arith.constant 1 : i32
        %dma_start3A_1463 = arith.constant 0 : i32
        %dma_start3A_1464 = arith.constant 1 : i32
        %dma_start3A_1465 = arith.constant 0 : i32
        %dma_start3A_1466 = arith.constant 0 : i32
        %dma_start3A_1467 = arith.constant 0 : i32
        %dma_start3A_1468 = tpu.memref_slice %arg11[%dma_start3A_1463, %dma_start3A_1465, %dma_start3A_1466, %dma_start3A_1467] : memref<2x3x128x64xbf16, #tpu.memory_space<vmem>> -> memref<1x3x128x64xbf16, #tpu.memory_space<vmem>>
        %dma_start3A_1469 = tpu.memref_squeeze %dma_start3A_1468 : memref<1x3x128x64xbf16, #tpu.memory_space<vmem>> -> memref<3x128x64xbf16, #tpu.memory_space<vmem>>
        %dma_start3A_1470 = arith.constant 0 : i32
        %dma_start3A_1471 = arith.constant 0 : i32
        %dma_start3A_1472 = tpu.memref_slice %dma_start3A_1469[%dma_start3A_1464, %dma_start3A_1470, %dma_start3A_1471] : memref<3x128x64xbf16, #tpu.memory_space<vmem>> -> memref<1x128x64xbf16, #tpu.memory_space<vmem>>
        %dma_start3A_1473 = tpu.memref_squeeze %dma_start3A_1472 : memref<1x128x64xbf16, #tpu.memory_space<vmem>> -> memref<128x64xbf16, #tpu.memory_space<vmem>>
        %dma_start3A_1474 = arith.constant 0 : i32
        %dma_start3A_1475 = arith.constant 0 : i32
        %dma_start3A_1476 = tpu.memref_slice %arg10[%dma_start3A_1461, %dma_start3A_1474, %dma_start3A_1475] : memref<2x3x128xi32, #tpu.memory_space<vmem>> -> memref<1x3x128xi32, #tpu.memory_space<vmem>>
        %dma_start3A_1477 = tpu.memref_squeeze %dma_start3A_1476 : memref<1x3x128xi32, #tpu.memory_space<vmem>> -> memref<3x128xi32, #tpu.memory_space<vmem>>
        %dma_start3A_1478 = arith.constant 0 : i32
        %dma_start3A_1479 = tpu.memref_slice %dma_start3A_1477[%dma_start3A_1462, %dma_start3A_1478] : memref<3x128xi32, #tpu.memory_space<vmem>> -> memref<1x128xi32, #tpu.memory_space<vmem>>
        %dma_start3A_1480 = tpu.memref_squeeze %dma_start3A_1479 : memref<1x128xi32, #tpu.memory_space<vmem>> -> memref<128xi32, #tpu.memory_space<vmem>>
        %dma_start3A_1481 = arith.constant 0 : i32
        %dma_start3A_1482 = arith.constant 0 : i32
        %dma_start3A_1483 = tpu.memref_slice %arg12[%dma_start3A_1460, %dma_start3A_1481, %dma_start3A_1482] : memref<3x1024x64xbf16, #tpu.memory_space<vmem_shared>> -> memref<1x1024x64xbf16, #tpu.memory_space<vmem_shared>>
        %dma_start3A_1484 = tpu.memref_squeeze %dma_start3A_1483 : memref<1x1024x64xbf16, #tpu.memory_space<vmem_shared>> -> memref<1024x64xbf16, #tpu.memory_space<vmem_shared>>
        %dma_start3A_1485 = arith.constant 0 : i32
        %dma_start3A_1486 = arith.constant 0 : i32
        %dma_start3A_1487 = tpu.memref_slice %dma_start3A_1484[%dma_start3A_1485, %dma_start3A_1486] : memref<1024x64xbf16, #tpu.memory_space<vmem_shared>> -> memref<1024x64xbf16, #tpu.memory_space<vmem_shared>>
        tpu.enqueue_indirect_dma source(%dma_start3A_1487 : memref<1024x64xbf16, #tpu.memory_space<vmem_shared>>) target(%dma_start3A_1473 : memref<128x64xbf16, #tpu.memory_space<vmem>>) offsets(%dma_start3A_1480 : memref<128xi32, #tpu.memory_space<vmem>>) semaphore(%arg18 : memref<!tpu.dma_semaphore, #tpu.memory_space<semaphore_mem>>)
        %dma_start3A_1488 = arith.constant 2 : i32
        %dma_start3A_1489 = arith.constant 0 : i32
        %dma_start3A_1490 = arith.constant 2 : i32
        %dma_start3A_1491 = arith.constant 0 : i32
        %dma_start3A_1492 = arith.constant 2 : i32
        %dma_start3A_1493 = arith.constant 0 : i32
        %dma_start3A_1494 = arith.constant 0 : i32
        %dma_start3A_1495 = arith.constant 0 : i32
        %dma_start3A_1496 = tpu.memref_slice %arg11[%dma_start3A_1491, %dma_start3A_1493, %dma_start3A_1494, %dma_start3A_1495] : memref<2x3x128x64xbf16, #tpu.memory_space<vmem>> -> memref<1x3x128x64xbf16, #tpu.memory_space<vmem>>
        %dma_start3A_1497 = tpu.memref_squeeze %dma_start3A_1496 : memref<1x3x128x64xbf16, #tpu.memory_space<vmem>> -> memref<3x128x64xbf16, #tpu.memory_space<vmem>>
        %dma_start3A_1498 = arith.constant 0 : i32
        %dma_start3A_1499 = arith.constant 0 : i32
        %dma_start3A_1500 = tpu.memref_slice %dma_start3A_1497[%dma_start3A_1492, %dma_start3A_1498, %dma_start3A_1499] : memref<3x128x64xbf16, #tpu.memory_space<vmem>> -> memref<1x128x64xbf16, #tpu.memory_space<vmem>>
        %dma_start3A_1501 = tpu.memref_squeeze %dma_start3A_1500 : memref<1x128x64xbf16, #tpu.memory_space<vmem>> -> memref<128x64xbf16, #tpu.memory_space<vmem>>
        %dma_start3A_1502 = arith.constant 0 : i32
        %dma_start3A_1503 = arith.constant 0 : i32
        %dma_start3A_1504 = tpu.memref_slice %arg10[%dma_start3A_1489, %dma_start3A_1502, %dma_start3A_1503] : memref<2x3x128xi32, #tpu.memory_space<vmem>> -> memref<1x3x128xi32, #tpu.memory_space<vmem>>
        %dma_start3A_1505 = tpu.memref_squeeze %dma_start3A_1504 : memref<1x3x128xi32, #tpu.memory_space<vmem>> -> memref<3x128xi32, #tpu.memory_space<vmem>>
        %dma_start3A_1506 = arith.constant 0 : i32
        %dma_start3A_1507 = tpu.memref_slice %dma_start3A_1505[%dma_start3A_1490, %dma_start3A_1506] : memref<3x128xi32, #tpu.memory_space<vmem>> -> memref<1x128xi32, #tpu.memory_space<vmem>>
        %dma_start3A_1508 = tpu.memref_squeeze %dma_start3A_1507 : memref<1x128xi32, #tpu.memory_space<vmem>> -> memref<128xi32, #tpu.memory_space<vmem>>
        %dma_start3A_1509 = arith.constant 0 : i32
        %dma_start3A_1510 = arith.constant 0 : i32
        %dma_start3A_1511 = tpu.memref_slice %arg12[%dma_start3A_1488, %dma_start3A_1509, %dma_start3A_1510] : memref<3x1024x64xbf16, #tpu.memory_space<vmem_shared>> -> memref<1x1024x64xbf16, #tpu.memory_space<vmem_shared>>
        %dma_start3A_1512 = tpu.memref_squeeze %dma_start3A_1511 : memref<1x1024x64xbf16, #tpu.memory_space<vmem_shared>> -> memref<1024x64xbf16, #tpu.memory_space<vmem_shared>>
        %dma_start3A_1513 = arith.constant 0 : i32
        %dma_start3A_1514 = arith.constant 0 : i32
        %dma_start3A_1515 = tpu.memref_slice %dma_start3A_1512[%dma_start3A_1513, %dma_start3A_1514] : memref<1024x64xbf16, #tpu.memory_space<vmem_shared>> -> memref<1024x64xbf16, #tpu.memory_space<vmem_shared>>
        tpu.enqueue_indirect_dma source(%dma_start3A_1515 : memref<1024x64xbf16, #tpu.memory_space<vmem_shared>>) target(%dma_start3A_1501 : memref<128x64xbf16, #tpu.memory_space<vmem>>) offsets(%dma_start3A_1508 : memref<128xi32, #tpu.memory_space<vmem>>) semaphore(%arg18 : memref<!tpu.dma_semaphore, #tpu.memory_space<semaphore_mem>>)
      } else {
      }
      %dma_wait3A_1153 = arith.constant 0 : i32
      %dma_wait3A_1154 = arith.constant 1 : i32
      %dma_wait3A_1155 = arith.constant 0 : i32
      %dma_wait3A_1156 = arith.constant 1 : i32
      %dma_wait3A_1157 = arith.constant 0 : i32
      %dma_wait3A_1158 = arith.constant 0 : i32
      %dma_wait3A_1159 = arith.constant 0 : i32
      %dma_wait3A_1160 = arith.constant 0 : i32
      %dma_wait3A_1161 = tpu.memref_slice %arg11[%dma_wait3A_1156, %dma_wait3A_1158, %dma_wait3A_1159, %dma_wait3A_1160] : memref<2x3x128x64xbf16, #tpu.memory_space<vmem>> -> memref<1x3x128x64xbf16, #tpu.memory_space<vmem>>
      %dma_wait3A_1162 = tpu.memref_squeeze %dma_wait3A_1161 : memref<1x3x128x64xbf16, #tpu.memory_space<vmem>> -> memref<3x128x64xbf16, #tpu.memory_space<vmem>>
      %dma_wait3A_1163 = arith.constant 0 : i32
      %dma_wait3A_1164 = arith.constant 0 : i32
      %dma_wait3A_1165 = tpu.memref_slice %dma_wait3A_1162[%dma_wait3A_1157, %dma_wait3A_1163, %dma_wait3A_1164] : memref<3x128x64xbf16, #tpu.memory_space<vmem>> -> memref<1x128x64xbf16, #tpu.memory_space<vmem>>
      %dma_wait3A_1166 = tpu.memref_squeeze %dma_wait3A_1165 : memref<1x128x64xbf16, #tpu.memory_space<vmem>> -> memref<128x64xbf16, #tpu.memory_space<vmem>>
      %dma_wait3A_1167 = arith.constant 0 : i32
      %dma_wait3A_1168 = arith.constant 0 : i32
      %dma_wait3A_1169 = tpu.memref_slice %arg10[%dma_wait3A_1154, %dma_wait3A_1167, %dma_wait3A_1168] : memref<2x3x128xi32, #tpu.memory_space<vmem>> -> memref<1x3x128xi32, #tpu.memory_space<vmem>>
      %dma_wait3A_1170 = tpu.memref_squeeze %dma_wait3A_1169 : memref<1x3x128xi32, #tpu.memory_space<vmem>> -> memref<3x128xi32, #tpu.memory_space<vmem>>
      %dma_wait3A_1171 = arith.constant 0 : i32
      %dma_wait3A_1172 = tpu.memref_slice %dma_wait3A_1170[%dma_wait3A_1155, %dma_wait3A_1171] : memref<3x128xi32, #tpu.memory_space<vmem>> -> memref<1x128xi32, #tpu.memory_space<vmem>>
      %dma_wait3A_1173 = tpu.memref_squeeze %dma_wait3A_1172 : memref<1x128xi32, #tpu.memory_space<vmem>> -> memref<128xi32, #tpu.memory_space<vmem>>
      %dma_wait3A_1174 = arith.constant 0 : i32
      %dma_wait3A_1175 = arith.constant 0 : i32
      %dma_wait3A_1176 = tpu.memref_slice %arg12[%dma_wait3A_1153, %dma_wait3A_1174, %dma_wait3A_1175] : memref<3x1024x64xbf16, #tpu.memory_space<vmem_shared>> -> memref<1x1024x64xbf16, #tpu.memory_space<vmem_shared>>
      %dma_wait3A_1177 = tpu.memref_squeeze %dma_wait3A_1176 : memref<1x1024x64xbf16, #tpu.memory_space<vmem_shared>> -> memref<1024x64xbf16, #tpu.memory_space<vmem_shared>>
      %dma_wait3A_1178 = arith.constant 0 : i32
      %dma_wait3A_1179 = arith.constant 0 : i32
      %dma_wait3A_1180 = tpu.memref_slice %dma_wait3A_1177[%dma_wait3A_1178, %dma_wait3A_1179] : memref<1024x64xbf16, #tpu.memory_space<vmem_shared>> -> memref<1024x64xbf16, #tpu.memory_space<vmem_shared>>
      tpu.wait_indirect_dma semaphore(%arg19 : memref<!tpu.dma_semaphore, #tpu.memory_space<semaphore_mem>>) src(%dma_wait3A_1180 : memref<1024x64xbf16, #tpu.memory_space<vmem_shared>>) dst(%dma_wait3A_1166 : memref<128x64xbf16, #tpu.memory_space<vmem>>)
      %dma_wait3A_1181 = arith.constant 1 : i32
      %dma_wait3A_1182 = arith.constant 1 : i32
      %dma_wait3A_1183 = arith.constant 1 : i32
      %dma_wait3A_1184 = arith.constant 1 : i32
      %dma_wait3A_1185 = arith.constant 1 : i32
      %dma_wait3A_1186 = arith.constant 0 : i32
      %dma_wait3A_1187 = arith.constant 0 : i32
      %dma_wait3A_1188 = arith.constant 0 : i32
      %dma_wait3A_1189 = tpu.memref_slice %arg11[%dma_wait3A_1184, %dma_wait3A_1186, %dma_wait3A_1187, %dma_wait3A_1188] : memref<2x3x128x64xbf16, #tpu.memory_space<vmem>> -> memref<1x3x128x64xbf16, #tpu.memory_space<vmem>>
      %dma_wait3A_1190 = tpu.memref_squeeze %dma_wait3A_1189 : memref<1x3x128x64xbf16, #tpu.memory_space<vmem>> -> memref<3x128x64xbf16, #tpu.memory_space<vmem>>
      %dma_wait3A_1191 = arith.constant 0 : i32
      %dma_wait3A_1192 = arith.constant 0 : i32
      %dma_wait3A_1193 = tpu.memref_slice %dma_wait3A_1190[%dma_wait3A_1185, %dma_wait3A_1191, %dma_wait3A_1192] : memref<3x128x64xbf16, #tpu.memory_space<vmem>> -> memref<1x128x64xbf16, #tpu.memory_space<vmem>>
      %dma_wait3A_1194 = tpu.memref_squeeze %dma_wait3A_1193 : memref<1x128x64xbf16, #tpu.memory_space<vmem>> -> memref<128x64xbf16, #tpu.memory_space<vmem>>
      %dma_wait3A_1195 = arith.constant 0 : i32
      %dma_wait3A_1196 = arith.constant 0 : i32
      %dma_wait3A_1197 = tpu.memref_slice %arg10[%dma_wait3A_1182, %dma_wait3A_1195, %dma_wait3A_1196] : memref<2x3x128xi32, #tpu.memory_space<vmem>> -> memref<1x3x128xi32, #tpu.memory_space<vmem>>
      %dma_wait3A_1198 = tpu.memref_squeeze %dma_wait3A_1197 : memref<1x3x128xi32, #tpu.memory_space<vmem>> -> memref<3x128xi32, #tpu.memory_space<vmem>>
      %dma_wait3A_1199 = arith.constant 0 : i32
      %dma_wait3A_1200 = tpu.memref_slice %dma_wait3A_1198[%dma_wait3A_1183, %dma_wait3A_1199] : memref<3x128xi32, #tpu.memory_space<vmem>> -> memref<1x128xi32, #tpu.memory_space<vmem>>
      %dma_wait3A_1201 = tpu.memref_squeeze %dma_wait3A_1200 : memref<1x128xi32, #tpu.memory_space<vmem>> -> memref<128xi32, #tpu.memory_space<vmem>>
      %dma_wait3A_1202 = arith.constant 0 : i32
      %dma_wait3A_1203 = arith.constant 0 : i32
      %dma_wait3A_1204 = tpu.memref_slice %arg12[%dma_wait3A_1181, %dma_wait3A_1202, %dma_wait3A_1203] : memref<3x1024x64xbf16, #tpu.memory_space<vmem_shared>> -> memref<1x1024x64xbf16, #tpu.memory_space<vmem_shared>>
      %dma_wait3A_1205 = tpu.memref_squeeze %dma_wait3A_1204 : memref<1x1024x64xbf16, #tpu.memory_space<vmem_shared>> -> memref<1024x64xbf16, #tpu.memory_space<vmem_shared>>
      %dma_wait3A_1206 = arith.constant 0 : i32
      %dma_wait3A_1207 = arith.constant 0 : i32
      %dma_wait3A_1208 = tpu.memref_slice %dma_wait3A_1205[%dma_wait3A_1206, %dma_wait3A_1207] : memref<1024x64xbf16, #tpu.memory_space<vmem_shared>> -> memref<1024x64xbf16, #tpu.memory_space<vmem_shared>>
      tpu.wait_indirect_dma semaphore(%arg19 : memref<!tpu.dma_semaphore, #tpu.memory_space<semaphore_mem>>) src(%dma_wait3A_1208 : memref<1024x64xbf16, #tpu.memory_space<vmem_shared>>) dst(%dma_wait3A_1194 : memref<128x64xbf16, #tpu.memory_space<vmem>>)
      %dma_wait3A_1209 = arith.constant 2 : i32
      %dma_wait3A_1210 = arith.constant 1 : i32
      %dma_wait3A_1211 = arith.constant 2 : i32
      %dma_wait3A_1212 = arith.constant 1 : i32
      %dma_wait3A_1213 = arith.constant 2 : i32
      %dma_wait3A_1214 = arith.constant 0 : i32
      %dma_wait3A_1215 = arith.constant 0 : i32
      %dma_wait3A_1216 = arith.constant 0 : i32
      %dma_wait3A_1217 = tpu.memref_slice %arg11[%dma_wait3A_1212, %dma_wait3A_1214, %dma_wait3A_1215, %dma_wait3A_1216] : memref<2x3x128x64xbf16, #tpu.memory_space<vmem>> -> memref<1x3x128x64xbf16, #tpu.memory_space<vmem>>
      %dma_wait3A_1218 = tpu.memref_squeeze %dma_wait3A_1217 : memref<1x3x128x64xbf16, #tpu.memory_space<vmem>> -> memref<3x128x64xbf16, #tpu.memory_space<vmem>>
      %dma_wait3A_1219 = arith.constant 0 : i32
      %dma_wait3A_1220 = arith.constant 0 : i32
      %dma_wait3A_1221 = tpu.memref_slice %dma_wait3A_1218[%dma_wait3A_1213, %dma_wait3A_1219, %dma_wait3A_1220] : memref<3x128x64xbf16, #tpu.memory_space<vmem>> -> memref<1x128x64xbf16, #tpu.memory_space<vmem>>
      %dma_wait3A_1222 = tpu.memref_squeeze %dma_wait3A_1221 : memref<1x128x64xbf16, #tpu.memory_space<vmem>> -> memref<128x64xbf16, #tpu.memory_space<vmem>>
      %dma_wait3A_1223 = arith.constant 0 : i32
      %dma_wait3A_1224 = arith.constant 0 : i32
      %dma_wait3A_1225 = tpu.memref_slice %arg10[%dma_wait3A_1210, %dma_wait3A_1223, %dma_wait3A_1224] : memref<2x3x128xi32, #tpu.memory_space<vmem>> -> memref<1x3x128xi32, #tpu.memory_space<vmem>>
      %dma_wait3A_1226 = tpu.memref_squeeze %dma_wait3A_1225 : memref<1x3x128xi32, #tpu.memory_space<vmem>> -> memref<3x128xi32, #tpu.memory_space<vmem>>
      %dma_wait3A_1227 = arith.constant 0 : i32
      %dma_wait3A_1228 = tpu.memref_slice %dma_wait3A_1226[%dma_wait3A_1211, %dma_wait3A_1227] : memref<3x128xi32, #tpu.memory_space<vmem>> -> memref<1x128xi32, #tpu.memory_space<vmem>>
      %dma_wait3A_1229 = tpu.memref_squeeze %dma_wait3A_1228 : memref<1x128xi32, #tpu.memory_space<vmem>> -> memref<128xi32, #tpu.memory_space<vmem>>
      %dma_wait3A_1230 = arith.constant 0 : i32
      %dma_wait3A_1231 = arith.constant 0 : i32
      %dma_wait3A_1232 = tpu.memref_slice %arg12[%dma_wait3A_1209, %dma_wait3A_1230, %dma_wait3A_1231] : memref<3x1024x64xbf16, #tpu.memory_space<vmem_shared>> -> memref<1x1024x64xbf16, #tpu.memory_space<vmem_shared>>
      %dma_wait3A_1233 = tpu.memref_squeeze %dma_wait3A_1232 : memref<1x1024x64xbf16, #tpu.memory_space<vmem_shared>> -> memref<1024x64xbf16, #tpu.memory_space<vmem_shared>>
      %dma_wait3A_1234 = arith.constant 0 : i32
      %dma_wait3A_1235 = arith.constant 0 : i32
      %dma_wait3A_1236 = tpu.memref_slice %dma_wait3A_1233[%dma_wait3A_1234, %dma_wait3A_1235] : memref<1024x64xbf16, #tpu.memory_space<vmem_shared>> -> memref<1024x64xbf16, #tpu.memory_space<vmem_shared>>
      tpu.wait_indirect_dma semaphore(%arg19 : memref<!tpu.dma_semaphore, #tpu.memory_space<semaphore_mem>>) src(%dma_wait3A_1236 : memref<1024x64xbf16, #tpu.memory_space<vmem_shared>>) dst(%dma_wait3A_1222 : memref<128x64xbf16, #tpu.memory_space<vmem>>)
      %add3A_1237 = arith.constant 2 : i32
      %add3A_1238 = arith.addi %add3A_1138, %add3A_1237 : i32
      %lt3A_1239 = arith.constant 200 : i32
      %lt3A_1240 = arith.cmpi slt, %add3A_1238, %lt3A_1239 : i32
      %convert_element_type3A_1241 = arith.extui %lt3A_1240 : i1 to i32
      %cond3A_1242 = arith.constant 0 : i32
      %cond3A_1243 = arith.cmpi ne, %convert_element_type3A_1241, %cond3A_1242 : i32
      scf.if %cond3A_1243 {
        %add3A_1372 = arith.constant 2 : i32
        %add3A_1373 = arith.addi %add3A_1138, %add3A_1372 : i32
        %jit3A_1374 = arith.constant 50 : i32
        %div3A_1375 = arith.divsi %add3A_1373, %jit3A_1374 : i32
        %sign3A_1376 = arith.constant 0 : i32
        %sign3A_1377 = arith.cmpi sgt, %add3A_1373, %sign3A_1376 : i32
        %sign3A_1378 = arith.extui %sign3A_1377 : i1 to i32
        %sign3A_1379 = arith.constant 0 : i32
        %sign3A_1380 = arith.cmpi slt, %add3A_1373, %sign3A_1379 : i32
        %sign3A_1381 = arith.extui %sign3A_1380 : i1 to i32
        %sign3A_1382 = arith.subi %sign3A_1378, %sign3A_1381 : i32
        %sign3A_1383 = arith.constant 0 : i32
        %sign3A_1384 = arith.cmpi sgt, %jit3A_1374, %sign3A_1383 : i32
        %sign3A_1385 = arith.extui %sign3A_1384 : i1 to i32
        %sign3A_1386 = arith.constant 0 : i32
        %sign3A_1387 = arith.cmpi slt, %jit3A_1374, %sign3A_1386 : i32
        %sign3A_1388 = arith.extui %sign3A_1387 : i1 to i32
        %sign3A_1389 = arith.subi %sign3A_1385, %sign3A_1388 : i32
        %ne3A_1390 = arith.cmpi ne, %sign3A_1382, %sign3A_1389 : i32
        %rem3A_1391 = arith.remsi %add3A_1373, %jit3A_1374 : i32
        %ne3A_1392 = arith.constant 0 : i32
        %ne3A_1393 = arith.cmpi ne, %rem3A_1391, %ne3A_1392 : i32
        %and3A_1394 = arith.andi %ne3A_1390, %ne3A_1393 : i1
        %sub3A_1395 = arith.constant 1 : i32
        %sub3A_1396 = arith.subi %div3A_1375, %sub3A_1395 : i32
        %select_n3A_1397 = arith.select %and3A_1394, %sub3A_1396, %div3A_1375 : i32
        %jit3A_1398 = arith.constant 50 : i32
        %eq3A_1399 = arith.constant 0 : i32
        %eq3A_1400 = arith.cmpi eq, %jit3A_1398, %eq3A_1399 : i32
        %jit3A_1401 = arith.constant 1 : i32
        %select_n3A_1402 = arith.select %eq3A_1400, %jit3A_1401, %jit3A_1398 : i32
        %rem3A_1403 = arith.remsi %add3A_1373, %select_n3A_1402 : i32
        %ne3A_1404 = arith.constant 0 : i32
        %ne3A_1405 = arith.cmpi ne, %rem3A_1403, %ne3A_1404 : i32
        %lt3A_1406 = arith.constant 0 : i32
        %lt3A_1407 = arith.cmpi slt, %rem3A_1403, %lt3A_1406 : i32
        %lt3A_1408 = arith.constant 0 : i32
        %lt3A_1409 = arith.cmpi slt, %select_n3A_1402, %lt3A_1408 : i32
        %ne3A_1410 = arith.xori %lt3A_1407, %lt3A_1409 : i1
        %and3A_1411 = arith.andi %ne3A_1410, %ne3A_1405 : i1
        %add3A_1412 = arith.addi %rem3A_1403, %select_n3A_1402 : i32
        %select_n3A_1413 = arith.select %and3A_1411, %add3A_1412, %rem3A_1403 : i32
        %mul3A_1414 = arith.constant 16384 : i32
        %mul3A_1415 = arith.muli %select_n3A_1413, %mul3A_1414 : i32
        %mul3A_1416 = arith.constant 512 : i32
        %mul3A_1417 = arith.muli %add3A, %mul3A_1416 : i32
        %add3A_1418 = arith.addi %mul3A_1415, %mul3A_1417 : i32
        %mul3A_1419 = arith.constant 128 : i32
        %mul3A_1420 = arith.muli %select_n3A_1397, %mul3A_1419 : i32
        %add3A_1421 = arith.addi %add3A_1418, %mul3A_1420 : i32
        %multiple_of3A_1422 = tpu.assume_multiple %add3A_1421, 128 : i32
        %dma_wait3A_1423 = arith.constant 1 : i32
        %dma_wait3A_1424 = arith.constant 0 : i32
        %dma_wait3A_1425 = tpu.memref_slice %arg8[%dma_wait3A_1423, %dma_wait3A_1424] : memref<2x128xi32, #tpu.memory_space<vmem>> -> memref<1x128xi32, #tpu.memory_space<vmem>>
        %dma_wait3A_1426 = tpu.memref_squeeze %dma_wait3A_1425 : memref<1x128xi32, #tpu.memory_space<vmem>> -> memref<128xi32, #tpu.memory_space<vmem>>
        %dma_wait3A_1427 = tpu.memref_slice %arg2[%multiple_of3A_1422] : memref<819200xi32, #tpu.memory_space<hbm>> -> memref<128xi32, #tpu.memory_space<hbm>>
        %dma_wait3A_1428 = arith.constant 0 : i32
        %dma_wait3A_1429 = tpu.memref_slice %arg8[%dma_wait3A_1423, %dma_wait3A_1428] : memref<2x128xi32, #tpu.memory_space<vmem>> -> memref<1x128xi32, #tpu.memory_space<vmem>>
        %dma_wait3A_1430 = tpu.memref_squeeze %dma_wait3A_1429 : memref<1x128xi32, #tpu.memory_space<vmem>> -> memref<128xi32, #tpu.memory_space<vmem>>
        %dma_wait3A_1431 = tpu.memref_slice %arg2[%multiple_of3A_1422] : memref<819200xi32, #tpu.memory_space<hbm>> -> memref<128xi32, #tpu.memory_space<hbm>>
        tpu.wait_dma2 semaphore(%arg15 : memref<!tpu.dma_semaphore, #tpu.memory_space<semaphore_mem>>) src(%dma_wait3A_1431 : memref<128xi32, #tpu.memory_space<hbm>>) dst(%dma_wait3A_1430 : memref<128xi32, #tpu.memory_space<vmem>>)
        %get3A_1432 = arith.constant 1 : i32
        %get3A_1433 = arith.index_cast %get3A_1432 : i32 to index
        %get3A_1434 = arith.constant 0 : index
        %get3A_1435 = tpu.vector_load %arg8[%get3A_1433, %get3A_1434] {strides = array<i32>} : memref<2x128xi32, #tpu.memory_space<vmem>>, vector<16xi32>,
        %add3A_1436 = arith.constant 0 : i32
        %add3A_1437 = vector.broadcast %add3A_1436 : i32 to vector<16xi32>
        %add3A_1438 = arith.addi %get3A_1435, %add3A_1437 : vector<16xi32>
        %swap3A_1439 = arith.constant 1 : i32
        %swap3A_1440 = arith.constant 0 : i32
        %swap3A_1441 = arith.index_cast %swap3A_1439 : i32 to index
        %swap3A_1442 = arith.index_cast %swap3A_1440 : i32 to index
        %swap3A_1443 = arith.constant 0 : index
        %swap3A_1444 = tpu.vector_load %arg9[%swap3A_1441, %swap3A_1442, %swap3A_1443] {strides = array<i32>} : memref<2x3x128xi32, #tpu.memory_space<vmem>>, vector<16xi32>,
        tpu.vector_store %arg9[%swap3A_1441, %swap3A_1442, %swap3A_1443], %add3A_1438 {strides = array<i32>} : memref<2x3x128xi32, #tpu.memory_space<vmem>>, vector<16xi32>,
        %add3A_1445 = arith.constant 1000000 : i32
        %add3A_1446 = vector.broadcast %add3A_1445 : i32 to vector<16xi32>
        %add3A_1447 = arith.addi %get3A_1435, %add3A_1446 : vector<16xi32>
        %swap3A_1448 = arith.constant 1 : i32
        %swap3A_1449 = arith.constant 1 : i32
        %swap3A_1450 = arith.index_cast %swap3A_1448 : i32 to index
        %swap3A_1451 = arith.index_cast %swap3A_1449 : i32 to index
        %swap3A_1452 = arith.constant 0 : index
        %swap3A_1453 = tpu.vector_load %arg9[%swap3A_1450, %swap3A_1451, %swap3A_1452] {strides = array<i32>} : memref<2x3x128xi32, #tpu.memory_space<vmem>>, vector<16xi32>,
        tpu.vector_store %arg9[%swap3A_1450, %swap3A_1451, %swap3A_1452], %add3A_1447 {strides = array<i32>} : memref<2x3x128xi32, #tpu.memory_space<vmem>>, vector<16xi32>,
        %add3A_1454 = arith.constant 2000000 : i32
        %add3A_1455 = vector.broadcast %add3A_1454 : i32 to vector<16xi32>
        %add3A_1456 = arith.addi %get3A_1435, %add3A_1455 : vector<16xi32>
        %swap3A_1457 = arith.constant 1 : i32
        %swap3A_1458 = arith.constant 2 : i32
        %swap3A_1459 = arith.index_cast %swap3A_1457 : i32 to index
        %swap3A_1460 = arith.index_cast %swap3A_1458 : i32 to index
        %swap3A_1461 = arith.constant 0 : index
        %swap3A_1462 = tpu.vector_load %arg9[%swap3A_1459, %swap3A_1460, %swap3A_1461] {strides = array<i32>} : memref<2x3x128xi32, #tpu.memory_space<vmem>>, vector<16xi32>,
        tpu.vector_store %arg9[%swap3A_1459, %swap3A_1460, %swap3A_1461], %add3A_1456 {strides = array<i32>} : memref<2x3x128xi32, #tpu.memory_space<vmem>>, vector<16xi32>,
        %get3A_1463 = arith.constant 1 : i32
        %get3A_1464 = arith.index_cast %get3A_1463 : i32 to index
        %get3A_1465 = arith.constant 16 : index
        %get3A_1466 = tpu.vector_load %arg8[%get3A_1464, %get3A_1465] {strides = array<i32>} : memref<2x128xi32, #tpu.memory_space<vmem>>, vector<16xi32>,
        %add3A_1467 = arith.constant 0 : i32
        %add3A_1468 = vector.broadcast %add3A_1467 : i32 to vector<16xi32>
        %add3A_1469 = arith.addi %get3A_1466, %add3A_1468 : vector<16xi32>
        %swap3A_1470 = arith.constant 1 : i32
        %swap3A_1471 = arith.constant 0 : i32
        %swap3A_1472 = arith.index_cast %swap3A_1470 : i32 to index
        %swap3A_1473 = arith.index_cast %swap3A_1471 : i32 to index
        %swap3A_1474 = arith.constant 16 : index
        %swap3A_1475 = tpu.vector_load %arg9[%swap3A_1472, %swap3A_1473, %swap3A_1474] {strides = array<i32>} : memref<2x3x128xi32, #tpu.memory_space<vmem>>, vector<16xi32>,
        tpu.vector_store %arg9[%swap3A_1472, %swap3A_1473, %swap3A_1474], %add3A_1469 {strides = array<i32>} : memref<2x3x128xi32, #tpu.memory_space<vmem>>, vector<16xi32>,
        %add3A_1476 = arith.constant 1000000 : i32
        %add3A_1477 = vector.broadcast %add3A_1476 : i32 to vector<16xi32>
        %add3A_1478 = arith.addi %get3A_1466, %add3A_1477 : vector<16xi32>
        %swap3A_1479 = arith.constant 1 : i32
        %swap3A_1480 = arith.constant 1 : i32
        %swap3A_1481 = arith.index_cast %swap3A_1479 : i32 to index
        %swap3A_1482 = arith.index_cast %swap3A_1480 : i32 to index
        %swap3A_1483 = arith.constant 16 : index
        %swap3A_1484 = tpu.vector_load %arg9[%swap3A_1481, %swap3A_1482, %swap3A_1483] {strides = array<i32>} : memref<2x3x128xi32, #tpu.memory_space<vmem>>, vector<16xi32>,
        tpu.vector_store %arg9[%swap3A_1481, %swap3A_1482, %swap3A_1483], %add3A_1478 {strides = array<i32>} : memref<2x3x128xi32, #tpu.memory_space<vmem>>, vector<16xi32>,
        %add3A_1485 = arith.constant 2000000 : i32
        %add3A_1486 = vector.broadcast %add3A_1485 : i32 to vector<16xi32>
        %add3A_1487 = arith.addi %get3A_1466, %add3A_1486 : vector<16xi32>
        %swap3A_1488 = arith.constant 1 : i32
        %swap3A_1489 = arith.constant 2 : i32
        %swap3A_1490 = arith.index_cast %swap3A_1488 : i32 to index
        %swap3A_1491 = arith.index_cast %swap3A_1489 : i32 to index
        %swap3A_1492 = arith.constant 16 : index
        %swap3A_1493 = tpu.vector_load %arg9[%swap3A_1490, %swap3A_1491, %swap3A_1492] {strides = array<i32>} : memref<2x3x128xi32, #tpu.memory_space<vmem>>, vector<16xi32>,
        tpu.vector_store %arg9[%swap3A_1490, %swap3A_1491, %swap3A_1492], %add3A_1487 {strides = array<i32>} : memref<2x3x128xi32, #tpu.memory_space<vmem>>, vector<16xi32>,
        %get3A_1494 = arith.constant 1 : i32
        %get3A_1495 = arith.index_cast %get3A_1494 : i32 to index
        %get3A_1496 = arith.constant 32 : index
        %get3A_1497 = tpu.vector_load %arg8[%get3A_1495, %get3A_1496] {strides = array<i32>} : memref<2x128xi32, #tpu.memory_space<vmem>>, vector<16xi32>,
        %add3A_1498 = arith.constant 0 : i32
        %add3A_1499 = vector.broadcast %add3A_1498 : i32 to vector<16xi32>
        %add3A_1500 = arith.addi %get3A_1497, %add3A_1499 : vector<16xi32>
        %swap3A_1501 = arith.constant 1 : i32
        %swap3A_1502 = arith.constant 0 : i32
        %swap3A_1503 = arith.index_cast %swap3A_1501 : i32 to index
        %swap3A_1504 = arith.index_cast %swap3A_1502 : i32 to index
        %swap3A_1505 = arith.constant 32 : index
        %swap3A_1506 = tpu.vector_load %arg9[%swap3A_1503, %swap3A_1504, %swap3A_1505] {strides = array<i32>} : memref<2x3x128xi32, #tpu.memory_space<vmem>>, vector<16xi32>,
        tpu.vector_store %arg9[%swap3A_1503, %swap3A_1504, %swap3A_1505], %add3A_1500 {strides = array<i32>} : memref<2x3x128xi32, #tpu.memory_space<vmem>>, vector<16xi32>,
        %add3A_1507 = arith.constant 1000000 : i32
        %add3A_1508 = vector.broadcast %add3A_1507 : i32 to vector<16xi32>
        %add3A_1509 = arith.addi %get3A_1497, %add3A_1508 : vector<16xi32>
        %swap3A_1510 = arith.constant 1 : i32
        %swap3A_1511 = arith.constant 1 : i32
        %swap3A_1512 = arith.index_cast %swap3A_1510 : i32 to index
        %swap3A_1513 = arith.index_cast %swap3A_1511 : i32 to index
        %swap3A_1514 = arith.constant 32 : index
        %swap3A_1515 = tpu.vector_load %arg9[%swap3A_1512, %swap3A_1513, %swap3A_1514] {strides = array<i32>} : memref<2x3x128xi32, #tpu.memory_space<vmem>>, vector<16xi32>,
        tpu.vector_store %arg9[%swap3A_1512, %swap3A_1513, %swap3A_1514], %add3A_1509 {strides = array<i32>} : memref<2x3x128xi32, #tpu.memory_space<vmem>>, vector<16xi32>,
        %add3A_1516 = arith.constant 2000000 : i32
        %add3A_1517 = vector.broadcast %add3A_1516 : i32 to vector<16xi32>
        %add3A_1518 = arith.addi %get3A_1497, %add3A_1517 : vector<16xi32>
        %swap3A_1519 = arith.constant 1 : i32
        %swap3A_1520 = arith.constant 2 : i32
        %swap3A_1521 = arith.index_cast %swap3A_1519 : i32 to index
        %swap3A_1522 = arith.index_cast %swap3A_1520 : i32 to index
        %swap3A_1523 = arith.constant 32 : index
        %swap3A_1524 = tpu.vector_load %arg9[%swap3A_1521, %swap3A_1522, %swap3A_1523] {strides = array<i32>} : memref<2x3x128xi32, #tpu.memory_space<vmem>>, vector<16xi32>,
        tpu.vector_store %arg9[%swap3A_1521, %swap3A_1522, %swap3A_1523], %add3A_1518 {strides = array<i32>} : memref<2x3x128xi32, #tpu.memory_space<vmem>>, vector<16xi32>,
        %get3A_1525 = arith.constant 1 : i32
        %get3A_1526 = arith.index_cast %get3A_1525 : i32 to index
        %get3A_1527 = arith.constant 48 : index
        %get3A_1528 = tpu.vector_load %arg8[%get3A_1526, %get3A_1527] {strides = array<i32>} : memref<2x128xi32, #tpu.memory_space<vmem>>, vector<16xi32>,
        %add3A_1529 = arith.constant 0 : i32
        %add3A_1530 = vector.broadcast %add3A_1529 : i32 to vector<16xi32>
        %add3A_1531 = arith.addi %get3A_1528, %add3A_1530 : vector<16xi32>
        %swap3A_1532 = arith.constant 1 : i32
        %swap3A_1533 = arith.constant 0 : i32
        %swap3A_1534 = arith.index_cast %swap3A_1532 : i32 to index
        %swap3A_1535 = arith.index_cast %swap3A_1533 : i32 to index
        %swap3A_1536 = arith.constant 48 : index
        %swap3A_1537 = tpu.vector_load %arg9[%swap3A_1534, %swap3A_1535, %swap3A_1536] {strides = array<i32>} : memref<2x3x128xi32, #tpu.memory_space<vmem>>, vector<16xi32>,
        tpu.vector_store %arg9[%swap3A_1534, %swap3A_1535, %swap3A_1536], %add3A_1531 {strides = array<i32>} : memref<2x3x128xi32, #tpu.memory_space<vmem>>, vector<16xi32>,
        %add3A_1538 = arith.constant 1000000 : i32
        %add3A_1539 = vector.broadcast %add3A_1538 : i32 to vector<16xi32>
        %add3A_1540 = arith.addi %get3A_1528, %add3A_1539 : vector<16xi32>
        %swap3A_1541 = arith.constant 1 : i32
        %swap3A_1542 = arith.constant 1 : i32
        %swap3A_1543 = arith.index_cast %swap3A_1541 : i32 to index
        %swap3A_1544 = arith.index_cast %swap3A_1542 : i32 to index
        %swap3A_1545 = arith.constant 48 : index
        %swap3A_1546 = tpu.vector_load %arg9[%swap3A_1543, %swap3A_1544, %swap3A_1545] {strides = array<i32>} : memref<2x3x128xi32, #tpu.memory_space<vmem>>, vector<16xi32>,
        tpu.vector_store %arg9[%swap3A_1543, %swap3A_1544, %swap3A_1545], %add3A_1540 {strides = array<i32>} : memref<2x3x128xi32, #tpu.memory_space<vmem>>, vector<16xi32>,
        %add3A_1547 = arith.constant 2000000 : i32
        %add3A_1548 = vector.broadcast %add3A_1547 : i32 to vector<16xi32>
        %add3A_1549 = arith.addi %get3A_1528, %add3A_1548 : vector<16xi32>
        %swap3A_1550 = arith.constant 1 : i32
        %swap3A_1551 = arith.constant 2 : i32
        %swap3A_1552 = arith.index_cast %swap3A_1550 : i32 to index
        %swap3A_1553 = arith.index_cast %swap3A_1551 : i32 to index
        %swap3A_1554 = arith.constant 48 : index
        %swap3A_1555 = tpu.vector_load %arg9[%swap3A_1552, %swap3A_1553, %swap3A_1554] {strides = array<i32>} : memref<2x3x128xi32, #tpu.memory_space<vmem>>, vector<16xi32>,
        tpu.vector_store %arg9[%swap3A_1552, %swap3A_1553, %swap3A_1554], %add3A_1549 {strides = array<i32>} : memref<2x3x128xi32, #tpu.memory_space<vmem>>, vector<16xi32>,
        %get3A_1556 = arith.constant 1 : i32
        %get3A_1557 = arith.index_cast %get3A_1556 : i32 to index
        %get3A_1558 = arith.constant 64 : index
        %get3A_1559 = tpu.vector_load %arg8[%get3A_1557, %get3A_1558] {strides = array<i32>} : memref<2x128xi32, #tpu.memory_space<vmem>>, vector<16xi32>,
        %add3A_1560 = arith.constant 0 : i32
        %add3A_1561 = vector.broadcast %add3A_1560 : i32 to vector<16xi32>
        %add3A_1562 = arith.addi %get3A_1559, %add3A_1561 : vector<16xi32>
        %swap3A_1563 = arith.constant 1 : i32
        %swap3A_1564 = arith.constant 0 : i32
        %swap3A_1565 = arith.index_cast %swap3A_1563 : i32 to index
        %swap3A_1566 = arith.index_cast %swap3A_1564 : i32 to index
        %swap3A_1567 = arith.constant 64 : index
        %swap3A_1568 = tpu.vector_load %arg9[%swap3A_1565, %swap3A_1566, %swap3A_1567] {strides = array<i32>} : memref<2x3x128xi32, #tpu.memory_space<vmem>>, vector<16xi32>,
        tpu.vector_store %arg9[%swap3A_1565, %swap3A_1566, %swap3A_1567], %add3A_1562 {strides = array<i32>} : memref<2x3x128xi32, #tpu.memory_space<vmem>>, vector<16xi32>,
        %add3A_1569 = arith.constant 1000000 : i32
        %add3A_1570 = vector.broadcast %add3A_1569 : i32 to vector<16xi32>
        %add3A_1571 = arith.addi %get3A_1559, %add3A_1570 : vector<16xi32>
        %swap3A_1572 = arith.constant 1 : i32
        %swap3A_1573 = arith.constant 1 : i32
        %swap3A_1574 = arith.index_cast %swap3A_1572 : i32 to index
        %swap3A_1575 = arith.index_cast %swap3A_1573 : i32 to index
        %swap3A_1576 = arith.constant 64 : index
        %swap3A_1577 = tpu.vector_load %arg9[%swap3A_1574, %swap3A_1575, %swap3A_1576] {strides = array<i32>} : memref<2x3x128xi32, #tpu.memory_space<vmem>>, vector<16xi32>,
        tpu.vector_store %arg9[%swap3A_1574, %swap3A_1575, %swap3A_1576], %add3A_1571 {strides = array<i32>} : memref<2x3x128xi32, #tpu.memory_space<vmem>>, vector<16xi32>,
        %add3A_1578 = arith.constant 2000000 : i32
        %add3A_1579 = vector.broadcast %add3A_1578 : i32 to vector<16xi32>
        %add3A_1580 = arith.addi %get3A_1559, %add3A_1579 : vector<16xi32>
        %swap3A_1581 = arith.constant 1 : i32
        %swap3A_1582 = arith.constant 2 : i32
        %swap3A_1583 = arith.index_cast %swap3A_1581 : i32 to index
        %swap3A_1584 = arith.index_cast %swap3A_1582 : i32 to index
        %swap3A_1585 = arith.constant 64 : index
        %swap3A_1586 = tpu.vector_load %arg9[%swap3A_1583, %swap3A_1584, %swap3A_1585] {strides = array<i32>} : memref<2x3x128xi32, #tpu.memory_space<vmem>>, vector<16xi32>,
        tpu.vector_store %arg9[%swap3A_1583, %swap3A_1584, %swap3A_1585], %add3A_1580 {strides = array<i32>} : memref<2x3x128xi32, #tpu.memory_space<vmem>>, vector<16xi32>,
        %get3A_1587 = arith.constant 1 : i32
        %get3A_1588 = arith.index_cast %get3A_1587 : i32 to index
        %get3A_1589 = arith.constant 80 : index
        %get3A_1590 = tpu.vector_load %arg8[%get3A_1588, %get3A_1589] {strides = array<i32>} : memref<2x128xi32, #tpu.memory_space<vmem>>, vector<16xi32>,
        %add3A_1591 = arith.constant 0 : i32
        %add3A_1592 = vector.broadcast %add3A_1591 : i32 to vector<16xi32>
        %add3A_1593 = arith.addi %get3A_1590, %add3A_1592 : vector<16xi32>
        %swap3A_1594 = arith.constant 1 : i32
        %swap3A_1595 = arith.constant 0 : i32
        %swap3A_1596 = arith.index_cast %swap3A_1594 : i32 to index
        %swap3A_1597 = arith.index_cast %swap3A_1595 : i32 to index
        %swap3A_1598 = arith.constant 80 : index
        %swap3A_1599 = tpu.vector_load %arg9[%swap3A_1596, %swap3A_1597, %swap3A_1598] {strides = array<i32>} : memref<2x3x128xi32, #tpu.memory_space<vmem>>, vector<16xi32>,
        tpu.vector_store %arg9[%swap3A_1596, %swap3A_1597, %swap3A_1598], %add3A_1593 {strides = array<i32>} : memref<2x3x128xi32, #tpu.memory_space<vmem>>, vector<16xi32>,
        %add3A_1600 = arith.constant 1000000 : i32
        %add3A_1601 = vector.broadcast %add3A_1600 : i32 to vector<16xi32>
        %add3A_1602 = arith.addi %get3A_1590, %add3A_1601 : vector<16xi32>
        %swap3A_1603 = arith.constant 1 : i32
        %swap3A_1604 = arith.constant 1 : i32
        %swap3A_1605 = arith.index_cast %swap3A_1603 : i32 to index
        %swap3A_1606 = arith.index_cast %swap3A_1604 : i32 to index
        %swap3A_1607 = arith.constant 80 : index
        %swap3A_1608 = tpu.vector_load %arg9[%swap3A_1605, %swap3A_1606, %swap3A_1607] {strides = array<i32>} : memref<2x3x128xi32, #tpu.memory_space<vmem>>, vector<16xi32>,
        tpu.vector_store %arg9[%swap3A_1605, %swap3A_1606, %swap3A_1607], %add3A_1602 {strides = array<i32>} : memref<2x3x128xi32, #tpu.memory_space<vmem>>, vector<16xi32>,
        %add3A_1609 = arith.constant 2000000 : i32
        %add3A_1610 = vector.broadcast %add3A_1609 : i32 to vector<16xi32>
        %add3A_1611 = arith.addi %get3A_1590, %add3A_1610 : vector<16xi32>
        %swap3A_1612 = arith.constant 1 : i32
        %swap3A_1613 = arith.constant 2 : i32
        %swap3A_1614 = arith.index_cast %swap3A_1612 : i32 to index
        %swap3A_1615 = arith.index_cast %swap3A_1613 : i32 to index
        %swap3A_1616 = arith.constant 80 : index
        %swap3A_1617 = tpu.vector_load %arg9[%swap3A_1614, %swap3A_1615, %swap3A_1616] {strides = array<i32>} : memref<2x3x128xi32, #tpu.memory_space<vmem>>, vector<16xi32>,
        tpu.vector_store %arg9[%swap3A_1614, %swap3A_1615, %swap3A_1616], %add3A_1611 {strides = array<i32>} : memref<2x3x128xi32, #tpu.memory_space<vmem>>, vector<16xi32>,
        %get3A_1618 = arith.constant 1 : i32
        %get3A_1619 = arith.index_cast %get3A_1618 : i32 to index
        %get3A_1620 = arith.constant 96 : index
        %get3A_1621 = tpu.vector_load %arg8[%get3A_1619, %get3A_1620] {strides = array<i32>} : memref<2x128xi32, #tpu.memory_space<vmem>>, vector<16xi32>,
        %add3A_1622 = arith.constant 0 : i32
        %add3A_1623 = vector.broadcast %add3A_1622 : i32 to vector<16xi32>
        %add3A_1624 = arith.addi %get3A_1621, %add3A_1623 : vector<16xi32>
        %swap3A_1625 = arith.constant 1 : i32
        %swap3A_1626 = arith.constant 0 : i32
        %swap3A_1627 = arith.index_cast %swap3A_1625 : i32 to index
        %swap3A_1628 = arith.index_cast %swap3A_1626 : i32 to index
        %swap3A_1629 = arith.constant 96 : index
        %swap3A_1630 = tpu.vector_load %arg9[%swap3A_1627, %swap3A_1628, %swap3A_1629] {strides = array<i32>} : memref<2x3x128xi32, #tpu.memory_space<vmem>>, vector<16xi32>,
        tpu.vector_store %arg9[%swap3A_1627, %swap3A_1628, %swap3A_1629], %add3A_1624 {strides = array<i32>} : memref<2x3x128xi32, #tpu.memory_space<vmem>>, vector<16xi32>,
        %add3A_1631 = arith.constant 1000000 : i32
        %add3A_1632 = vector.broadcast %add3A_1631 : i32 to vector<16xi32>
        %add3A_1633 = arith.addi %get3A_1621, %add3A_1632 : vector<16xi32>
        %swap3A_1634 = arith.constant 1 : i32
        %swap3A_1635 = arith.constant 1 : i32
        %swap3A_1636 = arith.index_cast %swap3A_1634 : i32 to index
        %swap3A_1637 = arith.index_cast %swap3A_1635 : i32 to index
        %swap3A_1638 = arith.constant 96 : index
        %swap3A_1639 = tpu.vector_load %arg9[%swap3A_1636, %swap3A_1637, %swap3A_1638] {strides = array<i32>} : memref<2x3x128xi32, #tpu.memory_space<vmem>>, vector<16xi32>,
        tpu.vector_store %arg9[%swap3A_1636, %swap3A_1637, %swap3A_1638], %add3A_1633 {strides = array<i32>} : memref<2x3x128xi32, #tpu.memory_space<vmem>>, vector<16xi32>,
        %add3A_1640 = arith.constant 2000000 : i32
        %add3A_1641 = vector.broadcast %add3A_1640 : i32 to vector<16xi32>
        %add3A_1642 = arith.addi %get3A_1621, %add3A_1641 : vector<16xi32>
        %swap3A_1643 = arith.constant 1 : i32
        %swap3A_1644 = arith.constant 2 : i32
        %swap3A_1645 = arith.index_cast %swap3A_1643 : i32 to index
        %swap3A_1646 = arith.index_cast %swap3A_1644 : i32 to index
        %swap3A_1647 = arith.constant 96 : index
        %swap3A_1648 = tpu.vector_load %arg9[%swap3A_1645, %swap3A_1646, %swap3A_1647] {strides = array<i32>} : memref<2x3x128xi32, #tpu.memory_space<vmem>>, vector<16xi32>,
        tpu.vector_store %arg9[%swap3A_1645, %swap3A_1646, %swap3A_1647], %add3A_1642 {strides = array<i32>} : memref<2x3x128xi32, #tpu.memory_space<vmem>>, vector<16xi32>,
        %get3A_1649 = arith.constant 1 : i32
        %get3A_1650 = arith.index_cast %get3A_1649 : i32 to index
        %get3A_1651 = arith.constant 112 : index
        %get3A_1652 = tpu.vector_load %arg8[%get3A_1650, %get3A_1651] {strides = array<i32>} : memref<2x128xi32, #tpu.memory_space<vmem>>, vector<16xi32>,
        %add3A_1653 = arith.constant 0 : i32
        %add3A_1654 = vector.broadcast %add3A_1653 : i32 to vector<16xi32>
        %add3A_1655 = arith.addi %get3A_1652, %add3A_1654 : vector<16xi32>
        %swap3A_1656 = arith.constant 1 : i32
        %swap3A_1657 = arith.constant 0 : i32
        %swap3A_1658 = arith.index_cast %swap3A_1656 : i32 to index
        %swap3A_1659 = arith.index_cast %swap3A_1657 : i32 to index
        %swap3A_1660 = arith.constant 112 : index
        %swap3A_1661 = tpu.vector_load %arg9[%swap3A_1658, %swap3A_1659, %swap3A_1660] {strides = array<i32>} : memref<2x3x128xi32, #tpu.memory_space<vmem>>, vector<16xi32>,
        tpu.vector_store %arg9[%swap3A_1658, %swap3A_1659, %swap3A_1660], %add3A_1655 {strides = array<i32>} : memref<2x3x128xi32, #tpu.memory_space<vmem>>, vector<16xi32>,
        %add3A_1662 = arith.constant 1000000 : i32
        %add3A_1663 = vector.broadcast %add3A_1662 : i32 to vector<16xi32>
        %add3A_1664 = arith.addi %get3A_1652, %add3A_1663 : vector<16xi32>
        %swap3A_1665 = arith.constant 1 : i32
        %swap3A_1666 = arith.constant 1 : i32
        %swap3A_1667 = arith.index_cast %swap3A_1665 : i32 to index
        %swap3A_1668 = arith.index_cast %swap3A_1666 : i32 to index
        %swap3A_1669 = arith.constant 112 : index
        %swap3A_1670 = tpu.vector_load %arg9[%swap3A_1667, %swap3A_1668, %swap3A_1669] {strides = array<i32>} : memref<2x3x128xi32, #tpu.memory_space<vmem>>, vector<16xi32>,
        tpu.vector_store %arg9[%swap3A_1667, %swap3A_1668, %swap3A_1669], %add3A_1664 {strides = array<i32>} : memref<2x3x128xi32, #tpu.memory_space<vmem>>, vector<16xi32>,
        %add3A_1671 = arith.constant 2000000 : i32
        %add3A_1672 = vector.broadcast %add3A_1671 : i32 to vector<16xi32>
        %add3A_1673 = arith.addi %get3A_1652, %add3A_1672 : vector<16xi32>
        %swap3A_1674 = arith.constant 1 : i32
        %swap3A_1675 = arith.constant 2 : i32
        %swap3A_1676 = arith.index_cast %swap3A_1674 : i32 to index
        %swap3A_1677 = arith.index_cast %swap3A_1675 : i32 to index
        %swap3A_1678 = arith.constant 112 : index
        %swap3A_1679 = tpu.vector_load %arg9[%swap3A_1676, %swap3A_1677, %swap3A_1678] {strides = array<i32>} : memref<2x3x128xi32, #tpu.memory_space<vmem>>, vector<16xi32>,
        tpu.vector_store %arg9[%swap3A_1676, %swap3A_1677, %swap3A_1678], %add3A_1673 {strides = array<i32>} : memref<2x3x128xi32, #tpu.memory_space<vmem>>, vector<16xi32>,
        %dma_start3A_1680 = arith.constant 1 : i32
        %dma_start3A_1681 = arith.constant 0 : i32
        %dma_start3A_1682 = arith.constant 1 : i32
        %dma_start3A_1683 = arith.constant 0 : i32
        %dma_start3A_1684 = arith.constant 0 : i32
        %dma_start3A_1685 = arith.constant 0 : i32
        %dma_start3A_1686 = tpu.memref_slice %arg10[%dma_start3A_1682, %dma_start3A_1684, %dma_start3A_1685] : memref<2x3x128xi32, #tpu.memory_space<vmem>> -> memref<1x3x128xi32, #tpu.memory_space<vmem>>
        %dma_start3A_1687 = tpu.memref_squeeze %dma_start3A_1686 : memref<1x3x128xi32, #tpu.memory_space<vmem>> -> memref<3x128xi32, #tpu.memory_space<vmem>>
        %dma_start3A_1688 = arith.constant 0 : i32
        %dma_start3A_1689 = tpu.memref_slice %dma_start3A_1687[%dma_start3A_1683, %dma_start3A_1688] : memref<3x128xi32, #tpu.memory_space<vmem>> -> memref<1x128xi32, #tpu.memory_space<vmem>>
        %dma_start3A_1690 = tpu.memref_squeeze %dma_start3A_1689 : memref<1x128xi32, #tpu.memory_space<vmem>> -> memref<128xi32, #tpu.memory_space<vmem>>
        %dma_start3A_1691 = arith.constant 0 : i32
        %dma_start3A_1692 = arith.constant 0 : i32
        %dma_start3A_1693 = tpu.memref_slice %arg9[%dma_start3A_1680, %dma_start3A_1691, %dma_start3A_1692] : memref<2x3x128xi32, #tpu.memory_space<vmem>> -> memref<1x3x128xi32, #tpu.memory_space<vmem>>
        %dma_start3A_1694 = tpu.memref_squeeze %dma_start3A_1693 : memref<1x3x128xi32, #tpu.memory_space<vmem>> -> memref<3x128xi32, #tpu.memory_space<vmem>>
        %dma_start3A_1695 = arith.constant 0 : i32
        %dma_start3A_1696 = tpu.memref_slice %dma_start3A_1694[%dma_start3A_1681, %dma_start3A_1695] : memref<3x128xi32, #tpu.memory_space<vmem>> -> memref<1x128xi32, #tpu.memory_space<vmem>>
        %dma_start3A_1697 = tpu.memref_squeeze %dma_start3A_1696 : memref<1x128xi32, #tpu.memory_space<vmem>> -> memref<128xi32, #tpu.memory_space<vmem>>
        %dma_start3A_1698 = arith.constant 0 : i32
        %dma_start3A_1699 = tpu.memref_slice %arg3[%dma_start3A_1698] : memref<3000000xi32, #tpu.memory_space<hbm>> -> memref<3000000xi32, #tpu.memory_space<hbm>>
        tpu.enqueue_indirect_dma source(%dma_start3A_1699 : memref<3000000xi32, #tpu.memory_space<hbm>>) target(%dma_start3A_1690 : memref<128xi32, #tpu.memory_space<vmem>>) offsets(%dma_start3A_1697 : memref<128xi32, #tpu.memory_space<vmem>>) semaphore(%arg17 : memref<!tpu.dma_semaphore, #tpu.memory_space<semaphore_mem>>)
        %dma_start3A_1700 = arith.constant 1 : i32
        %dma_start3A_1701 = arith.constant 1 : i32
        %dma_start3A_1702 = arith.constant 1 : i32
        %dma_start3A_1703 = arith.constant 1 : i32
        %dma_start3A_1704 = arith.constant 0 : i32
        %dma_start3A_1705 = arith.constant 0 : i32
        %dma_start3A_1706 = tpu.memref_slice %arg10[%dma_start3A_1702, %dma_start3A_1704, %dma_start3A_1705] : memref<2x3x128xi32, #tpu.memory_space<vmem>> -> memref<1x3x128xi32, #tpu.memory_space<vmem>>
        %dma_start3A_1707 = tpu.memref_squeeze %dma_start3A_1706 : memref<1x3x128xi32, #tpu.memory_space<vmem>> -> memref<3x128xi32, #tpu.memory_space<vmem>>
        %dma_start3A_1708 = arith.constant 0 : i32
        %dma_start3A_1709 = tpu.memref_slice %dma_start3A_1707[%dma_start3A_1703, %dma_start3A_1708] : memref<3x128xi32, #tpu.memory_space<vmem>> -> memref<1x128xi32, #tpu.memory_space<vmem>>
        %dma_start3A_1710 = tpu.memref_squeeze %dma_start3A_1709 : memref<1x128xi32, #tpu.memory_space<vmem>> -> memref<128xi32, #tpu.memory_space<vmem>>
        %dma_start3A_1711 = arith.constant 0 : i32
        %dma_start3A_1712 = arith.constant 0 : i32
        %dma_start3A_1713 = tpu.memref_slice %arg9[%dma_start3A_1700, %dma_start3A_1711, %dma_start3A_1712] : memref<2x3x128xi32, #tpu.memory_space<vmem>> -> memref<1x3x128xi32, #tpu.memory_space<vmem>>
        %dma_start3A_1714 = tpu.memref_squeeze %dma_start3A_1713 : memref<1x3x128xi32, #tpu.memory_space<vmem>> -> memref<3x128xi32, #tpu.memory_space<vmem>>
        %dma_start3A_1715 = arith.constant 0 : i32
        %dma_start3A_1716 = tpu.memref_slice %dma_start3A_1714[%dma_start3A_1701, %dma_start3A_1715] : memref<3x128xi32, #tpu.memory_space<vmem>> -> memref<1x128xi32, #tpu.memory_space<vmem>>
        %dma_start3A_1717 = tpu.memref_squeeze %dma_start3A_1716 : memref<1x128xi32, #tpu.memory_space<vmem>> -> memref<128xi32, #tpu.memory_space<vmem>>
        %dma_start3A_1718 = arith.constant 0 : i32
        %dma_start3A_1719 = tpu.memref_slice %arg3[%dma_start3A_1718] : memref<3000000xi32, #tpu.memory_space<hbm>> -> memref<3000000xi32, #tpu.memory_space<hbm>>
        tpu.enqueue_indirect_dma source(%dma_start3A_1719 : memref<3000000xi32, #tpu.memory_space<hbm>>) target(%dma_start3A_1710 : memref<128xi32, #tpu.memory_space<vmem>>) offsets(%dma_start3A_1717 : memref<128xi32, #tpu.memory_space<vmem>>) semaphore(%arg17 : memref<!tpu.dma_semaphore, #tpu.memory_space<semaphore_mem>>)
        %dma_start3A_1720 = arith.constant 1 : i32
        %dma_start3A_1721 = arith.constant 2 : i32
        %dma_start3A_1722 = arith.constant 1 : i32
        %dma_start3A_1723 = arith.constant 2 : i32
        %dma_start3A_1724 = arith.constant 0 : i32
        %dma_start3A_1725 = arith.constant 0 : i32
        %dma_start3A_1726 = tpu.memref_slice %arg10[%dma_start3A_1722, %dma_start3A_1724, %dma_start3A_1725] : memref<2x3x128xi32, #tpu.memory_space<vmem>> -> memref<1x3x128xi32, #tpu.memory_space<vmem>>
        %dma_start3A_1727 = tpu.memref_squeeze %dma_start3A_1726 : memref<1x3x128xi32, #tpu.memory_space<vmem>> -> memref<3x128xi32, #tpu.memory_space<vmem>>
        %dma_start3A_1728 = arith.constant 0 : i32
        %dma_start3A_1729 = tpu.memref_slice %dma_start3A_1727[%dma_start3A_1723, %dma_start3A_1728] : memref<3x128xi32, #tpu.memory_space<vmem>> -> memref<1x128xi32, #tpu.memory_space<vmem>>
        %dma_start3A_1730 = tpu.memref_squeeze %dma_start3A_1729 : memref<1x128xi32, #tpu.memory_space<vmem>> -> memref<128xi32, #tpu.memory_space<vmem>>
        %dma_start3A_1731 = arith.constant 0 : i32
        %dma_start3A_1732 = arith.constant 0 : i32
        %dma_start3A_1733 = tpu.memref_slice %arg9[%dma_start3A_1720, %dma_start3A_1731, %dma_start3A_1732] : memref<2x3x128xi32, #tpu.memory_space<vmem>> -> memref<1x3x128xi32, #tpu.memory_space<vmem>>
        %dma_start3A_1734 = tpu.memref_squeeze %dma_start3A_1733 : memref<1x3x128xi32, #tpu.memory_space<vmem>> -> memref<3x128xi32, #tpu.memory_space<vmem>>
        %dma_start3A_1735 = arith.constant 0 : i32
        %dma_start3A_1736 = tpu.memref_slice %dma_start3A_1734[%dma_start3A_1721, %dma_start3A_1735] : memref<3x128xi32, #tpu.memory_space<vmem>> -> memref<1x128xi32, #tpu.memory_space<vmem>>
        %dma_start3A_1737 = tpu.memref_squeeze %dma_start3A_1736 : memref<1x128xi32, #tpu.memory_space<vmem>> -> memref<128xi32, #tpu.memory_space<vmem>>
        %dma_start3A_1738 = arith.constant 0 : i32
        %dma_start3A_1739 = tpu.memref_slice %arg3[%dma_start3A_1738] : memref<3000000xi32, #tpu.memory_space<hbm>> -> memref<3000000xi32, #tpu.memory_space<hbm>>
        tpu.enqueue_indirect_dma source(%dma_start3A_1739 : memref<3000000xi32, #tpu.memory_space<hbm>>) target(%dma_start3A_1730 : memref<128xi32, #tpu.memory_space<vmem>>) offsets(%dma_start3A_1737 : memref<128xi32, #tpu.memory_space<vmem>>) semaphore(%arg17 : memref<!tpu.dma_semaphore, #tpu.memory_space<semaphore_mem>>)
      } else {
      }
      %ge3A_1244 = arith.constant 2 : i32
      %ge3A_1245 = arith.cmpi sge, %add3A_1138, %ge3A_1244 : i32
      %convert_element_type3A_1246 = arith.extui %ge3A_1245 : i1 to i32
      %cond3A_1247 = arith.constant 0 : i32
      %cond3A_1248 = arith.cmpi ne, %convert_element_type3A_1246, %cond3A_1247 : i32
      scf.if %cond3A_1248 {
        %sub3A_1372 = arith.constant 2 : i32
        %sub3A_1373 = arith.subi %add3A_1138, %sub3A_1372 : i32
        %jit3A_1374 = arith.constant 50 : i32
        %div3A_1375 = arith.divsi %sub3A_1373, %jit3A_1374 : i32
        %sign3A_1376 = arith.constant 0 : i32
        %sign3A_1377 = arith.cmpi sgt, %sub3A_1373, %sign3A_1376 : i32
        %sign3A_1378 = arith.extui %sign3A_1377 : i1 to i32
        %sign3A_1379 = arith.constant 0 : i32
        %sign3A_1380 = arith.cmpi slt, %sub3A_1373, %sign3A_1379 : i32
        %sign3A_1381 = arith.extui %sign3A_1380 : i1 to i32
        %sign3A_1382 = arith.subi %sign3A_1378, %sign3A_1381 : i32
        %sign3A_1383 = arith.constant 0 : i32
        %sign3A_1384 = arith.cmpi sgt, %jit3A_1374, %sign3A_1383 : i32
        %sign3A_1385 = arith.extui %sign3A_1384 : i1 to i32
        %sign3A_1386 = arith.constant 0 : i32
        %sign3A_1387 = arith.cmpi slt, %jit3A_1374, %sign3A_1386 : i32
        %sign3A_1388 = arith.extui %sign3A_1387 : i1 to i32
        %sign3A_1389 = arith.subi %sign3A_1385, %sign3A_1388 : i32
        %ne3A_1390 = arith.cmpi ne, %sign3A_1382, %sign3A_1389 : i32
        %rem3A_1391 = arith.remsi %sub3A_1373, %jit3A_1374 : i32
        %ne3A_1392 = arith.constant 0 : i32
        %ne3A_1393 = arith.cmpi ne, %rem3A_1391, %ne3A_1392 : i32
        %and3A_1394 = arith.andi %ne3A_1390, %ne3A_1393 : i1
        %sub3A_1395 = arith.constant 1 : i32
        %sub3A_1396 = arith.subi %div3A_1375, %sub3A_1395 : i32
        %select_n3A_1397 = arith.select %and3A_1394, %sub3A_1396, %div3A_1375 : i32
        %jit3A_1398 = arith.constant 50 : i32
        %eq3A_1399 = arith.constant 0 : i32
        %eq3A_1400 = arith.cmpi eq, %jit3A_1398, %eq3A_1399 : i32
        %jit3A_1401 = arith.constant 1 : i32
        %select_n3A_1402 = arith.select %eq3A_1400, %jit3A_1401, %jit3A_1398 : i32
        %rem3A_1403 = arith.remsi %sub3A_1373, %select_n3A_1402 : i32
        %ne3A_1404 = arith.constant 0 : i32
        %ne3A_1405 = arith.cmpi ne, %rem3A_1403, %ne3A_1404 : i32
        %lt3A_1406 = arith.constant 0 : i32
        %lt3A_1407 = arith.cmpi slt, %rem3A_1403, %lt3A_1406 : i32
        %lt3A_1408 = arith.constant 0 : i32
        %lt3A_1409 = arith.cmpi slt, %select_n3A_1402, %lt3A_1408 : i32
        %ne3A_1410 = arith.xori %lt3A_1407, %lt3A_1409 : i1
        %and3A_1411 = arith.andi %ne3A_1410, %ne3A_1405 : i1
        %add3A_1412 = arith.addi %rem3A_1403, %select_n3A_1402 : i32
        %select_n3A_1413 = arith.select %and3A_1411, %add3A_1412, %rem3A_1403 : i32
        %mul3A_1414 = arith.constant 4 : i32
        %mul3A_1415 = arith.muli %add3A, %mul3A_1414 : i32
        %add3A_1416 = arith.addi %mul3A_1415, %select_n3A_1397 : i32
        %dma_wait3A_1417 = arith.constant 1 : i32
        %dma_wait3A_1418 = arith.constant 0 : i32
        %dma_wait3A_1419 = arith.constant 0 : i32
        %dma_wait3A_1420 = arith.constant 0 : i32
        %dma_wait3A_1421 = tpu.memref_slice %arg13[%dma_wait3A_1417, %dma_wait3A_1418, %dma_wait3A_1419, %dma_wait3A_1420] : memref<2x8x8x129xf32, #tpu.memory_space<vmem>> -> memref<1x8x8x129xf32, #tpu.memory_space<vmem>>
        %dma_wait3A_1422 = tpu.memref_squeeze %dma_wait3A_1421 : memref<1x8x8x129xf32, #tpu.memory_space<vmem>> -> memref<8x8x129xf32, #tpu.memory_space<vmem>>
        %dma_wait3A_1423 = arith.constant 0 : i32
        %dma_wait3A_1424 = arith.constant 0 : i32
        %dma_wait3A_1425 = arith.constant 0 : i32
        %dma_wait3A_1426 = tpu.memref_slice %dma_wait3A_1422[%dma_wait3A_1423, %dma_wait3A_1424, %dma_wait3A_1425] : memref<8x8x129xf32, #tpu.memory_space<vmem>> -> memref<8x8x128xf32, #tpu.memory_space<vmem>>
        %dma_wait3A_1427 = arith.constant 0 : i32
        %dma_wait3A_1428 = arith.constant 0 : i32
        %dma_wait3A_1429 = arith.constant 0 : i32
        %dma_wait3A_1430 = tpu.memref_slice %arg7[%select_n3A_1413, %dma_wait3A_1427, %add3A_1416, %dma_wait3A_1428, %dma_wait3A_1429] : memref<50x8x128x8x128xf32, #tpu.memory_space<hbm>> -> memref<1x8x1x8x128xf32, #tpu.memory_space<hbm>>
        %dma_wait3A_1431 = tpu.memref_squeeze %dma_wait3A_1430 : memref<1x8x1x8x128xf32, #tpu.memory_space<hbm>> -> memref<8x8x128xf32, #tpu.memory_space<hbm>>
        %dma_wait3A_1432 = arith.constant 0 : i32
        %dma_wait3A_1433 = arith.constant 0 : i32
        %dma_wait3A_1434 = arith.constant 0 : i32
        %dma_wait3A_1435 = tpu.memref_slice %arg7[%select_n3A_1413, %dma_wait3A_1432, %add3A_1416, %dma_wait3A_1433, %dma_wait3A_1434] : memref<50x8x128x8x128xf32, #tpu.memory_space<hbm>> -> memref<1x8x1x8x128xf32, #tpu.memory_space<hbm>>
        %dma_wait3A_1436 = tpu.memref_squeeze %dma_wait3A_1435 : memref<1x8x1x8x128xf32, #tpu.memory_space<hbm>> -> memref<8x8x128xf32, #tpu.memory_space<hbm>>
        %dma_wait3A_1437 = arith.constant 0 : i32
        %dma_wait3A_1438 = arith.constant 0 : i32
        %dma_wait3A_1439 = arith.constant 0 : i32
        %dma_wait3A_1440 = tpu.memref_slice %arg13[%dma_wait3A_1417, %dma_wait3A_1437, %dma_wait3A_1438, %dma_wait3A_1439] : memref<2x8x8x129xf32, #tpu.memory_space<vmem>> -> memref<1x8x8x129xf32, #tpu.memory_space<vmem>>
        %dma_wait3A_1441 = tpu.memref_squeeze %dma_wait3A_1440 : memref<1x8x8x129xf32, #tpu.memory_space<vmem>> -> memref<8x8x129xf32, #tpu.memory_space<vmem>>
        %dma_wait3A_1442 = arith.constant 0 : i32
        %dma_wait3A_1443 = arith.constant 0 : i32
        %dma_wait3A_1444 = arith.constant 0 : i32
        %dma_wait3A_1445 = tpu.memref_slice %dma_wait3A_1441[%dma_wait3A_1442, %dma_wait3A_1443, %dma_wait3A_1444] : memref<8x8x129xf32, #tpu.memory_space<vmem>> -> memref<8x8x128xf32, #tpu.memory_space<vmem>>
        tpu.wait_dma2 semaphore(%arg21 : memref<!tpu.dma_semaphore, #tpu.memory_space<semaphore_mem>>) src(%dma_wait3A_1445 : memref<8x8x128xf32, #tpu.memory_space<vmem>>) dst(%dma_wait3A_1436 : memref<8x8x128xf32, #tpu.memory_space<hbm>>)
      } else {
      }
      %mul3A_1249 = arith.constant 2 : i32
      %mul3A_1250 = vector.broadcast %mul3A_1249 : i32 to vector<16xi32>
      %mul3A_1251 = arith.muli %iota3A, %mul3A_1250 : vector<16xi32>
      %add3A_1252 = arith.constant 0 : i32
      %add3A_1253 = vector.broadcast %add3A_1252 : i32 to vector<16xi32>
      %add3A_1254 = arith.addi %mul3A_1251, %add3A_1253 : vector<16xi32>
      %div3A_1255 = arith.constant 8 : i32
      %div3A_1256 = vector.broadcast %div3A_1255 : i32 to vector<16xi32>
      %div3A_1257 = arith.divsi %add3A_1254, %div3A_1256 : vector<16xi32>
      %rem3A_1258 = arith.constant 8 : i32
      %rem3A_1259 = vector.broadcast %rem3A_1258 : i32 to vector<16xi32>
      %rem3A_1260 = arith.remsi %add3A_1254, %rem3A_1259 : vector<16xi32>
      %mul3A_1261 = arith.constant 2 : i32
      %mul3A_1262 = vector.broadcast %mul3A_1261 : i32 to vector<16xi32>
      %mul3A_1263 = arith.muli %iota3A, %mul3A_1262 : vector<16xi32>
      %add3A_1264 = arith.constant 1 : i32
      %add3A_1265 = vector.broadcast %add3A_1264 : i32 to vector<16xi32>
      %add3A_1266 = arith.addi %mul3A_1263, %add3A_1265 : vector<16xi32>
      %div3A_1267 = arith.constant 8 : i32
      %div3A_1268 = vector.broadcast %div3A_1267 : i32 to vector<16xi32>
      %div3A_1269 = arith.divsi %add3A_1266, %div3A_1268 : vector<16xi32>
      %rem3A_1270 = arith.constant 8 : i32
      %rem3A_1271 = vector.broadcast %rem3A_1270 : i32 to vector<16xi32>
      %rem3A_1272 = arith.remsi %add3A_1266, %rem3A_1271 : vector<16xi32>
      %mul3A_1273 = arith.constant 2 : i32
      %mul3A_1274 = vector.broadcast %mul3A_1273 : i32 to vector<16xi32>
      %mul3A_1275 = arith.muli %iota3A, %mul3A_1274 : vector<16xi32>
      %add3A_1276 = arith.constant 32 : i32
      %add3A_1277 = vector.broadcast %add3A_1276 : i32 to vector<16xi32>
      %add3A_1278 = arith.addi %mul3A_1275, %add3A_1277 : vector<16xi32>
      %div3A_1279 = arith.constant 8 : i32
      %div3A_1280 = vector.broadcast %div3A_1279 : i32 to vector<16xi32>
      %div3A_1281 = arith.divsi %add3A_1278, %div3A_1280 : vector<16xi32>
      %rem3A_1282 = arith.constant 8 : i32
      %rem3A_1283 = vector.broadcast %rem3A_1282 : i32 to vector<16xi32>
      %rem3A_1284 = arith.remsi %add3A_1278, %rem3A_1283 : vector<16xi32>
      %mul3A_1285 = arith.constant 2 : i32
      %mul3A_1286 = vector.broadcast %mul3A_1285 : i32 to vector<16xi32>
      %mul3A_1287 = arith.muli %iota3A, %mul3A_1286 : vector<16xi32>
      %add3A_1288 = arith.constant 33 : i32
      %add3A_1289 = vector.broadcast %add3A_1288 : i32 to vector<16xi32>
      %add3A_1290 = arith.addi %mul3A_1287, %add3A_1289 : vector<16xi32>
      %div3A_1291 = arith.constant 8 : i32
      %div3A_1292 = vector.broadcast %div3A_1291 : i32 to vector<16xi32>
      %div3A_1293 = arith.divsi %add3A_1290, %div3A_1292 : vector<16xi32>
      %rem3A_1294 = arith.constant 8 : i32
      %rem3A_1295 = vector.broadcast %rem3A_1294 : i32 to vector<16xi32>
      %rem3A_1296 = arith.remsi %add3A_1290, %rem3A_1295 : vector<16xi32>
      %parallel_loop3A_1297 = arith.constant 0 : i32
      %parallel_loop3A_1298 = arith.constant 128 : i32
      %parallel_loop3A_1299 = arith.constant 1 : i32
      scf.for %parallel_loop3A_1372 = %parallel_loop3A_1297 to %parallel_loop3A_1298 step %parallel_loop3A_1299  : i32 {
        %parallel_loop3A_1373 = arith.constant 0 : i32
        %parallel_loop3A_1374 = vector.broadcast %parallel_loop3A_1373 : i32 to vector<16xi32>
        %parallel_loop3A_1375 = vector.broadcast %parallel_loop3A_1372 : i32 to vector<16xi32>
        %parallel_loop3A_1376 = arith.addi %parallel_loop3A_1374, %parallel_loop3A_1375 : vector<16xi32>
        %parallel_loop3A_1377 = arith.constant 1 : i32
        %parallel_loop3A_1378 = arith.constant 0 : i32
        %parallel_loop3A_1379 = arith.index_cast %parallel_loop3A_1377 : i32 to index
        %parallel_loop3A_1380 = arith.index_cast %parallel_loop3A_1378 : i32 to index
        %parallel_loop3A_1381 = arith.index_cast %parallel_loop3A_1372 : i32 to index
        %parallel_loop3A_1382 = arith.constant 0 : index
        %parallel_loop3A_1383 = tpu.vector_load %arg11[%parallel_loop3A_1379, %parallel_loop3A_1380, %parallel_loop3A_1381, %parallel_loop3A_1382] {strides = array<i32>} : memref<2x3x128x64xbf16, #tpu.memory_space<vmem>>, vector<32xbf16>,
        %parallel_loop3A_1384 = arith.constant 1 : i32
        %parallel_loop3A_1385 = arith.constant 1 : i32
        %parallel_loop3A_1386 = arith.index_cast %parallel_loop3A_1384 : i32 to index
        %parallel_loop3A_1387 = arith.index_cast %parallel_loop3A_1385 : i32 to index
        %parallel_loop3A_1388 = arith.index_cast %parallel_loop3A_1372 : i32 to index
        %parallel_loop3A_1389 = arith.constant 0 : index
        %parallel_loop3A_1390 = tpu.vector_load %arg11[%parallel_loop3A_1386, %parallel_loop3A_1387, %parallel_loop3A_1388, %parallel_loop3A_1389] {strides = array<i32>} : memref<2x3x128x64xbf16, #tpu.memory_space<vmem>>, vector<32xbf16>,
        %parallel_loop3A_1391 = arith.addf %parallel_loop3A_1383, %parallel_loop3A_1390 : vector<32xbf16>
        %parallel_loop3A_1392 = arith.constant 1 : i32
        %parallel_loop3A_1393 = arith.constant 2 : i32
        %parallel_loop3A_1394 = arith.index_cast %parallel_loop3A_1392 : i32 to index
        %parallel_loop3A_1395 = arith.index_cast %parallel_loop3A_1393 : i32 to index
        %parallel_loop3A_1396 = arith.index_cast %parallel_loop3A_1372 : i32 to index
        %parallel_loop3A_1397 = arith.constant 0 : index
        %parallel_loop3A_1398 = tpu.vector_load %arg11[%parallel_loop3A_1394, %parallel_loop3A_1395, %parallel_loop3A_1396, %parallel_loop3A_1397] {strides = array<i32>} : memref<2x3x128x64xbf16, #tpu.memory_space<vmem>>, vector<32xbf16>,
        %parallel_loop3A_1399 = arith.addf %parallel_loop3A_1391, %parallel_loop3A_1398 : vector<32xbf16>
        %parallel_loop3A_1400 = tpu.unpack_subelements %parallel_loop3A_1399, 0 {pack_format = #tpu.pack_format<interleaved>} : vector<32xbf16> -> vector<16xf32>
        %parallel_loop3A_1401 = tpu.unpack_subelements %parallel_loop3A_1399, 1 {pack_format = #tpu.pack_format<interleaved>} : vector<32xbf16> -> vector<16xf32>
        %parallel_loop3A_1402 = arith.constant 1 : i32
        %parallel_loop3A_1403 = arith.constant 0 : i32
        %parallel_loop3A_1404 = arith.constant 0 : i32
        %parallel_loop3A_1405 = arith.constant 0 : i32
        %parallel_loop3A_1406 = tpu.memref_slice %arg13[%parallel_loop3A_1402, %parallel_loop3A_1403, %parallel_loop3A_1404, %parallel_loop3A_1405] : memref<2x8x8x129xf32, #tpu.memory_space<vmem>> -> memref<1x8x8x129xf32, #tpu.memory_space<vmem>>
        %parallel_loop3A_1407 = tpu.memref_squeeze %parallel_loop3A_1406 : memref<1x8x8x129xf32, #tpu.memory_space<vmem>> -> memref<8x8x129xf32, #tpu.memory_space<vmem>>
        tpu.vector_store_idx %parallel_loop3A_1407[%div3A_1257, %rem3A_1260, %parallel_loop3A_1376], %parallel_loop3A_1400 : memref<8x8x129xf32, #tpu.memory_space<vmem>>[vector<16xi32>, vector<16xi32>, vector<16xi32>], vector<16xf32>,
        %parallel_loop3A_1408 = arith.constant 1 : i32
        %parallel_loop3A_1409 = arith.constant 0 : i32
        %parallel_loop3A_1410 = arith.constant 0 : i32
        %parallel_loop3A_1411 = arith.constant 0 : i32
        %parallel_loop3A_1412 = tpu.memref_slice %arg13[%parallel_loop3A_1408, %parallel_loop3A_1409, %parallel_loop3A_1410, %parallel_loop3A_1411] : memref<2x8x8x129xf32, #tpu.memory_space<vmem>> -> memref<1x8x8x129xf32, #tpu.memory_space<vmem>>
        %parallel_loop3A_1413 = tpu.memref_squeeze %parallel_loop3A_1412 : memref<1x8x8x129xf32, #tpu.memory_space<vmem>> -> memref<8x8x129xf32, #tpu.memory_space<vmem>>
        tpu.vector_store_idx %parallel_loop3A_1413[%div3A_1269, %rem3A_1272, %parallel_loop3A_1376], %parallel_loop3A_1401 : memref<8x8x129xf32, #tpu.memory_space<vmem>>[vector<16xi32>, vector<16xi32>, vector<16xi32>], vector<16xf32>,
        %parallel_loop3A_1414 = arith.constant 1 : i32
        %parallel_loop3A_1415 = arith.constant 0 : i32
        %parallel_loop3A_1416 = arith.index_cast %parallel_loop3A_1414 : i32 to index
        %parallel_loop3A_1417 = arith.index_cast %parallel_loop3A_1415 : i32 to index
        %parallel_loop3A_1418 = arith.index_cast %parallel_loop3A_1372 : i32 to index
        %parallel_loop3A_1419 = arith.constant 32 : index
        %parallel_loop3A_1420 = tpu.vector_load %arg11[%parallel_loop3A_1416, %parallel_loop3A_1417, %parallel_loop3A_1418, %parallel_loop3A_1419] {strides = array<i32>} : memref<2x3x128x64xbf16, #tpu.memory_space<vmem>>, vector<32xbf16>,
        %parallel_loop3A_1421 = arith.constant 1 : i32
        %parallel_loop3A_1422 = arith.constant 1 : i32
        %parallel_loop3A_1423 = arith.index_cast %parallel_loop3A_1421 : i32 to index
        %parallel_loop3A_1424 = arith.index_cast %parallel_loop3A_1422 : i32 to index
        %parallel_loop3A_1425 = arith.index_cast %parallel_loop3A_1372 : i32 to index
        %parallel_loop3A_1426 = arith.constant 32 : index
        %parallel_loop3A_1427 = tpu.vector_load %arg11[%parallel_loop3A_1423, %parallel_loop3A_1424, %parallel_loop3A_1425, %parallel_loop3A_1426] {strides = array<i32>} : memref<2x3x128x64xbf16, #tpu.memory_space<vmem>>, vector<32xbf16>,
        %parallel_loop3A_1428 = arith.addf %parallel_loop3A_1420, %parallel_loop3A_1427 : vector<32xbf16>
        %parallel_loop3A_1429 = arith.constant 1 : i32
        %parallel_loop3A_1430 = arith.constant 2 : i32
        %parallel_loop3A_1431 = arith.index_cast %parallel_loop3A_1429 : i32 to index
        %parallel_loop3A_1432 = arith.index_cast %parallel_loop3A_1430 : i32 to index
        %parallel_loop3A_1433 = arith.index_cast %parallel_loop3A_1372 : i32 to index
        %parallel_loop3A_1434 = arith.constant 32 : index
        %parallel_loop3A_1435 = tpu.vector_load %arg11[%parallel_loop3A_1431, %parallel_loop3A_1432, %parallel_loop3A_1433, %parallel_loop3A_1434] {strides = array<i32>} : memref<2x3x128x64xbf16, #tpu.memory_space<vmem>>, vector<32xbf16>,
        %parallel_loop3A_1436 = arith.addf %parallel_loop3A_1428, %parallel_loop3A_1435 : vector<32xbf16>
        %parallel_loop3A_1437 = tpu.unpack_subelements %parallel_loop3A_1436, 0 {pack_format = #tpu.pack_format<interleaved>} : vector<32xbf16> -> vector<16xf32>
        %parallel_loop3A_1438 = tpu.unpack_subelements %parallel_loop3A_1436, 1 {pack_format = #tpu.pack_format<interleaved>} : vector<32xbf16> -> vector<16xf32>
        %parallel_loop3A_1439 = arith.constant 1 : i32
        %parallel_loop3A_1440 = arith.constant 0 : i32
        %parallel_loop3A_1441 = arith.constant 0 : i32
        %parallel_loop3A_1442 = arith.constant 0 : i32
        %parallel_loop3A_1443 = tpu.memref_slice %arg13[%parallel_loop3A_1439, %parallel_loop3A_1440, %parallel_loop3A_1441, %parallel_loop3A_1442] : memref<2x8x8x129xf32, #tpu.memory_space<vmem>> -> memref<1x8x8x129xf32, #tpu.memory_space<vmem>>
        %parallel_loop3A_1444 = tpu.memref_squeeze %parallel_loop3A_1443 : memref<1x8x8x129xf32, #tpu.memory_space<vmem>> -> memref<8x8x129xf32, #tpu.memory_space<vmem>>
        tpu.vector_store_idx %parallel_loop3A_1444[%div3A_1281, %rem3A_1284, %parallel_loop3A_1376], %parallel_loop3A_1437 : memref<8x8x129xf32, #tpu.memory_space<vmem>>[vector<16xi32>, vector<16xi32>, vector<16xi32>], vector<16xf32>,
        %parallel_loop3A_1445 = arith.constant 1 : i32
        %parallel_loop3A_1446 = arith.constant 0 : i32
        %parallel_loop3A_1447 = arith.constant 0 : i32
        %parallel_loop3A_1448 = arith.constant 0 : i32
        %parallel_loop3A_1449 = tpu.memref_slice %arg13[%parallel_loop3A_1445, %parallel_loop3A_1446, %parallel_loop3A_1447, %parallel_loop3A_1448] : memref<2x8x8x129xf32, #tpu.memory_space<vmem>> -> memref<1x8x8x129xf32, #tpu.memory_space<vmem>>
        %parallel_loop3A_1450 = tpu.memref_squeeze %parallel_loop3A_1449 : memref<1x8x8x129xf32, #tpu.memory_space<vmem>> -> memref<8x8x129xf32, #tpu.memory_space<vmem>>
        tpu.vector_store_idx %parallel_loop3A_1450[%div3A_1293, %rem3A_1296, %parallel_loop3A_1376], %parallel_loop3A_1438 : memref<8x8x129xf32, #tpu.memory_space<vmem>>[vector<16xi32>, vector<16xi32>, vector<16xi32>], vector<16xf32>,
      } {sc.loop_unroll_factor = 8 : i64, sc.parallel_access}
      %jit3A_1300 = arith.constant 50 : i32
      %div3A_1301 = arith.divsi %add3A_1138, %jit3A_1300 : i32
      %sign3A_1302 = arith.constant 0 : i32
      %sign3A_1303 = arith.cmpi sgt, %add3A_1138, %sign3A_1302 : i32
      %sign3A_1304 = arith.extui %sign3A_1303 : i1 to i32
      %sign3A_1305 = arith.constant 0 : i32
      %sign3A_1306 = arith.cmpi slt, %add3A_1138, %sign3A_1305 : i32
      %sign3A_1307 = arith.extui %sign3A_1306 : i1 to i32
      %sign3A_1308 = arith.subi %sign3A_1304, %sign3A_1307 : i32
      %sign3A_1309 = arith.constant 0 : i32
      %sign3A_1310 = arith.cmpi sgt, %jit3A_1300, %sign3A_1309 : i32
      %sign3A_1311 = arith.extui %sign3A_1310 : i1 to i32
      %sign3A_1312 = arith.constant 0 : i32
      %sign3A_1313 = arith.cmpi slt, %jit3A_1300, %sign3A_1312 : i32
      %sign3A_1314 = arith.extui %sign3A_1313 : i1 to i32
      %sign3A_1315 = arith.subi %sign3A_1311, %sign3A_1314 : i32
      %ne3A_1316 = arith.cmpi ne, %sign3A_1308, %sign3A_1315 : i32
      %rem3A_1317 = arith.remsi %add3A_1138, %jit3A_1300 : i32
      %ne3A_1318 = arith.constant 0 : i32
      %ne3A_1319 = arith.cmpi ne, %rem3A_1317, %ne3A_1318 : i32
      %and3A_1320 = arith.andi %ne3A_1316, %ne3A_1319 : i1
      %sub3A_1321 = arith.constant 1 : i32
      %sub3A_1322 = arith.subi %div3A_1301, %sub3A_1321 : i32
      %select_n3A_1323 = arith.select %and3A_1320, %sub3A_1322, %div3A_1301 : i32
      %jit3A_1324 = arith.constant 50 : i32
      %eq3A_1325 = arith.constant 0 : i32
      %eq3A_1326 = arith.cmpi eq, %jit3A_1324, %eq3A_1325 : i32
      %jit3A_1327 = arith.constant 1 : i32
      %select_n3A_1328 = arith.select %eq3A_1326, %jit3A_1327, %jit3A_1324 : i32
      %rem3A_1329 = arith.remsi %add3A_1138, %select_n3A_1328 : i32
      %ne3A_1330 = arith.constant 0 : i32
      %ne3A_1331 = arith.cmpi ne, %rem3A_1329, %ne3A_1330 : i32
      %lt3A_1332 = arith.constant 0 : i32
      %lt3A_1333 = arith.cmpi slt, %rem3A_1329, %lt3A_1332 : i32
      %lt3A_1334 = arith.constant 0 : i32
      %lt3A_1335 = arith.cmpi slt, %select_n3A_1328, %lt3A_1334 : i32
      %ne3A_1336 = arith.xori %lt3A_1333, %lt3A_1335 : i1
      %and3A_1337 = arith.andi %ne3A_1336, %ne3A_1331 : i1
      %add3A_1338 = arith.addi %rem3A_1329, %select_n3A_1328 : i32
      %select_n3A_1339 = arith.select %and3A_1337, %add3A_1338, %rem3A_1329 : i32
      %mul3A_1340 = arith.constant 4 : i32
      %mul3A_1341 = arith.muli %add3A, %mul3A_1340 : i32
      %add3A_1342 = arith.addi %mul3A_1341, %select_n3A_1323 : i32
      %dma_start3A_1343 = arith.constant 1 : i32
      %dma_start3A_1344 = arith.constant 0 : i32
      %dma_start3A_1345 = arith.constant 0 : i32
      %dma_start3A_1346 = arith.constant 0 : i32
      %dma_start3A_1347 = tpu.memref_slice %arg13[%dma_start3A_1343, %dma_start3A_1344, %dma_start3A_1345, %dma_start3A_1346] : memref<2x8x8x129xf32, #tpu.memory_space<vmem>> -> memref<1x8x8x129xf32, #tpu.memory_space<vmem>>
      %dma_start3A_1348 = tpu.memref_squeeze %dma_start3A_1347 : memref<1x8x8x129xf32, #tpu.memory_space<vmem>> -> memref<8x8x129xf32, #tpu.memory_space<vmem>>
      %dma_start3A_1349 = arith.constant 0 : i32
      %dma_start3A_1350 = arith.constant 0 : i32
      %dma_start3A_1351 = arith.constant 0 : i32
      %dma_start3A_1352 = tpu.memref_slice %dma_start3A_1348[%dma_start3A_1349, %dma_start3A_1350, %dma_start3A_1351] : memref<8x8x129xf32, #tpu.memory_space<vmem>> -> memref<8x8x128xf32, #tpu.memory_space<vmem>>
      %dma_start3A_1353 = arith.constant 0 : i32
      %dma_start3A_1354 = arith.constant 0 : i32
      %dma_start3A_1355 = arith.constant 0 : i32
      %dma_start3A_1356 = tpu.memref_slice %arg7[%select_n3A_1339, %dma_start3A_1353, %add3A_1342, %dma_start3A_1354, %dma_start3A_1355] : memref<50x8x128x8x128xf32, #tpu.memory_space<hbm>> -> memref<1x8x1x8x128xf32, #tpu.memory_space<hbm>>
      %dma_start3A_1357 = tpu.memref_squeeze %dma_start3A_1356 : memref<1x8x1x8x128xf32, #tpu.memory_space<hbm>> -> memref<8x8x128xf32, #tpu.memory_space<hbm>>
      %dma_start3A_1358 = arith.constant 0 : i32
      %dma_start3A_1359 = arith.constant 0 : i32
      %dma_start3A_1360 = arith.constant 0 : i32
      %dma_start3A_1361 = tpu.memref_slice %arg7[%select_n3A_1339, %dma_start3A_1358, %add3A_1342, %dma_start3A_1359, %dma_start3A_1360] : memref<50x8x128x8x128xf32, #tpu.memory_space<hbm>> -> memref<1x8x1x8x128xf32, #tpu.memory_space<hbm>>
      %dma_start3A_1362 = tpu.memref_squeeze %dma_start3A_1361 : memref<1x8x1x8x128xf32, #tpu.memory_space<hbm>> -> memref<8x8x128xf32, #tpu.memory_space<hbm>>
      %dma_start3A_1363 = arith.constant 0 : i32
      %dma_start3A_1364 = arith.constant 0 : i32
      %dma_start3A_1365 = arith.constant 0 : i32
      %dma_start3A_1366 = tpu.memref_slice %arg13[%dma_start3A_1343, %dma_start3A_1363, %dma_start3A_1364, %dma_start3A_1365] : memref<2x8x8x129xf32, #tpu.memory_space<vmem>> -> memref<1x8x8x129xf32, #tpu.memory_space<vmem>>
      %dma_start3A_1367 = tpu.memref_squeeze %dma_start3A_1366 : memref<1x8x8x129xf32, #tpu.memory_space<vmem>> -> memref<8x8x129xf32, #tpu.memory_space<vmem>>
      %dma_start3A_1368 = arith.constant 0 : i32
      %dma_start3A_1369 = arith.constant 0 : i32
      %dma_start3A_1370 = arith.constant 0 : i32
      %dma_start3A_1371 = tpu.memref_slice %dma_start3A_1367[%dma_start3A_1368, %dma_start3A_1369, %dma_start3A_1370] : memref<8x8x129xf32, #tpu.memory_space<vmem>> -> memref<8x8x128xf32, #tpu.memory_space<vmem>>
      tpu.enqueue_dma source(%dma_start3A_1371 : memref<8x8x128xf32, #tpu.memory_space<vmem>>) target(%dma_start3A_1362 : memref<8x8x128xf32, #tpu.memory_space<hbm>>) target_semaphore(%arg21 : memref<!tpu.dma_semaphore, #tpu.memory_space<semaphore_mem>>)
    }
    %scan3A_841 = arith.constant 100 : i32
    %mul3A_842 = arith.constant 4 : i32
    %mul3A_843 = arith.muli %add3A, %mul3A_842 : i32
    %add3A_844 = arith.constant 3 : i32
    %add3A_845 = arith.addi %mul3A_843, %add3A_844 : i32
    %dma_wait3A_846 = arith.constant 0 : i32
    %dma_wait3A_847 = arith.constant 48 : i32
    %dma_wait3A_848 = arith.constant 0 : i32
    %dma_wait3A_849 = arith.constant 0 : i32
    %dma_wait3A_850 = arith.constant 0 : i32
    %dma_wait3A_851 = tpu.memref_slice %arg13[%dma_wait3A_846, %dma_wait3A_848, %dma_wait3A_849, %dma_wait3A_850] : memref<2x8x8x129xf32, #tpu.memory_space<vmem>> -> memref<1x8x8x129xf32, #tpu.memory_space<vmem>>
    %dma_wait3A_852 = tpu.memref_squeeze %dma_wait3A_851 : memref<1x8x8x129xf32, #tpu.memory_space<vmem>> -> memref<8x8x129xf32, #tpu.memory_space<vmem>>
    %dma_wait3A_853 = arith.constant 0 : i32
    %dma_wait3A_854 = arith.constant 0 : i32
    %dma_wait3A_855 = arith.constant 0 : i32
    %dma_wait3A_856 = tpu.memref_slice %dma_wait3A_852[%dma_wait3A_853, %dma_wait3A_854, %dma_wait3A_855] : memref<8x8x129xf32, #tpu.memory_space<vmem>> -> memref<8x8x128xf32, #tpu.memory_space<vmem>>
    %dma_wait3A_857 = arith.constant 0 : i32
    %dma_wait3A_858 = arith.constant 0 : i32
    %dma_wait3A_859 = arith.constant 0 : i32
    %dma_wait3A_860 = tpu.memref_slice %arg7[%dma_wait3A_847, %dma_wait3A_857, %add3A_845, %dma_wait3A_858, %dma_wait3A_859] : memref<50x8x128x8x128xf32, #tpu.memory_space<hbm>> -> memref<1x8x1x8x128xf32, #tpu.memory_space<hbm>>
    %dma_wait3A_861 = tpu.memref_squeeze %dma_wait3A_860 : memref<1x8x1x8x128xf32, #tpu.memory_space<hbm>> -> memref<8x8x128xf32, #tpu.memory_space<hbm>>
    %dma_wait3A_862 = arith.constant 0 : i32
    %dma_wait3A_863 = arith.constant 0 : i32
    %dma_wait3A_864 = arith.constant 0 : i32
    %dma_wait3A_865 = tpu.memref_slice %arg7[%dma_wait3A_847, %dma_wait3A_862, %add3A_845, %dma_wait3A_863, %dma_wait3A_864] : memref<50x8x128x8x128xf32, #tpu.memory_space<hbm>> -> memref<1x8x1x8x128xf32, #tpu.memory_space<hbm>>
    %dma_wait3A_866 = tpu.memref_squeeze %dma_wait3A_865 : memref<1x8x1x8x128xf32, #tpu.memory_space<hbm>> -> memref<8x8x128xf32, #tpu.memory_space<hbm>>
    %dma_wait3A_867 = arith.constant 0 : i32
    %dma_wait3A_868 = arith.constant 0 : i32
    %dma_wait3A_869 = arith.constant 0 : i32
    %dma_wait3A_870 = tpu.memref_slice %arg13[%dma_wait3A_846, %dma_wait3A_867, %dma_wait3A_868, %dma_wait3A_869] : memref<2x8x8x129xf32, #tpu.memory_space<vmem>> -> memref<1x8x8x129xf32, #tpu.memory_space<vmem>>
    %dma_wait3A_871 = tpu.memref_squeeze %dma_wait3A_870 : memref<1x8x8x129xf32, #tpu.memory_space<vmem>> -> memref<8x8x129xf32, #tpu.memory_space<vmem>>
    %dma_wait3A_872 = arith.constant 0 : i32
    %dma_wait3A_873 = arith.constant 0 : i32
    %dma_wait3A_874 = arith.constant 0 : i32
    %dma_wait3A_875 = tpu.memref_slice %dma_wait3A_871[%dma_wait3A_872, %dma_wait3A_873, %dma_wait3A_874] : memref<8x8x129xf32, #tpu.memory_space<vmem>> -> memref<8x8x128xf32, #tpu.memory_space<vmem>>
    tpu.wait_dma2 semaphore(%arg20 : memref<!tpu.dma_semaphore, #tpu.memory_space<semaphore_mem>>) src(%dma_wait3A_875 : memref<8x8x128xf32, #tpu.memory_space<vmem>>) dst(%dma_wait3A_866 : memref<8x8x128xf32, #tpu.memory_space<hbm>>)
    %mul3A_876 = arith.constant 4 : i32
    %mul3A_877 = arith.muli %add3A, %mul3A_876 : i32
    %add3A_878 = arith.constant 3 : i32
    %add3A_879 = arith.addi %mul3A_877, %add3A_878 : i32
    %dma_wait3A_880 = arith.constant 1 : i32
    %dma_wait3A_881 = arith.constant 49 : i32
    %dma_wait3A_882 = arith.constant 0 : i32
    %dma_wait3A_883 = arith.constant 0 : i32
    %dma_wait3A_884 = arith.constant 0 : i32
    %dma_wait3A_885 = tpu.memref_slice %arg13[%dma_wait3A_880, %dma_wait3A_882, %dma_wait3A_883, %dma_wait3A_884] : memref<2x8x8x129xf32, #tpu.memory_space<vmem>> -> memref<1x8x8x129xf32, #tpu.memory_space<vmem>>
    %dma_wait3A_886 = tpu.memref_squeeze %dma_wait3A_885 : memref<1x8x8x129xf32, #tpu.memory_space<vmem>> -> memref<8x8x129xf32, #tpu.memory_space<vmem>>
    %dma_wait3A_887 = arith.constant 0 : i32
    %dma_wait3A_888 = arith.constant 0 : i32
    %dma_wait3A_889 = arith.constant 0 : i32
    %dma_wait3A_890 = tpu.memref_slice %dma_wait3A_886[%dma_wait3A_887, %dma_wait3A_888, %dma_wait3A_889] : memref<8x8x129xf32, #tpu.memory_space<vmem>> -> memref<8x8x128xf32, #tpu.memory_space<vmem>>
    %dma_wait3A_891 = arith.constant 0 : i32
    %dma_wait3A_892 = arith.constant 0 : i32
    %dma_wait3A_893 = arith.constant 0 : i32
    %dma_wait3A_894 = tpu.memref_slice %arg7[%dma_wait3A_881, %dma_wait3A_891, %add3A_879, %dma_wait3A_892, %dma_wait3A_893] : memref<50x8x128x8x128xf32, #tpu.memory_space<hbm>> -> memref<1x8x1x8x128xf32, #tpu.memory_space<hbm>>
    %dma_wait3A_895 = tpu.memref_squeeze %dma_wait3A_894 : memref<1x8x1x8x128xf32, #tpu.memory_space<hbm>> -> memref<8x8x128xf32, #tpu.memory_space<hbm>>
    %dma_wait3A_896 = arith.constant 0 : i32
    %dma_wait3A_897 = arith.constant 0 : i32
    %dma_wait3A_898 = arith.constant 0 : i32
    %dma_wait3A_899 = tpu.memref_slice %arg7[%dma_wait3A_881, %dma_wait3A_896, %add3A_879, %dma_wait3A_897, %dma_wait3A_898] : memref<50x8x128x8x128xf32, #tpu.memory_space<hbm>> -> memref<1x8x1x8x128xf32, #tpu.memory_space<hbm>>
    %dma_wait3A_900 = tpu.memref_squeeze %dma_wait3A_899 : memref<1x8x1x8x128xf32, #tpu.memory_space<hbm>> -> memref<8x8x128xf32, #tpu.memory_space<hbm>>
    %dma_wait3A_901 = arith.constant 0 : i32
    %dma_wait3A_902 = arith.constant 0 : i32
    %dma_wait3A_903 = arith.constant 0 : i32
    %dma_wait3A_904 = tpu.memref_slice %arg13[%dma_wait3A_880, %dma_wait3A_901, %dma_wait3A_902, %dma_wait3A_903] : memref<2x8x8x129xf32, #tpu.memory_space<vmem>> -> memref<1x8x8x129xf32, #tpu.memory_space<vmem>>
    %dma_wait3A_905 = tpu.memref_squeeze %dma_wait3A_904 : memref<1x8x8x129xf32, #tpu.memory_space<vmem>> -> memref<8x8x129xf32, #tpu.memory_space<vmem>>
    %dma_wait3A_906 = arith.constant 0 : i32
    %dma_wait3A_907 = arith.constant 0 : i32
    %dma_wait3A_908 = arith.constant 0 : i32
    %dma_wait3A_909 = tpu.memref_slice %dma_wait3A_905[%dma_wait3A_906, %dma_wait3A_907, %dma_wait3A_908] : memref<8x8x129xf32, #tpu.memory_space<vmem>> -> memref<8x8x128xf32, #tpu.memory_space<vmem>>
    tpu.wait_dma2 semaphore(%arg21 : memref<!tpu.dma_semaphore, #tpu.memory_space<semaphore_mem>>) src(%dma_wait3A_909 : memref<8x8x128xf32, #tpu.memory_space<vmem>>) dst(%dma_wait3A_900 : memref<8x8x128xf32, #tpu.memory_space<hbm>>)
    return
  }
}

</mosaic_0001>

<sc_bundles>
// kernel: kernel.3.cloned.1.call-start
scs
__scs_entry_jumppad:
0x0: {  	(pc) =	sbr.rel $0x88, $3  }
0x1: {  	(tag) =	ssettag $0x0;
	lr =	simm.s32 $0x1  }
0x2: {  	[smem:$0x3F9E] =	sst lr;
	_ =	strace $0xD0000000  }
0x3: {  	_ = 	snop  }
0x4: {  	_ = 	snop  }
0x5: {  	_ = 	snop  }
0x6: {  	_ = 	snop  }
0x7: {  	_ = 	snop  }
__scs_overlays_trampoline_lowered:
0x8: {  	[smem:$0x3FAD] =	sst s0  }
0x9: {  	[smem:$0x3FAE] =	sst s1  }
0xa: {  	[smem:$0x3FAF] =	sst s2  }
0xb: {  	[smem:$0x3FB0] =	sst s3  }
0xc: {  	[smem:$0x3FB1] =	sst s4  }
0xd: {  	[smem:$0x3FB2] =	sst s5  }
0xe: {  	[smem:$0x3FB3] =	sst s6  }
0xf: {  	[smem:$0x3FB4] =	sst s7  }
0x10: {  	[smem:$0x3FB5] =	sst s8  }
0x11: {  	[smem:$0x3FB6] =	sst s9;
	s0 =	simm.s32 @!p0 $0x0  }
0x12: {  	s1 =	sld [smem:$0x3F9C];
	s0 =	simm.s32 @p0 $0x1  }
0x13: {  	[smem:$0x3FB7] =	sst s0;
	s0 =	simm.s32 @!p1 $0x0  }
0x14: {  	s2 =	sld [smem:$0x3F9B];
	s0 =	simm.s32 @p1 $0x1  }
0x15: {  	[smem:$0x3FB8] =	sst s0;
	s0 =	simm.s32 @!p2 $0x0  }
0x16: {  	s3 =	sld [smem:$0x3FDB];
	s0 =	simm.s32 @p2 $0x1  }
0x17: {  	s4 =	simm.s32 $0x1BF5;
	[smem:$0x3FBA] =	sst s0  }
0x18: {  	s0 =	sld [smem:$0x3F9D];
	_ =	swait.ge [sflag:s4], $0x0  }
0x19: {  	s7 =	sld [smem:$0x3F9E]  }
0x1a: {  	s8 =	sadd.s32 $0xFFFFE003, lr  }
0x1b: {  	s9 =	sadd.s32 $0xFFFFFEF7, lr;
	s5 =	simm.s32 $0xFFFFFFFF;
	p2 =	slt.u32 s8, $0xFFFFF086  }
0x1c: {  	p1 =	slt.u32 s9, $0xF7A;
	s5 =	simm.s32 @!p2 $0x0  }
0x1d: {  	s5 =	simm.s32 @p1 $0x1;
	p0 =	seq.s32 s7, s2  }
0x1e: {  	s7 =	smul.u32 @!p0 $0xF7A, s2;
	p2 =	seq.s32 @!p0 s5, $0x0  }
0x1f: {  	s9 =	smul.u32 $0xF7A, s1;
	s8 =	simm.s32 @!p0 $0x1BF5;
	p2 =	por !p2, p0  }
0x20: {  	[sflag:s8] =	ssyncset.s32 @!p0 $0xFFFFF086;
	s6 =	sadd.s32 @!p0 s3, s7;
	s7 =	simm.s32 @!p0 $0x108  }
0x21: {  	s3 =	sadd.s32 s3, s9;
	s6 =	sadd.s32 @!p0 $0x88, s6;
	s7 =	simm.s32 @p2 $0x1082  }
0x22: {  	[simem:s7], [sflag:s8] =	dma.local @!p0 [hbm:s6], $0xF7A  }
0x23: {  	s9 =	sor.u32 $0xD0000000, s2;
	s6 =	simm.s32 $0x108;
	_ =	swait.ge @!p0 [sflag:s8], $0x0  }
0x24: {  	s3 =	sadd.s32 $0x88, s3;
	s6 =	simm.s32 @!p1 $0x1082;
	[sflag:s4] =	ssyncset.s32 $0xFFFFF086  }
0x25: {  	[simem:s6], [sflag:s4] =	dma.local [hbm:s3], $0xF7A  }
0x26: {  	[smem:$0x3F9E] =	sst s1;
	(tag) =	ssettag s2;
	_ =	strace s9  }
0x27: {  	s1 =	sld [smem:$0x3FAE]  }
0x28: {  	s2 =	sld [smem:$0x3FAF]  }
0x29: {  	s4 =	sld [smem:$0x3FB1]  }
0x2a: {  	p0 =	seq.s32 s5, $0x0;
	s5 =	sld [smem:$0x3FB2]  }
0x2b: {  	s6 =	sld [smem:$0x3FB3]  }
0x2c: {  	s7 =	sld [smem:$0x3FB4]  }
0x2d: {  	s3 =	simm.s32 $0x108;
	s8 =	sld [smem:$0x3FB5]  }
0x2e: {  	s3 =	simm.s32 @!p0 $0x1082;
	s9 =	sld [smem:$0x3FB6]  }
0x2f: {  	lr =	sadd.s32 s0, s3;
	s0 =	sld [smem:$0x3FAD]  }
0x30: {  	s3 =	sld [smem:$0x3FB0]  }
0x31: {  	[smem:$0x3FB9] =	sst s10  }
0x32: {  	s10 =	sld [smem:$0x3FB7];
	_ =	sdelay $0x3  }
0x33: {  	p0 =	seq.s32 s10, $0x1;
	s10 =	sld [smem:$0x3FB9];
	_ =	sdelay $0x3  }
0x34: {  	[smem:$0x3FB9] =	sst s10  }
0x35: {  	s10 =	sld [smem:$0x3FB8];
	_ =	sdelay $0x3  }
0x36: {  	p1 =	seq.s32 s10, $0x1;
	s10 =	sld [smem:$0x3FB9];
	_ =	sdelay $0x3  }
0x37: {  	[smem:$0x3FB9] =	sst s10  }
0x38: {  	s10 =	sld [smem:$0x3FBA]  }
0x39: {  	_ = 	snop;
	(pc) =	sbr.ind lr, $3  }
0x3a: {  	_ = 	snop  }
0x3b: {  	_ = 	snop  }
0x3c: {  	p2 =	seq.s32 s10, $0x1;
	s10 =	sld [smem:$0x3FB9]  }
0x3d: {  	_ =	shalt  }
0x3e: {  	_ =	shalt  }
0x3f: {  	_ =	shalt  }
0x40: {  	_ =	shalt  }
0x41: {  	_ =	shalt  }
0x42: {  	_ =	shalt  }
0x43: {  	_ =	shalt  }
0x44: {  	_ =	shalt  }
0x45: {  	_ =	shalt  }
0x46: {  	_ =	shalt  }
0x47: {  	_ =	shalt  }
0x48: {  	_ =	shalt  }
0x49: {  	_ =	shalt  }
0x4a: {  	_ =	shalt  }
0x4b: {  	_ =	shalt  }
0x4c: {  	_ =	shalt  }
0x4d: {  	_ =	shalt  }
0x4e: {  	_ =	shalt  }
0x4f: {  	_ =	shalt  }
0x50: {  	_ =	shalt  }
0x51: {  	_ =	shalt  }
0x52: {  	_ =	shalt  }
0x53: {  	_ =	shalt  }
0x54: {  	_ =	shalt  }
0x55: {  	_ =	shalt  }
0x56: {  	_ =	shalt  }
0x57: {  	_ =	shalt  }
0x58: {  	_ =	shalt  }
0x59: {  	_ =	shalt  }
0x5a: {  	_ =	shalt  }
0x5b: {  	_ =	shalt  }
0x5c: {  	_ =	shalt  }
0x5d: {  	_ =	shalt  }
0x5e: {  	_ =	shalt  }
0x5f: {  	_ =	shalt  }
0x60: {  	_ =	shalt  }
0x61: {  	_ =	shalt  }
0x62: {  	_ =	shalt  }
0x63: {  	_ =	shalt  }
0x64: {  	_ =	shalt  }
0x65: {  	_ =	shalt  }
0x66: {  	_ =	shalt  }
0x67: {  	_ =	shalt  }
0x68: {  	_ =	shalt  }
0x69: {  	_ =	shalt  }
0x6a: {  	_ =	shalt  }
0x6b: {  	_ =	shalt  }
0x6c: {  	_ =	shalt  }
0x6d: {  	_ =	shalt  }
0x6e: {  	_ =	shalt  }
0x6f: {  	_ =	shalt  }
0x70: {  	_ =	shalt  }
0x71: {  	_ =	shalt  }
0x72: {  	_ =	shalt  }
0x73: {  	_ =	shalt  }
0x74: {  	_ =	shalt  }
0x75: {  	_ =	shalt  }
0x76: {  	_ =	shalt  }
0x77: {  	_ =	shalt  }
0x78: {  	_ =	shalt  }
0x79: {  	_ =	shalt  }
0x7a: {  	_ =	shalt  }
0x7b: {  	_ =	shalt  }
0x7c: {  	_ =	shalt  }
0x7d: {  	_ =	shalt  }
0x7e: {  	_ =	shalt  }
0x7f: {  	_ =	shalt  }
0x80: {  	_ =	shalt  }
0x81: {  	_ =	shalt  }
0x82: {  	_ =	shalt  }
0x83: {  	_ =	shalt  }
0x84: {  	_ =	shalt  }
0x85: {  	_ =	shalt  }
0x86: {  	_ =	shalt  }
0x87: {  	_ =	shalt  }
.Lfunc_end0:
.L_simem_size_0:
called_computation_lowered:
.L_overlay_start_0:
0x88: {  	s2 =	sld [smem:$0x3FD9]  }
0x89: {  	s3 =	sld [smem:$0x3FFE];
	_ =	sdelay $0x1  }
0x8a: {  	s1 =	srdreg.scid  }
0x8b: {  	s0 =	sand.u32 $0x1, s1  }
0x8c: {  	s17 =	sshll.u32 s0, $0xA;
	s2 =	sadd.s32 s3, s2  }
0x8d: {  	s2 =	sadd.s32 s2, s17  }
0x8e: {  	[smem:$0x3FC5] =	sst s2  }
0x8f: {  	_ = 	snop  }
0x90: {  	s2 =	sld [smem:$0x3FD0];
	(tm) =	ssettm $0x1  }
0x91: {  	s18 =	sld [smem:$0x3FFB];
	_ =	sdelay $0x3  }
0x92: {  	_ =	strace s18  }
0x93: {  	s3 =	sld [smem:$0x3FFC];
	_ =	sdelay $0x3  }
0x94: {  	_ =	strace s3  }
0x95: {  	s3 =	sld [smem:$0x3FFD];
	_ =	sdelay $0x3  }
0x96: {  	_ =	strace s3  }
0x97: {  	_ =	strace $0x8FFFFFFF  }
0x98: {  	s19 =	sld [smem:$0x3FDB];
	_ =	sdelay $0x1  }
0x99: {  	s4 =	simm.s32 $_scs_section_size  }
0x9a: {  	s5 =	simm.s32 $_size__tile_overlayer_lowered;
	s6 =	simm.s32 $_tile_overlayer_lowered  }
0x9b: {  	s22 =	simm.s32 $0x1BFF;
	s21 =	sshll.u32 s6, $0x1;
	s3 =	sadd.s32 s4, s19  }
0x9c: {  	s7 =	simm.s32 $0x0;
	s20 =	sshll.u32 s5, $0x1;
	s5 =	sadd.s32 s21, s3  }
0x9d: {  	[timem:s7], [sflag:s22] =	dma.local [hbm:s5], s20  }
0x9e: {  	_ =	swait.ge [sflag:s22], s20  }
0x9f: {  	s4 =	ssub.s32 $0x0, s20;
	[sflag:s22] =	ssyncset.done $0x0  }
0xa0: {  	[sflag:s22] =	ssyncadd.s32 s4;
	_ =	sdelay $0x1  }
0xa1: {  	s23 =	simm.s32 $0x1B8B  }
0xa2: {  	_ =	swait.ge [sflag:s23], $0x1  }
0xa3: {  	[sflag:s23] =	ssyncset.done $0x0  }
0xa4: {  	s25 =	simm.s32 $0x1B8E;
	s24 =	sld [smem:$0x3FFE];
	[sflag:s23] =	ssyncadd.s32 $0xFFFFFFFF  }
0xa5: {  	s26 =	simm.s32 $execute0_lowered;
	[smem:$0x3FD2] =	sst s25  }
0xa6: {  	s5 =	sshll.u32 s26, $0x1;
	_ =	strace $0x80000046;
	[dreg:$0x1] =	wrdreg $0xFFFFFFFF  }
0xa7: {  	s28 =	simm.s32 $_size_execute0_lowered;
	s3 =	sadd.s32 s3, s5;
	[dreg:$0x0] =	wrdreg $0x0  }
0xa8: {  	s5 =	sshll.u32 s28, $0x1;
	[dreg:$0x2] =	wrdreg s3  }
0xa9: {  	[dreg:$0x3] =	wrdreg s5  }
0xaa: {  	[dreg:$0x4] =	wrdreg $0xC0  }
0xab: {  	_ =	task [dreg:s7], $0x5FFFF  }
0xac: {  	[dreg:$0x1] =	wrdreg $0xFFFFFFFF  }
0xad: {  	[dreg:$0x0] =	wrdreg $0x60  }
0xae: {  	[dreg:$0x2] =	wrdreg s24  }
0xaf: {  	[dreg:$0x3] =	wrdreg s2  }
0xb0: {  	[dreg:$0x4] =	wrdreg $0x67000  }
0xb1: {  	[dreg:$0x5] =	wrdreg $0x9  }
0xb2: {  	_ =	task.clear_ibuf [dreg:s7], $0x6FFFF;
	_ =	strace $0x90000046  }
0xb3: {  	s29 =	simm.s32 $0x9;
	_ =	strace $0x80000048  }
0xb4: {  	_ =	swait.ge [sflag:s29], $0x1  }
0xb5: {  	[sflag:s29] =	ssyncadd.s32 $0xFFFFFFFF  }
0xb6: {  	_ =	strace $0x90000048  }
0xb7: {  	_ =	sfence  }
0xb8: {  	s30 =	sld [smem:$0x0];
	_ =	sdelay $0x2  }
0xb9: {  	s31 =	sshll.u32 s1, $0xD;
	s1 =	sshrl.u32 s1, $0x2  }
0xba: {  	s3 =	sand.u32 $0x4000, s31;
	s1 =	sadd.s32 s1, s30  }
0xbb: {  	s0 =	sor.u32 s3, s0;
	s1 =	sshll.u32 s1, $0x11  }
0xbc: {  	s0 =	sor.u32 s1, s0  }
0xbd: {  	s0 =	sadd.s32 $0x8F2B, s0  }
0xbe: {  	[sflag:s0] =	ssyncadd.remote.s32 $0x1  }
0xbf: {  	_ =	sfence.sel $0xFFFF  }
0xc0: {  	[dreg:$0x0] =	wrdreg $0xFFFFFFFF;
	(pc) =	sbr.abs _section_cstart, $3  }
0xc1: {  	[dreg:$0x1] =	wrdreg $0xFFFFFFFF  }
0xc2: {  	_ =	task.clear_ibuf [dreg:s7], $0x2FFFF;
	_ =	strace $0x9FFFFFFF  }
0xc3: {  	(tm) =	ssettm $0x7FFFFFFF  }
tec
execute0_lowered:
.L_overlay_start_1:
0x0: {  	(tag) =	ssettag $0x1  }
0x1: {  	v0 =	vlaneseq.u32  }
0x2: {  	s0 =	rddreg [dreg:$0x0];
	v16 =	vmul.u32 $0x110, v0  }
0x3: {  	s5 =	rddreg [dreg:$0x1];
	s2 =	simm.s32 $0x0  }
0x4: {  	[smem:$0x7FF] =	sst s2;
	v0 =	vadd.s32 $0x1100, v16  }
0x5: {  	s1 =	rddreg [dreg:$0x2];
	_ =	strace $0x80000047;
	v15 =	vadd.s32 $0x1107, v16;
	[tilespmem:$0x1FEB0] =	vst v0  }
0x6: {  	v59 =	vor.u32 $0x1, v16;
	[tilespmem:$0x1FF90] =	vst v15  }
0x7: {  	v14 =	vadd.s32 $0x88, v16;
	[tilespmem:$0x1FFA0] =	vst v59  }
0x8: {  	v30 =	vadd.s32 $0x8E, v16;
	[tilespmem:$0x1FFB0] =	vst v14  }
0x9: {  	s6 =	srdreg.scid;
	s7 =	stileid.u32;
	v17 =	vadd.s32 $0x89, v16;
	[tilespmem:$0x1FFC0] =	vst v30  }
0xa: {  	s19 =	simm.s32 $0x80;
	s28 =	simm.s32 $0x2;
	s30 =	simm.s32 $0x580;
	v5 =	vor.u32 $0x7, v16;
	[tilespmem:$0x1FFD0] =	vst v17  }
0xb: {  	s12 =	simm.s32 $0x4;
	s16 =	simm.s32 $0x5700;
	s17 =	simm.s32 $0x5;
	v7 =	vadd.s32 $0x8F, v16;
	[tilespmem:$0x1FFE0] =	vst v5  }
0xc: {  	s18 =	simm.s32 $0x7F00;
	s20 =	simm.s32 $0xA100;
	s29 =	simm.s32 $0x7;
	v0 =	vadd.s32 $0x1188, v16;
	[tilespmem:$0x1FFF0] =	vst v7  }
0xd: {  	s3 =	sadd.s32 $0x3600, s0;
	s4 =	sadd.s32 $0x1C600, s0;
	s6 =	sand.u32 $0x1, s6;
	[tilespmem:$0x1FEC0] =	vst v0;
	v0 =	vadd.s32 $0x1101, v16  }
0xe: {  	s8 =	sadd.s32 $0x2600, s0;
	s9 =	sshll.u32 s7, $0x1;
	s10 =	sadd.s32 $0x1600, s0;
	[tilespmem:$0x1FED0] =	vst v0;
	v0 =	vadd.s32 $0x1189, v16  }
0xf: {  	s0 =	sadd.s32 $0x600, s0;
	p0 =	sne.s32 s7, $0x0;
	[dreg:$0x4] =	wrdreg s8;
	[tilespmem:$0x1FEE0] =	vst v0;
	v0 =	vadd.s32 $0x1102, v16  }
0x10: {  	s22 =	ssub.s32 $0x2, s6;
	[dreg:$0x5] =	wrdreg s10;
	s6 =	sor.u32 s6, s9;
	[tilespmem:$0x1FEF0] =	vst v0;
	v0 =	vadd.s32 $0x118A, v16  }
0x11: {  	s7 =	simm.s32 $0x0;
	[dreg:$0x6] =	wrdreg s0;
	s25 =	sshll.u32 s6, $0x6;
	[tilespmem:$0x1FF00] =	vst v0;
	v0 =	vadd.s32 $0x1103, v16  }
0x12: {  	s8 =	sadd.s32 $0x8000, s1;
	s9 =	sadd.s32 $0x10000, s1;
	s10 =	sadd.s32 s3, s25;
	[tilespmem:$0x1FF10] =	vst v0;
	v0 =	vadd.s32 $0x118B, v16  }
0x13: {  	s23 =	sshrl.u32 s22, $0x1;
	s26 =	sadd.s32 $0x800, s10;
	[dreg:$0x7] =	wrdreg s10;
	[tilespmem:$0x1FF20] =	vst v0;
	v0 =	vadd.s32 $0x1104, v16  }
0x14: {  	v1 =	vimm.s32 $0x0;
	vm0 =	vcmask $0x300;
	s24 =	ssub.s32 s22, s23;
	s31 =	sadd.s32 $0x1000, s10;
	[dreg:$0x8] =	wrdreg s26;
	[tilespmem:$0x1FF30] =	vst v0;
	v0 =	vadd.s32 $0x118C, v16  }
0x15: {  	v1 =	vsel vm0, $0x3, v1;
	s11 =	sshll.u32 s6, $0x9;
	v23 =	vor.u32 $0x2, v16;
	s0 =	smax.u32 s24, $0x1;
	[dreg:$0x9] =	wrdreg s31;
	[tilespmem:$0x1FF40] =	vst v0;
	v0 =	vadd.s32 $0x1105, v16  }
0x16: {  	v21 =	vadd.s32 $0x8A, v16;
	v27 =	vor.u32 $0x3, v16;
	s15 =	sadd.s32 s5, s11;
	[dreg:$0xa] =	wrdreg s0;
	s0 =	sshrl.u32 @!p0 s1, $0x3;
	[tilespmem:$0x1FF50] =	vst v0;
	v0 =	vadd.s32 $0x118D, v16  }
0x17: {  	v19 =	vadd.s32 $0x8B, v16;
	v4 =	vor.u32 $0x4, v16;
	s23 =	simm.s32 $0x680;
	[dreg:$0xb] =	wrdreg s0;
	s0 =	sshrl.u32 @!p0 s8, $0x3;
	[tilespmem:$0x1FF60] =	vst v0;
	v0 =	vadd.s32 $0x1106, v16  }
0x18: {  	v22 =	vadd.s32 $0x8C, v16;
	v32 =	vor.u32 $0x5, v16;
	s25 =	simm.s32 $0x3;
	[dreg:$0xc] =	wrdreg s0;
	s0 =	sshrl.u32 @!p0 s9, $0x3;
	[tilespmem:$0x1FF70] =	vst v0;
	v0 =	vadd.s32 $0x118E, v16  }
0x19: {  	v8 =	vadd.s32 $0x8D, v16;
	v26 =	vor.u32 $0x6, v16;
	v29 =	vadd.s32 $0x118F, v16;
	s10 =	simm.s32 $0x6;
	[dreg:$0xd] =	wrdreg s0;
	s0 =	simm.s32 $0x600;
	[tilespmem:$0x1FF80] =	vst v0  }
.LBB2_1:
0x1a: {  	[dreg:$0xe] =	wrdreg s7  }
0x1b: {  	s6 =	rddreg [dreg:$0x4]  }
0x1c: {  	s5 =	simm.s32 @!p0 $0x1C09;
	s7 =	rddreg [dreg:$0xb]  }
0x1d: {  	[spmem:s7], [sflag:s5] =	dma.local @!p0 [hbm:s6], $0x1000  }
0x1e: {  	s6 =	simm.s32 @!p0 $0x9  }
0x1f: {  	_ =	swait.ge @!p0 [sflag:s6], $0x1000  }
0x20: {  	[sflag:s6] =	ssyncset.done @!p0 $0x0;
	s7 =	rddreg [dreg:$0x5]  }
0x21: {  	s13 =	rddreg [dreg:$0xc];
	[sflag:s6] =	ssyncadd.s32 @!p0 $0xFFFFF000  }
0x22: {  	[spmem:s13], [sflag:s5] =	dma.local @!p0 [hbm:s7], $0x1000  }
0x23: {  	_ =	swait.ge @!p0 [sflag:s6], $0x1000  }
0x24: {  	[sflag:s6] =	ssyncset.done @!p0 $0x0;
	s7 =	rddreg [dreg:$0x6]  }
0x25: {  	s13 =	rddreg [dreg:$0xd];
	[sflag:s6] =	ssyncadd.s32 @!p0 $0xFFFFF000  }
0x26: {  	[spmem:s13], [sflag:s5] =	dma.local @!p0 [hbm:s7], $0x1000  }
0x27: {  	_ =	swait.ge @!p0 [sflag:s6], $0x1000  }
0x28: {  	[sflag:s6] =	ssyncset.done @!p0 $0x0  }
0x29: {  	[sflag:s6] =	ssyncadd.s32 @!p0 $0xFFFFF000  }
0x2a: {  	[bflag:$0x0] =	sbarrier.arrive $0xFFFF  }
0x2b: {  	s6 =	rddreg [dreg:$0x7]  }
0x2c: {  	[tilespmem:s2], [sflag:$0x1] =	stream.linear.gather [hbm4b:s6+s2], $0x80, $0x38;
	[tilespmem:$0xC300] =	vst v63  }
0x2d: {  	s13 =	simm.s32 $0x1;
	s7 =	rddreg [dreg:$0x8]  }
0x2e: {  	[tilespmem:s19], [sflag:$0x2] =	stream.linear.gather [hbm4b:s7+s2], $0x80, $0x38;
	[tilespmem:$0xC300] =	vst v63  }
0x2f: {  	_ =	swait.ge [sflag:s13], $0x80  }
0x30: {  	[sflag:s13] =	ssyncset.done $0x0  }
0x31: {  	[sflag:s13] =	ssyncadd.s32 $0xFFFFFF80  }
0x32: {  	v33 =	vld [tilespmem:$0x0]  }
0x33: {  	v34 =	vld [tilespmem:$0x10]  }
0x34: {  	v50 =	vld [tilespmem:$0x20]  }
0x35: {  	v53 =	vld [tilespmem:$0x30]  }
0x36: {  	v56 =	vld [tilespmem:$0x40]  }
0x37: {  	v60 =	vld [tilespmem:$0x50];
	[tilespmem:$0x100] =	vst v33  }
0x38: {  	v63 =	vld [tilespmem:$0x60];
	[tilespmem:$0x110] =	vst v34  }
0x39: {  	v38 =	vld [tilespmem:$0x70];
	[tilespmem:$0x120] =	vst v50  }
0x3a: {  	[tilespmem:$0x130] =	vst v53  }
0x3b: {  	[tilespmem:$0x140] =	vst v56  }
0x3c: {  	[tilespmem:$0x150] =	vst v60  }
0x3d: {  	[tilespmem:$0x160] =	vst v63  }
0x3e: {  	v35 =	vadd.s32 $0xF4240, v33;
	[tilespmem:$0x170] =	vst v38  }
0x3f: {  	v33 =	vadd.s32 $0x1E8480, v33;
	[tilespmem:$0x180] =	vst v35  }
0x40: {  	v51 =	vadd.s32 $0xF4240, v34;
	[tilespmem:$0x200] =	vst v33  }
0x41: {  	v52 =	vadd.s32 $0x1E8480, v34;
	[tilespmem:$0x190] =	vst v51  }
0x42: {  	v54 =	vadd.s32 $0xF4240, v50;
	[tilespmem:$0x210] =	vst v52  }
0x43: {  	v55 =	vadd.s32 $0x1E8480, v50;
	[tilespmem:$0x1A0] =	vst v54  }
0x44: {  	v57 =	vadd.s32 $0xF4240, v53;
	[tilespmem:$0x220] =	vst v55  }
0x45: {  	v58 =	vadd.s32 $0x1E8480, v53;
	[tilespmem:$0x1B0] =	vst v57  }
0x46: {  	v61 =	vadd.s32 $0xF4240, v56;
	[tilespmem:$0x230] =	vst v58  }
0x47: {  	v62 =	vadd.s32 $0x1E8480, v56;
	[tilespmem:$0x1C0] =	vst v61  }
0x48: {  	v36 =	vadd.s32 $0xF4240, v60;
	[tilespmem:$0x240] =	vst v62  }
0x49: {  	v37 =	vadd.s32 $0x1E8480, v60;
	[tilespmem:$0x1D0] =	vst v36  }
0x4a: {  	v39 =	vadd.s32 $0xF4240, v63;
	[tilespmem:$0x250] =	vst v37  }
0x4b: {  	v40 =	vadd.s32 $0x1E8480, v63;
	[tilespmem:$0x1E0] =	vst v39  }
0x4c: {  	v41 =	vadd.s32 $0xF4240, v38;
	[tilespmem:$0x260] =	vst v40  }
0x4d: {  	v42 =	vadd.s32 $0x1E8480, v38;
	[tilespmem:$0x1F0] =	vst v41  }
0x4e: {  	s14 =	simm.s32 $0x100;
	s6 =	simm.s32 $0x400;
	[tilespmem:$0x270] =	vst v42  }
0x4f: {  	[tilespmem:s6], [sflag:$0x3] =	stream.indirect.gather [hbm4b:s4+s19], $0x1, s14, s19, $0xb8;
	[tilespmem:$0xC300] =	vst v63  }
0x50: {  	s21 =	simm.s32 $0x180;
	s7 =	simm.s32 $0x480  }
0x51: {  	[tilespmem:s7], [sflag:$0x3] =	stream.indirect.gather [hbm4b:s4+s19], $0x1, s21, s19, $0xb8;
	[tilespmem:$0xC300] =	vst v63  }
0x52: {  	s22 =	simm.s32 $0x200;
	s13 =	simm.s32 $0x500  }
0x53: {  	[tilespmem:s13], [sflag:$0x3] =	stream.indirect.gather [hbm4b:s4+s19], $0x1, s22, s19, $0xb8;
	[tilespmem:$0xC300] =	vst v63  }
0x54: {  	_ =	swait.ge [sflag:s28], $0x80  }
0x55: {  	[sflag:s28] =	ssyncset.done $0x0  }
0x56: {  	[sflag:s28] =	ssyncadd.s32 $0xFFFFFF80  }
0x57: {  	v43 =	vld [tilespmem:$0x80]  }
0x58: {  	v44 =	vld [tilespmem:$0x90]  }
0x59: {  	v46 =	vld [tilespmem:$0xA0]  }
0x5a: {  	v49 =	vld [tilespmem:$0xB0]  }
0x5b: {  	v51 =	vld [tilespmem:$0xC0]  }
0x5c: {  	v53 =	vld [tilespmem:$0xD0];
	[tilespmem:$0x280] =	vst v43  }
0x5d: {  	v55 =	vld [tilespmem:$0xE0];
	[tilespmem:$0x290] =	vst v44  }
0x5e: {  	v58 =	vld [tilespmem:$0xF0];
	[tilespmem:$0x2A0] =	vst v46  }
0x5f: {  	[tilespmem:$0x2B0] =	vst v49  }
0x60: {  	[tilespmem:$0x2C0] =	vst v51  }
0x61: {  	[tilespmem:$0x2D0] =	vst v53  }
0x62: {  	[tilespmem:$0x2E0] =	vst v55  }
0x63: {  	v45 =	vadd.s32 $0xF4240, v43;
	[tilespmem:$0x2F0] =	vst v58  }
0x64: {  	v33 =	vadd.s32 $0x1E8480, v43;
	[tilespmem:$0x300] =	vst v45  }
0x65: {  	v47 =	vadd.s32 $0xF4240, v44;
	[tilespmem:$0x380] =	vst v33  }
0x66: {  	v48 =	vadd.s32 $0x1E8480, v44;
	[tilespmem:$0x310] =	vst v47  }
0x67: {  	v50 =	vadd.s32 $0xF4240, v46;
	[tilespmem:$0x390] =	vst v48  }
0x68: {  	v35 =	vadd.s32 $0x1E8480, v46;
	[tilespmem:$0x320] =	vst v50  }
0x69: {  	v52 =	vadd.s32 $0xF4240, v49;
	[tilespmem:$0x3A0] =	vst v35  }
0x6a: {  	v34 =	vadd.s32 $0x1E8480, v49;
	[tilespmem:$0x330] =	vst v52  }
0x6b: {  	v54 =	vadd.s32 $0xF4240, v51;
	[tilespmem:$0x3B0] =	vst v34  }
0x6c: {  	v56 =	vadd.s32 $0xF4240, v53;
	[tilespmem:$0x340] =	vst v54  }
0x6d: {  	v57 =	vadd.s32 $0x1E8480, v53;
	[tilespmem:$0x350] =	vst v56  }
0x6e: {  	v60 =	vadd.s32 $0xF4240, v55;
	[tilespmem:$0x3D0] =	vst v57  }
0x6f: {  	v61 =	vadd.s32 $0x1E8480, v55;
	[tilespmem:$0x360] =	vst v60  }
0x70: {  	v62 =	vadd.s32 $0xF4240, v58;
	[tilespmem:$0x3E0] =	vst v61  }
0x71: {  	v63 =	vadd.s32 $0x1E8480, v58;
	[tilespmem:$0x370] =	vst v62  }
0x72: {  	v33 =	vadd.s32 $0x1E8480, v51;
	[tilespmem:$0x3F0] =	vst v63  }
0x73: {  	s24 =	simm.s32 $0x280;
	[tilespmem:$0x3C0] =	vst v33  }
0x74: {  	[tilespmem:s30], [sflag:$0x4] =	stream.indirect.gather [hbm4b:s4+s19], $0x1, s24, s19, $0xb8;
	[tilespmem:$0xC300] =	vst v63  }
0x75: {  	s26 =	simm.s32 $0x300  }
0x76: {  	[tilespmem:s0], [sflag:$0x4] =	stream.indirect.gather [hbm4b:s4+s19], $0x1, s26, s19, $0xb8;
	[tilespmem:$0xC300] =	vst v63  }
0x77: {  	s14 =	simm.s32 $0x380  }
0x78: {  	[tilespmem:s23], [sflag:$0x4] =	stream.indirect.gather [hbm4b:s4+s19], $0x1, s14, s19, $0xb8;
	[tilespmem:$0xC300] =	vst v63  }
0x79: {  	s21 =	rddreg [dreg:$0x9]  }
0x7a: {  	[tilespmem:s2], [sflag:$0x1] =	stream.linear.gather [hbm4b:s21+s2], $0x80, $0x38;
	[tilespmem:$0xC300] =	vst v63  }
0x7b: {  	_ =	swait.ge [sflag:s25], $0x80  }
0x7c: {  	[sflag:s25] =	ssyncset.done $0x0  }
0x7d: {  	[sflag:s25] =	ssyncadd.s32 $0xFFFFFF80  }
0x7e: {  	_ =	swait.ge [sflag:s25], $0x80  }
0x7f: {  	[sflag:s25] =	ssyncset.done $0x0  }
0x80: {  	[sflag:s25] =	ssyncadd.s32 $0xFFFFFF80  }
0x81: {  	_ =	swait.ge [sflag:s25], $0x80  }
0x82: {  	[sflag:s25] =	ssyncset.done $0x0  }
0x83: {  	s22 =	simm.s32 $0x700;
	[sflag:s25] =	ssyncadd.s32 $0xFFFFFF80  }
0x84: {  	[tilespmem:s22], [sflag:$0x5] =	stream.indirect.gather [spmem:s1], $0x20, s6, s19, $0xb8;
	[tilespmem:$0xC300] =	vst v63  }
0x85: {  	s24 =	simm.s32 $0x1700  }
0x86: {  	[tilespmem:s24], [sflag:$0x5] =	stream.indirect.gather [spmem:s8], $0x20, s7, s19, $0xb8;
	[tilespmem:$0xC300] =	vst v63  }
0x87: {  	s31 =	simm.s32 $0x0;
	s26 =	simm.s32 $0x2700  }
0x88: {  	[tilespmem:s26], [sflag:$0x5] =	stream.indirect.gather [spmem:s9], $0x20, s13, s19, $0xb8;
	[tilespmem:$0xC300] =	vst v63  }
.LBB2_2:
0x89: {  	s5 =	sshll.u32 s31, $0x1;
	p1 =	seq.s32 s31, $0x63  }
0x8a: {  	s6 =	sadd.s32 @!p1 $0x3, s5  }
0x8b: {  	s7 =	sand.u32 @!p1 $0xFF, s6  }
0x8c: {  	s7 =	smul.u32 @!p1 $0x29, s7;
	_ =	sdelay $0x1  }
0x8d: {  	s7 =	sshrl.u32 @!p1 s7, $0xB  }
0x8e: {  	s13 =	smul.u32 @!p1 $0x32, s7;
	_ =	sdelay $0x1  }
0x8f: {  	s6 =	ssub.s32 @!p1 s6, s13  }
0x90: {  	s6 =	sand.u32 @!p1 $0xFF, s6  }
0x91: {  	s6 =	sshll.u32 @!p1 s6, $0xE  }
0x92: {  	s7 =	sshll.u32 @!p1 s7, $0x7;
	s6 =	sor.u32 @!p1 s11, s6  }
0x93: {  	s6 =	sadd.s32 @!p1 s7, s6  }
0x94: {  	s6 =	sshrl.u32 @!p1 s6, $0x3  }
0x95: {  	s13 =	simm.s32 @!p1 $0x0;
	s7 =	sadd.s32 @!p1 s3, s6;
	s6 =	simm.s32 @!p1 $0x80  }
0x96: {  	[tilespmem:s6], [sflag:$0x2] =	stream.linear.gather @!p1 [hbm4b:s7+s13], $0x80, $0x38;
	[tilespmem:$0xC300] =	vst v63  }
0x97: {  	_ =	swait.ge [sflag:s12], $0x80  }
0x98: {  	[sflag:s12] =	ssyncset.done $0x0  }
0x99: {  	[sflag:s12] =	ssyncadd.s32 $0xFFFFFF80  }
0x9a: {  	_ =	swait.ge [sflag:s12], $0x80  }
0x9b: {  	[sflag:s12] =	ssyncset.done $0x0  }
0x9c: {  	[sflag:s12] =	ssyncadd.s32 $0xFFFFFF80  }
0x9d: {  	_ =	swait.ge [sflag:s12], $0x80  }
0x9e: {  	[sflag:s12] =	ssyncset.done $0x0  }
0x9f: {  	s24 =	simm.s32 $0x3700;
	[sflag:s12] =	ssyncadd.s32 $0xFFFFFF80  }
0xa0: {  	[tilespmem:s24], [sflag:$0x6] =	stream.indirect.gather [spmem:s1], $0x20, s30, s19, $0xb8;
	[tilespmem:$0xC300] =	vst v63  }
0xa1: {  	s26 =	simm.s32 $0x4700  }
0xa2: {  	[tilespmem:s26], [sflag:$0x6] =	stream.indirect.gather [spmem:s8], $0x20, s0, s19, $0xb8;
	[tilespmem:$0xC300] =	vst v63  }
0xa3: {  	_ = 	snop  }
0xa4: {  	[tilespmem:s16], [sflag:$0x6] =	stream.indirect.gather [spmem:s9], $0x20, s23, s19, $0xb8;
	[tilespmem:$0xC300] =	vst v63  }
0xa5: {  	_ =	swait.ge [sflag:s17], $0x1000  }
0xa6: {  	[sflag:s17] =	ssyncset.done $0x0  }
0xa7: {  	[sflag:s17] =	ssyncadd.s32 $0xFFFFF000  }
0xa8: {  	_ =	swait.ge [sflag:s17], $0x1000  }
0xa9: {  	[sflag:s17] =	ssyncset.done $0x0  }
0xaa: {  	[sflag:s17] =	ssyncadd.s32 $0xFFFFF000  }
0xab: {  	_ =	swait.ge [sflag:s17], $0x1000  }
0xac: {  	[sflag:s17] =	ssyncset.done $0x0  }
0xad: {  	s7 =	simm.s32 @!p1 $0x1;
	[sflag:s17] =	ssyncadd.s32 $0xFFFFF000  }
0xae: {  	_ =	swait.ge @!p1 [sflag:s7], $0x80  }
0xaf: {  	[sflag:s7] =	ssyncset.done @!p1 $0x0  }
0xb0: {  	[sflag:s7] =	ssyncadd.s32 @!p1 $0xFFFFFF80  }
0xb1: {  	v33 =	vld @!p1 [tilespmem:$0x0];
	_ =	sdelay $0x1  }
0xb2: {  	v34 =	vld @!p1 [tilespmem:$0x10];
	_ =	sdelay $0x2  }
0xb3: {  	v35 =	vadd.s32 @!p1 $0xF4240, v33;
	[tilespmem:$0x100] =	vst @!p1 v33  }
0xb4: {  	[tilespmem:$0x180] =	vst @!p1 v35;
	v35 =	vld @!p1 [tilespmem:$0x20]  }
0xb5: {  	v33 =	vadd.s32 @!p1 $0x1E8480, v33;
	[tilespmem:$0x110] =	vst @!p1 v34  }
0xb6: {  	[tilespmem:$0x200] =	vst @!p1 v33;
	v33 =	vadd.s32 @!p1 $0xF4240, v34  }
0xb7: {  	[tilespmem:$0x190] =	vst @!p1 v33;
	v33 =	vadd.s32 @!p1 $0x1E8480, v34;
	v34 =	vld @!p1 [tilespmem:$0x30]  }
0xb8: {  	[tilespmem:$0x210] =	vst @!p1 v33  }
0xb9: {  	v33 =	vadd.s32 @!p1 $0xF4240, v35;
	[tilespmem:$0x120] =	vst @!p1 v35  }
0xba: {  	v35 =	vadd.s32 @!p1 $0x1E8480, v35;
	[tilespmem:$0x1A0] =	vst @!p1 v33;
	v33 =	vld @!p1 [tilespmem:$0x40]  }
0xbb: {  	[tilespmem:$0x220] =	vst @!p1 v35  }
0xbc: {  	[tilespmem:$0x130] =	vst @!p1 v34;
	v35 =	vadd.s32 @!p1 $0xF4240, v34  }
0xbd: {  	v34 =	vadd.s32 @!p1 $0x1E8480, v34;
	[tilespmem:$0x1B0] =	vst @!p1 v35;
	v35 =	vld @!p1 [tilespmem:$0x50]  }
0xbe: {  	[tilespmem:$0x230] =	vst @!p1 v34  }
0xbf: {  	v34 =	vadd.s32 @!p1 $0xF4240, v33;
	[tilespmem:$0x140] =	vst @!p1 v33  }
0xc0: {  	v33 =	vadd.s32 @!p1 $0x1E8480, v33;
	[tilespmem:$0x1C0] =	vst @!p1 v34  }
0xc1: {  	v34 =	vld @!p1 [tilespmem:$0x60];
	[tilespmem:$0x240] =	vst @!p1 v33  }
0xc2: {  	[tilespmem:$0x150] =	vst @!p1 v35;
	v33 =	vadd.s32 @!p1 $0xF4240, v35  }
0xc3: {  	[tilespmem:$0x1D0] =	vst @!p1 v33;
	v33 =	vadd.s32 @!p1 $0x1E8480, v35;
	v35 =	vld @!p1 [tilespmem:$0x70];
	_ =	sdelay $0x1  }
0xc4: {  	[tilespmem:$0x250] =	vst @!p1 v33  }
0xc5: {  	v33 =	vadd.s32 @!p1 $0xF4240, v34;
	[tilespmem:$0x160] =	vst @!p1 v34  }
0xc6: {  	[tilespmem:$0x1E0] =	vst @!p1 v33  }
0xc7: {  	v33 =	vadd.s32 @!p1 $0x1E8480, v34;
	[tilespmem:$0x170] =	vst @!p1 v35  }
0xc8: {  	[tilespmem:$0x260] =	vst @!p1 v33;
	v33 =	vadd.s32 @!p1 $0xF4240, v35  }
0xc9: {  	p2 =	seq.s32 @!p1 s31, $0x0;
	[tilespmem:$0x1F0] =	vst @!p1 v33;
	v33 =	vadd.s32 @!p1 $0x1E8480, v35  }
0xca: {  	p2 =	por p1, !p2;
	s13 =	simm.s32 @!p1 $0x400;
	s7 =	simm.s32 @!p1 $0x100;
	[tilespmem:$0x270] =	vst @!p1 v33  }
0xcb: {  	[tilespmem:s13], [sflag:$0x3] =	stream.indirect.gather @!p1 [hbm4b:s4+s6], $0x1, s7, s6, $0xb8;
	[tilespmem:$0xC300] =	vst v63  }
.Ltmp0:
0xcc: {  	_ = 	snop;
	(pc) =	sbr.rel @!p2 .LBB2_3-.Ltmp0, $4  }
0xcd: {  	s7 =	simm.s32 @!p1 $0x180;
	s13 =	simm.s32 @!p1 $0x480  }
0xce: {  	[tilespmem:s13], [sflag:$0x3] =	stream.indirect.gather @!p1 [hbm4b:s4+s6], $0x1, s7, s6, $0xb8;
	[tilespmem:$0xC300] =	vst v63  }
0xcf: {  	s7 =	simm.s32 @!p1 $0x200;
	s13 =	simm.s32 @!p1 $0x500  }
0xd0: {  	[tilespmem:s13], [sflag:$0x3] =	stream.indirect.gather @!p1 [hbm4b:s4+s6], $0x1, s7, s6, $0xb8;
	[tilespmem:$0xC300] =	vst v63  }
.Ltmp1:
0xd1: {  	(pc) =	sbr.rel .LBB2_5-.Ltmp1, $4  }
0xd2: {  	_ = 	snop  }
0xd3: {  	_ =	swait.ge [sflag:s29], $0x2000  }
0xd4: {  	[sflag:s29] =	ssyncset.done $0x0  }
0xd5: {  	p2 =	por $0x0, $0x0;
	[sflag:s29] =	ssyncadd.s32 $0xFFFFE000  }
.LBB2_3:
0xd6: {  	p2 =	por @!p1 $0x1, $0x1  }
.LBB2_5:
0xd7: {  	s6 =	simm.s32 $0x1780  }
0xd8: {  	v33 =	vld [tilespmem:s6+$0xFFFFF060]  }
0xd9: {  	v35 =	vld [tilespmem:s6+$0x60]  }
0xda: {  	v10 =	vld [tilespmem:s6+$0xFFFFEF80]  }
0xdb: {  	v36 =	vld [tilespmem:s6+$0x1060]  }
0xdc: {  	s7 =	simm.s32 $0x7;
	v39 =	vld [tilespmem:s6+$0xFFFFFF80]  }
0xdd: {  	v34 =	vmov s7;
	v63 =	vld [tilespmem:s6+$0xFFFFEFA0]  }
0xde: {  	v40 =	vld [tilespmem:s6+$0xFFFFFFA0];
	v34 =	vshrl.u32 v34, $0x3  }
0xdf: {  	v41 =	vld [tilespmem:s6+$0xFFFFEFC0];
	v34 =	vshll.u32 v34, v1  }
0xe0: {  	s22 =	simm.s32 $0x0;
	s24 =	simm.s32 $0x1;
	s26 =	simm.s32 $0x2;
	v43 =	vld [tilespmem:s6+$0xFFFFFFC0];
	v38 =	vbroadcast v34, $0x0  }
0xe1: {  	s13 =	simm.s32 $0x3;
	v44 =	vld [tilespmem:s6+$0xFFFFFFE0];
	v46 =	vmov s22;
	v56 =	vmov s24;
	v57 =	vmov s26  }
0xe2: {  	s21 =	simm.s32 $0x4;
	s14 =	simm.s32 $0x6;
	v47 =	vld [tilespmem:s6+$0xFFFFF000];
	v58 =	vmov s13;
	v33 =	vadd.bf16 v35, v33;
	v54 =	vadd.s32 v5, v38  }
0xe3: {  	v48 =	vmov s21;
	s13 =	simm.s32 $0x5;
	v51 =	vmov s14;
	v53 =	vld [tilespmem:s6+$0xFFFFF020];
	v55 =	vshrl.u32 v46, $0x3  }
0xe4: {  	v46 =	vld [tilespmem:s6+$0x0];
	v50 =	vmov s13;
	v42 =	vadd.s32 v7, v38;
	v33 =	vadd.bf16 v36, v33  }
0xe5: {  	v60 =	vshrl.u32 v57, $0x3;
	v48 =	vshrl.u32 v48, $0x3;
	v62 =	vshrl.u32 v51, $0x3;
	v36 =	vld [tilespmem:s6+$0xFFFFEFE0]  }
0xe6: {  	v37 =	vld [tilespmem:s6+$0x1020];
	v50 =	vshrl.u32 v50, $0x3;
	v35 =	vshll.u32 v55, v1;
	v45 =	vunpack.i.l.bf16.f32 v33  }
0xe7: {  	v34 =	vadd.bf16 v40, v63;
	v43 =	vadd.bf16 v43, v41;
	v55 =	vld [tilespmem:s6+$0x20];
	[tilespmem:v54+s18+$0x0] =	vst.idx.msk $0xffff, v45;
	v45 =	vshrl.u32 v56, $0x3  }
0xe8: {  	v40 =	vshll.u32 v60, v1;
	v33 =	vunpack.i.u.bf16.f32 v33;
	v61 =	vshll.u32 v45, v1;
	v45 =	vld [tilespmem:s6+$0xFA0]  }
0xe9: {  	v9 =	vbroadcast v40, $0x0;
	v40 =	vld [tilespmem:s6+$0xFFFFF040];
	[tilespmem:v42+s18+$0x0] =	vst.idx.msk $0xffff, v33;
	v42 =	vshrl.u32 v58, $0x3;
	v51 =	vbroadcast v61, $0x0  }
0xea: {  	v46 =	vadd.bf16 v46, v47;
	v63 =	vshll.u32 v42, v1;
	v42 =	vadd.bf16 v44, v36;
	v44 =	vld [tilespmem:s6+$0xFC0]  }
0xeb: {  	v47 =	vld [tilespmem:s6+$0x40];
	v36 =	vshll.u32 v48, v1;
	v48 =	vshll.u32 v50, v1;
	v50 =	vadd.s32 v59, v51  }
0xec: {  	v60 =	vadd.s32 v23, v9;
	v56 =	vshll.u32 v62, v1;
	v58 =	vadd.s32 v17, v51;
	v59 =	vld [tilespmem:s6+$0xFE0]  }
0xed: {  	v62 =	vld [tilespmem:s6+$0xF80];
	v33 =	vbroadcast v35, $0x0;
	v41 =	vbroadcast v63, $0x0;
	v45 =	vadd.bf16 v45, v34  }
0xee: {  	v61 =	vld [tilespmem:s6+$0x1000];
	v36 =	vbroadcast v36, $0x0;
	v35 =	vbroadcast v48, $0x0;
	v48 =	vadd.s32 v21, v9  }
0xef: {  	v11 =	vld [tilespmem:s6+$0xFFFFF070];
	v63 =	vadd.s32 v27, v41;
	v43 =	vadd.bf16 v44, v43;
	v49 =	vunpack.i.l.bf16.f32 v45  }
0xf0: {  	v52 =	vld [tilespmem:s6+$0x70];
	v34 =	vbroadcast v56, $0x0;
	v56 =	vadd.s32 v19, v41;
	v45 =	vunpack.i.u.bf16.f32 v45;
	[tilespmem:v50+s18+$0x0] =	vst.idx.msk $0xffff, v49  }
0xf1: {  	v54 =	vld [tilespmem:s6+$0x1070];
	v44 =	vadd.s32 v4, v36;
	v42 =	vadd.bf16 v59, v42;
	v49 =	vunpack.i.l.bf16.f32 v43;
	[tilespmem:v58+s18+$0x0] =	vst.idx.msk $0xffff, v45  }
0xf2: {  	v50 =	vld [tilespmem:s6+$0x1040];
	v43 =	vunpack.i.u.bf16.f32 v43;
	v45 =	vadd.bf16 v55, v53;
	v53 =	vadd.s32 v22, v36;
	[tilespmem:v60+s18+$0x0] =	vst.idx.msk $0xffff, v49  }
0xf3: {  	v46 =	vadd.bf16 v61, v46;
	v58 =	vadd.s32 v32, v35;
	v55 =	vld [tilespmem:s6+$0xFFFFEFB0];
	v59 =	vunpack.i.l.bf16.f32 v42;
	[tilespmem:v48+s18+$0x0] =	vst.idx.msk $0xffff, v43  }
0xf4: {  	v40 =	vadd.bf16 v47, v40;
	v60 =	vld [tilespmem:s6+$0xFFFFFFB0];
	v43 =	vadd.s32 v8, v35;
	v42 =	vunpack.i.u.bf16.f32 v42;
	[tilespmem:v63+s18+$0x0] =	vst.idx.msk $0xffff, v59  }
0xf5: {  	v48 =	vadd.s32 v26, v34;
	v49 =	vld [tilespmem:s6+$0xFFFFEFD0];
	v37 =	vadd.bf16 v37, v45;
	v63 =	vunpack.i.l.bf16.f32 v46;
	[tilespmem:v56+s18+$0x0] =	vst.idx.msk $0xffff, v42  }
0xf6: {  	v39 =	vadd.bf16 v39, v10;
	v59 =	vld [tilespmem:s6+$0xFFFFFFD0];
	v46 =	vunpack.i.u.bf16.f32 v46;
	v42 =	vadd.s32 v30, v34;
	[tilespmem:v44+s18+$0x0] =	vst.idx.msk $0xffff, v63  }
0xf7: {  	v44 =	vadd.s32 v16, v33;
	v56 =	vld [tilespmem:s6+$0xFFFFEFF0];
	v40 =	vadd.bf16 v50, v40;
	v57 =	vunpack.i.l.bf16.f32 v37;
	[tilespmem:v53+s18+$0x0] =	vst.idx.msk $0xffff, v46  }
0xf8: {  	v61 =	vadd.s32 v14, v33;
	v50 =	vld [tilespmem:s6+$0xFFFFFFF0];
	v37 =	vunpack.i.u.bf16.f32 v37;
	[tilespmem:v58+s18+$0x0] =	vst.idx.msk $0xffff, v57  }
0xf9: {  	v39 =	vadd.bf16 v62, v39;
	v53 =	vld [tilespmem:s6+$0xFFFFF010];
	v62 =	vunpack.i.l.bf16.f32 v40;
	[tilespmem:v43+s18+$0x0] =	vst.idx.msk $0xffff, v37  }
0xfa: {  	v58 =	vld [tilespmem:s6+$0x10];
	v63 =	vunpack.i.u.bf16.f32 v40;
	[tilespmem:v48+s18+$0x0] =	vst.idx.msk $0xffff, v62  }
0xfb: {  	s22 =	simm.s32 $0x8;
	v10 =	vadd.bf16 v52, v11;
	v11 =	vunpack.i.l.bf16.f32 v39;
	v40 =	vld [tilespmem:s6+$0xFFFFF030];
	[tilespmem:v42+s18+$0x0] =	vst.idx.msk $0xffff, v63  }
0xfc: {  	s7 =	simm.s32 $0x1880;
	v52 =	vunpack.i.u.bf16.f32 v39;
	v60 =	vadd.bf16 v60, v55;
	v55 =	vmov s22;
	v48 =	vld [tilespmem:s6+$0x30];
	[tilespmem:v44+s18+$0x0] =	vst.idx.msk $0xffff, v11  }
0xfd: {  	v57 =	vadd.bf16 v54, v10;
	v54 =	vadd.s32 v15, v38;
	v45 =	vshrl.u32 v55, $0x3;
	v55 =	vld [tilespmem:s7+$0x60];
	[tilespmem:v61+s18+$0x0] =	vst.idx.msk $0xffff, v52  }
0xfe: {  	v0 =	vld [tilespmem:$0x1FEE0]  }
0xff: {  	v11 =	vld [tilespmem:s6+$0xFB0]  }
0x100: {  	v63 =	vunpack.i.l.bf16.f32 v57;
	v42 =	vunpack.i.u.bf16.f32 v57;
	v57 =	vld [tilespmem:s6+$0xFD0]  }
0x101: {  	v39 =	vld [tilespmem:s6+$0xFFFFF050]  }
0x102: {  	v28 =	vmov v4;
	v62 =	vadd.s32 v29, v38;
	v4 =	vld [tilespmem:$0x1FED0];
	[tilespmem:v54+s18+$0x0] =	vst.idx.msk $0xffff, v63  }
0x103: {  	v37 =	vadd.bf16 v48, v40;
	v48 =	vadd.s32 v0, v51;
	v0 =	vld [tilespmem:$0x1FEF0]  }
0x104: {  	v43 =	vld [tilespmem:s6+$0x50]  }
0x105: {  	v52 =	vld [tilespmem:s6+$0xFF0]  }
0x106: {  	v61 =	vld [tilespmem:s6+$0xFFFFEF90]  }
0x107: {  	v10 =	vld [tilespmem:s6+$0xFFFFFF90];
	[tilespmem:v62+s18+$0x0] =	vst.idx.msk $0xffff, v42  }
0x108: {  	v47 =	vadd.s32 v0, v9;
	v0 =	vld [tilespmem:$0x1FF00]  }
0x109: {  	v54 =	vld [tilespmem:s7+$0x1060]  }
0x10a: {  	v38 =	vadd.bf16 v58, v53;
	v53 =	vld [tilespmem:s7+$0xFFFFF060]  }
0x10b: {  	v59 =	vadd.bf16 v59, v49;
	v49 =	vadd.bf16 v50, v56;
	v50 =	vadd.s32 v4, v51;
	v51 =	vld [tilespmem:s7+$0xFFFFEF80]  }
0x10c: {  	v24 =	vmov v27;
	v27 =	vld [tilespmem:$0x1FF20]  }
0x10d: {  	v42 =	vadd.s32 v0, v9;
	v0 =	vld [tilespmem:$0x1FF10]  }
0x10e: {  	s24 =	simm.s32 $0xA;
	v30 =	vld [tilespmem:$0x1FF30]  }
0x10f: {  	v25 =	vmov v19;
	s21 =	simm.s32 $0x9;
	s26 =	simm.s32 $0xF;
	v46 =	vmov s24;
	v19 =	vld [tilespmem:$0x1FF40]  }
0x110: {  	v3 =	vmovc v22;
	v44 =	vmov s21;
	v63 =	vmov s26;
	v56 =	vadd.bf16 v11, v60;
	v13 =	vld [tilespmem:$0x1FF50]  }
0x111: {  	v20 =	vmovc v23;
	v14 =	vmovc v3;
	v57 =	vadd.bf16 v57, v59;
	v39 =	vadd.bf16 v43, v39;
	v43 =	vshrl.u32 v63, $0x3;
	v23 =	vld [tilespmem:$0x1FF60]  }
0x112: {  	v22 =	vmovc v8;
	s24 =	simm.s32 $0x10;
	s21 =	sor.u32 $0x1, s5;
	v40 =	vadd.bf16 v10, v61;
	v58 =	vshll.u32 v43, v1;
	v17 =	vld [tilespmem:$0x1FF70];
	v43 =	vadd.s32 v0, v41  }
.LBB2_6:
0x113: {  	v59 =	vld [tilespmem:s7+$0xFFFFFF80]  }
0x114: {  	v62 =	vld [tilespmem:s7+$0xFFFFFFA0]  }
0x115: {  	v2 =	vld [tilespmem:$0x1FFB0]  }
0x116: {  	v60 =	vunpack.i.u.bf16.f32 v56;
	v10 =	vunpack.i.l.bf16.f32 v56;
	v56 =	vld [tilespmem:s7+$0xFFFFEFC0];
	v49 =	vadd.bf16 v52, v49  }
0x117: {  	v58 =	vbroadcast v58, $0x0;
	v11 =	vunpack.i.l.bf16.f32 v57;
	v52 =	vld [tilespmem:s7+$0xFFFFEFA0]  }
0x118: {  	v53 =	vadd.bf16 v55, v53;
	[tilespmem:v50+s18+$0x0] =	vst.idx.msk $0xffff, v10;
	v50 =	vunpack.i.u.bf16.f32 v49;
	v9 =	vunpack.i.l.bf16.f32 v49;
	v49 =	vld [tilespmem:s7+$0xFFFFFFC0]  }
0x119: {  	s13 =	sadd.s32 $0x3, s22;
	v55 =	vadd.s32 v5, v58;
	[tilespmem:v47+s18+$0x0] =	vst.idx.msk $0xffff, v11;
	v47 =	vadd.bf16 v59, v51;
	v51 =	vld [tilespmem:s7+$0xFFFFEFE0]  }
0x11a: {  	s26 =	sadd.s32 $0x4, s22;
	v41 =	vadd.s32 v27, v41;
	v61 =	vunpack.i.u.bf16.f32 v57;
	v63 =	vmov s13;
	[tilespmem:v48+s18+$0x0] =	vst.idx.msk $0xffff, v60;
	v59 =	vld [tilespmem:s7+$0xFFFFFFE0]  }
0x11b: {  	v0 =	vadd.s32 v7, v58;
	v60 =	vmov s26;
	s26 =	sadd.s32 $0x6, s22;
	v53 =	vadd.bf16 v54, v53;
	v3 =	vld [tilespmem:s7+$0xFA0]  }
0x11c: {  	v57 =	vmov s26;
	v60 =	vshrl.u32 v60, $0x3;
	[tilespmem:v43+s18+$0x0] =	vst.idx.msk $0xffff, v9;
	v43 =	vshrl.u32 v46, $0x3;
	v46 =	vld [tilespmem:s7+$0xFFFFF000]  }
0x11d: {  	[tilespmem:v42+s18+$0x0] =	vst.idx.msk $0xffff, v61;
	v9 =	vshrl.u32 v63, $0x3;
	v63 =	vshll.u32 v60, v1;
	v60 =	vld [tilespmem:s7+$0xFFFFF040];
	v10 =	vunpack.i.l.bf16.f32 v53  }
0x11e: {  	v42 =	vshll.u32 v45, v1;
	v45 =	vshrl.u32 v44, $0x3;
	v11 =	vunpack.i.u.bf16.f32 v53;
	[tilespmem:v55+s18+$0x0] =	vst.idx.msk $0xffff, v10;
	v55 =	vld [tilespmem:s7+$0x0]  }
0x11f: {  	v61 =	vshll.u32 v43, v1;
	v48 =	vadd.bf16 v62, v52;
	v62 =	vshll.u32 v9, v1;
	v9 =	vld [tilespmem:s7+$0xFFFFF020]  }
0x120: {  	v44 =	vbroadcast v42, $0x0;
	v10 =	vshrl.u32 v57, $0x3;
	v42 =	vbroadcast v61, $0x0;
	v61 =	vld [tilespmem:s7+$0x40];
	[tilespmem:v0+s18+$0x0] =	vst.idx.msk $0xffff, v11  }
0x121: {  	v0 =	vadd.bf16 v49, v56;
	v52 =	vld [tilespmem:s7+$0xFFFFF070];
	v49 =	vshll.u32 v10, v1  }
0x122: {  	v11 =	vshll.u32 v45, v1;
	v45 =	vbroadcast v49, $0x0;
	v49 =	vadd.s32 v2, v44;
	v2 =	vld [tilespmem:$0x1FFA0]  }
0x123: {  	[tilespmem:v41+s18+$0x0] =	vst.idx.msk $0xffff, v50;
	v50 =	vld [tilespmem:s7+$0x70]  }
0x124: {  	s14 =	sadd.s32 $0x5, s22;
	v57 =	vld [tilespmem:s7+$0xFC0]  }
0x125: {  	v54 =	vmov s14;
	v43 =	vbroadcast v11, $0x0;
	v10 =	vld [tilespmem:s7+$0x1070]  }
0x126: {  	v54 =	vshrl.u32 v54, $0x3;
	v53 =	vbroadcast v63, $0x0;
	v11 =	vld [tilespmem:s7+$0x20]  }
0x127: {  	v54 =	vshll.u32 v54, v1;
	v41 =	vbroadcast v62, $0x0;
	v63 =	vadd.s32 v2, v43;
	v2 =	vld [tilespmem:$0x1FFD0]  }
0x128: {  	v62 =	vld [tilespmem:s7+$0xF80];
	v8 =	vadd.s32 v28, v53;
	v50 =	vadd.bf16 v50, v52;
	v52 =	vadd.s32 v15, v58  }
0x129: {  	v51 =	vadd.bf16 v59, v51;
	v59 =	vadd.s32 v16, v44;
	v58 =	vadd.s32 v29, v58  }
0x12a: {  	v4 =	vadd.s32 v20, v42;
	v56 =	vld [tilespmem:s7+$0xFE0];
	v3 =	vadd.bf16 v3, v48;
	v50 =	vadd.bf16 v10, v50  }
0x12b: {  	v18 =	vmovc v5;
	v5 =	vadd.s32 v21, v42;
	v46 =	vadd.bf16 v55, v46;
	v55 =	vadd.bf16 v11, v9;
	v11 =	vld [tilespmem:s7+$0x1000]  }
0x12c: {  	v60 =	vadd.bf16 v61, v60;
	v61 =	vld [tilespmem:$0x1FFC0];
	v10 =	vunpack.i.l.bf16.f32 v50;
	v2 =	vadd.s32 v2, v43  }
0x12d: {  	v0 =	vadd.bf16 v57, v0;
	v50 =	vunpack.i.u.bf16.f32 v50;
	[tilespmem:v52+s18+$0x0] =	vst.idx.msk $0xffff, v10;
	v10 =	vadd.bf16 v62, v47;
	v47 =	vld [tilespmem:s7+$0x1020]  }
0x12e: {  	v6 =	vadd.s32 v24, v41;
	v62 =	vunpack.i.u.bf16.f32 v3;
	v3 =	vunpack.i.l.bf16.f32 v3;
	[tilespmem:v58+s18+$0x0] =	vst.idx.msk $0xffff, v50  }
0x12f: {  	v9 =	vadd.s32 v14, v53;
	[tilespmem:v63+s18+$0x0] =	vst.idx.msk $0xffff, v3;
	v3 =	vunpack.i.u.bf16.f32 v0;
	v0 =	vunpack.i.l.bf16.f32 v0  }
0x130: {  	v54 =	vbroadcast v54, $0x0;
	v57 =	vld [tilespmem:s6+$0x1010];
	v51 =	vadd.bf16 v56, v51;
	v11 =	vadd.bf16 v11, v46;
	[tilespmem:v4+s18+$0x0] =	vst.idx.msk $0xffff, v0  }
0x131: {  	v56 =	vld [tilespmem:s6+$0x1030];
	v58 =	vadd.s32 v61, v45;
	v61 =	vunpack.i.u.bf16.f32 v10;
	v10 =	vunpack.i.l.bf16.f32 v10;
	[tilespmem:v2+s18+$0x0] =	vst.idx.msk $0xffff, v62  }
0x132: {  	v12 =	vadd.s32 v32, v54;
	v4 =	vunpack.i.l.bf16.f32 v11;
	[tilespmem:v59+s18+$0x0] =	vst.idx.msk $0xffff, v10;
	v47 =	vadd.bf16 v47, v55;
	v55 =	vld [tilespmem:s7+$0xFFFFEFB0]  }
0x133: {  	v31 =	vmov v7;
	v7 =	vadd.s32 v25, v41;
	v0 =	vunpack.i.u.bf16.f32 v11;
	[tilespmem:v8+s18+$0x0] =	vst.idx.msk $0xffff, v4;
	v63 =	vld [tilespmem:s7+$0xFFFFFFB0]  }
0x134: {  	[tilespmem:v9+s18+$0x0] =	vst.idx.msk $0xffff, v0;
	v0 =	vadd.s32 v30, v36  }
0x135: {  	v48 =	vld [tilespmem:s7+$0x1040];
	v59 =	vunpack.i.l.bf16.f32 v51;
	[tilespmem:v5+s18+$0x0] =	vst.idx.msk $0xffff, v3  }
0x136: {  	v38 =	vadd.bf16 v57, v38;
	[tilespmem:v6+s18+$0x0] =	vst.idx.msk $0xffff, v59;
	v5 =	vunpack.i.l.bf16.f32 v47  }
0x137: {  	v2 =	vunpack.i.u.bf16.f32 v51;
	[tilespmem:v12+s18+$0x0] =	vst.idx.msk $0xffff, v5;
	v12 =	vld [tilespmem:s7+$0x10]  }
0x138: {  	v57 =	vadd.bf16 v56, v37;
	[tilespmem:v7+s18+$0x0] =	vst.idx.msk $0xffff, v2;
	v7 =	vunpack.i.l.bf16.f32 v38;
	v56 =	vadd.bf16 v63, v55;
	v63 =	vld [tilespmem:s7+$0xFFFFF010]  }
0x139: {  	v52 =	vadd.s32 v22, v54;
	[tilespmem:v0+s18+$0x0] =	vst.idx.msk $0xffff, v7;
	v0 =	vld [tilespmem:$0x1FF80]  }
0x13a: {  	v46 =	vld [tilespmem:s6+$0x1050];
	v50 =	vadd.s32 v26, v45;
	v62 =	vadd.bf16 v48, v60  }
0x13b: {  	v60 =	vld [tilespmem:s7+$0xFFFFEFF0]  }
0x13c: {  	v6 =	vunpack.i.u.bf16.f32 v62;
	v10 =	vunpack.i.l.bf16.f32 v62;
	v62 =	vld [tilespmem:s7+$0xFFFFFFF0]  }
0x13d: {  	v51 =	vld [tilespmem:s6+$0xF90];
	[tilespmem:v49+s18+$0x0] =	vst.idx.msk $0xffff, v61;
	v61 =	vadd.s32 v17, v34;
	v3 =	vunpack.i.u.bf16.f32 v47  }
0x13e: {  	[tilespmem:v52+s18+$0x0] =	vst.idx.msk $0xffff, v3;
	v0 =	vadd.s32 v0, v34  }
0x13f: {  	v37 =	vld [tilespmem:s7+$0xFFFFFFD0];
	v59 =	vadd.bf16 v46, v39;
	v3 =	vadd.s32 v19, v36;
	[tilespmem:v50+s18+$0x0] =	vst.idx.msk $0xffff, v10  }
0x140: {  	[tilespmem:v58+s18+$0x0] =	vst.idx.msk $0xffff, v6;
	v7 =	vld [tilespmem:s7+$0xFFFFEF90]  }
0x141: {  	v46 =	vunpack.i.l.bf16.f32 v59;
	v49 =	vadd.bf16 v62, v60;
	v60 =	vld [tilespmem:s7+$0xFFFFF050]  }
0x142: {  	v9 =	vunpack.i.u.bf16.f32 v59;
	v62 =	vld [tilespmem:s7+$0x50];
	[tilespmem:v61+s18+$0x0] =	vst.idx.msk $0xffff, v46  }
0x143: {  	v2 =	vunpack.i.u.bf16.f32 v38;
	[tilespmem:v0+s18+$0x0] =	vst.idx.msk $0xffff, v9;
	v0 =	vld [tilespmem:$0x1FED0]  }
0x144: {  	[tilespmem:v3+s18+$0x0] =	vst.idx.msk $0xffff, v2;
	v2 =	vld [tilespmem:s7+$0xFFFFFF90]  }
0x145: {  	v47 =	vld [tilespmem:s7+$0xFFFFEFD0]  }
0x146: {  	v3 =	vld [tilespmem:$0x1FEC0]  }
0x147: {  	v55 =	vadd.s32 v13, v35;
	v38 =	vadd.bf16 v12, v63;
	v12 =	vld [tilespmem:$0x1FEB0]  }
0x148: {  	v6 =	vadd.s32 v23, v35;
	v50 =	vadd.s32 v0, v43;
	v0 =	vld [tilespmem:$0x1FEE0]  }
0x149: {  	v4 =	vadd.bf16 v51, v40;
	v40 =	vadd.bf16 v2, v7;
	v2 =	vld [tilespmem:$0x1FEF0]  }
0x14a: {  	v36 =	vmov v53;
	v53 =	vld [tilespmem:s7+$0xFFFFF030]  }
0x14b: {  	s26 =	sadd.s32 $0x1, s24;
	v11 =	vunpack.i.l.bf16.f32 v57;
	v8 =	vunpack.i.u.bf16.f32 v57;
	v59 =	vld [tilespmem:s7+$0x30]  }
0x14c: {  	[tilespmem:v55+s18+$0x0] =	vst.idx.msk $0xffff, v11;
	v63 =	vld [tilespmem:s7+$0xFB0];
	v3 =	vadd.s32 v3, v33;
	v12 =	vadd.s32 v12, v33;
	v33 =	vmovc v44;
	v44 =	vmov s26;
	s26 =	sadd.s32 $0x7, s24  }
0x14d: {  	[tilespmem:v6+s18+$0x0] =	vst.idx.msk $0xffff, v8;
	v8 =	vld [tilespmem:s7+$0xFD0];
	v48 =	vadd.s32 v0, v43;
	v0 =	vmov s26  }
0x14e: {  	v57 =	vadd.bf16 v37, v47;
	v47 =	vadd.s32 v2, v42;
	v2 =	vld [tilespmem:$0x1FF00];
	v0 =	vshrl.u32 v0, $0x3  }
0x14f: {  	p3 =	slt.u32 s24, $0x78;
	s6 =	smov.u32 s7;
	v58 =	vshll.u32 v0, v1;
	v0 =	vld [tilespmem:$0x1FF10]  }
.Ltmp2:
0x150: {  	v52 =	vld [tilespmem:s6+$0xFF0];
	s7 =	sadd.s32 $0x100, s7;
	(pc) =	sbr.rel @p3 .LBB2_6-.Ltmp2, $4  }
0x151: {  	v5 =	vunpack.i.u.bf16.f32 v4;
	v4 =	vunpack.i.l.bf16.f32 v4;
	v37 =	vadd.bf16 v59, v53;
	v53 =	vld [tilespmem:s7+$0xFFFFF060]  }
0x152: {  	s14 =	sadd.s32 $0x2, s24;
	v35 =	vmov v54;
	v6 =	vmov s24;
	v39 =	vadd.bf16 v62, v60;
	v55 =	vld [tilespmem:s7+$0x60];
	[tilespmem:v12+s18+$0x0] =	vst.idx.msk $0xffff, v4  }
0x153: {  	v46 =	vmov s14;
	v34 =	vmovc v45;
	v45 =	vshrl.u32 v6, $0x3;
	v7 =	vmovc v31;
	v54 =	vld [tilespmem:s7+$0x1060];
	v56 =	vadd.bf16 v63, v56;
	[tilespmem:v3+s18+$0x0] =	vst.idx.msk $0xffff, v5  }
0x154: {  	s22 =	smov.u32 s24;
	s24 =	sadd.s32 $0x8, s24;
	v57 =	vadd.bf16 v8, v57;
	v5 =	vmovc v18;
	v51 =	vld [tilespmem:s7+$0xFFFFEF80];
	v42 =	vadd.s32 v2, v42;
	v43 =	vadd.s32 v0, v41  }
0x155: {  	v2 =	vld [tilespmem:s7+$0xFFFFFF80]  }
0x156: {  	v3 =	vld [tilespmem:s7+$0xFFFFEFA0]  }
0x157: {  	v0 =	vbroadcast v58, $0x0;
	v6 =	vld [tilespmem:s7+$0xFFFFFFA0]  }
0x158: {  	v9 =	vld [tilespmem:s7+$0xFFFFEFC0]  }
0x159: {  	v8 =	vadd.bf16 v52, v49;
	v49 =	vld [tilespmem:s7+$0xFFFFFFC0];
	v4 =	vadd.bf16 v55, v53;
	v5 =	vadd.s32 v5, v0  }
0x15a: {  	v10 =	vunpack.i.u.bf16.f32 v56;
	v11 =	vunpack.i.l.bf16.f32 v56;
	v58 =	vld [tilespmem:s7+$0x0];
	v7 =	vadd.s32 v7, v0  }
0x15b: {  	v12 =	vunpack.i.u.bf16.f32 v57;
	v52 =	vunpack.i.l.bf16.f32 v57;
	v57 =	vld [tilespmem:s7+$0xFFFFFFE0];
	[tilespmem:v50+s18+$0x0] =	vst.idx.msk $0xffff, v11;
	v4 =	vadd.bf16 v54, v4  }
0x15c: {  	v50 =	vld [tilespmem:s7+$0xFFFFF020];
	[tilespmem:v48+s18+$0x0] =	vst.idx.msk $0xffff, v10  }
0x15d: {  	v48 =	vld [tilespmem:s7+$0xFA0];
	[tilespmem:v47+s18+$0x0] =	vst.idx.msk $0xffff, v52;
	v63 =	vunpack.i.l.bf16.f32 v4  }
0x15e: {  	v47 =	vld [tilespmem:s7+$0x20];
	v4 =	vunpack.i.u.bf16.f32 v4;
	[tilespmem:v5+s18+$0x0] =	vst.idx.msk $0xffff, v63  }
0x15f: {  	s13 =	sadd.s32 $0x3, s22;
	v44 =	vshrl.u32 v44, $0x3;
	v61 =	vshrl.u32 v46, $0x3;
	v54 =	vld [tilespmem:s7+$0xFFFFEFE0];
	[tilespmem:v7+s18+$0x0] =	vst.idx.msk $0xffff, v4  }
0x160: {  	v56 =	vmov s13;
	v44 =	vshll.u32 v44, v1;
	v55 =	vadd.s32 v27, v41;
	v60 =	vld [tilespmem:s7+$0xFFFFF070]  }
0x161: {  	v53 =	vunpack.i.u.bf16.f32 v8;
	v8 =	vunpack.i.l.bf16.f32 v8;
	v41 =	vshll.u32 v45, v1;
	v63 =	vld [tilespmem:s7+$0x70]  }
0x162: {  	v56 =	vshrl.u32 v56, $0x3;
	v10 =	vbroadcast v44, $0x0;
	[tilespmem:v42+s18+$0x0] =	vst.idx.msk $0xffff, v12;
	v2 =	vadd.bf16 v2, v51;
	v51 =	vld [tilespmem:s7+$0xFFFFF000]  }
0x163: {  	v46 =	vadd.s32 v15, v0;
	v41 =	vbroadcast v41, $0x0;
	[tilespmem:v43+s18+$0x0] =	vst.idx.msk $0xffff, v8;
	v3 =	vadd.bf16 v6, v3;
	v11 =	vld [tilespmem:s7+$0x1070]  }
0x164: {  	v9 =	vadd.bf16 v49, v9;
	v6 =	vshll.u32 v61, v1;
	v49 =	vshll.u32 v56, v1;
	v56 =	vld [tilespmem:s7+$0xF80]  }
0x165: {  	s24 =	sadd.s32 $0x4, s22;
	v0 =	vadd.s32 v29, v0;
	v12 =	vadd.s32 v16, v41;
	v6 =	vbroadcast v6, $0x0;
	v59 =	vld [tilespmem:$0x1FFA0];
	[tilespmem:v55+s18+$0x0] =	vst.idx.msk $0xffff, v53  }
0x166: {  	s26 =	sadd.s32 $0x5, s22;
	v15 =	vmovc v16;
	v44 =	vbroadcast v49, $0x0;
	v5 =	vmov s24;
	v16 =	vld [tilespmem:$0x1FFD0];
	v45 =	vadd.bf16 v63, v60  }
0x167: {  	v3 =	vadd.bf16 v48, v3;
	v47 =	vadd.bf16 v47, v50;
	v4 =	vmov s26  }
0x168: {  	v5 =	vshrl.u32 v5, $0x3;
	v4 =	vshrl.u32 v4, $0x3;
	v11 =	vadd.bf16 v11, v45;
	v45 =	vld [tilespmem:s7+$0xFC0]  }
0x169: {  	v54 =	vadd.bf16 v57, v54;
	v5 =	vshll.u32 v5, v1;
	v4 =	vshll.u32 v4, v1  }
0x16a: {  	v52 =	vld [tilespmem:s7+$0xFE0];
	v8 =	vadd.bf16 v58, v51;
	v49 =	vadd.s32 v59, v10;
	v60 =	vunpack.i.l.bf16.f32 v11  }
0x16b: {  	v2 =	vadd.bf16 v56, v2;
	v51 =	vadd.s32 v16, v10;
	v11 =	vunpack.i.u.bf16.f32 v11;
	[tilespmem:v46+s18+$0x0] =	vst.idx.msk $0xffff, v60  }
0x16c: {  	v53 =	vadd.s32 v20, v6;
	v48 =	vunpack.i.l.bf16.f32 v3;
	v43 =	vbroadcast v4, $0x0;
	[tilespmem:v0+s18+$0x0] =	vst.idx.msk $0xffff, v11;
	v0 =	vld [tilespmem:s7+$0x1000]  }
0x16d: {  	v4 =	vadd.s32 v21, v6;
	v61 =	vunpack.i.l.bf16.f32 v2;
	v9 =	vadd.bf16 v45, v9  }
0x16e: {  	v3 =	vunpack.i.u.bf16.f32 v3;
	v42 =	vbroadcast v5, $0x0;
	[tilespmem:v12+s18+$0x0] =	vst.idx.msk $0xffff, v61;
	v11 =	vadd.s32 v24, v44  }
0x16f: {  	v50 =	vadd.bf16 v52, v54;
	[tilespmem:v49+s18+$0x0] =	vst.idx.msk $0xffff, v48;
	v45 =	vadd.s32 v25, v44;
	v54 =	vunpack.i.l.bf16.f32 v9  }
0x170: {  	[tilespmem:v51+s18+$0x0] =	vst.idx.msk $0xffff, v3;
	v3 =	vadd.s32 v28, v42  }
0x171: {  	v5 =	vld [tilespmem:s7+$0xFFFFF040];
	v9 =	vunpack.i.u.bf16.f32 v9;
	[tilespmem:v53+s18+$0x0] =	vst.idx.msk $0xffff, v54;
	v0 =	vadd.bf16 v0, v8  }
0x172: {  	v12 =	vld [tilespmem:s7+$0x1020];
	v8 =	vadd.s32 v32, v43;
	[tilespmem:v4+s18+$0x0] =	vst.idx.msk $0xffff, v9;
	v54 =	vmov v32;
	v32 =	vunpack.i.l.bf16.f32 v50  }
0x173: {  	s14 =	sadd.s32 $0x6, s22;
	v46 =	vld [tilespmem:s7+$0x40];
	v50 =	vunpack.i.u.bf16.f32 v50;
	[tilespmem:v11+s18+$0x0] =	vst.idx.msk $0xffff, v32  }
0x174: {  	v7 =	vmov s14;
	v48 =	vld [tilespmem:s7+$0x1040];
	v51 =	vadd.s32 v14, v42;
	[tilespmem:v45+s18+$0x0] =	vst.idx.msk $0xffff, v50;
	v50 =	vunpack.i.l.bf16.f32 v0  }
0x175: {  	v7 =	vshrl.u32 v7, $0x3;
	v49 =	vld [tilespmem:s6+$0x1010];
	[tilespmem:v3+s18+$0x0] =	vst.idx.msk $0xffff, v50  }
0x176: {  	v7 =	vshll.u32 v7, v1;
	v3 =	vld [tilespmem:$0x1FFC0]  }
0x177: {  	v7 =	vbroadcast v7, $0x0;
	v55 =	vmov v16;
	v12 =	vadd.bf16 v12, v47;
	v16 =	vld [tilespmem:$0x1FFB0]  }
0x178: {  	v9 =	vadd.s32 v22, v43;
	v0 =	vunpack.i.u.bf16.f32 v0  }
0x179: {  	v5 =	vadd.bf16 v46, v5;
	v32 =	vadd.s32 v26, v7;
	[tilespmem:v51+s18+$0x0] =	vst.idx.msk $0xffff, v0;
	v0 =	vunpack.i.l.bf16.f32 v12  }
0x17a: {  	[tilespmem:v8+s18+$0x0] =	vst.idx.msk $0xffff, v0;
	v8 =	vadd.s32 v30, v36  }
0x17b: {  	v60 =	vmovc v25;
	v5 =	vadd.bf16 v48, v5;
	v25 =	vmov v3;
	v3 =	vadd.s32 v3, v7  }
0x17c: {  	v38 =	vadd.bf16 v49, v38;
	v12 =	vunpack.i.u.bf16.f32 v12;
	v48 =	vadd.s32 v16, v41  }
0x17d: {  	v52 =	vld [tilespmem:s6+$0x1030];
	v51 =	vunpack.i.l.bf16.f32 v5;
	[tilespmem:v9+s18+$0x0] =	vst.idx.msk $0xffff, v12  }
0x17e: {  	v46 =	vld [tilespmem:s6+$0xF90];
	[tilespmem:v32+s18+$0x0] =	vst.idx.msk $0xffff, v51;
	v32 =	vunpack.i.l.bf16.f32 v38  }
0x17f: {  	v4 =	vld [tilespmem:s6+$0x1050];
	v5 =	vunpack.i.u.bf16.f32 v5;
	[tilespmem:v8+s18+$0x0] =	vst.idx.msk $0xffff, v32  }
0x180: {  	v2 =	vunpack.i.u.bf16.f32 v2;
	v49 =	vld [tilespmem:s7+$0xFD0];
	v36 =	vadd.s32 v19, v36;
	[tilespmem:v3+s18+$0x0] =	vst.idx.msk $0xffff, v5  }
0x181: {  	v47 =	vadd.s32 v13, v35;
	v11 =	vld [tilespmem:s7+$0xFFFFEFB0];
	[tilespmem:v48+s18+$0x0] =	vst.idx.msk $0xffff, v2  }
0x182: {  	v57 =	vmov v21;
	v5 =	vadd.s32 v23, v35;
	v21 =	vld [tilespmem:$0x1FF80]  }
0x183: {  	v45 =	vld [tilespmem:s7+$0xFFFFFFB0];
	v35 =	vadd.bf16 v52, v37  }
0x184: {  	v50 =	vld [tilespmem:s7+$0xFFFFEFD0];
	v51 =	vunpack.i.u.bf16.f32 v38  }
0x185: {  	v12 =	vld [tilespmem:s7+$0xFFFFEFF0];
	v48 =	vadd.s32 v17, v34;
	[tilespmem:v36+s18+$0x0] =	vst.idx.msk $0xffff, v51;
	v52 =	vunpack.i.l.bf16.f32 v35  }
0x186: {  	v63 =	vmov v29;
	v9 =	vld [tilespmem:s7+$0xFFFFFFF0];
	v35 =	vunpack.i.u.bf16.f32 v35;
	[tilespmem:v47+s18+$0x0] =	vst.idx.msk $0xffff, v52  }
0x187: {  	v29 =	vmov v19;
	v4 =	vadd.bf16 v4, v39;
	v19 =	vld [tilespmem:$0x1FEB0];
	[tilespmem:v5+s18+$0x0] =	vst.idx.msk $0xffff, v35;
	v34 =	vadd.s32 v21, v34  }
0x188: {  	v58 =	vmov v24;
	v24 =	vmov v22;
	v22 =	vmov v17;
	v17 =	vld [tilespmem:$0x1FEC0]  }
0x189: {  	v0 =	vld [tilespmem:s7+$0xFFFFFFD0];
	v47 =	vunpack.i.l.bf16.f32 v4  }
0x18a: {  	v8 =	vld [tilespmem:s7+$0x30];
	[tilespmem:v48+s18+$0x0] =	vst.idx.msk $0xffff, v47  }
0x18b: {  	v56 =	vmovc v20;
	v20 =	vmov v26;
	v26 =	vmov v13;
	v4 =	vunpack.i.u.bf16.f32 v4;
	v13 =	vld [tilespmem:$0x1FED0]  }
0x18c: {  	v9 =	vadd.bf16 v9, v12;
	v12 =	vld [tilespmem:s7+$0x1010];
	v38 =	vadd.s32 v19, v33;
	[tilespmem:v34+s18+$0x0] =	vst.idx.msk $0xffff, v4  }
0x18d: {  	v53 =	vmov v14;
	v33 =	vadd.s32 v17, v33;
	v14 =	vld [tilespmem:$0x1FEF0]  }
0x18e: {  	v39 =	vadd.bf16 v46, v40;
	v3 =	vld [tilespmem:s7+$0xFFFFF010]  }
0x18f: {  	v2 =	vld [tilespmem:s7+$0x10]  }
0x190: {  	v52 =	vunpack.i.l.bf16.f32 v39;
	v51 =	vadd.s32 v13, v10;
	v13 =	vld [tilespmem:$0x1FEE0]  }
0x191: {  	v36 =	vld [tilespmem:s7+$0xFB0];
	v48 =	vunpack.i.u.bf16.f32 v39;
	[tilespmem:v38+s18+$0x0] =	vst.idx.msk $0xffff, v52  }
0x192: {  	v47 =	vadd.s32 v14, v6;
	v14 =	vld [tilespmem:$0x1FF00];
	[tilespmem:v33+s18+$0x0] =	vst.idx.msk $0xffff, v48  }
0x193: {  	v62 =	vmov v27;
	v27 =	vld [tilespmem:$0x1FF10]  }
0x194: {  	v11 =	vadd.bf16 v45, v11;
	v37 =	vld [tilespmem:s7+$0xFFFFF030]  }
0x195: {  	v34 =	vld [tilespmem:s7+$0xFF0];
	v10 =	vadd.s32 v13, v10  }
0x196: {  	v0 =	vadd.bf16 v0, v50;
	v45 =	vld [tilespmem:s7+$0x50];
	v11 =	vadd.bf16 v36, v11  }
0x197: {  	v5 =	vld [tilespmem:s7+$0xFFFFF050];
	v6 =	vadd.s32 v14, v6  }
0x198: {  	v0 =	vadd.bf16 v49, v0;
	v50 =	vunpack.i.l.bf16.f32 v11;
	v4 =	vld [tilespmem:s7+$0xFFFFEF90];
	v49 =	vadd.s32 v27, v44  }
0x199: {  	v2 =	vadd.bf16 v2, v3;
	v3 =	vunpack.i.u.bf16.f32 v11;
	v52 =	vld [tilespmem:s7+$0x1030];
	[tilespmem:v51+s18+$0x0] =	vst.idx.msk $0xffff, v50;
	v51 =	vadd.s32 v62, v44  }
0x19a: {  	v32 =	vadd.s32 v30, v42;
	v9 =	vadd.bf16 v34, v9;
	v62 =	vld [tilespmem:s7+$0xFFFFFF90];
	[tilespmem:v10+s18+$0x0] =	vst.idx.msk $0xffff, v3;
	v3 =	vunpack.i.l.bf16.f32 v0  }
0x19b: {  	v46 =	vadd.s32 v26, v43;
	v40 =	vld [tilespmem:s7+$0x1050];
	v0 =	vunpack.i.u.bf16.f32 v0;
	[tilespmem:v47+s18+$0x0] =	vst.idx.msk $0xffff, v3;
	v44 =	vadd.s32 v29, v42  }
0x19c: {  	v2 =	vadd.bf16 v12, v2;
	v3 =	vadd.bf16 v8, v37;
	[tilespmem:v6+s18+$0x0] =	vst.idx.msk $0xffff, v0;
	v0 =	vunpack.i.l.bf16.f32 v9  }
0x19d: {  	v12 =	vadd.s32 v23, v43;
	v48 =	vld [tilespmem:s7+$0xF90];
	v50 =	vadd.s32 v22, v7;
	v47 =	vunpack.i.u.bf16.f32 v9;
	[tilespmem:v49+s18+$0x0] =	vst.idx.msk $0xffff, v0  }
0x19e: {  	v3 =	vadd.bf16 v52, v3;
	v0 =	vadd.bf16 v45, v5;
	v49 =	vunpack.i.l.bf16.f32 v2;
	[tilespmem:v51+s18+$0x0] =	vst.idx.msk $0xffff, v47  }
0x19f: {  	s22 =	smulhi.u32 $0x51EB851F, s5;
	v4 =	vadd.bf16 v62, v4;
	v2 =	vunpack.i.u.bf16.f32 v2;
	[tilespmem:v32+s18+$0x0] =	vst.idx.msk $0xffff, v49;
	v51 =	vadd.s32 v21, v7  }
0x1a0: {  	v52 =	vadd.s32 v19, v41;
	v0 =	vadd.bf16 v40, v0;
	[tilespmem:v44+s18+$0x0] =	vst.idx.msk $0xffff, v2;
	v2 =	vunpack.i.l.bf16.f32 v3  }
0x1a1: {  	s24 =	smulhi.u32 $0x51EB851F, s31;
	s6 =	sshrl.u32 s22, $0x4;
	[tilespmem:v46+s18+$0x0] =	vst.idx.msk $0xffff, v2;
	v2 =	vunpack.i.u.bf16.f32 v3;
	v3 =	vadd.s32 v17, v41  }
0x1a2: {  	s6 =	smul.u32 $0x32, s6;
	[tilespmem:v12+s18+$0x0] =	vst.idx.msk $0xffff, v2;
	v2 =	vadd.bf16 v48, v4;
	v62 =	vunpack.i.l.bf16.f32 v0  }
0x1a3: {  	s7 =	sshll.u32 s24, $0x4;
	v0 =	vunpack.i.u.bf16.f32 v0;
	[tilespmem:v50+s18+$0x0] =	vst.idx.msk $0xffff, v62  }
0x1a4: {  	s6 =	ssub.s32 s5, s6;
	s7 =	sand.u32 $0xFFFFFF80, s7;
	[tilespmem:v51+s18+$0x0] =	vst.idx.msk $0xffff, v0;
	v0 =	vunpack.i.l.bf16.f32 v2  }
0x1a5: {  	s26 =	sshll.u32 s6, $0x11;
	s6 =	sadd.s32 s15, s7;
	[tilespmem:v52+s18+$0x0] =	vst.idx.msk $0xffff, v0;
	v0 =	vunpack.i.u.bf16.f32 v2  }
0x1a6: {  	s13 =	simm.s32 $0x7F00;
	s22 =	sadd.s32 s26, s6;
	[tilespmem:v3+s18+$0x0] =	vst.idx.msk $0xffff, v0  }
0x1a7: {  	[hbm4b:s22+s2] =	stream.linear.scatter [tilespmem:s13], [sflag:$0x7], $0x80, $0x38;
	[tilespmem:$0xC300] =	vst v63  }
0x1a8: {  	s14 =	simm.s32 $0x7F88;
	s13 =	sadd.s32 $0x10, s22  }
0x1a9: {  	[hbm4b:s13+s2] =	stream.linear.scatter [tilespmem:s14], [sflag:$0x7], $0x80, $0x38;
	[tilespmem:$0xC300] =	vst v63  }
0x1aa: {  	s24 =	simm.s32 $0x8010;
	s26 =	sadd.s32 $0x20, s22  }
0x1ab: {  	[hbm4b:s26+s2] =	stream.linear.scatter [tilespmem:s24], [sflag:$0x7], $0x80, $0x38;
	[tilespmem:$0xC300] =	vst v63  }
0x1ac: {  	s13 =	simm.s32 $0x8098;
	s14 =	sadd.s32 $0x30, s22  }
0x1ad: {  	[hbm4b:s14+s2] =	stream.linear.scatter [tilespmem:s13], [sflag:$0x7], $0x80, $0x38;
	[tilespmem:$0xC300] =	vst v63  }
0x1ae: {  	s24 =	simm.s32 $0x8120;
	s26 =	sadd.s32 $0x40, s22  }
0x1af: {  	[hbm4b:s26+s2] =	stream.linear.scatter [tilespmem:s24], [sflag:$0x7], $0x80, $0x38;
	[tilespmem:$0xC300] =	vst v63  }
0x1b0: {  	s7 =	simm.s32 $0x440;
	s13 =	simm.s32 $0x81A8;
	s14 =	sadd.s32 $0x50, s22  }
0x1b1: {  	[hbm4b:s14+s2] =	stream.linear.scatter [tilespmem:s13], [sflag:$0x7], $0x80, $0x38;
	[tilespmem:$0xC300] =	vst v63  }
0x1b2: {  	s24 =	simm.s32 $0x8230;
	s26 =	sadd.s32 $0x60, s22;
	s13 =	sadd.s32 $0x70, s22  }
0x1b3: {  	[hbm4b:s26+s2] =	stream.linear.scatter [tilespmem:s24], [sflag:$0x7], $0x80, $0x38;
	[tilespmem:$0xC300] =	vst v63  }
0x1b4: {  	v61 =	vmovc v28;
	v28 =	vmov v15;
	v15 =	vmov v14;
	v17 =	vmov v13;
	s22 =	sadd.s32 $0x4000, s22;
	s24 =	simm.s32 $0x2200;
	s26 =	simm.s32 $0x82B8  }
.LBB2_8:
0x1b5: {  	[hbm4b:s13+s2] =	stream.linear.scatter [tilespmem:s26], [sflag:$0x7], $0x80, $0x38;
	[tilespmem:$0xC300] =	vst v63  }
0x1b6: {  	s13 =	smov.u32 s7;
	s7 =	smov.u32 s24  }
0x1b7: {  	s14 =	sadd.s32 $0x1100, s24;
	s7 =	sshra.s32 s7, $0x2;
	s26 =	sadd.s32 $0x7F00, s13  }
0x1b8: {  	[hbm4b:s22+s2] =	stream.linear.scatter [tilespmem:s26], [sflag:$0x7], $0x80, $0x38;
	[tilespmem:$0xC300] =	vst v63  }
0x1b9: {  	p3 =	sne.s32 s24, $0x7700;
	s24 =	sadd.s32 $0x7F88, s13;
	s26 =	sadd.s32 $0x10, s22  }
0x1ba: {  	[hbm4b:s26+s2] =	stream.linear.scatter [tilespmem:s24], [sflag:$0x7], $0x80, $0x38;
	[tilespmem:$0xC300] =	vst v63  }
0x1bb: {  	s24 =	sadd.s32 $0x8010, s13;
	s26 =	sadd.s32 $0x20, s22  }
0x1bc: {  	[hbm4b:s26+s2] =	stream.linear.scatter [tilespmem:s24], [sflag:$0x7], $0x80, $0x38;
	[tilespmem:$0xC300] =	vst v63  }
0x1bd: {  	s24 =	sadd.s32 $0x8098, s13;
	s26 =	sadd.s32 $0x30, s22  }
0x1be: {  	[hbm4b:s26+s2] =	stream.linear.scatter [tilespmem:s24], [sflag:$0x7], $0x80, $0x38;
	[tilespmem:$0xC300] =	vst v63  }
0x1bf: {  	s24 =	sadd.s32 $0x8120, s13;
	s26 =	sadd.s32 $0x40, s22  }
0x1c0: {  	[hbm4b:s26+s2] =	stream.linear.scatter [tilespmem:s24], [sflag:$0x7], $0x80, $0x38;
	[tilespmem:$0xC300] =	vst v63  }
0x1c1: {  	s24 =	sadd.s32 $0x81A8, s13;
	s26 =	sadd.s32 $0x50, s22  }
0x1c2: {  	[hbm4b:s26+s2] =	stream.linear.scatter [tilespmem:s24], [sflag:$0x7], $0x80, $0x38;
	[tilespmem:$0xC300] =	vst v63  }
.Ltmp3:
0x1c3: {  	_ = 	snop;
	(pc) =	sbr.rel @p3 .LBB2_8-.Ltmp3, $4  }
0x1c4: {  	s24 =	sadd.s32 $0x8230, s13;
	s26 =	sadd.s32 $0x60, s22  }
0x1c5: {  	[hbm4b:s26+s2] =	stream.linear.scatter [tilespmem:s24], [sflag:$0x7], $0x80, $0x38;
	[tilespmem:$0xC300] =	vst v63  }
0x1c6: {  	s26 =	sadd.s32 $0x82B8, s13  }
0x1c7: {  	s13 =	sadd.s32 $0x70, s22;
	s22 =	sadd.s32 $0x4000, s22;
	s24 =	smov.u32 s14  }
0x1c8: {  	[hbm4b:s13+s2] =	stream.linear.scatter [tilespmem:s26], [sflag:$0x7], $0x80, $0x38;
	[tilespmem:$0xC300] =	vst v63  }
0x1c9: {  	s24 =	sadd.s32 $0x7F00, s7  }
0x1ca: {  	[hbm4b:s22+s2] =	stream.linear.scatter [tilespmem:s24], [sflag:$0x7], $0x80, $0x38;
	[tilespmem:$0xC300] =	vst v63  }
0x1cb: {  	s26 =	sadd.s32 $0x7F88, s7;
	s14 =	sadd.s32 $0x10, s22  }
0x1cc: {  	[hbm4b:s14+s2] =	stream.linear.scatter [tilespmem:s26], [sflag:$0x7], $0x80, $0x38;
	[tilespmem:$0xC300] =	vst v63  }
0x1cd: {  	s24 =	sadd.s32 $0x8010, s7;
	s26 =	sadd.s32 $0x20, s22  }
0x1ce: {  	[hbm4b:s26+s2] =	stream.linear.scatter [tilespmem:s24], [sflag:$0x7], $0x80, $0x38;
	[tilespmem:$0xC300] =	vst v63  }
0x1cf: {  	s24 =	sadd.s32 $0x8098, s7;
	s26 =	sadd.s32 $0x30, s22  }
0x1d0: {  	[hbm4b:s26+s2] =	stream.linear.scatter [tilespmem:s24], [sflag:$0x7], $0x80, $0x38;
	[tilespmem:$0xC300] =	vst v63  }
0x1d1: {  	s24 =	sadd.s32 $0x8120, s7;
	s26 =	sadd.s32 $0x40, s22  }
0x1d2: {  	[hbm4b:s26+s2] =	stream.linear.scatter [tilespmem:s24], [sflag:$0x7], $0x80, $0x38;
	[tilespmem:$0xC300] =	vst v63  }
0x1d3: {  	p3 =	sgt.u32 s31, $0x61;
	s24 =	sadd.s32 $0x81A8, s7;
	s26 =	sadd.s32 $0x50, s22  }
0x1d4: {  	[hbm4b:s26+s2] =	stream.linear.scatter [tilespmem:s24], [sflag:$0x7], $0x80, $0x38;
	[tilespmem:$0xC300] =	vst v63  }
.Ltmp4:
0x1d5: {  	_ = 	snop;
	(pc) =	sbr.rel @p3 .LBB2_11-.Ltmp4, $4  }
0x1d6: {  	s24 =	sadd.s32 $0x8230, s7;
	s26 =	sadd.s32 $0x60, s22  }
0x1d7: {  	[hbm4b:s26+s2] =	stream.linear.scatter [tilespmem:s24], [sflag:$0x7], $0x80, $0x38;
	[tilespmem:$0xC300] =	vst v63  }
0x1d8: {  	s24 =	sadd.s32 $0x82B8, s7;
	s26 =	sadd.s32 $0x70, s22  }
0x1d9: {  	[hbm4b:s26+s2] =	stream.linear.scatter [tilespmem:s24], [sflag:$0x7], $0x80, $0x38;
	[tilespmem:$0xC300] =	vst v63  }
0x1da: {  	s5 =	sadd.s32 $0x4, s5  }
0x1db: {  	s7 =	smulhi.u32 $0x51EB851F, s5;
	_ =	sdelay $0x1  }
0x1dc: {  	s7 =	sshrl.u32 s7, $0x4  }
0x1dd: {  	s13 =	smul.u32 $0x32, s7;
	_ =	sdelay $0x1  }
0x1de: {  	s5 =	ssub.s32 s5, s13  }
0x1df: {  	s5 =	sshll.u32 s5, $0xE  }
.Ltmp5:
0x1e0: {  	s7 =	sshll.u32 s7, $0x7;
	s5 =	sor.u32 s11, s5;
	(pc) =	sbr.rel .LBB2_12-.Ltmp5, $4  }
0x1e1: {  	s5 =	sadd.s32 s7, s5  }
0x1e2: {  	s5 =	sshrl.u32 s5, $0x3  }
0x1e3: {  	v14 =	vld [tilespmem:$0x1FED0];
	s5 =	sadd.s32 s3, s5  }
0x1e4: {  	v19 =	vmov v55;
	v13 =	vld [tilespmem:$0x1FEF0];
	v23 =	vmov v58;
	v29 =	vmov v53;
	[tilespmem:s2], [sflag:$0x1] =	stream.linear.gather [hbm4b:s5+s2], $0x80, $0x38  }
.LBB2_11:
.Ltmp6:
0x1e5: {  	(pc) =	sbr.rel @!p1 .LBB2_12-.Ltmp6, $3  }
0x1e6: {  	_ =	sdelay $0x1  }
0x1e7: {  	v14 =	vld [tilespmem:$0x1FED0]  }
0x1e8: {  	v19 =	vmov v55;
	v13 =	vld [tilespmem:$0x1FEF0];
	v23 =	vmov v58;
	v29 =	vmov v53  }
0x1e9: {  	_ =	swait.ge [sflag:s10], $0x1000  }
0x1ea: {  	[sflag:s10] =	ssyncset.done $0x0  }
0x1eb: {  	[sflag:s10] =	ssyncadd.s32 $0xFFFFF000  }
0x1ec: {  	_ =	swait.ge [sflag:s10], $0x1000  }
.Ltmp7:
0x1ed: {  	[sflag:s10] =	ssyncset.done $0x0;
	(pc) =	sbr.rel .LBB2_14-.Ltmp7, $4  }
0x1ee: {  	[sflag:s10] =	ssyncadd.s32 $0xFFFFF000  }
0x1ef: {  	_ =	swait.ge [sflag:s10], $0x1000  }
0x1f0: {  	[sflag:s10] =	ssyncset.done $0x0  }
0x1f1: {  	v27 =	vmov v24;
	v26 =	vmov v20;
	[sflag:s10] =	ssyncadd.s32 $0xFFFFF000  }
.LBB2_12:
0x1f2: {  	_ =	swait.ge [sflag:s25], $0x80  }
0x1f3: {  	[sflag:s25] =	ssyncset.done $0x0  }
0x1f4: {  	[sflag:s25] =	ssyncadd.s32 $0xFFFFFF80  }
0x1f5: {  	_ =	swait.ge [sflag:s25], $0x80  }
0x1f6: {  	[sflag:s25] =	ssyncset.done $0x0  }
0x1f7: {  	[sflag:s25] =	ssyncadd.s32 $0xFFFFFF80  }
0x1f8: {  	_ =	swait.ge [sflag:s25], $0x80  }
0x1f9: {  	[sflag:s25] =	ssyncset.done $0x0  }
0x1fa: {  	s5 =	simm.s32 $0x400;
	s7 =	simm.s32 $0x700;
	[sflag:s25] =	ssyncadd.s32 $0xFFFFFF80  }
0x1fb: {  	[tilespmem:s7], [sflag:$0x5] =	stream.indirect.gather [spmem:s1], $0x20, s5, s19, $0xb8;
	[tilespmem:$0xC300] =	vst v63  }
0x1fc: {  	s24 =	simm.s32 $0x480;
	s26 =	simm.s32 $0x1700  }
0x1fd: {  	[tilespmem:s26], [sflag:$0x5] =	stream.indirect.gather [spmem:s8], $0x20, s24, s19, $0xb8;
	[tilespmem:$0xC300] =	vst v63  }
0x1fe: {  	s13 =	simm.s32 $0x500;
	s14 =	simm.s32 $0x2700  }
0x1ff: {  	[tilespmem:s14], [sflag:$0x5] =	stream.indirect.gather [spmem:s9], $0x20, s13, s19, $0xb8;
	[tilespmem:$0xC300] =	vst v63  }
0x200: {  	_ =	swait.ge [sflag:s10], $0x1000  }
0x201: {  	[sflag:s10] =	ssyncset.done $0x0  }
0x202: {  	[sflag:s10] =	ssyncadd.s32 $0xFFFFF000  }
0x203: {  	_ =	swait.ge [sflag:s10], $0x1000  }
0x204: {  	[sflag:s10] =	ssyncset.done $0x0  }
0x205: {  	[sflag:s10] =	ssyncadd.s32 $0xFFFFF000  }
0x206: {  	_ =	swait.ge [sflag:s10], $0x1000  }
0x207: {  	[sflag:s10] =	ssyncset.done $0x0  }
0x208: {  	[sflag:s10] =	ssyncadd.s32 $0xFFFFF000  }
0x209: {  	_ =	swait.ge [sflag:s28], $0x80  }
0x20a: {  	[sflag:s28] =	ssyncset.done $0x0  }
0x20b: {  	[sflag:s28] =	ssyncadd.s32 $0xFFFFFF80  }
0x20c: {  	v0 =	vld [tilespmem:$0x80];
	_ =	sdelay $0x1  }
0x20d: {  	v2 =	vld [tilespmem:$0x90];
	_ =	sdelay $0x2  }
0x20e: {  	v3 =	vadd.s32 $0xF4240, v0;
	[tilespmem:$0x280] =	vst v0  }
0x20f: {  	[tilespmem:$0x300] =	vst v3;
	v3 =	vld [tilespmem:$0xA0]  }
0x210: {  	v0 =	vadd.s32 $0x1E8480, v0;
	[tilespmem:$0x290] =	vst v2  }
0x211: {  	[tilespmem:$0x380] =	vst v0;
	v0 =	vadd.s32 $0xF4240, v2  }
0x212: {  	[tilespmem:$0x310] =	vst v0;
	v0 =	vadd.s32 $0x1E8480, v2;
	v2 =	vld [tilespmem:$0xB0]  }
0x213: {  	[tilespmem:$0x390] =	vst v0  }
0x214: {  	v0 =	vadd.s32 $0xF4240, v3;
	[tilespmem:$0x2A0] =	vst v3  }
0x215: {  	v3 =	vadd.s32 $0x1E8480, v3;
	[tilespmem:$0x320] =	vst v0;
	v0 =	vld [tilespmem:$0xC0]  }
0x216: {  	[tilespmem:$0x3A0] =	vst v3  }
0x217: {  	[tilespmem:$0x2B0] =	vst v2;
	v3 =	vadd.s32 $0xF4240, v2  }
0x218: {  	v2 =	vadd.s32 $0x1E8480, v2;
	[tilespmem:$0x330] =	vst v3;
	v3 =	vld [tilespmem:$0xD0]  }
0x219: {  	[tilespmem:$0x3B0] =	vst v2  }
0x21a: {  	v2 =	vadd.s32 $0xF4240, v0;
	[tilespmem:$0x2C0] =	vst v0  }
0x21b: {  	v0 =	vadd.s32 $0x1E8480, v0;
	[tilespmem:$0x340] =	vst v2  }
0x21c: {  	v2 =	vld [tilespmem:$0xE0];
	[tilespmem:$0x3C0] =	vst v0  }
0x21d: {  	[tilespmem:$0x2D0] =	vst v3;
	v0 =	vadd.s32 $0xF4240, v3  }
0x21e: {  	[tilespmem:$0x350] =	vst v0;
	v0 =	vadd.s32 $0x1E8480, v3;
	v3 =	vld [tilespmem:$0xF0];
	_ =	sdelay $0x1  }
0x21f: {  	[tilespmem:$0x3D0] =	vst v0  }
0x220: {  	v0 =	vadd.s32 $0xF4240, v2;
	[tilespmem:$0x2E0] =	vst v2  }
0x221: {  	[tilespmem:$0x360] =	vst v0  }
0x222: {  	v0 =	vadd.s32 $0x1E8480, v2;
	[tilespmem:$0x2F0] =	vst v3  }
0x223: {  	[tilespmem:$0x3E0] =	vst v0;
	v0 =	vadd.s32 $0xF4240, v3  }
0x224: {  	[tilespmem:$0x370] =	vst v0;
	v0 =	vadd.s32 $0x1E8480, v3  }
0x225: {  	s22 =	simm.s32 $0x280;
	[tilespmem:$0x3F0] =	vst v0  }
0x226: {  	[tilespmem:s30], [sflag:$0x4] =	stream.indirect.gather [hbm4b:s4+s19], $0x1, s22, s19, $0xb8;
	[tilespmem:$0xC300] =	vst v63  }
0x227: {  	s24 =	simm.s32 $0x300  }
0x228: {  	[tilespmem:s0], [sflag:$0x4] =	stream.indirect.gather [hbm4b:s4+s19], $0x1, s24, s19, $0xb8;
	[tilespmem:$0xC300] =	vst v63  }
0x229: {  	s26 =	simm.s32 $0x380  }
0x22a: {  	v27 =	vmov v24;
	v26 =	vmov v20;
	[tilespmem:s23], [sflag:$0x4] =	stream.indirect.gather [hbm4b:s4+s19], $0x1, s26, s19, $0xb8;
	[tilespmem:$0xC300] =	vst v63  }
.LBB2_14:
0x22b: {  	s5 =	simm.s32 @!p2 $0x8  }
0x22c: {  	_ =	swait.ge @!p2 [sflag:s5], $0x2000  }
0x22d: {  	[sflag:s5] =	ssyncset.done @!p2 $0x0  }
0x22e: {  	s7 =	simm.s32 $0x7;
	[sflag:s5] =	ssyncadd.s32 @!p2 $0xFFFFE000;
	s5 =	simm.s32 $0x57F0  }
0x22f: {  	v2 =	vmov s7;
	v0 =	vld [tilespmem:s5+$0xFFFFDFF0]  }
0x230: {  	v2 =	vshrl.u32 v2, $0x3;
	v3 =	vld [tilespmem:s5+$0xFFFFEFF0]  }
0x231: {  	v2 =	vshll.u32 v2, v1;
	v5 =	vld [tilespmem:s5+$0xFFFFFFF0]  }
0x232: {  	v37 =	vbroadcast v2, $0x0;
	v2 =	vld [tilespmem:s5+$0xFFFFDF30]  }
0x233: {  	v7 =	vld [tilespmem:s5+$0xFFFFEF30]  }
0x234: {  	v49 =	vld [tilespmem:s5+$0xFFFFDF70]  }
0x235: {  	v11 =	vld [tilespmem:s5+$0xFFFFEF70];
	v0 =	vadd.bf16 v3, v0;
	v3 =	vadd.s32 v18, v37  }
0x236: {  	s13 =	simm.s32 $0x0;
	s24 =	simm.s32 $0x5;
	v9 =	vadd.s32 v31, v37  }
0x237: {  	s26 =	simm.s32 $0x6;
	v33 =	vmov s13;
	s13 =	simm.s32 $0x3;
	v36 =	vmov s24;
	v4 =	vld [tilespmem:s5+$0xFFFFDF10];
	v0 =	vadd.bf16 v5, v0  }
0x238: {  	v39 =	vmov s26;
	v50 =	vmov s13;
	v36 =	vshrl.u32 v36, $0x3;
	v8 =	vld [tilespmem:s5+$0xFFFFDF50]  }
0x239: {  	s14 =	simm.s32 $0x1;
	v44 =	vshll.u32 v36, v1;
	v10 =	vld [tilespmem:s5+$0xFFFFEF50];
	v2 =	vadd.bf16 v7, v2;
	v12 =	vunpack.i.l.bf16.f32 v0  }
0x23a: {  	s22 =	simm.s32 $0x2;
	v34 =	vld [tilespmem:s5+$0xFFFFDF90];
	v5 =	vadd.bf16 v11, v49;
	v0 =	vunpack.i.u.bf16.f32 v0;
	[tilespmem:v3+s20+$0x0] =	vst.idx.msk $0xffff, v12;
	v12 =	vmov s14;
	s14 =	simm.s32 $0x4  }
0x23b: {  	v53 =	vld [tilespmem:s5+$0xFFFFFF30];
	v3 =	vshrl.u32 v33, $0x3;
	[tilespmem:v9+s20+$0x0] =	vst.idx.msk $0xffff, v0;
	v0 =	vmov s22;
	v51 =	vmov s14  }
0x23c: {  	v47 =	vld [tilespmem:s5+$0xFFFFFF70];
	v3 =	vshll.u32 v3, v1;
	v12 =	vshrl.u32 v12, $0x3;
	v9 =	vshrl.u32 v50, $0x3  }
0x23d: {  	v35 =	vld [tilespmem:s5+$0xFFFFEF90];
	v41 =	vshrl.u32 v51, $0x3;
	v33 =	vbroadcast v3, $0x0;
	v52 =	vshll.u32 v12, v1  }
0x23e: {  	v6 =	vld [tilespmem:s5+$0xFFFFEF10];
	v3 =	vadd.bf16 v10, v8;
	v9 =	vshll.u32 v9, v1;
	v8 =	vbroadcast v52, $0x0  }
0x23f: {  	v43 =	vld [tilespmem:s5+$0xFFFFFF50];
	v0 =	vshrl.u32 v0, $0x3;
	v55 =	vshll.u32 v41, v1;
	v41 =	vbroadcast v9, $0x0  }
0x240: {  	v45 =	vld [tilespmem:s5+$0xFFFFDFD0];
	v2 =	vadd.bf16 v53, v2;
	v0 =	vshll.u32 v0, v1;
	v46 =	vadd.s32 v59, v8  }
0x241: {  	v7 =	vld [tilespmem:s5+$0xFFFFDFB0];
	v5 =	vadd.bf16 v47, v5;
	v0 =	vbroadcast v0, $0x0;
	v51 =	vadd.s32 v23, v41  }
0x242: {  	v48 =	vadd.bf16 v35, v34;
	v12 =	vshrl.u32 v39, $0x3;
	v39 =	vld [tilespmem:s5+$0xFFFFEFB0];
	v9 =	vadd.s32 v19, v8  }
0x243: {  	v11 =	vld [tilespmem:s5+$0xFFFFFF90];
	v58 =	vunpack.i.l.bf16.f32 v2;
	v32 =	vunpack.i.l.bf16.f32 v5;
	v50 =	vadd.s32 v56, v0  }
0x244: {  	v49 =	vld [tilespmem:s5+$0xFFFFEFD0];
	v12 =	vshll.u32 v12, v1;
	v36 =	vbroadcast v55, $0x0;
	v10 =	vadd.s32 v57, v0  }
0x245: {  	v52 =	vld [tilespmem:s5+$0xFFFFFFB0];
	v3 =	vadd.bf16 v43, v3;
	v34 =	vbroadcast v12, $0x0;
	v12 =	vadd.s32 v60, v41;
	[tilespmem:v46+s20+$0x0] =	vst.idx.msk $0xffff, v58  }
0x246: {  	v35 =	vbroadcast v44, $0x0;
	v44 =	vld [tilespmem:s5+$0xFFFFFF10];
	v2 =	vunpack.i.u.bf16.f32 v2;
	v43 =	vadd.s32 v61, v36;
	[tilespmem:v51+s20+$0x0] =	vst.idx.msk $0xffff, v32  }
0x247: {  	v62 =	vunpack.i.l.bf16.f32 v3;
	v46 =	vld [tilespmem:s5+$0xFFFFFFD0];
	[tilespmem:v9+s20+$0x0] =	vst.idx.msk $0xffff, v2;
	v2 =	vadd.bf16 v39, v7;
	v7 =	vadd.s32 v29, v36  }
0x248: {  	v38 =	vld [tilespmem:s5+$0xFFFFE000];
	v11 =	vadd.bf16 v11, v48;
	v3 =	vunpack.i.u.bf16.f32 v3;
	[tilespmem:v50+s20+$0x0] =	vst.idx.msk $0xffff, v62;
	v39 =	vadd.s32 v54, v35  }
0x249: {  	v5 =	vunpack.i.u.bf16.f32 v5;
	v40 =	vld [tilespmem:s5+$0xFFFFF000];
	v53 =	vadd.s32 v26, v34;
	[tilespmem:v10+s20+$0x0] =	vst.idx.msk $0xffff, v3;
	v10 =	vadd.s32 v27, v35  }
0x24a: {  	v42 =	vld [tilespmem:s5+$0x0];
	v55 =	vunpack.i.l.bf16.f32 v11;
	[tilespmem:v12+s20+$0x0] =	vst.idx.msk $0xffff, v5;
	v3 =	vadd.bf16 v49, v45;
	v2 =	vadd.bf16 v52, v2  }
0x24b: {  	v4 =	vadd.bf16 v6, v4;
	v58 =	vadd.s32 v25, v34;
	v62 =	vunpack.i.u.bf16.f32 v11;
	[tilespmem:v43+s20+$0x0] =	vst.idx.msk $0xffff, v55;
	v9 =	vld [tilespmem:s5+$0xFFFFDF40]  }
0x24c: {  	v12 =	vadd.s32 v28, v33;
	v48 =	vld [tilespmem:s5+$0xFFFFEF40];
	v3 =	vadd.bf16 v46, v3;
	v32 =	vunpack.i.l.bf16.f32 v2;
	[tilespmem:v7+s20+$0x0] =	vst.idx.msk $0xffff, v62  }
0x24d: {  	v11 =	vld [tilespmem:s5+$0xFFFFDF80];
	v49 =	vadd.s32 v16, v33;
	v2 =	vunpack.i.u.bf16.f32 v2;
	[tilespmem:v39+s20+$0x0] =	vst.idx.msk $0xffff, v32  }
0x24e: {  	v4 =	vadd.bf16 v44, v4;
	v45 =	vld [tilespmem:s5+$0xFFFFDF60];
	v51 =	vunpack.i.l.bf16.f32 v3;
	[tilespmem:v10+s20+$0x0] =	vst.idx.msk $0xffff, v2  }
0x24f: {  	v50 =	vld [tilespmem:s5+$0xFFFFEF60];
	v2 =	vunpack.i.u.bf16.f32 v3;
	[tilespmem:v53+s20+$0x0] =	vst.idx.msk $0xffff, v51  }
0x250: {  	v46 =	vld [tilespmem:s5+$0xFFFFEF80];
	v53 =	vunpack.i.l.bf16.f32 v4;
	[tilespmem:v58+s20+$0x0] =	vst.idx.msk $0xffff, v2  }
0x251: {  	v7 =	vld [tilespmem:s5+$0xFFFFDFA0];
	v2 =	vunpack.i.u.bf16.f32 v4;
	[tilespmem:v12+s20+$0x0] =	vst.idx.msk $0xffff, v53  }
0x252: {  	v43 =	vld [tilespmem:s5+$0xFFFFEFA0];
	[tilespmem:v49+s20+$0x0] =	vst.idx.msk $0xffff, v2  }
0x253: {  	s7 =	simm.s32 $0x58F0;
	v62 =	vld [tilespmem:$0x1FF90]  }
0x254: {  	v9 =	vadd.bf16 v48, v9;
	v48 =	vadd.s32 v17, v8;
	v17 =	vmov v54;
	v54 =	vld [tilespmem:s7+$0xFFFFFFF0]  }
0x255: {  	v3 =	vld [tilespmem:s5+$0xFFFFDFC0]  }
0x256: {  	v55 =	vld [tilespmem:s5+$0xFFFFEFC0]  }
0x257: {  	v52 =	vadd.bf16 v40, v38;
	v51 =	vld [tilespmem:s7+$0xFFFFDF10]  }
0x258: {  	v22 =	vmov v63;
	v12 =	vadd.s32 v63, v37;
	v63 =	vld [tilespmem:s5+$0xFFFFFF60];
	v6 =	vadd.s32 v62, v37  }
0x259: {  	v58 =	vadd.bf16 v42, v52;
	v52 =	vld [tilespmem:s5+$0xFFFFFF80]  }
0x25a: {  	v4 =	vld [tilespmem:s5+$0xFFFFDFE0]  }
0x25b: {  	v2 =	vld [tilespmem:s5+$0xFFFFEFE0]  }
0x25c: {  	v10 =	vld [tilespmem:s5+$0xFFFFDF20];
	v40 =	vunpack.i.l.bf16.f32 v58  }
0x25d: {  	s14 =	simm.s32 $0x9;
	v32 =	vld [tilespmem:s5+$0xFFFFEF20];
	v5 =	vunpack.i.u.bf16.f32 v58;
	[tilespmem:v6+s20+$0x0] =	vst.idx.msk $0xffff, v40  }
0x25e: {  	v44 =	vmov s14;
	v21 =	vmov v62;
	v62 =	vld [tilespmem:s5+$0xFFFFFF40];
	[tilespmem:v12+s20+$0x0] =	vst.idx.msk $0xffff, v5  }
0x25f: {  	v47 =	vadd.s32 v13, v0;
	v25 =	vmovc v61;
	v61 =	vadd.bf16 v50, v45;
	v42 =	vadd.s32 v15, v0;
	v0 =	vld [tilespmem:$0x1FF10]  }
0x260: {  	s24 =	simm.s32 $0xA;
	v50 =	vadd.s32 v14, v8;
	v53 =	vld [tilespmem:s7+$0xFFFFDFF0];
	v49 =	vadd.bf16 v46, v11;
	v38 =	vadd.bf16 v43, v7  }
0x261: {  	s26 =	simm.s32 $0xF;
	s22 =	simm.s32 $0x8;
	v46 =	vmov s24;
	v39 =	vadd.bf16 v2, v4;
	v37 =	vadd.bf16 v55, v3;
	v55 =	vld [tilespmem:s7+$0xFFFFEFF0]  }
0x262: {  	v2 =	vmov s26;
	v3 =	vmov s22;
	v40 =	vadd.bf16 v32, v10;
	v32 =	vld [tilespmem:$0x1FF40]  }
0x263: {  	v20 =	vmovc v60;
	v24 =	vmovc v57;
	v57 =	vadd.bf16 v63, v61;
	v2 =	vshrl.u32 v2, $0x3;
	v45 =	vshrl.u32 v3, $0x3;
	v13 =	vld [tilespmem:$0x1FF20]  }
0x264: {  	v14 =	vmovc v56;
	s24 =	simm.s32 $0x10;
	v58 =	vshll.u32 v2, v1;
	v56 =	vadd.bf16 v62, v9;
	v30 =	vld [tilespmem:$0x1FF30];
	v43 =	vadd.s32 v0, v41  }
.LBB2_15:
0x265: {  	v0 =	vld [tilespmem:s7+$0xFFFFEF10]  }
0x266: {  	v5 =	vld [tilespmem:s7+$0xFFFFDF30]  }
0x267: {  	v9 =	vld [tilespmem:s7+$0xFFFFEF30]  }
0x268: {  	v11 =	vld [tilespmem:$0x1FFE0]  }
0x269: {  	v12 =	vld [tilespmem:s7+$0xFFFFDF50]  }
0x26a: {  	v15 =	vld [tilespmem:$0x1FFF0]  }
0x26b: {  	v60 =	vld [tilespmem:s7+$0xFFFFEF70];
	v6 =	vunpack.i.l.bf16.f32 v56  }
0x26c: {  	v2 =	vbroadcast v58, $0x0;
	s14 =	sadd.s32 $0x4, s22;
	v63 =	vld [tilespmem:s7+$0xFFFFDF90];
	v3 =	vunpack.i.u.bf16.f32 v56;
	[tilespmem:v50+s20+$0x0] =	vst.idx.msk $0xffff, v6  }
0x26d: {  	v16 =	vld [tilespmem:$0x1FFC0];
	v7 =	vunpack.i.u.bf16.f32 v57;
	v8 =	vunpack.i.l.bf16.f32 v57;
	[tilespmem:v48+s20+$0x0] =	vst.idx.msk $0xffff, v3;
	v48 =	vmov s14  }
0x26e: {  	s13 =	sadd.s32 $0x3, s22;
	v4 =	vadd.bf16 v52, v49;
	v10 =	vadd.bf16 v55, v53;
	v52 =	vld [tilespmem:s7+$0xFFFFEF90];
	v11 =	vadd.s32 v11, v2  }
0x26f: {  	v49 =	vmov s13;
	v50 =	vadd.s32 v15, v2;
	v0 =	vadd.bf16 v0, v51;
	v51 =	vld [tilespmem:s7+$0xFFFFFF10]  }
0x270: {  	s14 =	sadd.s32 $0x6, s22;
	v6 =	vunpack.i.u.bf16.f32 v4;
	v3 =	vunpack.i.l.bf16.f32 v4;
	v4 =	vld [tilespmem:s7+$0xFFFFEF50];
	v10 =	vadd.bf16 v54, v10  }
0x271: {  	v56 =	vmov s14;
	v49 =	vshrl.u32 v49, $0x3;
	[tilespmem:v47+s20+$0x0] =	vst.idx.msk $0xffff, v8;
	v8 =	vadd.s32 v13, v41;
	v41 =	vld [tilespmem:s7+$0xFFFFDF70]  }
0x272: {  	v54 =	vshrl.u32 v56, $0x3;
	v56 =	vshll.u32 v49, v1;
	v49 =	vld [tilespmem:s7+$0xFFFFDFD0];
	[tilespmem:v42+s20+$0x0] =	vst.idx.msk $0xffff, v7;
	v61 =	vunpack.i.l.bf16.f32 v10  }
0x273: {  	v10 =	vunpack.i.u.bf16.f32 v10;
	v7 =	vadd.bf16 v52, v63;
	v63 =	vld [tilespmem:s7+$0xFFFFEFB0];
	[tilespmem:v11+s20+$0x0] =	vst.idx.msk $0xffff, v61  }
0x274: {  	v61 =	vshll.u32 v54, v1;
	v54 =	vld [tilespmem:$0x1FFB0];
	[tilespmem:v50+s20+$0x0] =	vst.idx.msk $0xffff, v10  }
0x275: {  	v57 =	vshll.u32 v45, v1;
	v10 =	vld [tilespmem:s7+$0xFFFFE000]  }
0x276: {  	s26 =	sadd.s32 $0x5, s22;
	v58 =	vshrl.u32 v44, $0x3;
	v62 =	vshrl.u32 v46, $0x3;
	v44 =	vbroadcast v57, $0x0;
	[tilespmem:v43+s20+$0x0] =	vst.idx.msk $0xffff, v3;
	v57 =	vld [tilespmem:s7+$0xFFFFF000]  }
0x277: {  	v55 =	vmov s26;
	v3 =	vadd.bf16 v9, v5;
	v5 =	vshll.u32 v62, v1;
	[tilespmem:v8+s20+$0x0] =	vst.idx.msk $0xffff, v6;
	v62 =	vld [tilespmem:s7+$0x0]  }
0x278: {  	v53 =	vshrl.u32 v48, $0x3;
	v46 =	vadd.s32 v28, v44;
	v47 =	vshrl.u32 v55, $0x3;
	v48 =	vld [tilespmem:s7+$0xFFFFFF70]  }
0x279: {  	v4 =	vadd.bf16 v4, v12;
	v12 =	vadd.bf16 v60, v41;
	v60 =	vld [tilespmem:s7+$0xFFFFDFB0];
	v45 =	vbroadcast v61, $0x0  }
0x27a: {  	v55 =	vshll.u32 v58, v1;
	v58 =	vshll.u32 v53, v1;
	v11 =	vadd.s32 v21, v2;
	v50 =	vld [tilespmem:s7+$0xFFFFEFD0]  }
0x27b: {  	v0 =	vadd.bf16 v51, v0;
	v51 =	vadd.s32 v16, v45;
	v16 =	vld [tilespmem:$0x1FEC0];
	v10 =	vadd.bf16 v57, v10  }
0x27c: {  	v43 =	vbroadcast v55, $0x0;
	v42 =	vbroadcast v5, $0x0;
	v5 =	vadd.s32 v54, v44;
	v54 =	vld [tilespmem:s7+$0xFFFFFF30]  }
0x27d: {  	v2 =	vadd.s32 v22, v2;
	v12 =	vadd.bf16 v48, v12;
	v48 =	vld [tilespmem:s5+$0xFFFFFFE0];
	v6 =	vadd.bf16 v62, v10  }
0x27e: {  	v47 =	vshll.u32 v47, v1;
	v52 =	vadd.s32 v59, v43;
	v53 =	vadd.s32 v19, v43;
	v10 =	vld [tilespmem:s7+$0xFFFFFF50]  }
0x27f: {  	v41 =	vbroadcast v56, $0x0;
	v8 =	vbroadcast v58, $0x0;
	v62 =	vld [tilespmem:s7+$0xFFFFFF90];
	v61 =	vunpack.i.l.bf16.f32 v6  }
0x280: {  	v55 =	vadd.s32 v14, v42;
	v56 =	vadd.s32 v24, v42;
	[tilespmem:v11+s20+$0x0] =	vst.idx.msk $0xffff, v61;
	v11 =	vld [tilespmem:s7+$0xFFFFFFB0]  }
0x281: {  	v15 =	vmovc v59;
	v58 =	vadd.s32 v20, v41;
	v59 =	vadd.s32 v25, v8;
	v6 =	vunpack.i.u.bf16.f32 v6;
	v61 =	vld [tilespmem:$0x1FF50]  }
0x282: {  	v9 =	vadd.bf16 v63, v60;
	[tilespmem:v2+s20+$0x0] =	vst.idx.msk $0xffff, v6;
	v2 =	vadd.bf16 v54, v3;
	v3 =	vld [tilespmem:s7+$0xFFFFFFD0]  }
0x283: {  	v54 =	vunpack.i.u.bf16.f32 v0;
	v0 =	vunpack.i.l.bf16.f32 v0;
	v4 =	vadd.bf16 v10, v4;
	v10 =	vld [tilespmem:s5+$0xFFFFFFA0]  }
0x284: {  	v49 =	vadd.bf16 v50, v49;
	[tilespmem:v46+s20+$0x0] =	vst.idx.msk $0xffff, v0;
	v46 =	vld [tilespmem:s5+$0xFFFFFFC0];
	v0 =	vunpack.i.u.bf16.f32 v2;
	v2 =	vunpack.i.l.bf16.f32 v2  }
0x285: {  	v47 =	vbroadcast v47, $0x0;
	v57 =	vadd.s32 v23, v41;
	v7 =	vadd.bf16 v62, v7;
	v62 =	vld [tilespmem:$0x1FF60];
	[tilespmem:v52+s20+$0x0] =	vst.idx.msk $0xffff, v2  }
0x286: {  	v2 =	vunpack.i.u.bf16.f32 v4;
	v4 =	vunpack.i.l.bf16.f32 v4;
	[tilespmem:v53+s20+$0x0] =	vst.idx.msk $0xffff, v0;
	v9 =	vadd.bf16 v11, v9;
	v11 =	vld [tilespmem:s5+$0xFFFFFF20]  }
0x287: {  	v60 =	vadd.s32 v29, v8;
	v63 =	vadd.s32 v17, v47;
	[tilespmem:v55+s20+$0x0] =	vst.idx.msk $0xffff, v4;
	v52 =	vld [tilespmem:s7+$0xFFFFDF40]  }
0x288: {  	v55 =	vunpack.i.u.bf16.f32 v7;
	v7 =	vunpack.i.l.bf16.f32 v7;
	v3 =	vadd.bf16 v3, v49;
	v49 =	vld [tilespmem:s7+$0xFFFFEF40];
	[tilespmem:v56+s20+$0x0] =	vst.idx.msk $0xffff, v2  }
0x289: {  	v50 =	vadd.s32 v27, v47;
	v0 =	vunpack.i.u.bf16.f32 v12;
	v12 =	vunpack.i.l.bf16.f32 v12;
	[tilespmem:v59+s20+$0x0] =	vst.idx.msk $0xffff, v7;
	v59 =	vmovc v15;
	v15 =	vld [tilespmem:$0x1FEB0]  }
0x28a: {  	[tilespmem:v57+s20+$0x0] =	vst.idx.msk $0xffff, v12;
	v10 =	vadd.bf16 v10, v38;
	v38 =	vld [tilespmem:s7+$0xFFFFDF60]  }
0x28b: {  	v37 =	vadd.bf16 v46, v37;
	v46 =	vld [tilespmem:s7+$0xFFFFEF60];
	[tilespmem:v58+s20+$0x0] =	vst.idx.msk $0xffff, v0  }
0x28c: {  	v2 =	vunpack.i.u.bf16.f32 v9;
	v9 =	vunpack.i.l.bf16.f32 v9;
	[tilespmem:v60+s20+$0x0] =	vst.idx.msk $0xffff, v55;
	v60 =	vld [tilespmem:$0x1FF70]  }
0x28d: {  	v39 =	vadd.bf16 v48, v39;
	v4 =	vadd.s32 v30, v36;
	v48 =	vld [tilespmem:s7+$0xFFFFDF80];
	[tilespmem:v63+s20+$0x0] =	vst.idx.msk $0xffff, v9  }
0x28e: {  	[tilespmem:v50+s20+$0x0] =	vst.idx.msk $0xffff, v2;
	v2 =	vadd.s32 v32, v36;
	v7 =	vadd.bf16 v11, v40;
	v40 =	vld [tilespmem:s7+$0xFFFFEF80]  }
0x28f: {  	v6 =	vadd.s32 v26, v45;
	v63 =	vld [tilespmem:$0x1FF80]  }
0x290: {  	v58 =	vld [tilespmem:s7+$0xFFFFEFA0]  }
0x291: {  	[tilespmem:v5+s20+$0x0] =	vst.idx.msk $0xffff, v54;
	v0 =	vunpack.i.u.bf16.f32 v10;
	v10 =	vunpack.i.l.bf16.f32 v10;
	v56 =	vadd.bf16 v49, v52;
	v52 =	vld [tilespmem:s7+$0xFFFFDFA0]  }
0x292: {  	v12 =	vunpack.i.u.bf16.f32 v3;
	[tilespmem:v4+s20+$0x0] =	vst.idx.msk $0xffff, v10;
	v10 =	vld [tilespmem:s7+$0xFFFFDF20]  }
0x293: {  	v3 =	vunpack.i.l.bf16.f32 v3;
	[tilespmem:v2+s20+$0x0] =	vst.idx.msk $0xffff, v0;
	v0 =	vld [tilespmem:s7+$0xFFFFEF20];
	v49 =	vadd.bf16 v40, v48;
	v40 =	vadd.s32 v60, v34  }
0x294: {  	v55 =	vld [tilespmem:$0x1FED0];
	[tilespmem:v6+s20+$0x0] =	vst.idx.msk $0xffff, v3;
	v3 =	vadd.s32 v61, v35  }
0x295: {  	v53 =	vunpack.i.u.bf16.f32 v39;
	v6 =	vld [tilespmem:s7+$0xFFFFEFC0];
	[tilespmem:v51+s20+$0x0] =	vst.idx.msk $0xffff, v12;
	v12 =	vadd.s32 v62, v35  }
0x296: {  	v39 =	vunpack.i.l.bf16.f32 v39;
	v36 =	vmovc v8;
	v11 =	vunpack.i.u.bf16.f32 v37;
	v5 =	vld [tilespmem:s7+$0xFFFFDFE0];
	v57 =	vadd.s32 v63, v34  }
0x297: {  	v35 =	vmovc v47;
	v47 =	vld [tilespmem:s7+$0xFFFFEFE0];
	v8 =	vadd.bf16 v46, v38;
	v38 =	vadd.bf16 v58, v52;
	v58 =	vadd.s32 v15, v33  }
0x298: {  	v37 =	vunpack.i.l.bf16.f32 v37;
	v2 =	vadd.s32 v16, v33;
	[tilespmem:v40+s20+$0x0] =	vst.idx.msk $0xffff, v39;
	v40 =	vadd.bf16 v0, v10;
	v0 =	vld [tilespmem:$0x1FEF0]  }
0x299: {  	v46 =	vld [tilespmem:s7+$0xFFFFDFC0];
	[tilespmem:v3+s20+$0x0] =	vst.idx.msk $0xffff, v37  }
0x29a: {  	s26 =	sadd.s32 $0x1, s24;
	v3 =	vld [tilespmem:s7+$0xFFFFFF40];
	[tilespmem:v12+s20+$0x0] =	vst.idx.msk $0xffff, v11  }
0x29b: {  	v9 =	vunpack.i.u.bf16.f32 v7;
	v7 =	vunpack.i.l.bf16.f32 v7;
	v11 =	vld [tilespmem:s7+$0xFFFFFF60];
	v33 =	vmovc v44;
	v44 =	vmov s26;
	s26 =	sadd.s32 $0x7, s24;
	[tilespmem:v57+s20+$0x0] =	vst.idx.msk $0xffff, v53  }
0x29c: {  	v57 =	vld [tilespmem:$0x1FEE0];
	[tilespmem:v58+s20+$0x0] =	vst.idx.msk $0xffff, v7;
	v58 =	vmov s26  }
0x29d: {  	v39 =	vadd.bf16 v47, v5;
	[tilespmem:v2+s20+$0x0] =	vst.idx.msk $0xffff, v9;
	v2 =	vld [tilespmem:$0x1FF00];
	v47 =	vadd.s32 v0, v42;
	v0 =	vshrl.u32 v58, $0x3  }
0x29e: {  	p1 =	slt.u32 s24, $0x78;
	s5 =	smov.u32 s7;
	v58 =	vshll.u32 v0, v1;
	v0 =	vld [tilespmem:$0x1FF10]  }
.Ltmp8:
0x29f: {  	s7 =	sadd.s32 $0x100, s7;
	v52 =	vld [tilespmem:s5+$0xFFFFFF80];
	(pc) =	sbr.rel @p1 .LBB2_15-.Ltmp8, $4  }
0x2a0: {  	v54 =	vmov s24;
	v50 =	vadd.s32 v55, v43;
	v55 =	vld [tilespmem:s7+$0xFFFFEFF0]  }
0x2a1: {  	s14 =	sadd.s32 $0x2, s24;
	v34 =	vmov v45;
	v45 =	vshrl.u32 v54, $0x3;
	v54 =	vld [tilespmem:s7+$0xFFFFFFF0];
	v37 =	vadd.bf16 v6, v46  }
0x2a2: {  	v46 =	vmov s14;
	v56 =	vadd.bf16 v3, v56;
	v53 =	vld [tilespmem:s7+$0xFFFFDFF0];
	v48 =	vadd.s32 v57, v43  }
0x2a3: {  	s22 =	smov.u32 s24;
	s24 =	sadd.s32 $0x8, s24;
	v51 =	vld [tilespmem:s7+$0xFFFFDF10];
	v57 =	vadd.bf16 v11, v8;
	v42 =	vadd.s32 v2, v42;
	v43 =	vadd.s32 v0, v41  }
0x2a4: {  	v5 =	vld [tilespmem:$0x1FFE0]  }
0x2a5: {  	v7 =	vld [tilespmem:$0x1FFF0];
	_ =	sdelay $0x1  }
0x2a6: {  	v0 =	vbroadcast v58, $0x0;
	v2 =	vld [tilespmem:s7+$0xFFFFEF10]  }
0x2a7: {  	v3 =	vld [tilespmem:s7+$0xFFFFDF30]  }
0x2a8: {  	v6 =	vld [tilespmem:s7+$0xFFFFEF30];
	v4 =	vadd.bf16 v55, v53;
	v5 =	vadd.s32 v5, v0  }
0x2a9: {  	v9 =	vld [tilespmem:s7+$0xFFFFDF50];
	v7 =	vadd.s32 v7, v0  }
0x2aa: {  	v8 =	vadd.bf16 v52, v49;
	v49 =	vld [tilespmem:s7+$0xFFFFEF50];
	v4 =	vadd.bf16 v54, v4  }
0x2ab: {  	v58 =	vld [tilespmem:s7+$0xFFFFEF90]  }
0x2ac: {  	v12 =	vunpack.i.u.bf16.f32 v57;
	v52 =	vunpack.i.l.bf16.f32 v57;
	v57 =	vld [tilespmem:s7+$0xFFFFEF70];
	v55 =	vunpack.i.l.bf16.f32 v4  }
0x2ad: {  	v10 =	vunpack.i.u.bf16.f32 v56;
	v11 =	vunpack.i.l.bf16.f32 v56;
	s13 =	sadd.s32 $0x3, s22;
	v54 =	vld [tilespmem:s7+$0xFFFFDF70];
	v4 =	vunpack.i.u.bf16.f32 v4;
	[tilespmem:v5+s20+$0x0] =	vst.idx.msk $0xffff, v55  }
0x2ae: {  	v44 =	vshrl.u32 v44, $0x3;
	v56 =	vmov s13;
	v2 =	vadd.bf16 v2, v51;
	v51 =	vld [tilespmem:s7+$0xFFFFDF90];
	[tilespmem:v7+s20+$0x0] =	vst.idx.msk $0xffff, v4  }
0x2af: {  	v44 =	vshll.u32 v44, v1;
	v55 =	vadd.s32 v13, v41;
	v41 =	vshll.u32 v45, v1;
	v45 =	vld [tilespmem:s7+$0xFFFFE000]  }
0x2b0: {  	[tilespmem:v50+s20+$0x0] =	vst.idx.msk $0xffff, v11;
	v56 =	vshrl.u32 v56, $0x3;
	v3 =	vadd.bf16 v6, v3;
	v6 =	vshrl.u32 v46, $0x3;
	v46 =	vld [tilespmem:s7+$0xFFFFF000]  }
0x2b1: {  	[tilespmem:v48+s20+$0x0] =	vst.idx.msk $0xffff, v10;
	v10 =	vbroadcast v44, $0x0;
	v53 =	vunpack.i.u.bf16.f32 v8;
	v8 =	vunpack.i.l.bf16.f32 v8  }
0x2b2: {  	v9 =	vadd.bf16 v49, v9;
	v49 =	vshll.u32 v56, v1;
	v6 =	vshll.u32 v6, v1;
	v11 =	vld [tilespmem:s7+$0x0]  }
0x2b3: {  	s14 =	sadd.s32 $0x4, s22;
	v56 =	vld [tilespmem:s7+$0xFFFFFF10];
	v44 =	vbroadcast v49, $0x0;
	v49 =	vadd.s32 v59, v10;
	v6 =	vbroadcast v6, $0x0  }
0x2b4: {  	[tilespmem:v43+s20+$0x0] =	vst.idx.msk $0xffff, v8;
	v5 =	vmov s14;
	v54 =	vadd.bf16 v57, v54;
	v8 =	vadd.bf16 v58, v51  }
0x2b5: {  	s24 =	sadd.s32 $0x5, s22;
	v57 =	vld [tilespmem:s7+$0xFFFFFF30];
	v41 =	vbroadcast v41, $0x0;
	v45 =	vadd.bf16 v46, v45;
	v46 =	vadd.s32 v21, v0  }
0x2b6: {  	[tilespmem:v47+s20+$0x0] =	vst.idx.msk $0xffff, v52;
	v51 =	vadd.s32 v19, v10;
	v4 =	vmov s24;
	v0 =	vadd.s32 v22, v0  }
0x2b7: {  	[tilespmem:v42+s20+$0x0] =	vst.idx.msk $0xffff, v12;
	v5 =	vshrl.u32 v5, $0x3;
	v12 =	vadd.s32 v28, v41;
	v11 =	vadd.bf16 v11, v45;
	v45 =	vld [tilespmem:s7+$0xFFFFFF50]  }
0x2b8: {  	v2 =	vadd.bf16 v56, v2;
	v4 =	vshrl.u32 v4, $0x3;
	v5 =	vshll.u32 v5, v1  }
0x2b9: {  	v52 =	vld [tilespmem:s7+$0xFFFFFF70];
	v4 =	vshll.u32 v4, v1;
	v42 =	vbroadcast v5, $0x0;
	[tilespmem:v55+s20+$0x0] =	vst.idx.msk $0xffff, v53;
	v58 =	vunpack.i.l.bf16.f32 v11  }
0x2ba: {  	v53 =	vadd.s32 v14, v6;
	v3 =	vadd.bf16 v57, v3;
	v11 =	vunpack.i.u.bf16.f32 v11;
	[tilespmem:v46+s20+$0x0] =	vst.idx.msk $0xffff, v58  }
0x2bb: {  	v43 =	vbroadcast v4, $0x0;
	v4 =	vadd.s32 v24, v6;
	[tilespmem:v0+s20+$0x0] =	vst.idx.msk $0xffff, v11;
	v0 =	vld [tilespmem:s7+$0xFFFFFF90];
	v11 =	vunpack.i.l.bf16.f32 v2  }
0x2bc: {  	v48 =	vunpack.i.l.bf16.f32 v3;
	[tilespmem:v12+s20+$0x0] =	vst.idx.msk $0xffff, v11;
	v11 =	vadd.s32 v23, v44;
	v9 =	vadd.bf16 v45, v9  }
0x2bd: {  	v3 =	vunpack.i.u.bf16.f32 v3;
	[tilespmem:v49+s20+$0x0] =	vst.idx.msk $0xffff, v48;
	v45 =	vadd.s32 v20, v44  }
0x2be: {  	v50 =	vld [tilespmem:s7+$0xFFFFDFB0];
	v57 =	vadd.bf16 v52, v54;
	[tilespmem:v51+s20+$0x0] =	vst.idx.msk $0xffff, v3;
	v3 =	vadd.s32 v25, v42;
	v58 =	vunpack.i.l.bf16.f32 v9  }
0x2bf: {  	v47 =	vld [tilespmem:s7+$0xFFFFEFB0];
	v9 =	vunpack.i.u.bf16.f32 v9;
	[tilespmem:v53+s20+$0x0] =	vst.idx.msk $0xffff, v58  }
0x2c0: {  	v5 =	vld [tilespmem:s7+$0xFFFFDFD0];
	v0 =	vadd.bf16 v0, v8;
	[tilespmem:v4+s20+$0x0] =	vst.idx.msk $0xffff, v9;
	v9 =	vunpack.i.l.bf16.f32 v57  }
0x2c1: {  	v48 =	vld [tilespmem:s7+$0xFFFFFFD0];
	[tilespmem:v11+s20+$0x0] =	vst.idx.msk $0xffff, v9;
	v11 =	vunpack.i.u.bf16.f32 v57  }
0x2c2: {  	s14 =	sadd.s32 $0x6, s22;
	v46 =	vld [tilespmem:s7+$0xFFFFEFD0];
	[tilespmem:v45+s20+$0x0] =	vst.idx.msk $0xffff, v11;
	v57 =	vunpack.i.l.bf16.f32 v0  }
0x2c3: {  	v7 =	vmov s14;
	v12 =	vld [tilespmem:s7+$0xFFFFFFB0];
	[tilespmem:v3+s20+$0x0] =	vst.idx.msk $0xffff, v57  }
0x2c4: {  	v7 =	vshrl.u32 v7, $0x3;
	v13 =	vld [tilespmem:$0x1FFC0]  }
0x2c5: {  	v7 =	vshll.u32 v7, v1;
	v55 =	vmovc v19;
	v19 =	vmov v14;
	v51 =	vadd.s32 v29, v42;
	v14 =	vld [tilespmem:$0x1FFB0]  }
0x2c6: {  	v47 =	vadd.bf16 v47, v50;
	v7 =	vbroadcast v7, $0x0;
	v8 =	vadd.s32 v17, v43  }
0x2c7: {  	v9 =	vadd.s32 v27, v43  }
0x2c8: {  	v54 =	vadd.s32 v26, v7;
	v49 =	vld [tilespmem:s5+$0xFFFFFFA0];
	v5 =	vadd.bf16 v46, v5;
	v12 =	vadd.bf16 v12, v47  }
0x2c9: {  	v0 =	vunpack.i.u.bf16.f32 v0;
	v3 =	vadd.s32 v13, v7  }
0x2ca: {  	v52 =	vld [tilespmem:s5+$0xFFFFFFC0];
	v5 =	vadd.bf16 v48, v5;
	[tilespmem:v51+s20+$0x0] =	vst.idx.msk $0xffff, v0;
	v0 =	vunpack.i.l.bf16.f32 v12;
	v58 =	vadd.s32 v14, v41  }
0x2cb: {  	v12 =	vunpack.i.u.bf16.f32 v12;
	[tilespmem:v8+s20+$0x0] =	vst.idx.msk $0xffff, v0;
	v8 =	vadd.s32 v30, v36  }
0x2cc: {  	v4 =	vld [tilespmem:s5+$0xFFFFFFE0];
	v36 =	vadd.s32 v32, v36;
	[tilespmem:v9+s20+$0x0] =	vst.idx.msk $0xffff, v12;
	v9 =	vunpack.i.l.bf16.f32 v5  }
0x2cd: {  	v38 =	vadd.bf16 v49, v38;
	v47 =	vadd.s32 v61, v35;
	v5 =	vunpack.i.u.bf16.f32 v5;
	[tilespmem:v54+s20+$0x0] =	vst.idx.msk $0xffff, v9  }
0x2ce: {  	v2 =	vunpack.i.u.bf16.f32 v2;
	[tilespmem:v3+s20+$0x0] =	vst.idx.msk $0xffff, v5;
	v5 =	vadd.s32 v62, v35  }
0x2cf: {  	v57 =	vunpack.i.l.bf16.f32 v38;
	v54 =	vadd.bf16 v52, v37;
	[tilespmem:v58+s20+$0x0] =	vst.idx.msk $0xffff, v2;
	v58 =	vadd.s32 v60, v34  }
0x2d0: {  	[tilespmem:v8+s20+$0x0] =	vst.idx.msk $0xffff, v57;
	v8 =	vunpack.i.u.bf16.f32 v38  }
0x2d1: {  	v4 =	vadd.bf16 v4, v39;
	[tilespmem:v36+s20+$0x0] =	vst.idx.msk $0xffff, v8;
	v8 =	vunpack.i.l.bf16.f32 v54  }
0x2d2: {  	v46 =	vld [tilespmem:s5+$0xFFFFFF20];
	[tilespmem:v47+s20+$0x0] =	vst.idx.msk $0xffff, v8;
	v35 =	vunpack.i.u.bf16.f32 v54  }
0x2d3: {  	v50 =	vld [tilespmem:s7+$0xFFFFDF60];
	[tilespmem:v5+s20+$0x0] =	vst.idx.msk $0xffff, v35;
	v5 =	vunpack.i.l.bf16.f32 v4  }
0x2d4: {  	v49 =	vadd.s32 v63, v34;
	v11 =	vld [tilespmem:s7+$0xFFFFDF40];
	[tilespmem:v58+s20+$0x0] =	vst.idx.msk $0xffff, v5  }
0x2d5: {  	v56 =	vmov v24;
	v24 =	vmov v20;
	v20 =	vmov v26;
	v26 =	vld [tilespmem:$0x1FED0]  }
0x2d6: {  	v45 =	vld [tilespmem:s7+$0xFFFFEF40]  }
0x2d7: {  	v48 =	vld [tilespmem:s7+$0xFFFFFF80]  }
0x2d8: {  	v0 =	vld [tilespmem:s7+$0xFFFFEF60];
	v4 =	vunpack.i.u.bf16.f32 v4  }
0x2d9: {  	v12 =	vld [tilespmem:s7+$0xFFFFDF80];
	[tilespmem:v49+s20+$0x0] =	vst.idx.msk $0xffff, v4  }
0x2da: {  	v58 =	vadd.s32 v26, v10;
	v26 =	vld [tilespmem:$0x1FEE0]  }
0x2db: {  	v9 =	vld [tilespmem:s7+$0xFFFFEF80]  }
0x2dc: {  	v36 =	vld [tilespmem:s7+$0xFFFFFF40]  }
0x2dd: {  	v51 =	vadd.s32 v15, v33;
	v37 =	vld [tilespmem:s7+$0xFFFFDFC0]  }
0x2de: {  	v3 =	vld [tilespmem:s7+$0xFFFFDFA0];
	v54 =	vadd.s32 v16, v33  }
0x2df: {  	v52 =	vadd.bf16 v46, v40;
	v11 =	vadd.bf16 v45, v11;
	v10 =	vadd.s32 v26, v10;
	v26 =	vld [tilespmem:$0x1FEF0]  }
0x2e0: {  	v2 =	vld [tilespmem:s7+$0xFFFFEFA0]  }
0x2e1: {  	v57 =	vld [tilespmem:s7+$0xFFFFFF60];
	v11 =	vadd.bf16 v36, v11;
	v4 =	vunpack.i.l.bf16.f32 v52  }
0x2e2: {  	v8 =	vld [tilespmem:s7+$0xFFFFEFC0];
	[tilespmem:v51+s20+$0x0] =	vst.idx.msk $0xffff, v4;
	v4 =	vunpack.i.u.bf16.f32 v52  }
0x2e3: {  	v9 =	vadd.bf16 v9, v12;
	v52 =	vunpack.i.l.bf16.f32 v11;
	v12 =	vld [tilespmem:$0x1FF00];
	[tilespmem:v54+s20+$0x0] =	vst.idx.msk $0xffff, v4  }
0x2e4: {  	v0 =	vadd.bf16 v0, v50;
	v50 =	vadd.s32 v26, v6;
	v26 =	vld [tilespmem:$0x1FF10];
	[tilespmem:v58+s20+$0x0] =	vst.idx.msk $0xffff, v52  }
0x2e5: {  	v2 =	vadd.bf16 v2, v3;
	v3 =	vunpack.i.u.bf16.f32 v11;
	v11 =	vld [tilespmem:$0x1FF20]  }
0x2e6: {  	v0 =	vadd.bf16 v57, v0;
	v57 =	vld [tilespmem:s7+$0xFFFFEF20]  }
0x2e7: {  	v5 =	vld [tilespmem:s7+$0xFFFFDFE0]  }
0x2e8: {  	v6 =	vadd.s32 v12, v6;
	v12 =	vld [tilespmem:s7+$0xFFFFFFA0]  }
0x2e9: {  	v49 =	vld [tilespmem:s7+$0xFFFFEFE0];
	v51 =	vadd.s32 v26, v44  }
0x2ea: {  	v54 =	vld [tilespmem:s7+$0xFFFFFFC0];
	v11 =	vadd.s32 v11, v44  }
0x2eb: {  	v9 =	vadd.bf16 v48, v9;
	v4 =	vld [tilespmem:s7+$0xFFFFDF20];
	[tilespmem:v10+s20+$0x0] =	vst.idx.msk $0xffff, v3;
	v3 =	vunpack.i.l.bf16.f32 v0;
	v10 =	vadd.s32 v30, v42  }
0x2ec: {  	v58 =	vadd.s32 v32, v42;
	v0 =	vunpack.i.u.bf16.f32 v0;
	[tilespmem:v50+s20+$0x0] =	vst.idx.msk $0xffff, v3;
	v3 =	vadd.bf16 v8, v37;
	v8 =	vld [tilespmem:s7+$0xFFFFFFE0]  }
0x2ed: {  	[tilespmem:v6+s20+$0x0] =	vst.idx.msk $0xffff, v0;
	v0 =	vunpack.i.l.bf16.f32 v9;
	v2 =	vadd.bf16 v12, v2;
	v6 =	vadd.s32 v61, v43  }
0x2ee: {  	v12 =	vadd.s32 v62, v43;
	[tilespmem:v51+s20+$0x0] =	vst.idx.msk $0xffff, v0;
	v0 =	vadd.bf16 v49, v5;
	v5 =	vunpack.i.u.bf16.f32 v9;
	v9 =	vld [tilespmem:s7+$0xFFFFFF20]  }
0x2ef: {  	v3 =	vadd.bf16 v54, v3;
	[tilespmem:v11+s20+$0x0] =	vst.idx.msk $0xffff, v5;
	v5 =	vunpack.i.l.bf16.f32 v2;
	v11 =	vadd.s32 v60, v7  }
0x2f0: {  	s26 =	smulhi.u32 $0x51EB851F, s21;
	v4 =	vadd.bf16 v57, v4;
	v2 =	vunpack.i.u.bf16.f32 v2;
	[tilespmem:v10+s20+$0x0] =	vst.idx.msk $0xffff, v5;
	v5 =	vadd.s32 v63, v7  }
0x2f1: {  	v0 =	vadd.bf16 v8, v0;
	v7 =	vadd.s32 v15, v41;
	[tilespmem:v58+s20+$0x0] =	vst.idx.msk $0xffff, v2;
	v2 =	vunpack.i.l.bf16.f32 v3  }
0x2f2: {  	s5 =	sshrl.u32 s26, $0x4;
	[tilespmem:v6+s20+$0x0] =	vst.idx.msk $0xffff, v2;
	v2 =	vunpack.i.u.bf16.f32 v3;
	v3 =	vadd.s32 v16, v41  }
0x2f3: {  	s5 =	smul.u32 $0x32, s5;
	[tilespmem:v12+s20+$0x0] =	vst.idx.msk $0xffff, v2;
	v2 =	vadd.bf16 v9, v4;
	v4 =	vunpack.i.l.bf16.f32 v0  }
0x2f4: {  	v0 =	vunpack.i.u.bf16.f32 v0;
	[tilespmem:v11+s20+$0x0] =	vst.idx.msk $0xffff, v4  }
0x2f5: {  	s5 =	ssub.s32 s21, s5;
	[tilespmem:v5+s20+$0x0] =	vst.idx.msk $0xffff, v0;
	v0 =	vunpack.i.l.bf16.f32 v2  }
0x2f6: {  	s5 =	sshll.u32 s5, $0x11;
	[tilespmem:v7+s20+$0x0] =	vst.idx.msk $0xffff, v0;
	v0 =	vunpack.i.u.bf16.f32 v2  }
0x2f7: {  	s6 =	sadd.s32 s5, s6;
	s7 =	simm.s32 $0xA100;
	[tilespmem:v3+s20+$0x0] =	vst.idx.msk $0xffff, v0  }
0x2f8: {  	[hbm4b:s6+s2] =	stream.linear.scatter [tilespmem:s7], [sflag:$0x8], $0x80, $0x38;
	[tilespmem:$0xC300] =	vst v63  }
0x2f9: {  	s13 =	simm.s32 $0xA188;
	s14 =	sadd.s32 $0x10, s6  }
0x2fa: {  	[hbm4b:s14+s2] =	stream.linear.scatter [tilespmem:s13], [sflag:$0x8], $0x80, $0x38;
	[tilespmem:$0xC300] =	vst v63  }
0x2fb: {  	s24 =	simm.s32 $0xA298;
	s21 =	simm.s32 $0xA210;
	s22 =	sadd.s32 $0x20, s6  }
0x2fc: {  	[hbm4b:s22+s2] =	stream.linear.scatter [tilespmem:s21], [sflag:$0x8], $0x80, $0x38;
	[tilespmem:$0xC300] =	vst v63  }
0x2fd: {  	s5 =	simm.s32 $0x440;
	s26 =	sadd.s32 $0x30, s6;
	s7 =	simm.s32 $0x2200  }
0x2fe: {  	[hbm4b:s26+s2] =	stream.linear.scatter [tilespmem:s24], [sflag:$0x8], $0x80, $0x38;
	[tilespmem:$0xC300] =	vst v63  }
0x2ff: {  	s13 =	simm.s32 $0xA320;
	s14 =	sadd.s32 $0x40, s6;
	s21 =	simm.s32 $0xA3A8  }
0x300: {  	[hbm4b:s14+s2] =	stream.linear.scatter [tilespmem:s13], [sflag:$0x8], $0x80, $0x38;
	[tilespmem:$0xC300] =	vst v63  }
0x301: {  	v53 =	vmov v29;
	s22 =	sadd.s32 $0x50, s6;
	s24 =	simm.s32 $0xA430;
	s26 =	sadd.s32 $0x60, s6  }
0x302: {  	v29 =	vmovc v22;
	v22 =	vmov v53;
	v32 =	vmov v17;
	v17 =	vmov v55;
	[hbm4b:s22+s2] =	stream.linear.scatter [tilespmem:s21], [sflag:$0x8], $0x80, $0x38;
	[tilespmem:$0xC300] =	vst v63  }
0x303: {  	v30 =	vmovc v13;
	v26 =	vmovc v20;
	v8 =	vmov v27;
	v15 =	vmov v21;
	v27 =	vmov v23;
	s13 =	sadd.s32 $0x70, s6;
	s6 =	sadd.s32 $0x4000, s6;
	s21 =	simm.s32 $0xA4B8  }
0x304: {  	v23 =	vmovc v19;
	v19 =	vmovc v24;
	v21 =	vmov v56;
	v16 =	vmov v28;
	v4 =	vmov v25;
	[hbm4b:s26+s2] =	stream.linear.scatter [tilespmem:s24], [sflag:$0x8], $0x80, $0x38;
	[tilespmem:$0xC300] =	vst v63  }
.LBB2_17:
0x305: {  	[hbm4b:s13+s2] =	stream.linear.scatter [tilespmem:s21], [sflag:$0x8], $0x80, $0x38;
	[tilespmem:$0xC300] =	vst v63  }
0x306: {  	s13 =	smov.u32 s5;
	s5 =	smov.u32 s7  }
0x307: {  	s14 =	sadd.s32 $0x1100, s7;
	s5 =	sshra.s32 s5, $0x2;
	s21 =	sadd.s32 $0xA100, s13  }
0x308: {  	[hbm4b:s6+s2] =	stream.linear.scatter [tilespmem:s21], [sflag:$0x8], $0x80, $0x38;
	[tilespmem:$0xC300] =	vst v63  }
0x309: {  	p1 =	sne.s32 s7, $0x7700;
	s7 =	sadd.s32 $0xA188, s13;
	s21 =	sadd.s32 $0x10, s6  }
0x30a: {  	[hbm4b:s21+s2] =	stream.linear.scatter [tilespmem:s7], [sflag:$0x8], $0x80, $0x38;
	[tilespmem:$0xC300] =	vst v63  }
0x30b: {  	s7 =	sadd.s32 $0xA210, s13;
	s21 =	sadd.s32 $0x20, s6  }
0x30c: {  	[hbm4b:s21+s2] =	stream.linear.scatter [tilespmem:s7], [sflag:$0x8], $0x80, $0x38;
	[tilespmem:$0xC300] =	vst v63  }
0x30d: {  	s7 =	sadd.s32 $0xA298, s13;
	s21 =	sadd.s32 $0x30, s6  }
0x30e: {  	[hbm4b:s21+s2] =	stream.linear.scatter [tilespmem:s7], [sflag:$0x8], $0x80, $0x38;
	[tilespmem:$0xC300] =	vst v63  }
0x30f: {  	s7 =	sadd.s32 $0xA320, s13;
	s21 =	sadd.s32 $0x40, s6  }
0x310: {  	[hbm4b:s21+s2] =	stream.linear.scatter [tilespmem:s7], [sflag:$0x8], $0x80, $0x38;
	[tilespmem:$0xC300] =	vst v63  }
0x311: {  	s7 =	sadd.s32 $0xA3A8, s13;
	s21 =	sadd.s32 $0x50, s6  }
0x312: {  	[hbm4b:s21+s2] =	stream.linear.scatter [tilespmem:s7], [sflag:$0x8], $0x80, $0x38;
	[tilespmem:$0xC300] =	vst v63  }
.Ltmp9:
0x313: {  	_ = 	snop;
	(pc) =	sbr.rel @p1 .LBB2_17-.Ltmp9, $4  }
0x314: {  	s7 =	sadd.s32 $0xA430, s13;
	s21 =	sadd.s32 $0x60, s6  }
0x315: {  	[hbm4b:s21+s2] =	stream.linear.scatter [tilespmem:s7], [sflag:$0x8], $0x80, $0x38;
	[tilespmem:$0xC300] =	vst v63  }
0x316: {  	s21 =	sadd.s32 $0xA4B8, s13  }
0x317: {  	s13 =	sadd.s32 $0x70, s6;
	s6 =	sadd.s32 $0x4000, s6;
	s7 =	smov.u32 s14  }
0x318: {  	[hbm4b:s13+s2] =	stream.linear.scatter [tilespmem:s21], [sflag:$0x8], $0x80, $0x38;
	[tilespmem:$0xC300] =	vst v63  }
0x319: {  	s7 =	sadd.s32 $0xA100, s5  }
0x31a: {  	[hbm4b:s6+s2] =	stream.linear.scatter [tilespmem:s7], [sflag:$0x8], $0x80, $0x38;
	[tilespmem:$0xC300] =	vst v63  }
0x31b: {  	s24 =	sadd.s32 $0xA188, s5;
	s26 =	sadd.s32 $0x10, s6  }
0x31c: {  	[hbm4b:s26+s2] =	stream.linear.scatter [tilespmem:s24], [sflag:$0x8], $0x80, $0x38;
	[tilespmem:$0xC300] =	vst v63  }
0x31d: {  	s13 =	sadd.s32 $0xA210, s5;
	s14 =	sadd.s32 $0x20, s6  }
0x31e: {  	[hbm4b:s14+s2] =	stream.linear.scatter [tilespmem:s13], [sflag:$0x8], $0x80, $0x38;
	[tilespmem:$0xC300] =	vst v63  }
0x31f: {  	s21 =	sadd.s32 $0xA298, s5;
	s22 =	sadd.s32 $0x30, s6  }
0x320: {  	[hbm4b:s22+s2] =	stream.linear.scatter [tilespmem:s21], [sflag:$0x8], $0x80, $0x38;
	[tilespmem:$0xC300] =	vst v63  }
0x321: {  	s31 =	sadd.s32 $0x1, s31;
	s24 =	sadd.s32 $0xA320, s5;
	s26 =	sadd.s32 $0x40, s6  }
0x322: {  	[hbm4b:s26+s2] =	stream.linear.scatter [tilespmem:s24], [sflag:$0x8], $0x80, $0x38;
	[tilespmem:$0xC300] =	vst v63  }
0x323: {  	p1 =	sne.s32 s31, $0x64;
	s13 =	sadd.s32 $0xA3A8, s5;
	s14 =	sadd.s32 $0x50, s6  }
0x324: {  	[hbm4b:s14+s2] =	stream.linear.scatter [tilespmem:s13], [sflag:$0x8], $0x80, $0x38;
	[tilespmem:$0xC300] =	vst v63  }
.Ltmp10:
0x325: {  	_ = 	snop;
	(pc) =	sbr.rel @p1 .LBB2_2-.Ltmp10, $4  }
0x326: {  	s21 =	sadd.s32 $0xA430, s5;
	s22 =	sadd.s32 $0x60, s6  }
0x327: {  	[hbm4b:s22+s2] =	stream.linear.scatter [tilespmem:s21], [sflag:$0x8], $0x80, $0x38;
	[tilespmem:$0xC300] =	vst v63  }
0x328: {  	s24 =	sadd.s32 $0xA4B8, s5;
	s26 =	sadd.s32 $0x70, s6  }
0x329: {  	v5 =	vmov v18;
	v7 =	vmov v31;
	[hbm4b:s26+s2] =	stream.linear.scatter [tilespmem:s24], [sflag:$0x8], $0x80, $0x38;
	[tilespmem:$0xC300] =	vst v63  }
0x32a: {  	_ =	swait.ge [sflag:s29], $0x2000  }
0x32b: {  	[sflag:s29] =	ssyncset.done $0x0  }
0x32c: {  	s6 =	simm.s32 $0x8;
	[sflag:s29] =	ssyncadd.s32 $0xFFFFE000  }
0x32d: {  	_ =	swait.ge [sflag:s6], $0x2000  }
0x32e: {  	s7 =	rddreg [dreg:$0xe]  }
0x32f: {  	s5 =	rddreg [dreg:$0xa];
	s7 =	sadd.s32 $0x1, s7  }
0x330: {  	p1 =	sne.s32 s7, s5  }
.Ltmp11:
0x331: {  	_ = 	snop;
	(pc) =	sbr.rel @p1 .LBB2_1-.Ltmp11, $3  }
0x332: {  	_ =	sdelay $0x1  }
0x333: {  	[sflag:s6] =	ssyncset.done $0x0  }
0x334: {  	[sflag:s6] =	ssyncadd.s32 $0xFFFFE000  }
0x335: {  	_ =	sfence.sel $0x180000  }
0x336: {  	[bflag:$0x0] =	sbarrier.arrive $0xFFFF  }
0x337: {  	_ =	strace $0x90000047  }
0x338: {  	[bflag:$0x2] =	sbarrier.arrive $0xFFFF  }
0x339: {  	s0 =	rddreg [dreg:$0x3]  }
0x33a: {  	s0 =	sadd.s32 @!p0 $0x100000, s0  }
0x33b: {  	[sflag:s0] =	ssyncadd.tile.s32 @!p0 $0x1;
	_ =	shalt  }
.Lfunc_end2:
_tile_overlayer_lowered:
.L_overlay_start_2:
0x33c: {  	(tag) =	ssettag $0x2  }
0x33d: {  	s0 =	rddreg [dreg:$0x0];
	s2 =	stileid.u32  }
0x33e: {  	s1 =	rddreg [dreg:$0x1];
	p0 =	sne.s32 s2, $0x0  }
0x33f: {  	s3 =	rddreg [dreg:$0x2];
	[bflag:$0x3] =	sbarrier.arrive $0xFFFF;
	s2 =	simm.s32 @!p0 $0x1C09  }
0x340: {  	[timem:s3], [sflag:s2] =	dma.local @!p0 [hbm:s0], s1  }
0x341: {  	s0 =	simm.s32 @!p0 $0x9  }
0x342: {  	_ =	swait.ge @!p0 [sflag:s0], s1  }
0x343: {  	s1 =	ssub.s32 @!p0 $0x0, s1;
	[sflag:s0] =	ssyncset.done @!p0 $0x0  }
0x344: {  	[sflag:s0] =	ssyncadd.s32 @!p0 s1  }
0x345: {  	[bflag:$0x3] =	sbarrier.arrive $0xFFFF  }
0x346: {  	_ =	shalt  }

</sc_bundles>
